<compile_context>
chip_gen: v7x
topology: tpu7x:2x2x1
jax: 0.10.2.dev20260603
libtpu: 0.0.44.dev20260713+nightly
codegen_flags: <defaults>
</compile_context>

<pallas_src>
import functools

import jax
import jax.numpy as jnp
from jax import lax
from jax.experimental import pallas as pl
from jax.experimental.pallas import tpu as pltpu
from jax.experimental.pallas import tpu_sc as plsc

N = 10000
E = 160000
D_IN = 1433
D_HID = 32

NC = 2
NS = 16
NW = NC * NS

CHUNK = 128
NCHUNKS = E // CHUNK
CPW = 40
CPW_LAST = NCHUNKS - (NW - 1) * CPW
NBUF = 10
ACC_ROWS = 10112
ZROWS = ACC_ROWS // NS
OSTRIPE = 624


def _make_sc_agg(with_counts):
    mesh = plsc.VectorSubcoreMesh(core_axis_name="c", subcore_axis_name="s")

    out_type = [jax.ShapeDtypeStruct((2 * N, D_HID), jnp.float32)]
    scratch = [
        pltpu.VMEM((CPW, CHUNK), jnp.int32),
        pltpu.VMEM((CPW, CHUNK), jnp.int32),
        [pltpu.VMEM((CHUNK, D_HID), jnp.float32) for _ in range(NBUF)],
        pltpu.VMEM_SHARED((ACC_ROWS, D_HID), jnp.float32),
        [pltpu.SemaphoreType.DMA for _ in range(NBUF)],
        [pltpu.SemaphoreType.DMA for _ in range(NBUF)],
    ]
    if with_counts:
        out_type.append(jax.ShapeDtypeStruct((2 * N, 16), jnp.float32))
        scratch += [
            pltpu.VMEM((CHUNK, 16), jnp.float32),
            pltpu.VMEM((CHUNK, 16), jnp.float32),
            pltpu.VMEM_SHARED((ACC_ROWS, 16), jnp.float32),
            [pltpu.SemaphoreType.DMA for _ in range(NBUF)],
        ]

    @functools.partial(
        pl.kernel,
        out_type=out_type,
        mesh=mesh,
        scratch_types=scratch,
        compiler_params=pltpu.CompilerParams(use_tc_tiling_on_sc=False),
    )
    def agg(table_hbm, ei_hbm, *rest):
        if with_counts:
            (f_out, c_out, src_v, dst_v, rows, acc_sh, gsem, ssem,
             ones_v, z16_v, acc_cnt, csem) = rest
        else:
            f_out, src_v, dst_v, rows, acc_sh, gsem, ssem = rest
        cid = lax.axis_index("c")
        sid = lax.axis_index("s")
        wid = sid * NC + cid
        base = sid * ZROWS

        zv = jnp.zeros((16,), jnp.float32)

        def zrow(r, c):
            rows[0][r, pl.ds(0, 16)] = zv
            rows[0][r, pl.ds(16, 16)] = zv
            if with_counts:
                ones_v[r, pl.ds(0, 16)] = jnp.ones((16,), jnp.float32)
                z16_v[r, pl.ds(0, 16)] = zv
            return c

        lax.fori_loop(0, CHUNK, zrow, 0)
        for k in range(4):
            pltpu.sync_copy(rows[0], acc_sh.at[pl.ds(base + k * CHUNK, CHUNK)])
        pltpu.sync_copy(rows[0].at[pl.ds(0, ZROWS - 4 * CHUNK)],
                        acc_sh.at[pl.ds(base + 4 * CHUNK, ZROWS - 4 * CHUNK)])
        if with_counts:
            for k in range(4):
                pltpu.sync_copy(z16_v, acc_cnt.at[pl.ds(base + k * CHUNK, CHUNK)])
            pltpu.sync_copy(z16_v.at[pl.ds(0, ZROWS - 4 * CHUNK)],
                            acc_cnt.at[pl.ds(base + 4 * CHUNK, ZROWS - 4 * CHUNK)])

        @pl.when(wid < NW - 1)
        def _stage_full():
            pltpu.sync_copy(ei_hbm.at[0, pl.ds(wid * CPW, CPW)], src_v)
            pltpu.sync_copy(ei_hbm.at[1, pl.ds(wid * CPW, CPW)], dst_v)

        @pl.when(wid == NW - 1)
        def _stage_tail():
            pltpu.sync_copy(ei_hbm.at[0, pl.ds((NW - 1) * CPW, CPW_LAST)],
                            src_v.at[pl.ds(0, CPW_LAST)])
            pltpu.sync_copy(ei_hbm.at[1, pl.ds((NW - 1) * CPW, CPW_LAST)],
                            dst_v.at[pl.ds(0, CPW_LAST)])

        plsc.subcore_barrier()

        for b in range(NBUF):
            pltpu.async_copy(table_hbm.at[src_v.at[b]], rows[b], gsem[b])

        n_groups = jnp.where(wid == NW - 1, 1, CPW // NBUF)

        def body(g, carry):
            j0 = g * NBUF
            for b in range(NBUF):
                pltpu.make_async_copy(
                    table_hbm.at[src_v.at[0]], rows[b], gsem[b]).wait()
                pltpu.async_copy(
                    rows[b], acc_sh.at[dst_v.at[j0 + b]], ssem[b], add=True)
                if with_counts:
                    pltpu.async_copy(
                        ones_v, acc_cnt.at[dst_v.at[j0 + b]], csem[b], add=True)

            @pl.when(g < n_groups - 1)
            def _refill():
                for b in range(NBUF):
                    pltpu.make_async_copy(
                        rows[b], acc_sh.at[dst_v.at[0]], ssem[b]).wait()
                    if with_counts:
                        pltpu.make_async_copy(
                            ones_v, acc_cnt.at[dst_v.at[0]], csem[b]).wait()
                    pltpu.async_copy(
                        table_hbm.at[src_v.at[j0 + NBUF + b]], rows[b], gsem[b])
            return carry

        lax.fori_loop(0, n_groups, body, 0)
        for b in range(NBUF):
            pltpu.make_async_copy(rows[b], acc_sh.at[dst_v.at[0]], ssem[b]).wait()
            if with_counts:
                pltpu.make_async_copy(
                    ones_v, acc_cnt.at[dst_v.at[0]], csem[b]).wait()
        plsc.subcore_barrier()

        last = (NS - 1) * OSTRIPE

        @pl.when(sid < NS - 1)
        def _copy_main():
            pltpu.sync_copy(acc_sh.at[pl.ds(sid * OSTRIPE, OSTRIPE)],
                            f_out.at[pl.ds(cid * N + sid * OSTRIPE, OSTRIPE)])
            if with_counts:
                pltpu.sync_copy(acc_cnt.at[pl.ds(sid * OSTRIPE, OSTRIPE)],
                                c_out.at[pl.ds(cid * N + sid * OSTRIPE, OSTRIPE)])

        @pl.when(sid == NS - 1)
        def _copy_tail():
            pltpu.sync_copy(acc_sh.at[pl.ds(last, N - last)],
                            f_out.at[pl.ds(cid * N + last, N - last)])
            if with_counts:
                pltpu.sync_copy(acc_cnt.at[pl.ds(last, N - last)],
                                c_out.at[pl.ds(cid * N + last, N - last)])

    return agg


_sc_agg_cnt = _make_sc_agg(True)
_sc_agg = _make_sc_agg(False)

_BN = 2000


_NT = (((1,), (1,)), ((), ()))


def _tc_a(x, wl, wr):
    def body(x_ref, wl_ref, wr_ref, p1_ref, r1_ref):
        xb = x_ref[...]
        p1_ref[...] = lax.dot_general(xb, wl_ref[...], _NT,
                                      preferred_element_type=jnp.float32)
        r1_ref[...] = lax.dot_general(xb, wr_ref[...], _NT,
                                      preferred_element_type=jnp.float32)

    return pl.pallas_call(
        body,
        grid=(N // _BN,),
        in_specs=[pl.BlockSpec((_BN, D_IN), lambda i: (i, 0)),
                  pl.BlockSpec((D_HID, D_IN), lambda i: (0, 0)),
                  pl.BlockSpec((D_HID, D_IN), lambda i: (0, 0))],
        out_specs=[pl.BlockSpec((_BN, D_HID), lambda i: (i, 0)),
                   pl.BlockSpec((_BN, D_HID), lambda i: (i, 0))],
        out_shape=[jax.ShapeDtypeStruct((N, D_HID), jnp.float32),
                   jax.ShapeDtypeStruct((N, D_HID), jnp.float32)],
    )(x, wl, wr)


def _tc_c(parts1, cnts, r1, b1, w2lt, w2rt, b2):
    def body(p0_ref, p1_ref, c0_ref, c1_ref, r1_ref, b1_ref, wl_ref, wr_ref,
             b2_ref, p2_ref, r2_ref):
        s = p0_ref[...] + p1_ref[...]
        cnt = c0_ref[:, 0:1] + c1_ref[:, 0:1]
        inv = 1.0 / jnp.maximum(cnt, 1.0)
        h1 = s * inv + b1_ref[...] + r1_ref[...]
        p2_ref[...] = lax.dot_general(h1, wl_ref[...], _NT,
                                      preferred_element_type=jnp.float32)
        r2_ref[...] = lax.dot_general(h1, wr_ref[...], _NT,
                                      preferred_element_type=jnp.float32) + b2_ref[...]

    nb = N // _BN
    return pl.pallas_call(
        body,
        grid=(nb,),
        in_specs=[pl.BlockSpec((_BN, D_HID), lambda i: (i, 0)),
                  pl.BlockSpec((_BN, D_HID), lambda i: (i + nb, 0)),
                  pl.BlockSpec((_BN, 16), lambda i: (i, 0)),
                  pl.BlockSpec((_BN, 16), lambda i: (i + nb, 0)),
                  pl.BlockSpec((_BN, D_HID), lambda i: (i, 0)),
                  pl.BlockSpec((1, D_HID), lambda i: (0, 0)),
                  pl.BlockSpec((D_HID, D_HID), lambda i: (0, 0)),
                  pl.BlockSpec((D_HID, D_HID), lambda i: (0, 0)),
                  pl.BlockSpec((1, D_HID), lambda i: (0, 0))],
        out_specs=[pl.BlockSpec((_BN, D_HID), lambda i: (i, 0)),
                   pl.BlockSpec((_BN, D_HID), lambda i: (i, 0))],
        out_shape=[jax.ShapeDtypeStruct((N, D_HID), jnp.float32),
                   jax.ShapeDtypeStruct((N, D_HID), jnp.float32)],
    )(parts1, parts1, cnts, cnts, r1, b1, w2lt, w2rt, b2)


def _tc_e(parts2, cnts, r2b):
    nb = N // _BN

    def body(p0_ref, p1_ref, c0_ref, c1_ref, r2_ref, out_ref):
        cnt = c0_ref[:, 0:1] + c1_ref[:, 0:1]
        inv = 1.0 / jnp.maximum(cnt, 1.0)
        h2 = (p0_ref[...] + p1_ref[...]) * inv + r2_ref[...]
        h2 = jnp.maximum(h2, 0.0)
        m = jnp.max(h2, axis=1, keepdims=True)
        lse = jnp.log(jnp.sum(jnp.exp(h2 - m), axis=1, keepdims=True)) + m
        out_ref[...] = h2 - lse

    return pl.pallas_call(
        body,
        grid=(nb,),
        in_specs=[pl.BlockSpec((_BN, D_HID), lambda i: (i, 0)),
                  pl.BlockSpec((_BN, D_HID), lambda i: (i + nb, 0)),
                  pl.BlockSpec((_BN, 16), lambda i: (i, 0)),
                  pl.BlockSpec((_BN, 16), lambda i: (i + nb, 0)),
                  pl.BlockSpec((_BN, D_HID), lambda i: (i, 0))],
        out_specs=pl.BlockSpec((_BN, D_HID), lambda i: (i, 0)),
        out_shape=jax.ShapeDtypeStruct((N, D_HID), jnp.float32),
    )(parts2, parts2, cnts, cnts, r2b)


def kernel(x, edge_index, W1l, b1l, W1r, W2l, b2l, W2r):
    ei3 = edge_index.reshape(2, NCHUNKS, CHUNK)

    a1, r1 = _tc_a(x, W1l, W1r)
    parts1, cnts = _sc_agg_cnt(a1, ei3)
    p2, r2b = _tc_c(parts1, cnts, r1, b1l.reshape(1, D_HID),
                    W2l, W2r, b2l.reshape(1, D_HID))
    parts2, = _sc_agg(p2, ei3)
    return _tc_e(parts2, cnts, r2b)

# --- scband reference (transcript-rebuilt; emitter-appended) ---
"""Pipeline reference for scband-graph-sage-64957085385410 (READ-ONLY COPY).

The authoritative reference and input builder live on the scoring server;
editing this copy changes nothing except your own understanding.
"""

import jax, jax.numpy as jnp
import numpy as np

N = 10000
E = 160000
D_IN = 1433
D_HID = 32


def setup_inputs(seed: int = 0) -> dict:
    key = jax.random.key(seed)
    ks = jax.random.split(key, 8)
    x = jax.random.normal(ks[0], (N, D_IN), dtype=jnp.float32)
    edge_index = jax.random.randint(ks[1], (2, E), 0, N, dtype=jnp.int32)
    # SAGEConv(1433, 32): lin_l (applied to aggregated neighbors, with bias),
    # lin_r (applied to root/self features, no bias) -- PyG convention.
    W1l = jax.random.normal(ks[2], (D_HID, D_IN), dtype=jnp.float32) / np.sqrt(D_IN)
    b1l = jnp.zeros((D_HID,), dtype=jnp.float32)
    W1r = jax.random.normal(ks[3], (D_HID, D_IN), dtype=jnp.float32) / np.sqrt(D_IN)
    # SAGEConv(32, 32)
    W2l = jax.random.normal(ks[4], (D_HID, D_HID), dtype=jnp.float32) / np.sqrt(D_HID)
    b2l = jnp.zeros((D_HID,), dtype=jnp.float32)
    W2r = jax.random.normal(ks[5], (D_HID, D_HID), dtype=jnp.float32) / np.sqrt(D_HID)
    return {"x": x, "edge_index": edge_index, "W1l": W1l, "b1l": b1l, "W1r": W1r,
            "W2l": W2l, "b2l": b2l, "W2r": W2r}


def _sage_conv(x, edge_index, Wl, bl, Wr):
    src = edge_index[0]
    dst = edge_index[1]
    # gather source-node features along edges
    msg = jnp.take(x, src, axis=0)
    # mean aggregation at destination nodes (scatter-add + degree normalize)
    agg = jax.ops.segment_sum(msg, dst, num_segments=N)
    cnt = jax.ops.segment_sum(jnp.ones((E,), dtype=jnp.float32), dst, num_segments=N)
    agg = agg / jnp.clip(cnt, 1.0, None)[:, None]
    return agg @ Wl.T + bl + x @ Wr.T


def reference(x, edge_index, W1l, b1l, W1r, W2l, b2l, W2r):
    h = _sage_conv(x, edge_index, W1l, b1l, W1r)
    h = _sage_conv(h, edge_index, W2l, b2l, W2r)
    h = jax.nn.relu(h)
    # dropout p=0.5 is identity in eval mode (training=False)
    return jax.nn.log_softmax(h, axis=1)

if __name__ == "__main__":
    import jax
    _d = setup_inputs()
    print(jax.jit(kernel)(*tuple(_d.values())))

</pallas_src>

<mosaic_0001>
#map = affine_map<(d0, d1) -> (0, 0)>
#map1 = affine_map<(d0, d1) -> (0, 0, 0)>
module attributes {stable_mosaic.version = 14 : i64} {
  func.func @agg(%arg0: i32, %arg1: i32, %arg2: memref<10000x32xf32, #tpu.memory_space<hbm>>, %arg3: memref<2x1250x128xi32, #tpu.memory_space<hbm>>, %arg4: memref<20000x32xf32, #tpu.memory_space<hbm>>, %arg5: memref<40x128xi32, #tpu.memory_space<vmem>>, %arg6: memref<40x128xi32, #tpu.memory_space<vmem>>, %arg7: memref<128x32xf32, #tpu.memory_space<vmem>>, %arg8: memref<128x32xf32, #tpu.memory_space<vmem>>, %arg9: memref<128x32xf32, #tpu.memory_space<vmem>>, %arg10: memref<128x32xf32, #tpu.memory_space<vmem>>, %arg11: memref<128x32xf32, #tpu.memory_space<vmem>>, %arg12: memref<128x32xf32, #tpu.memory_space<vmem>>, %arg13: memref<128x32xf32, #tpu.memory_space<vmem>>, %arg14: memref<128x32xf32, #tpu.memory_space<vmem>>, %arg15: memref<128x32xf32, #tpu.memory_space<vmem>>, %arg16: memref<128x32xf32, #tpu.memory_space<vmem>>, %arg17: memref<10112x32xf32, #tpu.memory_space<vmem_shared>>, %arg18: memref<!tpu.dma_semaphore, #tpu.memory_space<semaphore_mem>>, %arg19: memref<!tpu.dma_semaphore, #tpu.memory_space<semaphore_mem>>, %arg20: memref<!tpu.dma_semaphore, #tpu.memory_space<semaphore_mem>>, %arg21: memref<!tpu.dma_semaphore, #tpu.memory_space<semaphore_mem>>, %arg22: memref<!tpu.dma_semaphore, #tpu.memory_space<semaphore_mem>>, %arg23: memref<!tpu.dma_semaphore, #tpu.memory_space<semaphore_mem>>, %arg24: memref<!tpu.dma_semaphore, #tpu.memory_space<semaphore_mem>>, %arg25: memref<!tpu.dma_semaphore, #tpu.memory_space<semaphore_mem>>, %arg26: memref<!tpu.dma_semaphore, #tpu.memory_space<semaphore_mem>>, %arg27: memref<!tpu.dma_semaphore, #tpu.memory_space<semaphore_mem>>, %arg28: memref<!tpu.dma_semaphore, #tpu.memory_space<semaphore_mem>>, %arg29: memref<!tpu.dma_semaphore, #tpu.memory_space<semaphore_mem>>, %arg30: memref<!tpu.dma_semaphore, #tpu.memory_space<semaphore_mem>>, %arg31: memref<!tpu.dma_semaphore, #tpu.memory_space<semaphore_mem>>, %arg32: memref<!tpu.dma_semaphore, #tpu.memory_space<semaphore_mem>>, %arg33: memref<!tpu.dma_semaphore, #tpu.memory_space<semaphore_mem>>, %arg34: memref<!tpu.dma_semaphore, #tpu.memory_space<semaphore_mem>>, %arg35: memref<!tpu.dma_semaphore, #tpu.memory_space<semaphore_mem>>, %arg36: memref<!tpu.dma_semaphore, #tpu.memory_space<semaphore_mem>>, %arg37: memref<!tpu.dma_semaphore, #tpu.memory_space<semaphore_mem>>) attributes {dimension_semantics = [#tpu.dimension_semantics<core_parallel>, #tpu.dimension_semantics<subcore_parallel>], iteration_bounds = array<i64: 2, 16>, scalar_prefetch = 0 : i64, scratch_operands = 33 : i64, tpu.core_type = #tpu.core_type<sc_vector_subcore>, window_params = [{transform_indices = #map}, {transform_indices = #map1}, {transform_indices = #map}]} {
    %mul3A = arith.constant 2 : i32
    %mul3A_0 = arith.muli %arg1, %mul3A : i32
    %add3A = arith.addi %mul3A_0, %arg0 : i32
    %mul3A_1 = arith.constant 632 : i32
    %mul3A_2 = arith.muli %arg1, %mul3A_1 : i32
    %broadcast_in_dim3A = arith.constant 0.000000e+00 : f32
    %broadcast_in_dim3A_3 = vector.broadcast %broadcast_in_dim3A : f32 to vector<16xf32>
    %scan3A = arith.constant 0 : i32
    %scan3A_4 = arith.constant 0 : i32
    %scan3A_5 = arith.constant 128 : i32
    %scan3A_6 = arith.addi %scan3A_4, %scan3A_5 : i32
    %scan3A_7 = arith.constant 1 : i32
    scf.for %scan3A_186 = %scan3A_4 to %scan3A_6 step %scan3A_7  : i32 {
      %swap3A = arith.index_cast %scan3A_186 : i32 to index
      %swap3A_187 = arith.constant 0 : index
      %swap3A_188 = tpu.vector_load %arg7[%swap3A, %swap3A_187] {strides = array<i32>} : memref<128x32xf32, #tpu.memory_space<vmem>>, vector<1x16xf32>,
      %swap3A_189 = vector.shape_cast %swap3A_188 : vector<1x16xf32> to vector<16xf32>
      %swap3A_190 = vector.shape_cast %broadcast_in_dim3A_3 : vector<16xf32> to vector<1x16xf32>
      tpu.vector_store %arg7[%swap3A, %swap3A_187], %swap3A_190 {strides = array<i32>} : memref<128x32xf32, #tpu.memory_space<vmem>>, vector<1x16xf32>,
      %swap3A_191 = arith.index_cast %scan3A_186 : i32 to index
      %swap3A_192 = arith.constant 16 : index
      %swap3A_193 = tpu.vector_load %arg7[%swap3A_191, %swap3A_192] {strides = array<i32>} : memref<128x32xf32, #tpu.memory_space<vmem>>, vector<1x16xf32>,
      %swap3A_194 = vector.shape_cast %swap3A_193 : vector<1x16xf32> to vector<16xf32>
      %swap3A_195 = vector.shape_cast %broadcast_in_dim3A_3 : vector<16xf32> to vector<1x16xf32>
      tpu.vector_store %arg7[%swap3A_191, %swap3A_192], %swap3A_195 {strides = array<i32>} : memref<128x32xf32, #tpu.memory_space<vmem>>, vector<1x16xf32>,
    }
    %scan3A_8 = arith.constant 128 : i32
    %add3A_9 = arith.constant 0 : i32
    %add3A_10 = arith.addi %mul3A_2, %add3A_9 : i32
    "tpu.region"() ({
      %run_scoped3A = tpu.sem_alloc : memref<!tpu.dma_semaphore, #tpu.memory_space<semaphore_mem>>
      %dma_start3A_186 = arith.constant 0 : i32
      %dma_start3A_187 = tpu.memref_slice %arg17[%add3A_10, %dma_start3A_186] : memref<10112x32xf32, #tpu.memory_space<vmem_shared>> -> memref<128x32xf32, #tpu.memory_space<vmem_shared>>
      %dma_start3A_188 = arith.constant 0 : i32
      %dma_start3A_189 = tpu.memref_slice %arg17[%add3A_10, %dma_start3A_188] : memref<10112x32xf32, #tpu.memory_space<vmem_shared>> -> memref<128x32xf32, #tpu.memory_space<vmem_shared>>
      tpu.enqueue_dma source(%arg7 : memref<128x32xf32, #tpu.memory_space<vmem>>) target(%dma_start3A_189 : memref<128x32xf32, #tpu.memory_space<vmem_shared>>) target_semaphore(%run_scoped3A : memref<!tpu.dma_semaphore, #tpu.memory_space<semaphore_mem>>)
      %dma_wait3A_190 = arith.constant 0 : i32
      %dma_wait3A_191 = tpu.memref_slice %arg17[%add3A_10, %dma_wait3A_190] : memref<10112x32xf32, #tpu.memory_space<vmem_shared>> -> memref<128x32xf32, #tpu.memory_space<vmem_shared>>
      %dma_wait3A_192 = arith.constant 0 : i32
      %dma_wait3A_193 = tpu.memref_slice %arg17[%add3A_10, %dma_wait3A_192] : memref<10112x32xf32, #tpu.memory_space<vmem_shared>> -> memref<128x32xf32, #tpu.memory_space<vmem_shared>>
      tpu.wait_dma2 semaphore(%run_scoped3A : memref<!tpu.dma_semaphore, #tpu.memory_space<semaphore_mem>>) src(%arg7 : memref<128x32xf32, #tpu.memory_space<vmem>>) dst(%dma_wait3A_193 : memref<128x32xf32, #tpu.memory_space<vmem_shared>>)
      tpu.yield
    }) : () -> ()
    %add3A_11 = arith.constant 128 : i32
    %add3A_12 = arith.addi %mul3A_2, %add3A_11 : i32
    "tpu.region"() ({
      %run_scoped3A = tpu.sem_alloc : memref<!tpu.dma_semaphore, #tpu.memory_space<semaphore_mem>>
      %dma_start3A_186 = arith.constant 0 : i32
      %dma_start3A_187 = tpu.memref_slice %arg17[%add3A_12, %dma_start3A_186] : memref<10112x32xf32, #tpu.memory_space<vmem_shared>> -> memref<128x32xf32, #tpu.memory_space<vmem_shared>>
      %dma_start3A_188 = arith.constant 0 : i32
      %dma_start3A_189 = tpu.memref_slice %arg17[%add3A_12, %dma_start3A_188] : memref<10112x32xf32, #tpu.memory_space<vmem_shared>> -> memref<128x32xf32, #tpu.memory_space<vmem_shared>>
      tpu.enqueue_dma source(%arg7 : memref<128x32xf32, #tpu.memory_space<vmem>>) target(%dma_start3A_189 : memref<128x32xf32, #tpu.memory_space<vmem_shared>>) target_semaphore(%run_scoped3A : memref<!tpu.dma_semaphore, #tpu.memory_space<semaphore_mem>>)
      %dma_wait3A_190 = arith.constant 0 : i32
      %dma_wait3A_191 = tpu.memref_slice %arg17[%add3A_12, %dma_wait3A_190] : memref<10112x32xf32, #tpu.memory_space<vmem_shared>> -> memref<128x32xf32, #tpu.memory_space<vmem_shared>>
      %dma_wait3A_192 = arith.constant 0 : i32
      %dma_wait3A_193 = tpu.memref_slice %arg17[%add3A_12, %dma_wait3A_192] : memref<10112x32xf32, #tpu.memory_space<vmem_shared>> -> memref<128x32xf32, #tpu.memory_space<vmem_shared>>
      tpu.wait_dma2 semaphore(%run_scoped3A : memref<!tpu.dma_semaphore, #tpu.memory_space<semaphore_mem>>) src(%arg7 : memref<128x32xf32, #tpu.memory_space<vmem>>) dst(%dma_wait3A_193 : memref<128x32xf32, #tpu.memory_space<vmem_shared>>)
      tpu.yield
    }) : () -> ()
    %add3A_13 = arith.constant 256 : i32
    %add3A_14 = arith.addi %mul3A_2, %add3A_13 : i32
    "tpu.region"() ({
      %run_scoped3A = tpu.sem_alloc : memref<!tpu.dma_semaphore, #tpu.memory_space<semaphore_mem>>
      %dma_start3A_186 = arith.constant 0 : i32
      %dma_start3A_187 = tpu.memref_slice %arg17[%add3A_14, %dma_start3A_186] : memref<10112x32xf32, #tpu.memory_space<vmem_shared>> -> memref<128x32xf32, #tpu.memory_space<vmem_shared>>
      %dma_start3A_188 = arith.constant 0 : i32
      %dma_start3A_189 = tpu.memref_slice %arg17[%add3A_14, %dma_start3A_188] : memref<10112x32xf32, #tpu.memory_space<vmem_shared>> -> memref<128x32xf32, #tpu.memory_space<vmem_shared>>
      tpu.enqueue_dma source(%arg7 : memref<128x32xf32, #tpu.memory_space<vmem>>) target(%dma_start3A_189 : memref<128x32xf32, #tpu.memory_space<vmem_shared>>) target_semaphore(%run_scoped3A : memref<!tpu.dma_semaphore, #tpu.memory_space<semaphore_mem>>)
      %dma_wait3A_190 = arith.constant 0 : i32
      %dma_wait3A_191 = tpu.memref_slice %arg17[%add3A_14, %dma_wait3A_190] : memref<10112x32xf32, #tpu.memory_space<vmem_shared>> -> memref<128x32xf32, #tpu.memory_space<vmem_shared>>
      %dma_wait3A_192 = arith.constant 0 : i32
      %dma_wait3A_193 = tpu.memref_slice %arg17[%add3A_14, %dma_wait3A_192] : memref<10112x32xf32, #tpu.memory_space<vmem_shared>> -> memref<128x32xf32, #tpu.memory_space<vmem_shared>>
      tpu.wait_dma2 semaphore(%run_scoped3A : memref<!tpu.dma_semaphore, #tpu.memory_space<semaphore_mem>>) src(%arg7 : memref<128x32xf32, #tpu.memory_space<vmem>>) dst(%dma_wait3A_193 : memref<128x32xf32, #tpu.memory_space<vmem_shared>>)
      tpu.yield
    }) : () -> ()
    %add3A_15 = arith.constant 384 : i32
    %add3A_16 = arith.addi %mul3A_2, %add3A_15 : i32
    "tpu.region"() ({
      %run_scoped3A = tpu.sem_alloc : memref<!tpu.dma_semaphore, #tpu.memory_space<semaphore_mem>>
      %dma_start3A_186 = arith.constant 0 : i32
      %dma_start3A_187 = tpu.memref_slice %arg17[%add3A_16, %dma_start3A_186] : memref<10112x32xf32, #tpu.memory_space<vmem_shared>> -> memref<128x32xf32, #tpu.memory_space<vmem_shared>>
      %dma_start3A_188 = arith.constant 0 : i32
      %dma_start3A_189 = tpu.memref_slice %arg17[%add3A_16, %dma_start3A_188] : memref<10112x32xf32, #tpu.memory_space<vmem_shared>> -> memref<128x32xf32, #tpu.memory_space<vmem_shared>>
      tpu.enqueue_dma source(%arg7 : memref<128x32xf32, #tpu.memory_space<vmem>>) target(%dma_start3A_189 : memref<128x32xf32, #tpu.memory_space<vmem_shared>>) target_semaphore(%run_scoped3A : memref<!tpu.dma_semaphore, #tpu.memory_space<semaphore_mem>>)
      %dma_wait3A_190 = arith.constant 0 : i32
      %dma_wait3A_191 = tpu.memref_slice %arg17[%add3A_16, %dma_wait3A_190] : memref<10112x32xf32, #tpu.memory_space<vmem_shared>> -> memref<128x32xf32, #tpu.memory_space<vmem_shared>>
      %dma_wait3A_192 = arith.constant 0 : i32
      %dma_wait3A_193 = tpu.memref_slice %arg17[%add3A_16, %dma_wait3A_192] : memref<10112x32xf32, #tpu.memory_space<vmem_shared>> -> memref<128x32xf32, #tpu.memory_space<vmem_shared>>
      tpu.wait_dma2 semaphore(%run_scoped3A : memref<!tpu.dma_semaphore, #tpu.memory_space<semaphore_mem>>) src(%arg7 : memref<128x32xf32, #tpu.memory_space<vmem>>) dst(%dma_wait3A_193 : memref<128x32xf32, #tpu.memory_space<vmem_shared>>)
      tpu.yield
    }) : () -> ()
    %add3A_17 = arith.constant 512 : i32
    %add3A_18 = arith.addi %mul3A_2, %add3A_17 : i32
    "tpu.region"() ({
      %run_scoped3A = tpu.sem_alloc : memref<!tpu.dma_semaphore, #tpu.memory_space<semaphore_mem>>
      %dma_start3A_186 = arith.constant 0 : i32
      %dma_start3A_187 = arith.constant 0 : i32
      %dma_start3A_188 = tpu.memref_slice %arg7[%dma_start3A_186, %dma_start3A_187] : memref<128x32xf32, #tpu.memory_space<vmem>> -> memref<120x32xf32, #tpu.memory_space<vmem>>
      %dma_start3A_189 = arith.constant 0 : i32
      %dma_start3A_190 = tpu.memref_slice %arg17[%add3A_18, %dma_start3A_189] : memref<10112x32xf32, #tpu.memory_space<vmem_shared>> -> memref<120x32xf32, #tpu.memory_space<vmem_shared>>
      %dma_start3A_191 = arith.constant 0 : i32
      %dma_start3A_192 = tpu.memref_slice %arg17[%add3A_18, %dma_start3A_191] : memref<10112x32xf32, #tpu.memory_space<vmem_shared>> -> memref<120x32xf32, #tpu.memory_space<vmem_shared>>
      %dma_start3A_193 = arith.constant 0 : i32
      %dma_start3A_194 = arith.constant 0 : i32
      %dma_start3A_195 = tpu.memref_slice %arg7[%dma_start3A_193, %dma_start3A_194] : memref<128x32xf32, #tpu.memory_space<vmem>> -> memref<120x32xf32, #tpu.memory_space<vmem>>
      tpu.enqueue_dma source(%dma_start3A_195 : memref<120x32xf32, #tpu.memory_space<vmem>>) target(%dma_start3A_192 : memref<120x32xf32, #tpu.memory_space<vmem_shared>>) target_semaphore(%run_scoped3A : memref<!tpu.dma_semaphore, #tpu.memory_space<semaphore_mem>>)
      %dma_wait3A_196 = arith.constant 0 : i32
      %dma_wait3A_197 = arith.constant 0 : i32
      %dma_wait3A_198 = tpu.memref_slice %arg7[%dma_wait3A_196, %dma_wait3A_197] : memref<128x32xf32, #tpu.memory_space<vmem>> -> memref<120x32xf32, #tpu.memory_space<vmem>>
      %dma_wait3A_199 = arith.constant 0 : i32
      %dma_wait3A_200 = tpu.memref_slice %arg17[%add3A_18, %dma_wait3A_199] : memref<10112x32xf32, #tpu.memory_space<vmem_shared>> -> memref<120x32xf32, #tpu.memory_space<vmem_shared>>
      %dma_wait3A_201 = arith.constant 0 : i32
      %dma_wait3A_202 = tpu.memref_slice %arg17[%add3A_18, %dma_wait3A_201] : memref<10112x32xf32, #tpu.memory_space<vmem_shared>> -> memref<120x32xf32, #tpu.memory_space<vmem_shared>>
      %dma_wait3A_203 = arith.constant 0 : i32
      %dma_wait3A_204 = arith.constant 0 : i32
      %dma_wait3A_205 = tpu.memref_slice %arg7[%dma_wait3A_203, %dma_wait3A_204] : memref<128x32xf32, #tpu.memory_space<vmem>> -> memref<120x32xf32, #tpu.memory_space<vmem>>
      tpu.wait_dma2 semaphore(%run_scoped3A : memref<!tpu.dma_semaphore, #tpu.memory_space<semaphore_mem>>) src(%dma_wait3A_205 : memref<120x32xf32, #tpu.memory_space<vmem>>) dst(%dma_wait3A_202 : memref<120x32xf32, #tpu.memory_space<vmem_shared>>)
      tpu.yield
    }) : () -> ()
    %lt3A = arith.constant 31 : i32
    %lt3A_19 = arith.cmpi slt, %add3A, %lt3A : i32
    %convert_element_type3A = arith.extui %lt3A_19 : i1 to i32
    %cond3A = arith.constant 0 : i32
    %cond3A_20 = arith.cmpi ne, %convert_element_type3A, %cond3A : i32
    scf.if %cond3A_20 {
      %mul3A_186 = arith.constant 40 : i32
      %mul3A_187 = arith.muli %add3A, %mul3A_186 : i32
      %run_scoped3A = arith.constant 0 : i32
      "tpu.region"() ({
        %run_scoped3A_191 = tpu.sem_alloc : memref<!tpu.dma_semaphore, #tpu.memory_space<semaphore_mem>>
        %dma_start3A_192 = arith.constant 0 : i32
        %dma_start3A_193 = tpu.memref_slice %arg3[%run_scoped3A, %mul3A_187, %dma_start3A_192] : memref<2x1250x128xi32, #tpu.memory_space<hbm>> -> memref<1x40x128xi32, #tpu.memory_space<hbm>>
        %dma_start3A_194 = tpu.memref_squeeze %dma_start3A_193 : memref<1x40x128xi32, #tpu.memory_space<hbm>> -> memref<40x128xi32, #tpu.memory_space<hbm>>
        %dma_start3A_195 = arith.constant 0 : i32
        %dma_start3A_196 = tpu.memref_slice %arg3[%run_scoped3A, %mul3A_187, %dma_start3A_195] : memref<2x1250x128xi32, #tpu.memory_space<hbm>> -> memref<1x40x128xi32, #tpu.memory_space<hbm>>
        %dma_start3A_197 = tpu.memref_squeeze %dma_start3A_196 : memref<1x40x128xi32, #tpu.memory_space<hbm>> -> memref<40x128xi32, #tpu.memory_space<hbm>>
        tpu.enqueue_dma source(%dma_start3A_197 : memref<40x128xi32, #tpu.memory_space<hbm>>) target(%arg5 : memref<40x128xi32, #tpu.memory_space<vmem>>) target_semaphore(%run_scoped3A_191 : memref<!tpu.dma_semaphore, #tpu.memory_space<semaphore_mem>>)
        %dma_wait3A_198 = arith.constant 0 : i32
        %dma_wait3A_199 = tpu.memref_slice %arg3[%run_scoped3A, %mul3A_187, %dma_wait3A_198] : memref<2x1250x128xi32, #tpu.memory_space<hbm>> -> memref<1x40x128xi32, #tpu.memory_space<hbm>>
        %dma_wait3A_200 = tpu.memref_squeeze %dma_wait3A_199 : memref<1x40x128xi32, #tpu.memory_space<hbm>> -> memref<40x128xi32, #tpu.memory_space<hbm>>
        %dma_wait3A_201 = arith.constant 0 : i32
        %dma_wait3A_202 = tpu.memref_slice %arg3[%run_scoped3A, %mul3A_187, %dma_wait3A_201] : memref<2x1250x128xi32, #tpu.memory_space<hbm>> -> memref<1x40x128xi32, #tpu.memory_space<hbm>>
        %dma_wait3A_203 = tpu.memref_squeeze %dma_wait3A_202 : memref<1x40x128xi32, #tpu.memory_space<hbm>> -> memref<40x128xi32, #tpu.memory_space<hbm>>
        tpu.wait_dma2 semaphore(%run_scoped3A_191 : memref<!tpu.dma_semaphore, #tpu.memory_space<semaphore_mem>>) src(%dma_wait3A_203 : memref<40x128xi32, #tpu.memory_space<hbm>>) dst(%arg5 : memref<40x128xi32, #tpu.memory_space<vmem>>)
        tpu.yield
      }) : () -> ()
      %mul3A_188 = arith.constant 40 : i32
      %mul3A_189 = arith.muli %add3A, %mul3A_188 : i32
      %run_scoped3A_190 = arith.constant 1 : i32
      "tpu.region"() ({
        %run_scoped3A_191 = tpu.sem_alloc : memref<!tpu.dma_semaphore, #tpu.memory_space<semaphore_mem>>
        %dma_start3A_192 = arith.constant 0 : i32
        %dma_start3A_193 = tpu.memref_slice %arg3[%run_scoped3A_190, %mul3A_189, %dma_start3A_192] : memref<2x1250x128xi32, #tpu.memory_space<hbm>> -> memref<1x40x128xi32, #tpu.memory_space<hbm>>
        %dma_start3A_194 = tpu.memref_squeeze %dma_start3A_193 : memref<1x40x128xi32, #tpu.memory_space<hbm>> -> memref<40x128xi32, #tpu.memory_space<hbm>>
        %dma_start3A_195 = arith.constant 0 : i32
        %dma_start3A_196 = tpu.memref_slice %arg3[%run_scoped3A_190, %mul3A_189, %dma_start3A_195] : memref<2x1250x128xi32, #tpu.memory_space<hbm>> -> memref<1x40x128xi32, #tpu.memory_space<hbm>>
        %dma_start3A_197 = tpu.memref_squeeze %dma_start3A_196 : memref<1x40x128xi32, #tpu.memory_space<hbm>> -> memref<40x128xi32, #tpu.memory_space<hbm>>
        tpu.enqueue_dma source(%dma_start3A_197 : memref<40x128xi32, #tpu.memory_space<hbm>>) target(%arg6 : memref<40x128xi32, #tpu.memory_space<vmem>>) target_semaphore(%run_scoped3A_191 : memref<!tpu.dma_semaphore, #tpu.memory_space<semaphore_mem>>)
        %dma_wait3A_198 = arith.constant 0 : i32
        %dma_wait3A_199 = tpu.memref_slice %arg3[%run_scoped3A_190, %mul3A_189, %dma_wait3A_198] : memref<2x1250x128xi32, #tpu.memory_space<hbm>> -> memref<1x40x128xi32, #tpu.memory_space<hbm>>
        %dma_wait3A_200 = tpu.memref_squeeze %dma_wait3A_199 : memref<1x40x128xi32, #tpu.memory_space<hbm>> -> memref<40x128xi32, #tpu.memory_space<hbm>>
        %dma_wait3A_201 = arith.constant 0 : i32
        %dma_wait3A_202 = tpu.memref_slice %arg3[%run_scoped3A_190, %mul3A_189, %dma_wait3A_201] : memref<2x1250x128xi32, #tpu.memory_space<hbm>> -> memref<1x40x128xi32, #tpu.memory_space<hbm>>
        %dma_wait3A_203 = tpu.memref_squeeze %dma_wait3A_202 : memref<1x40x128xi32, #tpu.memory_space<hbm>> -> memref<40x128xi32, #tpu.memory_space<hbm>>
        tpu.wait_dma2 semaphore(%run_scoped3A_191 : memref<!tpu.dma_semaphore, #tpu.memory_space<semaphore_mem>>) src(%dma_wait3A_203 : memref<40x128xi32, #tpu.memory_space<hbm>>) dst(%arg6 : memref<40x128xi32, #tpu.memory_space<vmem>>)
        tpu.yield
      }) : () -> ()
    } else {
    }
    %eq3A = arith.constant 31 : i32
    %eq3A_21 = arith.cmpi eq, %add3A, %eq3A : i32
    %convert_element_type3A_22 = arith.extui %eq3A_21 : i1 to i32
    %cond3A_23 = arith.constant 0 : i32
    %cond3A_24 = arith.cmpi ne, %convert_element_type3A_22, %cond3A_23 : i32
    scf.if %cond3A_24 {
      %run_scoped3A = arith.constant 0 : i32
      "tpu.region"() ({
        %run_scoped3A_187 = tpu.sem_alloc : memref<!tpu.dma_semaphore, #tpu.memory_space<semaphore_mem>>
        %dma_start3A_188 = arith.constant 0 : i32
        %dma_start3A_189 = arith.constant 0 : i32
        %dma_start3A_190 = tpu.memref_slice %arg5[%dma_start3A_188, %dma_start3A_189] : memref<40x128xi32, #tpu.memory_space<vmem>> -> memref<10x128xi32, #tpu.memory_space<vmem>>
        %dma_start3A_191 = arith.constant 1240 : i32
        %dma_start3A_192 = arith.constant 0 : i32
        %dma_start3A_193 = tpu.memref_slice %arg3[%run_scoped3A, %dma_start3A_191, %dma_start3A_192] : memref<2x1250x128xi32, #tpu.memory_space<hbm>> -> memref<1x10x128xi32, #tpu.memory_space<hbm>>
        %dma_start3A_194 = tpu.memref_squeeze %dma_start3A_193 : memref<1x10x128xi32, #tpu.memory_space<hbm>> -> memref<10x128xi32, #tpu.memory_space<hbm>>
        %dma_start3A_195 = arith.constant 0 : i32
        %dma_start3A_196 = arith.constant 0 : i32
        %dma_start3A_197 = tpu.memref_slice %arg5[%dma_start3A_195, %dma_start3A_196] : memref<40x128xi32, #tpu.memory_space<vmem>> -> memref<10x128xi32, #tpu.memory_space<vmem>>
        %dma_start3A_198 = arith.constant 1240 : i32
        %dma_start3A_199 = arith.constant 0 : i32
        %dma_start3A_200 = tpu.memref_slice %arg3[%run_scoped3A, %dma_start3A_198, %dma_start3A_199] : memref<2x1250x128xi32, #tpu.memory_space<hbm>> -> memref<1x10x128xi32, #tpu.memory_space<hbm>>
        %dma_start3A_201 = tpu.memref_squeeze %dma_start3A_200 : memref<1x10x128xi32, #tpu.memory_space<hbm>> -> memref<10x128xi32, #tpu.memory_space<hbm>>
        tpu.enqueue_dma source(%dma_start3A_201 : memref<10x128xi32, #tpu.memory_space<hbm>>) target(%dma_start3A_197 : memref<10x128xi32, #tpu.memory_space<vmem>>) target_semaphore(%run_scoped3A_187 : memref<!tpu.dma_semaphore, #tpu.memory_space<semaphore_mem>>)
        %dma_wait3A_202 = arith.constant 0 : i32
        %dma_wait3A_203 = arith.constant 0 : i32
        %dma_wait3A_204 = tpu.memref_slice %arg5[%dma_wait3A_202, %dma_wait3A_203] : memref<40x128xi32, #tpu.memory_space<vmem>> -> memref<10x128xi32, #tpu.memory_space<vmem>>
        %dma_wait3A_205 = arith.constant 1240 : i32
        %dma_wait3A_206 = arith.constant 0 : i32
        %dma_wait3A_207 = tpu.memref_slice %arg3[%run_scoped3A, %dma_wait3A_205, %dma_wait3A_206] : memref<2x1250x128xi32, #tpu.memory_space<hbm>> -> memref<1x10x128xi32, #tpu.memory_space<hbm>>
        %dma_wait3A_208 = tpu.memref_squeeze %dma_wait3A_207 : memref<1x10x128xi32, #tpu.memory_space<hbm>> -> memref<10x128xi32, #tpu.memory_space<hbm>>
        %dma_wait3A_209 = arith.constant 0 : i32
        %dma_wait3A_210 = arith.constant 0 : i32
        %dma_wait3A_211 = tpu.memref_slice %arg5[%dma_wait3A_209, %dma_wait3A_210] : memref<40x128xi32, #tpu.memory_space<vmem>> -> memref<10x128xi32, #tpu.memory_space<vmem>>
        %dma_wait3A_212 = arith.constant 1240 : i32
        %dma_wait3A_213 = arith.constant 0 : i32
        %dma_wait3A_214 = tpu.memref_slice %arg3[%run_scoped3A, %dma_wait3A_212, %dma_wait3A_213] : memref<2x1250x128xi32, #tpu.memory_space<hbm>> -> memref<1x10x128xi32, #tpu.memory_space<hbm>>
        %dma_wait3A_215 = tpu.memref_squeeze %dma_wait3A_214 : memref<1x10x128xi32, #tpu.memory_space<hbm>> -> memref<10x128xi32, #tpu.memory_space<hbm>>
        tpu.wait_dma2 semaphore(%run_scoped3A_187 : memref<!tpu.dma_semaphore, #tpu.memory_space<semaphore_mem>>) src(%dma_wait3A_215 : memref<10x128xi32, #tpu.memory_space<hbm>>) dst(%dma_wait3A_211 : memref<10x128xi32, #tpu.memory_space<vmem>>)
        tpu.yield
      }) : () -> ()
      %run_scoped3A_186 = arith.constant 1 : i32
      "tpu.region"() ({
        %run_scoped3A_187 = tpu.sem_alloc : memref<!tpu.dma_semaphore, #tpu.memory_space<semaphore_mem>>
        %dma_start3A_188 = arith.constant 0 : i32
        %dma_start3A_189 = arith.constant 0 : i32
        %dma_start3A_190 = tpu.memref_slice %arg6[%dma_start3A_188, %dma_start3A_189] : memref<40x128xi32, #tpu.memory_space<vmem>> -> memref<10x128xi32, #tpu.memory_space<vmem>>
        %dma_start3A_191 = arith.constant 1240 : i32
        %dma_start3A_192 = arith.constant 0 : i32
        %dma_start3A_193 = tpu.memref_slice %arg3[%run_scoped3A_186, %dma_start3A_191, %dma_start3A_192] : memref<2x1250x128xi32, #tpu.memory_space<hbm>> -> memref<1x10x128xi32, #tpu.memory_space<hbm>>
        %dma_start3A_194 = tpu.memref_squeeze %dma_start3A_193 : memref<1x10x128xi32, #tpu.memory_space<hbm>> -> memref<10x128xi32, #tpu.memory_space<hbm>>
        %dma_start3A_195 = arith.constant 0 : i32
        %dma_start3A_196 = arith.constant 0 : i32
        %dma_start3A_197 = tpu.memref_slice %arg6[%dma_start3A_195, %dma_start3A_196] : memref<40x128xi32, #tpu.memory_space<vmem>> -> memref<10x128xi32, #tpu.memory_space<vmem>>
        %dma_start3A_198 = arith.constant 1240 : i32
        %dma_start3A_199 = arith.constant 0 : i32
        %dma_start3A_200 = tpu.memref_slice %arg3[%run_scoped3A_186, %dma_start3A_198, %dma_start3A_199] : memref<2x1250x128xi32, #tpu.memory_space<hbm>> -> memref<1x10x128xi32, #tpu.memory_space<hbm>>
        %dma_start3A_201 = tpu.memref_squeeze %dma_start3A_200 : memref<1x10x128xi32, #tpu.memory_space<hbm>> -> memref<10x128xi32, #tpu.memory_space<hbm>>
        tpu.enqueue_dma source(%dma_start3A_201 : memref<10x128xi32, #tpu.memory_space<hbm>>) target(%dma_start3A_197 : memref<10x128xi32, #tpu.memory_space<vmem>>) target_semaphore(%run_scoped3A_187 : memref<!tpu.dma_semaphore, #tpu.memory_space<semaphore_mem>>)
        %dma_wait3A_202 = arith.constant 0 : i32
        %dma_wait3A_203 = arith.constant 0 : i32
        %dma_wait3A_204 = tpu.memref_slice %arg6[%dma_wait3A_202, %dma_wait3A_203] : memref<40x128xi32, #tpu.memory_space<vmem>> -> memref<10x128xi32, #tpu.memory_space<vmem>>
        %dma_wait3A_205 = arith.constant 1240 : i32
        %dma_wait3A_206 = arith.constant 0 : i32
        %dma_wait3A_207 = tpu.memref_slice %arg3[%run_scoped3A_186, %dma_wait3A_205, %dma_wait3A_206] : memref<2x1250x128xi32, #tpu.memory_space<hbm>> -> memref<1x10x128xi32, #tpu.memory_space<hbm>>
        %dma_wait3A_208 = tpu.memref_squeeze %dma_wait3A_207 : memref<1x10x128xi32, #tpu.memory_space<hbm>> -> memref<10x128xi32, #tpu.memory_space<hbm>>
        %dma_wait3A_209 = arith.constant 0 : i32
        %dma_wait3A_210 = arith.constant 0 : i32
        %dma_wait3A_211 = tpu.memref_slice %arg6[%dma_wait3A_209, %dma_wait3A_210] : memref<40x128xi32, #tpu.memory_space<vmem>> -> memref<10x128xi32, #tpu.memory_space<vmem>>
        %dma_wait3A_212 = arith.constant 1240 : i32
        %dma_wait3A_213 = arith.constant 0 : i32
        %dma_wait3A_214 = tpu.memref_slice %arg3[%run_scoped3A_186, %dma_wait3A_212, %dma_wait3A_213] : memref<2x1250x128xi32, #tpu.memory_space<hbm>> -> memref<1x10x128xi32, #tpu.memory_space<hbm>>
        %dma_wait3A_215 = tpu.memref_squeeze %dma_wait3A_214 : memref<1x10x128xi32, #tpu.memory_space<hbm>> -> memref<10x128xi32, #tpu.memory_space<hbm>>
        tpu.wait_dma2 semaphore(%run_scoped3A_187 : memref<!tpu.dma_semaphore, #tpu.memory_space<semaphore_mem>>) src(%dma_wait3A_215 : memref<10x128xi32, #tpu.memory_space<hbm>>) dst(%dma_wait3A_211 : memref<10x128xi32, #tpu.memory_space<vmem>>)
        tpu.yield
      }) : () -> ()
    } else {
    }
    %barrier3A = arith.constant 0 : index
    tpu.barrier barrier_id(%barrier3A)
    %dma_start3A = arith.constant 0 : i32
    %dma_start3A_25 = arith.constant 0 : i32
    %dma_start3A_26 = tpu.memref_slice %arg5[%dma_start3A, %dma_start3A_25] : memref<40x128xi32, #tpu.memory_space<vmem>> -> memref<1x128xi32, #tpu.memory_space<vmem>>
    %dma_start3A_27 = tpu.memref_squeeze %dma_start3A_26 : memref<1x128xi32, #tpu.memory_space<vmem>> -> memref<128xi32, #tpu.memory_space<vmem>>
    %dma_start3A_28 = arith.constant 0 : i32
    %dma_start3A_29 = arith.constant 0 : i32
    %dma_start3A_30 = tpu.memref_slice %arg2[%dma_start3A_28, %dma_start3A_29] : memref<10000x32xf32, #tpu.memory_space<hbm>> -> memref<10000x32xf32, #tpu.memory_space<hbm>>
    tpu.enqueue_indirect_dma source(%dma_start3A_30 : memref<10000x32xf32, #tpu.memory_space<hbm>>) target(%arg7 : memref<128x32xf32, #tpu.memory_space<vmem>>) offsets(%dma_start3A_27 : memref<128xi32, #tpu.memory_space<vmem>>) semaphore(%arg18 : memref<!tpu.dma_semaphore, #tpu.memory_space<semaphore_mem>>)
    %dma_start3A_31 = arith.constant 1 : i32
    %dma_start3A_32 = arith.constant 0 : i32
    %dma_start3A_33 = tpu.memref_slice %arg5[%dma_start3A_31, %dma_start3A_32] : memref<40x128xi32, #tpu.memory_space<vmem>> -> memref<1x128xi32, #tpu.memory_space<vmem>>
    %dma_start3A_34 = tpu.memref_squeeze %dma_start3A_33 : memref<1x128xi32, #tpu.memory_space<vmem>> -> memref<128xi32, #tpu.memory_space<vmem>>
    %dma_start3A_35 = arith.constant 0 : i32
    %dma_start3A_36 = arith.constant 0 : i32
    %dma_start3A_37 = tpu.memref_slice %arg2[%dma_start3A_35, %dma_start3A_36] : memref<10000x32xf32, #tpu.memory_space<hbm>> -> memref<10000x32xf32, #tpu.memory_space<hbm>>
    tpu.enqueue_indirect_dma source(%dma_start3A_37 : memref<10000x32xf32, #tpu.memory_space<hbm>>) target(%arg8 : memref<128x32xf32, #tpu.memory_space<vmem>>) offsets(%dma_start3A_34 : memref<128xi32, #tpu.memory_space<vmem>>) semaphore(%arg19 : memref<!tpu.dma_semaphore, #tpu.memory_space<semaphore_mem>>)
    %dma_start3A_38 = arith.constant 2 : i32
    %dma_start3A_39 = arith.constant 0 : i32
    %dma_start3A_40 = tpu.memref_slice %arg5[%dma_start3A_38, %dma_start3A_39] : memref<40x128xi32, #tpu.memory_space<vmem>> -> memref<1x128xi32, #tpu.memory_space<vmem>>
    %dma_start3A_41 = tpu.memref_squeeze %dma_start3A_40 : memref<1x128xi32, #tpu.memory_space<vmem>> -> memref<128xi32, #tpu.memory_space<vmem>>
    %dma_start3A_42 = arith.constant 0 : i32
    %dma_start3A_43 = arith.constant 0 : i32
    %dma_start3A_44 = tpu.memref_slice %arg2[%dma_start3A_42, %dma_start3A_43] : memref<10000x32xf32, #tpu.memory_space<hbm>> -> memref<10000x32xf32, #tpu.memory_space<hbm>>
    tpu.enqueue_indirect_dma source(%dma_start3A_44 : memref<10000x32xf32, #tpu.memory_space<hbm>>) target(%arg9 : memref<128x32xf32, #tpu.memory_space<vmem>>) offsets(%dma_start3A_41 : memref<128xi32, #tpu.memory_space<vmem>>) semaphore(%arg20 : memref<!tpu.dma_semaphore, #tpu.memory_space<semaphore_mem>>)
    %dma_start3A_45 = arith.constant 3 : i32
    %dma_start3A_46 = arith.constant 0 : i32
    %dma_start3A_47 = tpu.memref_slice %arg5[%dma_start3A_45, %dma_start3A_46] : memref<40x128xi32, #tpu.memory_space<vmem>> -> memref<1x128xi32, #tpu.memory_space<vmem>>
    %dma_start3A_48 = tpu.memref_squeeze %dma_start3A_47 : memref<1x128xi32, #tpu.memory_space<vmem>> -> memref<128xi32, #tpu.memory_space<vmem>>
    %dma_start3A_49 = arith.constant 0 : i32
    %dma_start3A_50 = arith.constant 0 : i32
    %dma_start3A_51 = tpu.memref_slice %arg2[%dma_start3A_49, %dma_start3A_50] : memref<10000x32xf32, #tpu.memory_space<hbm>> -> memref<10000x32xf32, #tpu.memory_space<hbm>>
    tpu.enqueue_indirect_dma source(%dma_start3A_51 : memref<10000x32xf32, #tpu.memory_space<hbm>>) target(%arg10 : memref<128x32xf32, #tpu.memory_space<vmem>>) offsets(%dma_start3A_48 : memref<128xi32, #tpu.memory_space<vmem>>) semaphore(%arg21 : memref<!tpu.dma_semaphore, #tpu.memory_space<semaphore_mem>>)
    %dma_start3A_52 = arith.constant 4 : i32
    %dma_start3A_53 = arith.constant 0 : i32
    %dma_start3A_54 = tpu.memref_slice %arg5[%dma_start3A_52, %dma_start3A_53] : memref<40x128xi32, #tpu.memory_space<vmem>> -> memref<1x128xi32, #tpu.memory_space<vmem>>
    %dma_start3A_55 = tpu.memref_squeeze %dma_start3A_54 : memref<1x128xi32, #tpu.memory_space<vmem>> -> memref<128xi32, #tpu.memory_space<vmem>>
    %dma_start3A_56 = arith.constant 0 : i32
    %dma_start3A_57 = arith.constant 0 : i32
    %dma_start3A_58 = tpu.memref_slice %arg2[%dma_start3A_56, %dma_start3A_57] : memref<10000x32xf32, #tpu.memory_space<hbm>> -> memref<10000x32xf32, #tpu.memory_space<hbm>>
    tpu.enqueue_indirect_dma source(%dma_start3A_58 : memref<10000x32xf32, #tpu.memory_space<hbm>>) target(%arg11 : memref<128x32xf32, #tpu.memory_space<vmem>>) offsets(%dma_start3A_55 : memref<128xi32, #tpu.memory_space<vmem>>) semaphore(%arg22 : memref<!tpu.dma_semaphore, #tpu.memory_space<semaphore_mem>>)
    %dma_start3A_59 = arith.constant 5 : i32
    %dma_start3A_60 = arith.constant 0 : i32
    %dma_start3A_61 = tpu.memref_slice %arg5[%dma_start3A_59, %dma_start3A_60] : memref<40x128xi32, #tpu.memory_space<vmem>> -> memref<1x128xi32, #tpu.memory_space<vmem>>
    %dma_start3A_62 = tpu.memref_squeeze %dma_start3A_61 : memref<1x128xi32, #tpu.memory_space<vmem>> -> memref<128xi32, #tpu.memory_space<vmem>>
    %dma_start3A_63 = arith.constant 0 : i32
    %dma_start3A_64 = arith.constant 0 : i32
    %dma_start3A_65 = tpu.memref_slice %arg2[%dma_start3A_63, %dma_start3A_64] : memref<10000x32xf32, #tpu.memory_space<hbm>> -> memref<10000x32xf32, #tpu.memory_space<hbm>>
    tpu.enqueue_indirect_dma source(%dma_start3A_65 : memref<10000x32xf32, #tpu.memory_space<hbm>>) target(%arg12 : memref<128x32xf32, #tpu.memory_space<vmem>>) offsets(%dma_start3A_62 : memref<128xi32, #tpu.memory_space<vmem>>) semaphore(%arg23 : memref<!tpu.dma_semaphore, #tpu.memory_space<semaphore_mem>>)
    %dma_start3A_66 = arith.constant 6 : i32
    %dma_start3A_67 = arith.constant 0 : i32
    %dma_start3A_68 = tpu.memref_slice %arg5[%dma_start3A_66, %dma_start3A_67] : memref<40x128xi32, #tpu.memory_space<vmem>> -> memref<1x128xi32, #tpu.memory_space<vmem>>
    %dma_start3A_69 = tpu.memref_squeeze %dma_start3A_68 : memref<1x128xi32, #tpu.memory_space<vmem>> -> memref<128xi32, #tpu.memory_space<vmem>>
    %dma_start3A_70 = arith.constant 0 : i32
    %dma_start3A_71 = arith.constant 0 : i32
    %dma_start3A_72 = tpu.memref_slice %arg2[%dma_start3A_70, %dma_start3A_71] : memref<10000x32xf32, #tpu.memory_space<hbm>> -> memref<10000x32xf32, #tpu.memory_space<hbm>>
    tpu.enqueue_indirect_dma source(%dma_start3A_72 : memref<10000x32xf32, #tpu.memory_space<hbm>>) target(%arg13 : memref<128x32xf32, #tpu.memory_space<vmem>>) offsets(%dma_start3A_69 : memref<128xi32, #tpu.memory_space<vmem>>) semaphore(%arg24 : memref<!tpu.dma_semaphore, #tpu.memory_space<semaphore_mem>>)
    %dma_start3A_73 = arith.constant 7 : i32
    %dma_start3A_74 = arith.constant 0 : i32
    %dma_start3A_75 = tpu.memref_slice %arg5[%dma_start3A_73, %dma_start3A_74] : memref<40x128xi32, #tpu.memory_space<vmem>> -> memref<1x128xi32, #tpu.memory_space<vmem>>
    %dma_start3A_76 = tpu.memref_squeeze %dma_start3A_75 : memref<1x128xi32, #tpu.memory_space<vmem>> -> memref<128xi32, #tpu.memory_space<vmem>>
    %dma_start3A_77 = arith.constant 0 : i32
    %dma_start3A_78 = arith.constant 0 : i32
    %dma_start3A_79 = tpu.memref_slice %arg2[%dma_start3A_77, %dma_start3A_78] : memref<10000x32xf32, #tpu.memory_space<hbm>> -> memref<10000x32xf32, #tpu.memory_space<hbm>>
    tpu.enqueue_indirect_dma source(%dma_start3A_79 : memref<10000x32xf32, #tpu.memory_space<hbm>>) target(%arg14 : memref<128x32xf32, #tpu.memory_space<vmem>>) offsets(%dma_start3A_76 : memref<128xi32, #tpu.memory_space<vmem>>) semaphore(%arg25 : memref<!tpu.dma_semaphore, #tpu.memory_space<semaphore_mem>>)
    %dma_start3A_80 = arith.constant 8 : i32
    %dma_start3A_81 = arith.constant 0 : i32
    %dma_start3A_82 = tpu.memref_slice %arg5[%dma_start3A_80, %dma_start3A_81] : memref<40x128xi32, #tpu.memory_space<vmem>> -> memref<1x128xi32, #tpu.memory_space<vmem>>
    %dma_start3A_83 = tpu.memref_squeeze %dma_start3A_82 : memref<1x128xi32, #tpu.memory_space<vmem>> -> memref<128xi32, #tpu.memory_space<vmem>>
    %dma_start3A_84 = arith.constant 0 : i32
    %dma_start3A_85 = arith.constant 0 : i32
    %dma_start3A_86 = tpu.memref_slice %arg2[%dma_start3A_84, %dma_start3A_85] : memref<10000x32xf32, #tpu.memory_space<hbm>> -> memref<10000x32xf32, #tpu.memory_space<hbm>>
    tpu.enqueue_indirect_dma source(%dma_start3A_86 : memref<10000x32xf32, #tpu.memory_space<hbm>>) target(%arg15 : memref<128x32xf32, #tpu.memory_space<vmem>>) offsets(%dma_start3A_83 : memref<128xi32, #tpu.memory_space<vmem>>) semaphore(%arg26 : memref<!tpu.dma_semaphore, #tpu.memory_space<semaphore_mem>>)
    %dma_start3A_87 = arith.constant 9 : i32
    %dma_start3A_88 = arith.constant 0 : i32
    %dma_start3A_89 = tpu.memref_slice %arg5[%dma_start3A_87, %dma_start3A_88] : memref<40x128xi32, #tpu.memory_space<vmem>> -> memref<1x128xi32, #tpu.memory_space<vmem>>
    %dma_start3A_90 = tpu.memref_squeeze %dma_start3A_89 : memref<1x128xi32, #tpu.memory_space<vmem>> -> memref<128xi32, #tpu.memory_space<vmem>>
    %dma_start3A_91 = arith.constant 0 : i32
    %dma_start3A_92 = arith.constant 0 : i32
    %dma_start3A_93 = tpu.memref_slice %arg2[%dma_start3A_91, %dma_start3A_92] : memref<10000x32xf32, #tpu.memory_space<hbm>> -> memref<10000x32xf32, #tpu.memory_space<hbm>>
    tpu.enqueue_indirect_dma source(%dma_start3A_93 : memref<10000x32xf32, #tpu.memory_space<hbm>>) target(%arg16 : memref<128x32xf32, #tpu.memory_space<vmem>>) offsets(%dma_start3A_90 : memref<128xi32, #tpu.memory_space<vmem>>) semaphore(%arg27 : memref<!tpu.dma_semaphore, #tpu.memory_space<semaphore_mem>>)
    %eq3A_94 = arith.constant 31 : i32
    %eq3A_95 = arith.cmpi eq, %add3A, %eq3A_94 : i32
    %jit3A = arith.constant 1 : i32
    %jit3A_96 = arith.constant 4 : i32
    %select_n3A = arith.select %eq3A_95, %jit3A, %jit3A_96 : i32
    %while3A = arith.constant 0 : i32
    %while3A_97 = arith.constant 0 : i32
    %while3A_98 = arith.subi %select_n3A, %while3A_97 : i32
    %while3A_99 = arith.addi %while3A_97, %while3A_98 : i32
    %while3A_100 = arith.constant 1 : i32
    %while3A_101 = arith.divsi %while3A_98, %while3A_100 : i32
    %while3A_102 = arith.muli %while3A_101, %while3A_100 : i32
    %while3A_103 = arith.addi %while3A_97, %while3A_102 : i32
    %while3A_104 = arith.constant 1 : i32
    scf.for %while3A_186 = %while3A_97 to %while3A_103 step %while3A_104  : i32 {
      %mul3A_187 = arith.constant 10 : i32
      %mul3A_188 = arith.muli %while3A_186, %mul3A_187 : i32
      %dma_wait3A_189 = arith.constant 0 : i32
      %dma_wait3A_190 = arith.constant 0 : i32
      %dma_wait3A_191 = tpu.memref_slice %arg5[%dma_wait3A_189, %dma_wait3A_190] : memref<40x128xi32, #tpu.memory_space<vmem>> -> memref<1x128xi32, #tpu.memory_space<vmem>>
      %dma_wait3A_192 = tpu.memref_squeeze %dma_wait3A_191 : memref<1x128xi32, #tpu.memory_space<vmem>> -> memref<128xi32, #tpu.memory_space<vmem>>
      %dma_wait3A_193 = arith.constant 0 : i32
      %dma_wait3A_194 = arith.constant 0 : i32
      %dma_wait3A_195 = tpu.memref_slice %arg2[%dma_wait3A_193, %dma_wait3A_194] : memref<10000x32xf32, #tpu.memory_space<hbm>> -> memref<10000x32xf32, #tpu.memory_space<hbm>>
      tpu.wait_indirect_dma semaphore(%arg18 : memref<!tpu.dma_semaphore, #tpu.memory_space<semaphore_mem>>) src(%dma_wait3A_195 : memref<10000x32xf32, #tpu.memory_space<hbm>>) dst(%arg7 : memref<128x32xf32, #tpu.memory_space<vmem>>)
      %add3A_196 = arith.constant 0 : i32
      %add3A_197 = arith.addi %mul3A_188, %add3A_196 : i32
      %dma_start3A_198 = arith.constant 0 : i32
      %dma_start3A_199 = tpu.memref_slice %arg6[%add3A_197, %dma_start3A_198] : memref<40x128xi32, #tpu.memory_space<vmem>> -> memref<1x128xi32, #tpu.memory_space<vmem>>
      %dma_start3A_200 = tpu.memref_squeeze %dma_start3A_199 : memref<1x128xi32, #tpu.memory_space<vmem>> -> memref<128xi32, #tpu.memory_space<vmem>>
      %dma_start3A_201 = arith.constant 0 : i32
      %dma_start3A_202 = arith.constant 0 : i32
      %dma_start3A_203 = tpu.memref_slice %arg17[%dma_start3A_201, %dma_start3A_202] : memref<10112x32xf32, #tpu.memory_space<vmem_shared>> -> memref<10112x32xf32, #tpu.memory_space<vmem_shared>>
      tpu.enqueue_indirect_dma source(%arg7 : memref<128x32xf32, #tpu.memory_space<vmem>>) target(%dma_start3A_203 : memref<10112x32xf32, #tpu.memory_space<vmem_shared>>) offsets(%dma_start3A_200 : memref<128xi32, #tpu.memory_space<vmem>>) semaphore(%arg28 : memref<!tpu.dma_semaphore, #tpu.memory_space<semaphore_mem>>) {add = true}
      %dma_wait3A_204 = arith.constant 0 : i32
      %dma_wait3A_205 = arith.constant 0 : i32
      %dma_wait3A_206 = tpu.memref_slice %arg5[%dma_wait3A_204, %dma_wait3A_205] : memref<40x128xi32, #tpu.memory_space<vmem>> -> memref<1x128xi32, #tpu.memory_space<vmem>>
      %dma_wait3A_207 = tpu.memref_squeeze %dma_wait3A_206 : memref<1x128xi32, #tpu.memory_space<vmem>> -> memref<128xi32, #tpu.memory_space<vmem>>
      %dma_wait3A_208 = arith.constant 0 : i32
      %dma_wait3A_209 = arith.constant 0 : i32
      %dma_wait3A_210 = tpu.memref_slice %arg2[%dma_wait3A_208, %dma_wait3A_209] : memref<10000x32xf32, #tpu.memory_space<hbm>> -> memref<10000x32xf32, #tpu.memory_space<hbm>>
      tpu.wait_indirect_dma semaphore(%arg19 : memref<!tpu.dma_semaphore, #tpu.memory_space<semaphore_mem>>) src(%dma_wait3A_210 : memref<10000x32xf32, #tpu.memory_space<hbm>>) dst(%arg8 : memref<128x32xf32, #tpu.memory_space<vmem>>)
      %add3A_211 = arith.constant 1 : i32
      %add3A_212 = arith.addi %mul3A_188, %add3A_211 : i32
      %dma_start3A_213 = arith.constant 0 : i32
      %dma_start3A_214 = tpu.memref_slice %arg6[%add3A_212, %dma_start3A_213] : memref<40x128xi32, #tpu.memory_space<vmem>> -> memref<1x128xi32, #tpu.memory_space<vmem>>
      %dma_start3A_215 = tpu.memref_squeeze %dma_start3A_214 : memref<1x128xi32, #tpu.memory_space<vmem>> -> memref<128xi32, #tpu.memory_space<vmem>>
      %dma_start3A_216 = arith.constant 0 : i32
      %dma_start3A_217 = arith.constant 0 : i32
      %dma_start3A_218 = tpu.memref_slice %arg17[%dma_start3A_216, %dma_start3A_217] : memref<10112x32xf32, #tpu.memory_space<vmem_shared>> -> memref<10112x32xf32, #tpu.memory_space<vmem_shared>>
      tpu.enqueue_indirect_dma source(%arg8 : memref<128x32xf32, #tpu.memory_space<vmem>>) target(%dma_start3A_218 : memref<10112x32xf32, #tpu.memory_space<vmem_shared>>) offsets(%dma_start3A_215 : memref<128xi32, #tpu.memory_space<vmem>>) semaphore(%arg29 : memref<!tpu.dma_semaphore, #tpu.memory_space<semaphore_mem>>) {add = true}
      %dma_wait3A_219 = arith.constant 0 : i32
      %dma_wait3A_220 = arith.constant 0 : i32
      %dma_wait3A_221 = tpu.memref_slice %arg5[%dma_wait3A_219, %dma_wait3A_220] : memref<40x128xi32, #tpu.memory_space<vmem>> -> memref<1x128xi32, #tpu.memory_space<vmem>>
      %dma_wait3A_222 = tpu.memref_squeeze %dma_wait3A_221 : memref<1x128xi32, #tpu.memory_space<vmem>> -> memref<128xi32, #tpu.memory_space<vmem>>
      %dma_wait3A_223 = arith.constant 0 : i32
      %dma_wait3A_224 = arith.constant 0 : i32
      %dma_wait3A_225 = tpu.memref_slice %arg2[%dma_wait3A_223, %dma_wait3A_224] : memref<10000x32xf32, #tpu.memory_space<hbm>> -> memref<10000x32xf32, #tpu.memory_space<hbm>>
      tpu.wait_indirect_dma semaphore(%arg20 : memref<!tpu.dma_semaphore, #tpu.memory_space<semaphore_mem>>) src(%dma_wait3A_225 : memref<10000x32xf32, #tpu.memory_space<hbm>>) dst(%arg9 : memref<128x32xf32, #tpu.memory_space<vmem>>)
      %add3A_226 = arith.constant 2 : i32
      %add3A_227 = arith.addi %mul3A_188, %add3A_226 : i32
      %dma_start3A_228 = arith.constant 0 : i32
      %dma_start3A_229 = tpu.memref_slice %arg6[%add3A_227, %dma_start3A_228] : memref<40x128xi32, #tpu.memory_space<vmem>> -> memref<1x128xi32, #tpu.memory_space<vmem>>
      %dma_start3A_230 = tpu.memref_squeeze %dma_start3A_229 : memref<1x128xi32, #tpu.memory_space<vmem>> -> memref<128xi32, #tpu.memory_space<vmem>>
      %dma_start3A_231 = arith.constant 0 : i32
      %dma_start3A_232 = arith.constant 0 : i32
      %dma_start3A_233 = tpu.memref_slice %arg17[%dma_start3A_231, %dma_start3A_232] : memref<10112x32xf32, #tpu.memory_space<vmem_shared>> -> memref<10112x32xf32, #tpu.memory_space<vmem_shared>>
      tpu.enqueue_indirect_dma source(%arg9 : memref<128x32xf32, #tpu.memory_space<vmem>>) target(%dma_start3A_233 : memref<10112x32xf32, #tpu.memory_space<vmem_shared>>) offsets(%dma_start3A_230 : memref<128xi32, #tpu.memory_space<vmem>>) semaphore(%arg30 : memref<!tpu.dma_semaphore, #tpu.memory_space<semaphore_mem>>) {add = true}
      %dma_wait3A_234 = arith.constant 0 : i32
      %dma_wait3A_235 = arith.constant 0 : i32
      %dma_wait3A_236 = tpu.memref_slice %arg5[%dma_wait3A_234, %dma_wait3A_235] : memref<40x128xi32, #tpu.memory_space<vmem>> -> memref<1x128xi32, #tpu.memory_space<vmem>>
      %dma_wait3A_237 = tpu.memref_squeeze %dma_wait3A_236 : memref<1x128xi32, #tpu.memory_space<vmem>> -> memref<128xi32, #tpu.memory_space<vmem>>
      %dma_wait3A_238 = arith.constant 0 : i32
      %dma_wait3A_239 = arith.constant 0 : i32
      %dma_wait3A_240 = tpu.memref_slice %arg2[%dma_wait3A_238, %dma_wait3A_239] : memref<10000x32xf32, #tpu.memory_space<hbm>> -> memref<10000x32xf32, #tpu.memory_space<hbm>>
      tpu.wait_indirect_dma semaphore(%arg21 : memref<!tpu.dma_semaphore, #tpu.memory_space<semaphore_mem>>) src(%dma_wait3A_240 : memref<10000x32xf32, #tpu.memory_space<hbm>>) dst(%arg10 : memref<128x32xf32, #tpu.memory_space<vmem>>)
      %add3A_241 = arith.constant 3 : i32
      %add3A_242 = arith.addi %mul3A_188, %add3A_241 : i32
      %dma_start3A_243 = arith.constant 0 : i32
      %dma_start3A_244 = tpu.memref_slice %arg6[%add3A_242, %dma_start3A_243] : memref<40x128xi32, #tpu.memory_space<vmem>> -> memref<1x128xi32, #tpu.memory_space<vmem>>
      %dma_start3A_245 = tpu.memref_squeeze %dma_start3A_244 : memref<1x128xi32, #tpu.memory_space<vmem>> -> memref<128xi32, #tpu.memory_space<vmem>>
      %dma_start3A_246 = arith.constant 0 : i32
      %dma_start3A_247 = arith.constant 0 : i32
      %dma_start3A_248 = tpu.memref_slice %arg17[%dma_start3A_246, %dma_start3A_247] : memref<10112x32xf32, #tpu.memory_space<vmem_shared>> -> memref<10112x32xf32, #tpu.memory_space<vmem_shared>>
      tpu.enqueue_indirect_dma source(%arg10 : memref<128x32xf32, #tpu.memory_space<vmem>>) target(%dma_start3A_248 : memref<10112x32xf32, #tpu.memory_space<vmem_shared>>) offsets(%dma_start3A_245 : memref<128xi32, #tpu.memory_space<vmem>>) semaphore(%arg31 : memref<!tpu.dma_semaphore, #tpu.memory_space<semaphore_mem>>) {add = true}
      %dma_wait3A_249 = arith.constant 0 : i32
      %dma_wait3A_250 = arith.constant 0 : i32
      %dma_wait3A_251 = tpu.memref_slice %arg5[%dma_wait3A_249, %dma_wait3A_250] : memref<40x128xi32, #tpu.memory_space<vmem>> -> memref<1x128xi32, #tpu.memory_space<vmem>>
      %dma_wait3A_252 = tpu.memref_squeeze %dma_wait3A_251 : memref<1x128xi32, #tpu.memory_space<vmem>> -> memref<128xi32, #tpu.memory_space<vmem>>
      %dma_wait3A_253 = arith.constant 0 : i32
      %dma_wait3A_254 = arith.constant 0 : i32
      %dma_wait3A_255 = tpu.memref_slice %arg2[%dma_wait3A_253, %dma_wait3A_254] : memref<10000x32xf32, #tpu.memory_space<hbm>> -> memref<10000x32xf32, #tpu.memory_space<hbm>>
      tpu.wait_indirect_dma semaphore(%arg22 : memref<!tpu.dma_semaphore, #tpu.memory_space<semaphore_mem>>) src(%dma_wait3A_255 : memref<10000x32xf32, #tpu.memory_space<hbm>>) dst(%arg11 : memref<128x32xf32, #tpu.memory_space<vmem>>)
      %add3A_256 = arith.constant 4 : i32
      %add3A_257 = arith.addi %mul3A_188, %add3A_256 : i32
      %dma_start3A_258 = arith.constant 0 : i32
      %dma_start3A_259 = tpu.memref_slice %arg6[%add3A_257, %dma_start3A_258] : memref<40x128xi32, #tpu.memory_space<vmem>> -> memref<1x128xi32, #tpu.memory_space<vmem>>
      %dma_start3A_260 = tpu.memref_squeeze %dma_start3A_259 : memref<1x128xi32, #tpu.memory_space<vmem>> -> memref<128xi32, #tpu.memory_space<vmem>>
      %dma_start3A_261 = arith.constant 0 : i32
      %dma_start3A_262 = arith.constant 0 : i32
      %dma_start3A_263 = tpu.memref_slice %arg17[%dma_start3A_261, %dma_start3A_262] : memref<10112x32xf32, #tpu.memory_space<vmem_shared>> -> memref<10112x32xf32, #tpu.memory_space<vmem_shared>>
      tpu.enqueue_indirect_dma source(%arg11 : memref<128x32xf32, #tpu.memory_space<vmem>>) target(%dma_start3A_263 : memref<10112x32xf32, #tpu.memory_space<vmem_shared>>) offsets(%dma_start3A_260 : memref<128xi32, #tpu.memory_space<vmem>>) semaphore(%arg32 : memref<!tpu.dma_semaphore, #tpu.memory_space<semaphore_mem>>) {add = true}
      %dma_wait3A_264 = arith.constant 0 : i32
      %dma_wait3A_265 = arith.constant 0 : i32
      %dma_wait3A_266 = tpu.memref_slice %arg5[%dma_wait3A_264, %dma_wait3A_265] : memref<40x128xi32, #tpu.memory_space<vmem>> -> memref<1x128xi32, #tpu.memory_space<vmem>>
      %dma_wait3A_267 = tpu.memref_squeeze %dma_wait3A_266 : memref<1x128xi32, #tpu.memory_space<vmem>> -> memref<128xi32, #tpu.memory_space<vmem>>
      %dma_wait3A_268 = arith.constant 0 : i32
      %dma_wait3A_269 = arith.constant 0 : i32
      %dma_wait3A_270 = tpu.memref_slice %arg2[%dma_wait3A_268, %dma_wait3A_269] : memref<10000x32xf32, #tpu.memory_space<hbm>> -> memref<10000x32xf32, #tpu.memory_space<hbm>>
      tpu.wait_indirect_dma semaphore(%arg23 : memref<!tpu.dma_semaphore, #tpu.memory_space<semaphore_mem>>) src(%dma_wait3A_270 : memref<10000x32xf32, #tpu.memory_space<hbm>>) dst(%arg12 : memref<128x32xf32, #tpu.memory_space<vmem>>)
      %add3A_271 = arith.constant 5 : i32
      %add3A_272 = arith.addi %mul3A_188, %add3A_271 : i32
      %dma_start3A_273 = arith.constant 0 : i32
      %dma_start3A_274 = tpu.memref_slice %arg6[%add3A_272, %dma_start3A_273] : memref<40x128xi32, #tpu.memory_space<vmem>> -> memref<1x128xi32, #tpu.memory_space<vmem>>
      %dma_start3A_275 = tpu.memref_squeeze %dma_start3A_274 : memref<1x128xi32, #tpu.memory_space<vmem>> -> memref<128xi32, #tpu.memory_space<vmem>>
      %dma_start3A_276 = arith.constant 0 : i32
      %dma_start3A_277 = arith.constant 0 : i32
      %dma_start3A_278 = tpu.memref_slice %arg17[%dma_start3A_276, %dma_start3A_277] : memref<10112x32xf32, #tpu.memory_space<vmem_shared>> -> memref<10112x32xf32, #tpu.memory_space<vmem_shared>>
      tpu.enqueue_indirect_dma source(%arg12 : memref<128x32xf32, #tpu.memory_space<vmem>>) target(%dma_start3A_278 : memref<10112x32xf32, #tpu.memory_space<vmem_shared>>) offsets(%dma_start3A_275 : memref<128xi32, #tpu.memory_space<vmem>>) semaphore(%arg33 : memref<!tpu.dma_semaphore, #tpu.memory_space<semaphore_mem>>) {add = true}
      %dma_wait3A_279 = arith.constant 0 : i32
      %dma_wait3A_280 = arith.constant 0 : i32
      %dma_wait3A_281 = tpu.memref_slice %arg5[%dma_wait3A_279, %dma_wait3A_280] : memref<40x128xi32, #tpu.memory_space<vmem>> -> memref<1x128xi32, #tpu.memory_space<vmem>>
      %dma_wait3A_282 = tpu.memref_squeeze %dma_wait3A_281 : memref<1x128xi32, #tpu.memory_space<vmem>> -> memref<128xi32, #tpu.memory_space<vmem>>
      %dma_wait3A_283 = arith.constant 0 : i32
      %dma_wait3A_284 = arith.constant 0 : i32
      %dma_wait3A_285 = tpu.memref_slice %arg2[%dma_wait3A_283, %dma_wait3A_284] : memref<10000x32xf32, #tpu.memory_space<hbm>> -> memref<10000x32xf32, #tpu.memory_space<hbm>>
      tpu.wait_indirect_dma semaphore(%arg24 : memref<!tpu.dma_semaphore, #tpu.memory_space<semaphore_mem>>) src(%dma_wait3A_285 : memref<10000x32xf32, #tpu.memory_space<hbm>>) dst(%arg13 : memref<128x32xf32, #tpu.memory_space<vmem>>)
      %add3A_286 = arith.constant 6 : i32
      %add3A_287 = arith.addi %mul3A_188, %add3A_286 : i32
      %dma_start3A_288 = arith.constant 0 : i32
      %dma_start3A_289 = tpu.memref_slice %arg6[%add3A_287, %dma_start3A_288] : memref<40x128xi32, #tpu.memory_space<vmem>> -> memref<1x128xi32, #tpu.memory_space<vmem>>
      %dma_start3A_290 = tpu.memref_squeeze %dma_start3A_289 : memref<1x128xi32, #tpu.memory_space<vmem>> -> memref<128xi32, #tpu.memory_space<vmem>>
      %dma_start3A_291 = arith.constant 0 : i32
      %dma_start3A_292 = arith.constant 0 : i32
      %dma_start3A_293 = tpu.memref_slice %arg17[%dma_start3A_291, %dma_start3A_292] : memref<10112x32xf32, #tpu.memory_space<vmem_shared>> -> memref<10112x32xf32, #tpu.memory_space<vmem_shared>>
      tpu.enqueue_indirect_dma source(%arg13 : memref<128x32xf32, #tpu.memory_space<vmem>>) target(%dma_start3A_293 : memref<10112x32xf32, #tpu.memory_space<vmem_shared>>) offsets(%dma_start3A_290 : memref<128xi32, #tpu.memory_space<vmem>>) semaphore(%arg34 : memref<!tpu.dma_semaphore, #tpu.memory_space<semaphore_mem>>) {add = true}
      %dma_wait3A_294 = arith.constant 0 : i32
      %dma_wait3A_295 = arith.constant 0 : i32
      %dma_wait3A_296 = tpu.memref_slice %arg5[%dma_wait3A_294, %dma_wait3A_295] : memref<40x128xi32, #tpu.memory_space<vmem>> -> memref<1x128xi32, #tpu.memory_space<vmem>>
      %dma_wait3A_297 = tpu.memref_squeeze %dma_wait3A_296 : memref<1x128xi32, #tpu.memory_space<vmem>> -> memref<128xi32, #tpu.memory_space<vmem>>
      %dma_wait3A_298 = arith.constant 0 : i32
      %dma_wait3A_299 = arith.constant 0 : i32
      %dma_wait3A_300 = tpu.memref_slice %arg2[%dma_wait3A_298, %dma_wait3A_299] : memref<10000x32xf32, #tpu.memory_space<hbm>> -> memref<10000x32xf32, #tpu.memory_space<hbm>>
      tpu.wait_indirect_dma semaphore(%arg25 : memref<!tpu.dma_semaphore, #tpu.memory_space<semaphore_mem>>) src(%dma_wait3A_300 : memref<10000x32xf32, #tpu.memory_space<hbm>>) dst(%arg14 : memref<128x32xf32, #tpu.memory_space<vmem>>)
      %add3A_301 = arith.constant 7 : i32
      %add3A_302 = arith.addi %mul3A_188, %add3A_301 : i32
      %dma_start3A_303 = arith.constant 0 : i32
      %dma_start3A_304 = tpu.memref_slice %arg6[%add3A_302, %dma_start3A_303] : memref<40x128xi32, #tpu.memory_space<vmem>> -> memref<1x128xi32, #tpu.memory_space<vmem>>
      %dma_start3A_305 = tpu.memref_squeeze %dma_start3A_304 : memref<1x128xi32, #tpu.memory_space<vmem>> -> memref<128xi32, #tpu.memory_space<vmem>>
      %dma_start3A_306 = arith.constant 0 : i32
      %dma_start3A_307 = arith.constant 0 : i32
      %dma_start3A_308 = tpu.memref_slice %arg17[%dma_start3A_306, %dma_start3A_307] : memref<10112x32xf32, #tpu.memory_space<vmem_shared>> -> memref<10112x32xf32, #tpu.memory_space<vmem_shared>>
      tpu.enqueue_indirect_dma source(%arg14 : memref<128x32xf32, #tpu.memory_space<vmem>>) target(%dma_start3A_308 : memref<10112x32xf32, #tpu.memory_space<vmem_shared>>) offsets(%dma_start3A_305 : memref<128xi32, #tpu.memory_space<vmem>>) semaphore(%arg35 : memref<!tpu.dma_semaphore, #tpu.memory_space<semaphore_mem>>) {add = true}
      %dma_wait3A_309 = arith.constant 0 : i32
      %dma_wait3A_310 = arith.constant 0 : i32
      %dma_wait3A_311 = tpu.memref_slice %arg5[%dma_wait3A_309, %dma_wait3A_310] : memref<40x128xi32, #tpu.memory_space<vmem>> -> memref<1x128xi32, #tpu.memory_space<vmem>>
      %dma_wait3A_312 = tpu.memref_squeeze %dma_wait3A_311 : memref<1x128xi32, #tpu.memory_space<vmem>> -> memref<128xi32, #tpu.memory_space<vmem>>
      %dma_wait3A_313 = arith.constant 0 : i32
      %dma_wait3A_314 = arith.constant 0 : i32
      %dma_wait3A_315 = tpu.memref_slice %arg2[%dma_wait3A_313, %dma_wait3A_314] : memref<10000x32xf32, #tpu.memory_space<hbm>> -> memref<10000x32xf32, #tpu.memory_space<hbm>>
      tpu.wait_indirect_dma semaphore(%arg26 : memref<!tpu.dma_semaphore, #tpu.memory_space<semaphore_mem>>) src(%dma_wait3A_315 : memref<10000x32xf32, #tpu.memory_space<hbm>>) dst(%arg15 : memref<128x32xf32, #tpu.memory_space<vmem>>)
      %add3A_316 = arith.constant 8 : i32
      %add3A_317 = arith.addi %mul3A_188, %add3A_316 : i32
      %dma_start3A_318 = arith.constant 0 : i32
      %dma_start3A_319 = tpu.memref_slice %arg6[%add3A_317, %dma_start3A_318] : memref<40x128xi32, #tpu.memory_space<vmem>> -> memref<1x128xi32, #tpu.memory_space<vmem>>
      %dma_start3A_320 = tpu.memref_squeeze %dma_start3A_319 : memref<1x128xi32, #tpu.memory_space<vmem>> -> memref<128xi32, #tpu.memory_space<vmem>>
      %dma_start3A_321 = arith.constant 0 : i32
      %dma_start3A_322 = arith.constant 0 : i32
      %dma_start3A_323 = tpu.memref_slice %arg17[%dma_start3A_321, %dma_start3A_322] : memref<10112x32xf32, #tpu.memory_space<vmem_shared>> -> memref<10112x32xf32, #tpu.memory_space<vmem_shared>>
      tpu.enqueue_indirect_dma source(%arg15 : memref<128x32xf32, #tpu.memory_space<vmem>>) target(%dma_start3A_323 : memref<10112x32xf32, #tpu.memory_space<vmem_shared>>) offsets(%dma_start3A_320 : memref<128xi32, #tpu.memory_space<vmem>>) semaphore(%arg36 : memref<!tpu.dma_semaphore, #tpu.memory_space<semaphore_mem>>) {add = true}
      %dma_wait3A_324 = arith.constant 0 : i32
      %dma_wait3A_325 = arith.constant 0 : i32
      %dma_wait3A_326 = tpu.memref_slice %arg5[%dma_wait3A_324, %dma_wait3A_325] : memref<40x128xi32, #tpu.memory_space<vmem>> -> memref<1x128xi32, #tpu.memory_space<vmem>>
      %dma_wait3A_327 = tpu.memref_squeeze %dma_wait3A_326 : memref<1x128xi32, #tpu.memory_space<vmem>> -> memref<128xi32, #tpu.memory_space<vmem>>
      %dma_wait3A_328 = arith.constant 0 : i32
      %dma_wait3A_329 = arith.constant 0 : i32
      %dma_wait3A_330 = tpu.memref_slice %arg2[%dma_wait3A_328, %dma_wait3A_329] : memref<10000x32xf32, #tpu.memory_space<hbm>> -> memref<10000x32xf32, #tpu.memory_space<hbm>>
      tpu.wait_indirect_dma semaphore(%arg27 : memref<!tpu.dma_semaphore, #tpu.memory_space<semaphore_mem>>) src(%dma_wait3A_330 : memref<10000x32xf32, #tpu.memory_space<hbm>>) dst(%arg16 : memref<128x32xf32, #tpu.memory_space<vmem>>)
      %add3A_331 = arith.constant 9 : i32
      %add3A_332 = arith.addi %mul3A_188, %add3A_331 : i32
      %dma_start3A_333 = arith.constant 0 : i32
      %dma_start3A_334 = tpu.memref_slice %arg6[%add3A_332, %dma_start3A_333] : memref<40x128xi32, #tpu.memory_space<vmem>> -> memref<1x128xi32, #tpu.memory_space<vmem>>
      %dma_start3A_335 = tpu.memref_squeeze %dma_start3A_334 : memref<1x128xi32, #tpu.memory_space<vmem>> -> memref<128xi32, #tpu.memory_space<vmem>>
      %dma_start3A_336 = arith.constant 0 : i32
      %dma_start3A_337 = arith.constant 0 : i32
      %dma_start3A_338 = tpu.memref_slice %arg17[%dma_start3A_336, %dma_start3A_337] : memref<10112x32xf32, #tpu.memory_space<vmem_shared>> -> memref<10112x32xf32, #tpu.memory_space<vmem_shared>>
      tpu.enqueue_indirect_dma source(%arg16 : memref<128x32xf32, #tpu.memory_space<vmem>>) target(%dma_start3A_338 : memref<10112x32xf32, #tpu.memory_space<vmem_shared>>) offsets(%dma_start3A_335 : memref<128xi32, #tpu.memory_space<vmem>>) semaphore(%arg37 : memref<!tpu.dma_semaphore, #tpu.memory_space<semaphore_mem>>) {add = true}
      %sub3A = arith.constant 1 : i32
      %sub3A_339 = arith.subi %select_n3A, %sub3A : i32
      %lt3A_340 = arith.cmpi slt, %while3A_186, %sub3A_339 : i32
      %convert_element_type3A_341 = arith.extui %lt3A_340 : i1 to i32
      %cond3A_342 = arith.constant 0 : i32
      %cond3A_343 = arith.cmpi ne, %convert_element_type3A_341, %cond3A_342 : i32
      scf.if %cond3A_343 {
        %dma_wait3A_344 = arith.constant 0 : i32
        %dma_wait3A_345 = arith.constant 0 : i32
        %dma_wait3A_346 = tpu.memref_slice %arg6[%dma_wait3A_344, %dma_wait3A_345] : memref<40x128xi32, #tpu.memory_space<vmem>> -> memref<1x128xi32, #tpu.memory_space<vmem>>
        %dma_wait3A_347 = tpu.memref_squeeze %dma_wait3A_346 : memref<1x128xi32, #tpu.memory_space<vmem>> -> memref<128xi32, #tpu.memory_space<vmem>>
        %dma_wait3A_348 = arith.constant 0 : i32
        %dma_wait3A_349 = arith.constant 0 : i32
        %dma_wait3A_350 = tpu.memref_slice %arg17[%dma_wait3A_348, %dma_wait3A_349] : memref<10112x32xf32, #tpu.memory_space<vmem_shared>> -> memref<10112x32xf32, #tpu.memory_space<vmem_shared>>
        tpu.wait_indirect_dma semaphore(%arg28 : memref<!tpu.dma_semaphore, #tpu.memory_space<semaphore_mem>>) src(%arg7 : memref<128x32xf32, #tpu.memory_space<vmem>>) dst(%dma_wait3A_350 : memref<10112x32xf32, #tpu.memory_space<vmem_shared>>)
        %add3A_351 = arith.constant 10 : i32
        %add3A_352 = arith.addi %mul3A_188, %add3A_351 : i32
        %add3A_353 = arith.constant 0 : i32
        %add3A_354 = arith.addi %add3A_352, %add3A_353 : i32
        %dma_start3A_355 = arith.constant 0 : i32
        %dma_start3A_356 = tpu.memref_slice %arg5[%add3A_354, %dma_start3A_355] : memref<40x128xi32, #tpu.memory_space<vmem>> -> memref<1x128xi32, #tpu.memory_space<vmem>>
        %dma_start3A_357 = tpu.memref_squeeze %dma_start3A_356 : memref<1x128xi32, #tpu.memory_space<vmem>> -> memref<128xi32, #tpu.memory_space<vmem>>
        %dma_start3A_358 = arith.constant 0 : i32
        %dma_start3A_359 = arith.constant 0 : i32
        %dma_start3A_360 = tpu.memref_slice %arg2[%dma_start3A_358, %dma_start3A_359] : memref<10000x32xf32, #tpu.memory_space<hbm>> -> memref<10000x32xf32, #tpu.memory_space<hbm>>
        tpu.enqueue_indirect_dma source(%dma_start3A_360 : memref<10000x32xf32, #tpu.memory_space<hbm>>) target(%arg7 : memref<128x32xf32, #tpu.memory_space<vmem>>) offsets(%dma_start3A_357 : memref<128xi32, #tpu.memory_space<vmem>>) semaphore(%arg18 : memref<!tpu.dma_semaphore, #tpu.memory_space<semaphore_mem>>)
        %dma_wait3A_361 = arith.constant 0 : i32
        %dma_wait3A_362 = arith.constant 0 : i32
        %dma_wait3A_363 = tpu.memref_slice %arg6[%dma_wait3A_361, %dma_wait3A_362] : memref<40x128xi32, #tpu.memory_space<vmem>> -> memref<1x128xi32, #tpu.memory_space<vmem>>
        %dma_wait3A_364 = tpu.memref_squeeze %dma_wait3A_363 : memref<1x128xi32, #tpu.memory_space<vmem>> -> memref<128xi32, #tpu.memory_space<vmem>>
        %dma_wait3A_365 = arith.constant 0 : i32
        %dma_wait3A_366 = arith.constant 0 : i32
        %dma_wait3A_367 = tpu.memref_slice %arg17[%dma_wait3A_365, %dma_wait3A_366] : memref<10112x32xf32, #tpu.memory_space<vmem_shared>> -> memref<10112x32xf32, #tpu.memory_space<vmem_shared>>
        tpu.wait_indirect_dma semaphore(%arg29 : memref<!tpu.dma_semaphore, #tpu.memory_space<semaphore_mem>>) src(%arg8 : memref<128x32xf32, #tpu.memory_space<vmem>>) dst(%dma_wait3A_367 : memref<10112x32xf32, #tpu.memory_space<vmem_shared>>)
        %add3A_368 = arith.constant 10 : i32
        %add3A_369 = arith.addi %mul3A_188, %add3A_368 : i32
        %add3A_370 = arith.constant 1 : i32
        %add3A_371 = arith.addi %add3A_369, %add3A_370 : i32
        %dma_start3A_372 = arith.constant 0 : i32
        %dma_start3A_373 = tpu.memref_slice %arg5[%add3A_371, %dma_start3A_372] : memref<40x128xi32, #tpu.memory_space<vmem>> -> memref<1x128xi32, #tpu.memory_space<vmem>>
        %dma_start3A_374 = tpu.memref_squeeze %dma_start3A_373 : memref<1x128xi32, #tpu.memory_space<vmem>> -> memref<128xi32, #tpu.memory_space<vmem>>
        %dma_start3A_375 = arith.constant 0 : i32
        %dma_start3A_376 = arith.constant 0 : i32
        %dma_start3A_377 = tpu.memref_slice %arg2[%dma_start3A_375, %dma_start3A_376] : memref<10000x32xf32, #tpu.memory_space<hbm>> -> memref<10000x32xf32, #tpu.memory_space<hbm>>
        tpu.enqueue_indirect_dma source(%dma_start3A_377 : memref<10000x32xf32, #tpu.memory_space<hbm>>) target(%arg8 : memref<128x32xf32, #tpu.memory_space<vmem>>) offsets(%dma_start3A_374 : memref<128xi32, #tpu.memory_space<vmem>>) semaphore(%arg19 : memref<!tpu.dma_semaphore, #tpu.memory_space<semaphore_mem>>)
        %dma_wait3A_378 = arith.constant 0 : i32
        %dma_wait3A_379 = arith.constant 0 : i32
        %dma_wait3A_380 = tpu.memref_slice %arg6[%dma_wait3A_378, %dma_wait3A_379] : memref<40x128xi32, #tpu.memory_space<vmem>> -> memref<1x128xi32, #tpu.memory_space<vmem>>
        %dma_wait3A_381 = tpu.memref_squeeze %dma_wait3A_380 : memref<1x128xi32, #tpu.memory_space<vmem>> -> memref<128xi32, #tpu.memory_space<vmem>>
        %dma_wait3A_382 = arith.constant 0 : i32
        %dma_wait3A_383 = arith.constant 0 : i32
        %dma_wait3A_384 = tpu.memref_slice %arg17[%dma_wait3A_382, %dma_wait3A_383] : memref<10112x32xf32, #tpu.memory_space<vmem_shared>> -> memref<10112x32xf32, #tpu.memory_space<vmem_shared>>
        tpu.wait_indirect_dma semaphore(%arg30 : memref<!tpu.dma_semaphore, #tpu.memory_space<semaphore_mem>>) src(%arg9 : memref<128x32xf32, #tpu.memory_space<vmem>>) dst(%dma_wait3A_384 : memref<10112x32xf32, #tpu.memory_space<vmem_shared>>)
        %add3A_385 = arith.constant 10 : i32
        %add3A_386 = arith.addi %mul3A_188, %add3A_385 : i32
        %add3A_387 = arith.constant 2 : i32
        %add3A_388 = arith.addi %add3A_386, %add3A_387 : i32
        %dma_start3A_389 = arith.constant 0 : i32
        %dma_start3A_390 = tpu.memref_slice %arg5[%add3A_388, %dma_start3A_389] : memref<40x128xi32, #tpu.memory_space<vmem>> -> memref<1x128xi32, #tpu.memory_space<vmem>>
        %dma_start3A_391 = tpu.memref_squeeze %dma_start3A_390 : memref<1x128xi32, #tpu.memory_space<vmem>> -> memref<128xi32, #tpu.memory_space<vmem>>
        %dma_start3A_392 = arith.constant 0 : i32
        %dma_start3A_393 = arith.constant 0 : i32
        %dma_start3A_394 = tpu.memref_slice %arg2[%dma_start3A_392, %dma_start3A_393] : memref<10000x32xf32, #tpu.memory_space<hbm>> -> memref<10000x32xf32, #tpu.memory_space<hbm>>
        tpu.enqueue_indirect_dma source(%dma_start3A_394 : memref<10000x32xf32, #tpu.memory_space<hbm>>) target(%arg9 : memref<128x32xf32, #tpu.memory_space<vmem>>) offsets(%dma_start3A_391 : memref<128xi32, #tpu.memory_space<vmem>>) semaphore(%arg20 : memref<!tpu.dma_semaphore, #tpu.memory_space<semaphore_mem>>)
        %dma_wait3A_395 = arith.constant 0 : i32
        %dma_wait3A_396 = arith.constant 0 : i32
        %dma_wait3A_397 = tpu.memref_slice %arg6[%dma_wait3A_395, %dma_wait3A_396] : memref<40x128xi32, #tpu.memory_space<vmem>> -> memref<1x128xi32, #tpu.memory_space<vmem>>
        %dma_wait3A_398 = tpu.memref_squeeze %dma_wait3A_397 : memref<1x128xi32, #tpu.memory_space<vmem>> -> memref<128xi32, #tpu.memory_space<vmem>>
        %dma_wait3A_399 = arith.constant 0 : i32
        %dma_wait3A_400 = arith.constant 0 : i32
        %dma_wait3A_401 = tpu.memref_slice %arg17[%dma_wait3A_399, %dma_wait3A_400] : memref<10112x32xf32, #tpu.memory_space<vmem_shared>> -> memref<10112x32xf32, #tpu.memory_space<vmem_shared>>
        tpu.wait_indirect_dma semaphore(%arg31 : memref<!tpu.dma_semaphore, #tpu.memory_space<semaphore_mem>>) src(%arg10 : memref<128x32xf32, #tpu.memory_space<vmem>>) dst(%dma_wait3A_401 : memref<10112x32xf32, #tpu.memory_space<vmem_shared>>)
        %add3A_402 = arith.constant 10 : i32
        %add3A_403 = arith.addi %mul3A_188, %add3A_402 : i32
        %add3A_404 = arith.constant 3 : i32
        %add3A_405 = arith.addi %add3A_403, %add3A_404 : i32
        %dma_start3A_406 = arith.constant 0 : i32
        %dma_start3A_407 = tpu.memref_slice %arg5[%add3A_405, %dma_start3A_406] : memref<40x128xi32, #tpu.memory_space<vmem>> -> memref<1x128xi32, #tpu.memory_space<vmem>>
        %dma_start3A_408 = tpu.memref_squeeze %dma_start3A_407 : memref<1x128xi32, #tpu.memory_space<vmem>> -> memref<128xi32, #tpu.memory_space<vmem>>
        %dma_start3A_409 = arith.constant 0 : i32
        %dma_start3A_410 = arith.constant 0 : i32
        %dma_start3A_411 = tpu.memref_slice %arg2[%dma_start3A_409, %dma_start3A_410] : memref<10000x32xf32, #tpu.memory_space<hbm>> -> memref<10000x32xf32, #tpu.memory_space<hbm>>
        tpu.enqueue_indirect_dma source(%dma_start3A_411 : memref<10000x32xf32, #tpu.memory_space<hbm>>) target(%arg10 : memref<128x32xf32, #tpu.memory_space<vmem>>) offsets(%dma_start3A_408 : memref<128xi32, #tpu.memory_space<vmem>>) semaphore(%arg21 : memref<!tpu.dma_semaphore, #tpu.memory_space<semaphore_mem>>)
        %dma_wait3A_412 = arith.constant 0 : i32
        %dma_wait3A_413 = arith.constant 0 : i32
        %dma_wait3A_414 = tpu.memref_slice %arg6[%dma_wait3A_412, %dma_wait3A_413] : memref<40x128xi32, #tpu.memory_space<vmem>> -> memref<1x128xi32, #tpu.memory_space<vmem>>
        %dma_wait3A_415 = tpu.memref_squeeze %dma_wait3A_414 : memref<1x128xi32, #tpu.memory_space<vmem>> -> memref<128xi32, #tpu.memory_space<vmem>>
        %dma_wait3A_416 = arith.constant 0 : i32
        %dma_wait3A_417 = arith.constant 0 : i32
        %dma_wait3A_418 = tpu.memref_slice %arg17[%dma_wait3A_416, %dma_wait3A_417] : memref<10112x32xf32, #tpu.memory_space<vmem_shared>> -> memref<10112x32xf32, #tpu.memory_space<vmem_shared>>
        tpu.wait_indirect_dma semaphore(%arg32 : memref<!tpu.dma_semaphore, #tpu.memory_space<semaphore_mem>>) src(%arg11 : memref<128x32xf32, #tpu.memory_space<vmem>>) dst(%dma_wait3A_418 : memref<10112x32xf32, #tpu.memory_space<vmem_shared>>)
        %add3A_419 = arith.constant 10 : i32
        %add3A_420 = arith.addi %mul3A_188, %add3A_419 : i32
        %add3A_421 = arith.constant 4 : i32
        %add3A_422 = arith.addi %add3A_420, %add3A_421 : i32
        %dma_start3A_423 = arith.constant 0 : i32
        %dma_start3A_424 = tpu.memref_slice %arg5[%add3A_422, %dma_start3A_423] : memref<40x128xi32, #tpu.memory_space<vmem>> -> memref<1x128xi32, #tpu.memory_space<vmem>>
        %dma_start3A_425 = tpu.memref_squeeze %dma_start3A_424 : memref<1x128xi32, #tpu.memory_space<vmem>> -> memref<128xi32, #tpu.memory_space<vmem>>
        %dma_start3A_426 = arith.constant 0 : i32
        %dma_start3A_427 = arith.constant 0 : i32
        %dma_start3A_428 = tpu.memref_slice %arg2[%dma_start3A_426, %dma_start3A_427] : memref<10000x32xf32, #tpu.memory_space<hbm>> -> memref<10000x32xf32, #tpu.memory_space<hbm>>
        tpu.enqueue_indirect_dma source(%dma_start3A_428 : memref<10000x32xf32, #tpu.memory_space<hbm>>) target(%arg11 : memref<128x32xf32, #tpu.memory_space<vmem>>) offsets(%dma_start3A_425 : memref<128xi32, #tpu.memory_space<vmem>>) semaphore(%arg22 : memref<!tpu.dma_semaphore, #tpu.memory_space<semaphore_mem>>)
        %dma_wait3A_429 = arith.constant 0 : i32
        %dma_wait3A_430 = arith.constant 0 : i32
        %dma_wait3A_431 = tpu.memref_slice %arg6[%dma_wait3A_429, %dma_wait3A_430] : memref<40x128xi32, #tpu.memory_space<vmem>> -> memref<1x128xi32, #tpu.memory_space<vmem>>
        %dma_wait3A_432 = tpu.memref_squeeze %dma_wait3A_431 : memref<1x128xi32, #tpu.memory_space<vmem>> -> memref<128xi32, #tpu.memory_space<vmem>>
        %dma_wait3A_433 = arith.constant 0 : i32
        %dma_wait3A_434 = arith.constant 0 : i32
        %dma_wait3A_435 = tpu.memref_slice %arg17[%dma_wait3A_433, %dma_wait3A_434] : memref<10112x32xf32, #tpu.memory_space<vmem_shared>> -> memref<10112x32xf32, #tpu.memory_space<vmem_shared>>
        tpu.wait_indirect_dma semaphore(%arg33 : memref<!tpu.dma_semaphore, #tpu.memory_space<semaphore_mem>>) src(%arg12 : memref<128x32xf32, #tpu.memory_space<vmem>>) dst(%dma_wait3A_435 : memref<10112x32xf32, #tpu.memory_space<vmem_shared>>)
        %add3A_436 = arith.constant 10 : i32
        %add3A_437 = arith.addi %mul3A_188, %add3A_436 : i32
        %add3A_438 = arith.constant 5 : i32
        %add3A_439 = arith.addi %add3A_437, %add3A_438 : i32
        %dma_start3A_440 = arith.constant 0 : i32
        %dma_start3A_441 = tpu.memref_slice %arg5[%add3A_439, %dma_start3A_440] : memref<40x128xi32, #tpu.memory_space<vmem>> -> memref<1x128xi32, #tpu.memory_space<vmem>>
        %dma_start3A_442 = tpu.memref_squeeze %dma_start3A_441 : memref<1x128xi32, #tpu.memory_space<vmem>> -> memref<128xi32, #tpu.memory_space<vmem>>
        %dma_start3A_443 = arith.constant 0 : i32
        %dma_start3A_444 = arith.constant 0 : i32
        %dma_start3A_445 = tpu.memref_slice %arg2[%dma_start3A_443, %dma_start3A_444] : memref<10000x32xf32, #tpu.memory_space<hbm>> -> memref<10000x32xf32, #tpu.memory_space<hbm>>
        tpu.enqueue_indirect_dma source(%dma_start3A_445 : memref<10000x32xf32, #tpu.memory_space<hbm>>) target(%arg12 : memref<128x32xf32, #tpu.memory_space<vmem>>) offsets(%dma_start3A_442 : memref<128xi32, #tpu.memory_space<vmem>>) semaphore(%arg23 : memref<!tpu.dma_semaphore, #tpu.memory_space<semaphore_mem>>)
        %dma_wait3A_446 = arith.constant 0 : i32
        %dma_wait3A_447 = arith.constant 0 : i32
        %dma_wait3A_448 = tpu.memref_slice %arg6[%dma_wait3A_446, %dma_wait3A_447] : memref<40x128xi32, #tpu.memory_space<vmem>> -> memref<1x128xi32, #tpu.memory_space<vmem>>
        %dma_wait3A_449 = tpu.memref_squeeze %dma_wait3A_448 : memref<1x128xi32, #tpu.memory_space<vmem>> -> memref<128xi32, #tpu.memory_space<vmem>>
        %dma_wait3A_450 = arith.constant 0 : i32
        %dma_wait3A_451 = arith.constant 0 : i32
        %dma_wait3A_452 = tpu.memref_slice %arg17[%dma_wait3A_450, %dma_wait3A_451] : memref<10112x32xf32, #tpu.memory_space<vmem_shared>> -> memref<10112x32xf32, #tpu.memory_space<vmem_shared>>
        tpu.wait_indirect_dma semaphore(%arg34 : memref<!tpu.dma_semaphore, #tpu.memory_space<semaphore_mem>>) src(%arg13 : memref<128x32xf32, #tpu.memory_space<vmem>>) dst(%dma_wait3A_452 : memref<10112x32xf32, #tpu.memory_space<vmem_shared>>)
        %add3A_453 = arith.constant 10 : i32
        %add3A_454 = arith.addi %mul3A_188, %add3A_453 : i32
        %add3A_455 = arith.constant 6 : i32
        %add3A_456 = arith.addi %add3A_454, %add3A_455 : i32
        %dma_start3A_457 = arith.constant 0 : i32
        %dma_start3A_458 = tpu.memref_slice %arg5[%add3A_456, %dma_start3A_457] : memref<40x128xi32, #tpu.memory_space<vmem>> -> memref<1x128xi32, #tpu.memory_space<vmem>>
        %dma_start3A_459 = tpu.memref_squeeze %dma_start3A_458 : memref<1x128xi32, #tpu.memory_space<vmem>> -> memref<128xi32, #tpu.memory_space<vmem>>
        %dma_start3A_460 = arith.constant 0 : i32
        %dma_start3A_461 = arith.constant 0 : i32
        %dma_start3A_462 = tpu.memref_slice %arg2[%dma_start3A_460, %dma_start3A_461] : memref<10000x32xf32, #tpu.memory_space<hbm>> -> memref<10000x32xf32, #tpu.memory_space<hbm>>
        tpu.enqueue_indirect_dma source(%dma_start3A_462 : memref<10000x32xf32, #tpu.memory_space<hbm>>) target(%arg13 : memref<128x32xf32, #tpu.memory_space<vmem>>) offsets(%dma_start3A_459 : memref<128xi32, #tpu.memory_space<vmem>>) semaphore(%arg24 : memref<!tpu.dma_semaphore, #tpu.memory_space<semaphore_mem>>)
        %dma_wait3A_463 = arith.constant 0 : i32
        %dma_wait3A_464 = arith.constant 0 : i32
        %dma_wait3A_465 = tpu.memref_slice %arg6[%dma_wait3A_463, %dma_wait3A_464] : memref<40x128xi32, #tpu.memory_space<vmem>> -> memref<1x128xi32, #tpu.memory_space<vmem>>
        %dma_wait3A_466 = tpu.memref_squeeze %dma_wait3A_465 : memref<1x128xi32, #tpu.memory_space<vmem>> -> memref<128xi32, #tpu.memory_space<vmem>>
        %dma_wait3A_467 = arith.constant 0 : i32
        %dma_wait3A_468 = arith.constant 0 : i32
        %dma_wait3A_469 = tpu.memref_slice %arg17[%dma_wait3A_467, %dma_wait3A_468] : memref<10112x32xf32, #tpu.memory_space<vmem_shared>> -> memref<10112x32xf32, #tpu.memory_space<vmem_shared>>
        tpu.wait_indirect_dma semaphore(%arg35 : memref<!tpu.dma_semaphore, #tpu.memory_space<semaphore_mem>>) src(%arg14 : memref<128x32xf32, #tpu.memory_space<vmem>>) dst(%dma_wait3A_469 : memref<10112x32xf32, #tpu.memory_space<vmem_shared>>)
        %add3A_470 = arith.constant 10 : i32
        %add3A_471 = arith.addi %mul3A_188, %add3A_470 : i32
        %add3A_472 = arith.constant 7 : i32
        %add3A_473 = arith.addi %add3A_471, %add3A_472 : i32
        %dma_start3A_474 = arith.constant 0 : i32
        %dma_start3A_475 = tpu.memref_slice %arg5[%add3A_473, %dma_start3A_474] : memref<40x128xi32, #tpu.memory_space<vmem>> -> memref<1x128xi32, #tpu.memory_space<vmem>>
        %dma_start3A_476 = tpu.memref_squeeze %dma_start3A_475 : memref<1x128xi32, #tpu.memory_space<vmem>> -> memref<128xi32, #tpu.memory_space<vmem>>
        %dma_start3A_477 = arith.constant 0 : i32
        %dma_start3A_478 = arith.constant 0 : i32
        %dma_start3A_479 = tpu.memref_slice %arg2[%dma_start3A_477, %dma_start3A_478] : memref<10000x32xf32, #tpu.memory_space<hbm>> -> memref<10000x32xf32, #tpu.memory_space<hbm>>
        tpu.enqueue_indirect_dma source(%dma_start3A_479 : memref<10000x32xf32, #tpu.memory_space<hbm>>) target(%arg14 : memref<128x32xf32, #tpu.memory_space<vmem>>) offsets(%dma_start3A_476 : memref<128xi32, #tpu.memory_space<vmem>>) semaphore(%arg25 : memref<!tpu.dma_semaphore, #tpu.memory_space<semaphore_mem>>)
        %dma_wait3A_480 = arith.constant 0 : i32
        %dma_wait3A_481 = arith.constant 0 : i32
        %dma_wait3A_482 = tpu.memref_slice %arg6[%dma_wait3A_480, %dma_wait3A_481] : memref<40x128xi32, #tpu.memory_space<vmem>> -> memref<1x128xi32, #tpu.memory_space<vmem>>
        %dma_wait3A_483 = tpu.memref_squeeze %dma_wait3A_482 : memref<1x128xi32, #tpu.memory_space<vmem>> -> memref<128xi32, #tpu.memory_space<vmem>>
        %dma_wait3A_484 = arith.constant 0 : i32
        %dma_wait3A_485 = arith.constant 0 : i32
        %dma_wait3A_486 = tpu.memref_slice %arg17[%dma_wait3A_484, %dma_wait3A_485] : memref<10112x32xf32, #tpu.memory_space<vmem_shared>> -> memref<10112x32xf32, #tpu.memory_space<vmem_shared>>
        tpu.wait_indirect_dma semaphore(%arg36 : memref<!tpu.dma_semaphore, #tpu.memory_space<semaphore_mem>>) src(%arg15 : memref<128x32xf32, #tpu.memory_space<vmem>>) dst(%dma_wait3A_486 : memref<10112x32xf32, #tpu.memory_space<vmem_shared>>)
        %add3A_487 = arith.constant 10 : i32
        %add3A_488 = arith.addi %mul3A_188, %add3A_487 : i32
        %add3A_489 = arith.constant 8 : i32
        %add3A_490 = arith.addi %add3A_488, %add3A_489 : i32
        %dma_start3A_491 = arith.constant 0 : i32
        %dma_start3A_492 = tpu.memref_slice %arg5[%add3A_490, %dma_start3A_491] : memref<40x128xi32, #tpu.memory_space<vmem>> -> memref<1x128xi32, #tpu.memory_space<vmem>>
        %dma_start3A_493 = tpu.memref_squeeze %dma_start3A_492 : memref<1x128xi32, #tpu.memory_space<vmem>> -> memref<128xi32, #tpu.memory_space<vmem>>
        %dma_start3A_494 = arith.constant 0 : i32
        %dma_start3A_495 = arith.constant 0 : i32
        %dma_start3A_496 = tpu.memref_slice %arg2[%dma_start3A_494, %dma_start3A_495] : memref<10000x32xf32, #tpu.memory_space<hbm>> -> memref<10000x32xf32, #tpu.memory_space<hbm>>
        tpu.enqueue_indirect_dma source(%dma_start3A_496 : memref<10000x32xf32, #tpu.memory_space<hbm>>) target(%arg15 : memref<128x32xf32, #tpu.memory_space<vmem>>) offsets(%dma_start3A_493 : memref<128xi32, #tpu.memory_space<vmem>>) semaphore(%arg26 : memref<!tpu.dma_semaphore, #tpu.memory_space<semaphore_mem>>)
        %dma_wait3A_497 = arith.constant 0 : i32
        %dma_wait3A_498 = arith.constant 0 : i32
        %dma_wait3A_499 = tpu.memref_slice %arg6[%dma_wait3A_497, %dma_wait3A_498] : memref<40x128xi32, #tpu.memory_space<vmem>> -> memref<1x128xi32, #tpu.memory_space<vmem>>
        %dma_wait3A_500 = tpu.memref_squeeze %dma_wait3A_499 : memref<1x128xi32, #tpu.memory_space<vmem>> -> memref<128xi32, #tpu.memory_space<vmem>>
        %dma_wait3A_501 = arith.constant 0 : i32
        %dma_wait3A_502 = arith.constant 0 : i32
        %dma_wait3A_503 = tpu.memref_slice %arg17[%dma_wait3A_501, %dma_wait3A_502] : memref<10112x32xf32, #tpu.memory_space<vmem_shared>> -> memref<10112x32xf32, #tpu.memory_space<vmem_shared>>
        tpu.wait_indirect_dma semaphore(%arg37 : memref<!tpu.dma_semaphore, #tpu.memory_space<semaphore_mem>>) src(%arg16 : memref<128x32xf32, #tpu.memory_space<vmem>>) dst(%dma_wait3A_503 : memref<10112x32xf32, #tpu.memory_space<vmem_shared>>)
        %add3A_504 = arith.constant 10 : i32
        %add3A_505 = arith.addi %mul3A_188, %add3A_504 : i32
        %add3A_506 = arith.constant 9 : i32
        %add3A_507 = arith.addi %add3A_505, %add3A_506 : i32
        %dma_start3A_508 = arith.constant 0 : i32
        %dma_start3A_509 = tpu.memref_slice %arg5[%add3A_507, %dma_start3A_508] : memref<40x128xi32, #tpu.memory_space<vmem>> -> memref<1x128xi32, #tpu.memory_space<vmem>>
        %dma_start3A_510 = tpu.memref_squeeze %dma_start3A_509 : memref<1x128xi32, #tpu.memory_space<vmem>> -> memref<128xi32, #tpu.memory_space<vmem>>
        %dma_start3A_511 = arith.constant 0 : i32
        %dma_start3A_512 = arith.constant 0 : i32
        %dma_start3A_513 = tpu.memref_slice %arg2[%dma_start3A_511, %dma_start3A_512] : memref<10000x32xf32, #tpu.memory_space<hbm>> -> memref<10000x32xf32, #tpu.memory_space<hbm>>
        tpu.enqueue_indirect_dma source(%dma_start3A_513 : memref<10000x32xf32, #tpu.memory_space<hbm>>) target(%arg16 : memref<128x32xf32, #tpu.memory_space<vmem>>) offsets(%dma_start3A_510 : memref<128xi32, #tpu.memory_space<vmem>>) semaphore(%arg27 : memref<!tpu.dma_semaphore, #tpu.memory_space<semaphore_mem>>)
      } else {
      }
    }
    %while3A_105 = arith.constant 1 : i32
    scf.for %while3A_186 = %while3A_103 to %while3A_99 step %while3A_105  : i32 {
      %mul3A_187 = arith.constant 10 : i32
      %mul3A_188 = arith.muli %while3A_186, %mul3A_187 : i32
      %dma_wait3A_189 = arith.constant 0 : i32
      %dma_wait3A_190 = arith.constant 0 : i32
      %dma_wait3A_191 = tpu.memref_slice %arg5[%dma_wait3A_189, %dma_wait3A_190] : memref<40x128xi32, #tpu.memory_space<vmem>> -> memref<1x128xi32, #tpu.memory_space<vmem>>
      %dma_wait3A_192 = tpu.memref_squeeze %dma_wait3A_191 : memref<1x128xi32, #tpu.memory_space<vmem>> -> memref<128xi32, #tpu.memory_space<vmem>>
      %dma_wait3A_193 = arith.constant 0 : i32
      %dma_wait3A_194 = arith.constant 0 : i32
      %dma_wait3A_195 = tpu.memref_slice %arg2[%dma_wait3A_193, %dma_wait3A_194] : memref<10000x32xf32, #tpu.memory_space<hbm>> -> memref<10000x32xf32, #tpu.memory_space<hbm>>
      tpu.wait_indirect_dma semaphore(%arg18 : memref<!tpu.dma_semaphore, #tpu.memory_space<semaphore_mem>>) src(%dma_wait3A_195 : memref<10000x32xf32, #tpu.memory_space<hbm>>) dst(%arg7 : memref<128x32xf32, #tpu.memory_space<vmem>>)
      %add3A_196 = arith.constant 0 : i32
      %add3A_197 = arith.addi %mul3A_188, %add3A_196 : i32
      %dma_start3A_198 = arith.constant 0 : i32
      %dma_start3A_199 = tpu.memref_slice %arg6[%add3A_197, %dma_start3A_198] : memref<40x128xi32, #tpu.memory_space<vmem>> -> memref<1x128xi32, #tpu.memory_space<vmem>>
      %dma_start3A_200 = tpu.memref_squeeze %dma_start3A_199 : memref<1x128xi32, #tpu.memory_space<vmem>> -> memref<128xi32, #tpu.memory_space<vmem>>
      %dma_start3A_201 = arith.constant 0 : i32
      %dma_start3A_202 = arith.constant 0 : i32
      %dma_start3A_203 = tpu.memref_slice %arg17[%dma_start3A_201, %dma_start3A_202] : memref<10112x32xf32, #tpu.memory_space<vmem_shared>> -> memref<10112x32xf32, #tpu.memory_space<vmem_shared>>
      tpu.enqueue_indirect_dma source(%arg7 : memref<128x32xf32, #tpu.memory_space<vmem>>) target(%dma_start3A_203 : memref<10112x32xf32, #tpu.memory_space<vmem_shared>>) offsets(%dma_start3A_200 : memref<128xi32, #tpu.memory_space<vmem>>) semaphore(%arg28 : memref<!tpu.dma_semaphore, #tpu.memory_space<semaphore_mem>>) {add = true}
      %dma_wait3A_204 = arith.constant 0 : i32
      %dma_wait3A_205 = arith.constant 0 : i32
      %dma_wait3A_206 = tpu.memref_slice %arg5[%dma_wait3A_204, %dma_wait3A_205] : memref<40x128xi32, #tpu.memory_space<vmem>> -> memref<1x128xi32, #tpu.memory_space<vmem>>
      %dma_wait3A_207 = tpu.memref_squeeze %dma_wait3A_206 : memref<1x128xi32, #tpu.memory_space<vmem>> -> memref<128xi32, #tpu.memory_space<vmem>>
      %dma_wait3A_208 = arith.constant 0 : i32
      %dma_wait3A_209 = arith.constant 0 : i32
      %dma_wait3A_210 = tpu.memref_slice %arg2[%dma_wait3A_208, %dma_wait3A_209] : memref<10000x32xf32, #tpu.memory_space<hbm>> -> memref<10000x32xf32, #tpu.memory_space<hbm>>
      tpu.wait_indirect_dma semaphore(%arg19 : memref<!tpu.dma_semaphore, #tpu.memory_space<semaphore_mem>>) src(%dma_wait3A_210 : memref<10000x32xf32, #tpu.memory_space<hbm>>) dst(%arg8 : memref<128x32xf32, #tpu.memory_space<vmem>>)
      %add3A_211 = arith.constant 1 : i32
      %add3A_212 = arith.addi %mul3A_188, %add3A_211 : i32
      %dma_start3A_213 = arith.constant 0 : i32
      %dma_start3A_214 = tpu.memref_slice %arg6[%add3A_212, %dma_start3A_213] : memref<40x128xi32, #tpu.memory_space<vmem>> -> memref<1x128xi32, #tpu.memory_space<vmem>>
      %dma_start3A_215 = tpu.memref_squeeze %dma_start3A_214 : memref<1x128xi32, #tpu.memory_space<vmem>> -> memref<128xi32, #tpu.memory_space<vmem>>
      %dma_start3A_216 = arith.constant 0 : i32
      %dma_start3A_217 = arith.constant 0 : i32
      %dma_start3A_218 = tpu.memref_slice %arg17[%dma_start3A_216, %dma_start3A_217] : memref<10112x32xf32, #tpu.memory_space<vmem_shared>> -> memref<10112x32xf32, #tpu.memory_space<vmem_shared>>
      tpu.enqueue_indirect_dma source(%arg8 : memref<128x32xf32, #tpu.memory_space<vmem>>) target(%dma_start3A_218 : memref<10112x32xf32, #tpu.memory_space<vmem_shared>>) offsets(%dma_start3A_215 : memref<128xi32, #tpu.memory_space<vmem>>) semaphore(%arg29 : memref<!tpu.dma_semaphore, #tpu.memory_space<semaphore_mem>>) {add = true}
      %dma_wait3A_219 = arith.constant 0 : i32
      %dma_wait3A_220 = arith.constant 0 : i32
      %dma_wait3A_221 = tpu.memref_slice %arg5[%dma_wait3A_219, %dma_wait3A_220] : memref<40x128xi32, #tpu.memory_space<vmem>> -> memref<1x128xi32, #tpu.memory_space<vmem>>
      %dma_wait3A_222 = tpu.memref_squeeze %dma_wait3A_221 : memref<1x128xi32, #tpu.memory_space<vmem>> -> memref<128xi32, #tpu.memory_space<vmem>>
      %dma_wait3A_223 = arith.constant 0 : i32
      %dma_wait3A_224 = arith.constant 0 : i32
      %dma_wait3A_225 = tpu.memref_slice %arg2[%dma_wait3A_223, %dma_wait3A_224] : memref<10000x32xf32, #tpu.memory_space<hbm>> -> memref<10000x32xf32, #tpu.memory_space<hbm>>
      tpu.wait_indirect_dma semaphore(%arg20 : memref<!tpu.dma_semaphore, #tpu.memory_space<semaphore_mem>>) src(%dma_wait3A_225 : memref<10000x32xf32, #tpu.memory_space<hbm>>) dst(%arg9 : memref<128x32xf32, #tpu.memory_space<vmem>>)
      %add3A_226 = arith.constant 2 : i32
      %add3A_227 = arith.addi %mul3A_188, %add3A_226 : i32
      %dma_start3A_228 = arith.constant 0 : i32
      %dma_start3A_229 = tpu.memref_slice %arg6[%add3A_227, %dma_start3A_228] : memref<40x128xi32, #tpu.memory_space<vmem>> -> memref<1x128xi32, #tpu.memory_space<vmem>>
      %dma_start3A_230 = tpu.memref_squeeze %dma_start3A_229 : memref<1x128xi32, #tpu.memory_space<vmem>> -> memref<128xi32, #tpu.memory_space<vmem>>
      %dma_start3A_231 = arith.constant 0 : i32
      %dma_start3A_232 = arith.constant 0 : i32
      %dma_start3A_233 = tpu.memref_slice %arg17[%dma_start3A_231, %dma_start3A_232] : memref<10112x32xf32, #tpu.memory_space<vmem_shared>> -> memref<10112x32xf32, #tpu.memory_space<vmem_shared>>
      tpu.enqueue_indirect_dma source(%arg9 : memref<128x32xf32, #tpu.memory_space<vmem>>) target(%dma_start3A_233 : memref<10112x32xf32, #tpu.memory_space<vmem_shared>>) offsets(%dma_start3A_230 : memref<128xi32, #tpu.memory_space<vmem>>) semaphore(%arg30 : memref<!tpu.dma_semaphore, #tpu.memory_space<semaphore_mem>>) {add = true}
      %dma_wait3A_234 = arith.constant 0 : i32
      %dma_wait3A_235 = arith.constant 0 : i32
      %dma_wait3A_236 = tpu.memref_slice %arg5[%dma_wait3A_234, %dma_wait3A_235] : memref<40x128xi32, #tpu.memory_space<vmem>> -> memref<1x128xi32, #tpu.memory_space<vmem>>
      %dma_wait3A_237 = tpu.memref_squeeze %dma_wait3A_236 : memref<1x128xi32, #tpu.memory_space<vmem>> -> memref<128xi32, #tpu.memory_space<vmem>>
      %dma_wait3A_238 = arith.constant 0 : i32
      %dma_wait3A_239 = arith.constant 0 : i32
      %dma_wait3A_240 = tpu.memref_slice %arg2[%dma_wait3A_238, %dma_wait3A_239] : memref<10000x32xf32, #tpu.memory_space<hbm>> -> memref<10000x32xf32, #tpu.memory_space<hbm>>
      tpu.wait_indirect_dma semaphore(%arg21 : memref<!tpu.dma_semaphore, #tpu.memory_space<semaphore_mem>>) src(%dma_wait3A_240 : memref<10000x32xf32, #tpu.memory_space<hbm>>) dst(%arg10 : memref<128x32xf32, #tpu.memory_space<vmem>>)
      %add3A_241 = arith.constant 3 : i32
      %add3A_242 = arith.addi %mul3A_188, %add3A_241 : i32
      %dma_start3A_243 = arith.constant 0 : i32
      %dma_start3A_244 = tpu.memref_slice %arg6[%add3A_242, %dma_start3A_243] : memref<40x128xi32, #tpu.memory_space<vmem>> -> memref<1x128xi32, #tpu.memory_space<vmem>>
      %dma_start3A_245 = tpu.memref_squeeze %dma_start3A_244 : memref<1x128xi32, #tpu.memory_space<vmem>> -> memref<128xi32, #tpu.memory_space<vmem>>
      %dma_start3A_246 = arith.constant 0 : i32
      %dma_start3A_247 = arith.constant 0 : i32
      %dma_start3A_248 = tpu.memref_slice %arg17[%dma_start3A_246, %dma_start3A_247] : memref<10112x32xf32, #tpu.memory_space<vmem_shared>> -> memref<10112x32xf32, #tpu.memory_space<vmem_shared>>
      tpu.enqueue_indirect_dma source(%arg10 : memref<128x32xf32, #tpu.memory_space<vmem>>) target(%dma_start3A_248 : memref<10112x32xf32, #tpu.memory_space<vmem_shared>>) offsets(%dma_start3A_245 : memref<128xi32, #tpu.memory_space<vmem>>) semaphore(%arg31 : memref<!tpu.dma_semaphore, #tpu.memory_space<semaphore_mem>>) {add = true}
      %dma_wait3A_249 = arith.constant 0 : i32
      %dma_wait3A_250 = arith.constant 0 : i32
      %dma_wait3A_251 = tpu.memref_slice %arg5[%dma_wait3A_249, %dma_wait3A_250] : memref<40x128xi32, #tpu.memory_space<vmem>> -> memref<1x128xi32, #tpu.memory_space<vmem>>
      %dma_wait3A_252 = tpu.memref_squeeze %dma_wait3A_251 : memref<1x128xi32, #tpu.memory_space<vmem>> -> memref<128xi32, #tpu.memory_space<vmem>>
      %dma_wait3A_253 = arith.constant 0 : i32
      %dma_wait3A_254 = arith.constant 0 : i32
      %dma_wait3A_255 = tpu.memref_slice %arg2[%dma_wait3A_253, %dma_wait3A_254] : memref<10000x32xf32, #tpu.memory_space<hbm>> -> memref<10000x32xf32, #tpu.memory_space<hbm>>
      tpu.wait_indirect_dma semaphore(%arg22 : memref<!tpu.dma_semaphore, #tpu.memory_space<semaphore_mem>>) src(%dma_wait3A_255 : memref<10000x32xf32, #tpu.memory_space<hbm>>) dst(%arg11 : memref<128x32xf32, #tpu.memory_space<vmem>>)
      %add3A_256 = arith.constant 4 : i32
      %add3A_257 = arith.addi %mul3A_188, %add3A_256 : i32
      %dma_start3A_258 = arith.constant 0 : i32
      %dma_start3A_259 = tpu.memref_slice %arg6[%add3A_257, %dma_start3A_258] : memref<40x128xi32, #tpu.memory_space<vmem>> -> memref<1x128xi32, #tpu.memory_space<vmem>>
      %dma_start3A_260 = tpu.memref_squeeze %dma_start3A_259 : memref<1x128xi32, #tpu.memory_space<vmem>> -> memref<128xi32, #tpu.memory_space<vmem>>
      %dma_start3A_261 = arith.constant 0 : i32
      %dma_start3A_262 = arith.constant 0 : i32
      %dma_start3A_263 = tpu.memref_slice %arg17[%dma_start3A_261, %dma_start3A_262] : memref<10112x32xf32, #tpu.memory_space<vmem_shared>> -> memref<10112x32xf32, #tpu.memory_space<vmem_shared>>
      tpu.enqueue_indirect_dma source(%arg11 : memref<128x32xf32, #tpu.memory_space<vmem>>) target(%dma_start3A_263 : memref<10112x32xf32, #tpu.memory_space<vmem_shared>>) offsets(%dma_start3A_260 : memref<128xi32, #tpu.memory_space<vmem>>) semaphore(%arg32 : memref<!tpu.dma_semaphore, #tpu.memory_space<semaphore_mem>>) {add = true}
      %dma_wait3A_264 = arith.constant 0 : i32
      %dma_wait3A_265 = arith.constant 0 : i32
      %dma_wait3A_266 = tpu.memref_slice %arg5[%dma_wait3A_264, %dma_wait3A_265] : memref<40x128xi32, #tpu.memory_space<vmem>> -> memref<1x128xi32, #tpu.memory_space<vmem>>
      %dma_wait3A_267 = tpu.memref_squeeze %dma_wait3A_266 : memref<1x128xi32, #tpu.memory_space<vmem>> -> memref<128xi32, #tpu.memory_space<vmem>>
      %dma_wait3A_268 = arith.constant 0 : i32
      %dma_wait3A_269 = arith.constant 0 : i32
      %dma_wait3A_270 = tpu.memref_slice %arg2[%dma_wait3A_268, %dma_wait3A_269] : memref<10000x32xf32, #tpu.memory_space<hbm>> -> memref<10000x32xf32, #tpu.memory_space<hbm>>
      tpu.wait_indirect_dma semaphore(%arg23 : memref<!tpu.dma_semaphore, #tpu.memory_space<semaphore_mem>>) src(%dma_wait3A_270 : memref<10000x32xf32, #tpu.memory_space<hbm>>) dst(%arg12 : memref<128x32xf32, #tpu.memory_space<vmem>>)
      %add3A_271 = arith.constant 5 : i32
      %add3A_272 = arith.addi %mul3A_188, %add3A_271 : i32
      %dma_start3A_273 = arith.constant 0 : i32
      %dma_start3A_274 = tpu.memref_slice %arg6[%add3A_272, %dma_start3A_273] : memref<40x128xi32, #tpu.memory_space<vmem>> -> memref<1x128xi32, #tpu.memory_space<vmem>>
      %dma_start3A_275 = tpu.memref_squeeze %dma_start3A_274 : memref<1x128xi32, #tpu.memory_space<vmem>> -> memref<128xi32, #tpu.memory_space<vmem>>
      %dma_start3A_276 = arith.constant 0 : i32
      %dma_start3A_277 = arith.constant 0 : i32
      %dma_start3A_278 = tpu.memref_slice %arg17[%dma_start3A_276, %dma_start3A_277] : memref<10112x32xf32, #tpu.memory_space<vmem_shared>> -> memref<10112x32xf32, #tpu.memory_space<vmem_shared>>
      tpu.enqueue_indirect_dma source(%arg12 : memref<128x32xf32, #tpu.memory_space<vmem>>) target(%dma_start3A_278 : memref<10112x32xf32, #tpu.memory_space<vmem_shared>>) offsets(%dma_start3A_275 : memref<128xi32, #tpu.memory_space<vmem>>) semaphore(%arg33 : memref<!tpu.dma_semaphore, #tpu.memory_space<semaphore_mem>>) {add = true}
      %dma_wait3A_279 = arith.constant 0 : i32
      %dma_wait3A_280 = arith.constant 0 : i32
      %dma_wait3A_281 = tpu.memref_slice %arg5[%dma_wait3A_279, %dma_wait3A_280] : memref<40x128xi32, #tpu.memory_space<vmem>> -> memref<1x128xi32, #tpu.memory_space<vmem>>
      %dma_wait3A_282 = tpu.memref_squeeze %dma_wait3A_281 : memref<1x128xi32, #tpu.memory_space<vmem>> -> memref<128xi32, #tpu.memory_space<vmem>>
      %dma_wait3A_283 = arith.constant 0 : i32
      %dma_wait3A_284 = arith.constant 0 : i32
      %dma_wait3A_285 = tpu.memref_slice %arg2[%dma_wait3A_283, %dma_wait3A_284] : memref<10000x32xf32, #tpu.memory_space<hbm>> -> memref<10000x32xf32, #tpu.memory_space<hbm>>
      tpu.wait_indirect_dma semaphore(%arg24 : memref<!tpu.dma_semaphore, #tpu.memory_space<semaphore_mem>>) src(%dma_wait3A_285 : memref<10000x32xf32, #tpu.memory_space<hbm>>) dst(%arg13 : memref<128x32xf32, #tpu.memory_space<vmem>>)
      %add3A_286 = arith.constant 6 : i32
      %add3A_287 = arith.addi %mul3A_188, %add3A_286 : i32
      %dma_start3A_288 = arith.constant 0 : i32
      %dma_start3A_289 = tpu.memref_slice %arg6[%add3A_287, %dma_start3A_288] : memref<40x128xi32, #tpu.memory_space<vmem>> -> memref<1x128xi32, #tpu.memory_space<vmem>>
      %dma_start3A_290 = tpu.memref_squeeze %dma_start3A_289 : memref<1x128xi32, #tpu.memory_space<vmem>> -> memref<128xi32, #tpu.memory_space<vmem>>
      %dma_start3A_291 = arith.constant 0 : i32
      %dma_start3A_292 = arith.constant 0 : i32
      %dma_start3A_293 = tpu.memref_slice %arg17[%dma_start3A_291, %dma_start3A_292] : memref<10112x32xf32, #tpu.memory_space<vmem_shared>> -> memref<10112x32xf32, #tpu.memory_space<vmem_shared>>
      tpu.enqueue_indirect_dma source(%arg13 : memref<128x32xf32, #tpu.memory_space<vmem>>) target(%dma_start3A_293 : memref<10112x32xf32, #tpu.memory_space<vmem_shared>>) offsets(%dma_start3A_290 : memref<128xi32, #tpu.memory_space<vmem>>) semaphore(%arg34 : memref<!tpu.dma_semaphore, #tpu.memory_space<semaphore_mem>>) {add = true}
      %dma_wait3A_294 = arith.constant 0 : i32
      %dma_wait3A_295 = arith.constant 0 : i32
      %dma_wait3A_296 = tpu.memref_slice %arg5[%dma_wait3A_294, %dma_wait3A_295] : memref<40x128xi32, #tpu.memory_space<vmem>> -> memref<1x128xi32, #tpu.memory_space<vmem>>
      %dma_wait3A_297 = tpu.memref_squeeze %dma_wait3A_296 : memref<1x128xi32, #tpu.memory_space<vmem>> -> memref<128xi32, #tpu.memory_space<vmem>>
      %dma_wait3A_298 = arith.constant 0 : i32
      %dma_wait3A_299 = arith.constant 0 : i32
      %dma_wait3A_300 = tpu.memref_slice %arg2[%dma_wait3A_298, %dma_wait3A_299] : memref<10000x32xf32, #tpu.memory_space<hbm>> -> memref<10000x32xf32, #tpu.memory_space<hbm>>
      tpu.wait_indirect_dma semaphore(%arg25 : memref<!tpu.dma_semaphore, #tpu.memory_space<semaphore_mem>>) src(%dma_wait3A_300 : memref<10000x32xf32, #tpu.memory_space<hbm>>) dst(%arg14 : memref<128x32xf32, #tpu.memory_space<vmem>>)
      %add3A_301 = arith.constant 7 : i32
      %add3A_302 = arith.addi %mul3A_188, %add3A_301 : i32
      %dma_start3A_303 = arith.constant 0 : i32
      %dma_start3A_304 = tpu.memref_slice %arg6[%add3A_302, %dma_start3A_303] : memref<40x128xi32, #tpu.memory_space<vmem>> -> memref<1x128xi32, #tpu.memory_space<vmem>>
      %dma_start3A_305 = tpu.memref_squeeze %dma_start3A_304 : memref<1x128xi32, #tpu.memory_space<vmem>> -> memref<128xi32, #tpu.memory_space<vmem>>
      %dma_start3A_306 = arith.constant 0 : i32
      %dma_start3A_307 = arith.constant 0 : i32
      %dma_start3A_308 = tpu.memref_slice %arg17[%dma_start3A_306, %dma_start3A_307] : memref<10112x32xf32, #tpu.memory_space<vmem_shared>> -> memref<10112x32xf32, #tpu.memory_space<vmem_shared>>
      tpu.enqueue_indirect_dma source(%arg14 : memref<128x32xf32, #tpu.memory_space<vmem>>) target(%dma_start3A_308 : memref<10112x32xf32, #tpu.memory_space<vmem_shared>>) offsets(%dma_start3A_305 : memref<128xi32, #tpu.memory_space<vmem>>) semaphore(%arg35 : memref<!tpu.dma_semaphore, #tpu.memory_space<semaphore_mem>>) {add = true}
      %dma_wait3A_309 = arith.constant 0 : i32
      %dma_wait3A_310 = arith.constant 0 : i32
      %dma_wait3A_311 = tpu.memref_slice %arg5[%dma_wait3A_309, %dma_wait3A_310] : memref<40x128xi32, #tpu.memory_space<vmem>> -> memref<1x128xi32, #tpu.memory_space<vmem>>
      %dma_wait3A_312 = tpu.memref_squeeze %dma_wait3A_311 : memref<1x128xi32, #tpu.memory_space<vmem>> -> memref<128xi32, #tpu.memory_space<vmem>>
      %dma_wait3A_313 = arith.constant 0 : i32
      %dma_wait3A_314 = arith.constant 0 : i32
      %dma_wait3A_315 = tpu.memref_slice %arg2[%dma_wait3A_313, %dma_wait3A_314] : memref<10000x32xf32, #tpu.memory_space<hbm>> -> memref<10000x32xf32, #tpu.memory_space<hbm>>
      tpu.wait_indirect_dma semaphore(%arg26 : memref<!tpu.dma_semaphore, #tpu.memory_space<semaphore_mem>>) src(%dma_wait3A_315 : memref<10000x32xf32, #tpu.memory_space<hbm>>) dst(%arg15 : memref<128x32xf32, #tpu.memory_space<vmem>>)
      %add3A_316 = arith.constant 8 : i32
      %add3A_317 = arith.addi %mul3A_188, %add3A_316 : i32
      %dma_start3A_318 = arith.constant 0 : i32
      %dma_start3A_319 = tpu.memref_slice %arg6[%add3A_317, %dma_start3A_318] : memref<40x128xi32, #tpu.memory_space<vmem>> -> memref<1x128xi32, #tpu.memory_space<vmem>>
      %dma_start3A_320 = tpu.memref_squeeze %dma_start3A_319 : memref<1x128xi32, #tpu.memory_space<vmem>> -> memref<128xi32, #tpu.memory_space<vmem>>
      %dma_start3A_321 = arith.constant 0 : i32
      %dma_start3A_322 = arith.constant 0 : i32
      %dma_start3A_323 = tpu.memref_slice %arg17[%dma_start3A_321, %dma_start3A_322] : memref<10112x32xf32, #tpu.memory_space<vmem_shared>> -> memref<10112x32xf32, #tpu.memory_space<vmem_shared>>
      tpu.enqueue_indirect_dma source(%arg15 : memref<128x32xf32, #tpu.memory_space<vmem>>) target(%dma_start3A_323 : memref<10112x32xf32, #tpu.memory_space<vmem_shared>>) offsets(%dma_start3A_320 : memref<128xi32, #tpu.memory_space<vmem>>) semaphore(%arg36 : memref<!tpu.dma_semaphore, #tpu.memory_space<semaphore_mem>>) {add = true}
      %dma_wait3A_324 = arith.constant 0 : i32
      %dma_wait3A_325 = arith.constant 0 : i32
      %dma_wait3A_326 = tpu.memref_slice %arg5[%dma_wait3A_324, %dma_wait3A_325] : memref<40x128xi32, #tpu.memory_space<vmem>> -> memref<1x128xi32, #tpu.memory_space<vmem>>
      %dma_wait3A_327 = tpu.memref_squeeze %dma_wait3A_326 : memref<1x128xi32, #tpu.memory_space<vmem>> -> memref<128xi32, #tpu.memory_space<vmem>>
      %dma_wait3A_328 = arith.constant 0 : i32
      %dma_wait3A_329 = arith.constant 0 : i32
      %dma_wait3A_330 = tpu.memref_slice %arg2[%dma_wait3A_328, %dma_wait3A_329] : memref<10000x32xf32, #tpu.memory_space<hbm>> -> memref<10000x32xf32, #tpu.memory_space<hbm>>
      tpu.wait_indirect_dma semaphore(%arg27 : memref<!tpu.dma_semaphore, #tpu.memory_space<semaphore_mem>>) src(%dma_wait3A_330 : memref<10000x32xf32, #tpu.memory_space<hbm>>) dst(%arg16 : memref<128x32xf32, #tpu.memory_space<vmem>>)
      %add3A_331 = arith.constant 9 : i32
      %add3A_332 = arith.addi %mul3A_188, %add3A_331 : i32
      %dma_start3A_333 = arith.constant 0 : i32
      %dma_start3A_334 = tpu.memref_slice %arg6[%add3A_332, %dma_start3A_333] : memref<40x128xi32, #tpu.memory_space<vmem>> -> memref<1x128xi32, #tpu.memory_space<vmem>>
      %dma_start3A_335 = tpu.memref_squeeze %dma_start3A_334 : memref<1x128xi32, #tpu.memory_space<vmem>> -> memref<128xi32, #tpu.memory_space<vmem>>
      %dma_start3A_336 = arith.constant 0 : i32
      %dma_start3A_337 = arith.constant 0 : i32
      %dma_start3A_338 = tpu.memref_slice %arg17[%dma_start3A_336, %dma_start3A_337] : memref<10112x32xf32, #tpu.memory_space<vmem_shared>> -> memref<10112x32xf32, #tpu.memory_space<vmem_shared>>
      tpu.enqueue_indirect_dma source(%arg16 : memref<128x32xf32, #tpu.memory_space<vmem>>) target(%dma_start3A_338 : memref<10112x32xf32, #tpu.memory_space<vmem_shared>>) offsets(%dma_start3A_335 : memref<128xi32, #tpu.memory_space<vmem>>) semaphore(%arg37 : memref<!tpu.dma_semaphore, #tpu.memory_space<semaphore_mem>>) {add = true}
      %sub3A = arith.constant 1 : i32
      %sub3A_339 = arith.subi %select_n3A, %sub3A : i32
      %lt3A_340 = arith.cmpi slt, %while3A_186, %sub3A_339 : i32
      %convert_element_type3A_341 = arith.extui %lt3A_340 : i1 to i32
      %cond3A_342 = arith.constant 0 : i32
      %cond3A_343 = arith.cmpi ne, %convert_element_type3A_341, %cond3A_342 : i32
      scf.if %cond3A_343 {
        %dma_wait3A_344 = arith.constant 0 : i32
        %dma_wait3A_345 = arith.constant 0 : i32
        %dma_wait3A_346 = tpu.memref_slice %arg6[%dma_wait3A_344, %dma_wait3A_345] : memref<40x128xi32, #tpu.memory_space<vmem>> -> memref<1x128xi32, #tpu.memory_space<vmem>>
        %dma_wait3A_347 = tpu.memref_squeeze %dma_wait3A_346 : memref<1x128xi32, #tpu.memory_space<vmem>> -> memref<128xi32, #tpu.memory_space<vmem>>
        %dma_wait3A_348 = arith.constant 0 : i32
        %dma_wait3A_349 = arith.constant 0 : i32
        %dma_wait3A_350 = tpu.memref_slice %arg17[%dma_wait3A_348, %dma_wait3A_349] : memref<10112x32xf32, #tpu.memory_space<vmem_shared>> -> memref<10112x32xf32, #tpu.memory_space<vmem_shared>>
        tpu.wait_indirect_dma semaphore(%arg28 : memref<!tpu.dma_semaphore, #tpu.memory_space<semaphore_mem>>) src(%arg7 : memref<128x32xf32, #tpu.memory_space<vmem>>) dst(%dma_wait3A_350 : memref<10112x32xf32, #tpu.memory_space<vmem_shared>>)
        %add3A_351 = arith.constant 10 : i32
        %add3A_352 = arith.addi %mul3A_188, %add3A_351 : i32
        %add3A_353 = arith.constant 0 : i32
        %add3A_354 = arith.addi %add3A_352, %add3A_353 : i32
        %dma_start3A_355 = arith.constant 0 : i32
        %dma_start3A_356 = tpu.memref_slice %arg5[%add3A_354, %dma_start3A_355] : memref<40x128xi32, #tpu.memory_space<vmem>> -> memref<1x128xi32, #tpu.memory_space<vmem>>
        %dma_start3A_357 = tpu.memref_squeeze %dma_start3A_356 : memref<1x128xi32, #tpu.memory_space<vmem>> -> memref<128xi32, #tpu.memory_space<vmem>>
        %dma_start3A_358 = arith.constant 0 : i32
        %dma_start3A_359 = arith.constant 0 : i32
        %dma_start3A_360 = tpu.memref_slice %arg2[%dma_start3A_358, %dma_start3A_359] : memref<10000x32xf32, #tpu.memory_space<hbm>> -> memref<10000x32xf32, #tpu.memory_space<hbm>>
        tpu.enqueue_indirect_dma source(%dma_start3A_360 : memref<10000x32xf32, #tpu.memory_space<hbm>>) target(%arg7 : memref<128x32xf32, #tpu.memory_space<vmem>>) offsets(%dma_start3A_357 : memref<128xi32, #tpu.memory_space<vmem>>) semaphore(%arg18 : memref<!tpu.dma_semaphore, #tpu.memory_space<semaphore_mem>>)
        %dma_wait3A_361 = arith.constant 0 : i32
        %dma_wait3A_362 = arith.constant 0 : i32
        %dma_wait3A_363 = tpu.memref_slice %arg6[%dma_wait3A_361, %dma_wait3A_362] : memref<40x128xi32, #tpu.memory_space<vmem>> -> memref<1x128xi32, #tpu.memory_space<vmem>>
        %dma_wait3A_364 = tpu.memref_squeeze %dma_wait3A_363 : memref<1x128xi32, #tpu.memory_space<vmem>> -> memref<128xi32, #tpu.memory_space<vmem>>
        %dma_wait3A_365 = arith.constant 0 : i32
        %dma_wait3A_366 = arith.constant 0 : i32
        %dma_wait3A_367 = tpu.memref_slice %arg17[%dma_wait3A_365, %dma_wait3A_366] : memref<10112x32xf32, #tpu.memory_space<vmem_shared>> -> memref<10112x32xf32, #tpu.memory_space<vmem_shared>>
        tpu.wait_indirect_dma semaphore(%arg29 : memref<!tpu.dma_semaphore, #tpu.memory_space<semaphore_mem>>) src(%arg8 : memref<128x32xf32, #tpu.memory_space<vmem>>) dst(%dma_wait3A_367 : memref<10112x32xf32, #tpu.memory_space<vmem_shared>>)
        %add3A_368 = arith.constant 10 : i32
        %add3A_369 = arith.addi %mul3A_188, %add3A_368 : i32
        %add3A_370 = arith.constant 1 : i32
        %add3A_371 = arith.addi %add3A_369, %add3A_370 : i32
        %dma_start3A_372 = arith.constant 0 : i32
        %dma_start3A_373 = tpu.memref_slice %arg5[%add3A_371, %dma_start3A_372] : memref<40x128xi32, #tpu.memory_space<vmem>> -> memref<1x128xi32, #tpu.memory_space<vmem>>
        %dma_start3A_374 = tpu.memref_squeeze %dma_start3A_373 : memref<1x128xi32, #tpu.memory_space<vmem>> -> memref<128xi32, #tpu.memory_space<vmem>>
        %dma_start3A_375 = arith.constant 0 : i32
        %dma_start3A_376 = arith.constant 0 : i32
        %dma_start3A_377 = tpu.memref_slice %arg2[%dma_start3A_375, %dma_start3A_376] : memref<10000x32xf32, #tpu.memory_space<hbm>> -> memref<10000x32xf32, #tpu.memory_space<hbm>>
        tpu.enqueue_indirect_dma source(%dma_start3A_377 : memref<10000x32xf32, #tpu.memory_space<hbm>>) target(%arg8 : memref<128x32xf32, #tpu.memory_space<vmem>>) offsets(%dma_start3A_374 : memref<128xi32, #tpu.memory_space<vmem>>) semaphore(%arg19 : memref<!tpu.dma_semaphore, #tpu.memory_space<semaphore_mem>>)
        %dma_wait3A_378 = arith.constant 0 : i32
        %dma_wait3A_379 = arith.constant 0 : i32
        %dma_wait3A_380 = tpu.memref_slice %arg6[%dma_wait3A_378, %dma_wait3A_379] : memref<40x128xi32, #tpu.memory_space<vmem>> -> memref<1x128xi32, #tpu.memory_space<vmem>>
        %dma_wait3A_381 = tpu.memref_squeeze %dma_wait3A_380 : memref<1x128xi32, #tpu.memory_space<vmem>> -> memref<128xi32, #tpu.memory_space<vmem>>
        %dma_wait3A_382 = arith.constant 0 : i32
        %dma_wait3A_383 = arith.constant 0 : i32
        %dma_wait3A_384 = tpu.memref_slice %arg17[%dma_wait3A_382, %dma_wait3A_383] : memref<10112x32xf32, #tpu.memory_space<vmem_shared>> -> memref<10112x32xf32, #tpu.memory_space<vmem_shared>>
        tpu.wait_indirect_dma semaphore(%arg30 : memref<!tpu.dma_semaphore, #tpu.memory_space<semaphore_mem>>) src(%arg9 : memref<128x32xf32, #tpu.memory_space<vmem>>) dst(%dma_wait3A_384 : memref<10112x32xf32, #tpu.memory_space<vmem_shared>>)
        %add3A_385 = arith.constant 10 : i32
        %add3A_386 = arith.addi %mul3A_188, %add3A_385 : i32
        %add3A_387 = arith.constant 2 : i32
        %add3A_388 = arith.addi %add3A_386, %add3A_387 : i32
        %dma_start3A_389 = arith.constant 0 : i32
        %dma_start3A_390 = tpu.memref_slice %arg5[%add3A_388, %dma_start3A_389] : memref<40x128xi32, #tpu.memory_space<vmem>> -> memref<1x128xi32, #tpu.memory_space<vmem>>
        %dma_start3A_391 = tpu.memref_squeeze %dma_start3A_390 : memref<1x128xi32, #tpu.memory_space<vmem>> -> memref<128xi32, #tpu.memory_space<vmem>>
        %dma_start3A_392 = arith.constant 0 : i32
        %dma_start3A_393 = arith.constant 0 : i32
        %dma_start3A_394 = tpu.memref_slice %arg2[%dma_start3A_392, %dma_start3A_393] : memref<10000x32xf32, #tpu.memory_space<hbm>> -> memref<10000x32xf32, #tpu.memory_space<hbm>>
        tpu.enqueue_indirect_dma source(%dma_start3A_394 : memref<10000x32xf32, #tpu.memory_space<hbm>>) target(%arg9 : memref<128x32xf32, #tpu.memory_space<vmem>>) offsets(%dma_start3A_391 : memref<128xi32, #tpu.memory_space<vmem>>) semaphore(%arg20 : memref<!tpu.dma_semaphore, #tpu.memory_space<semaphore_mem>>)
        %dma_wait3A_395 = arith.constant 0 : i32
        %dma_wait3A_396 = arith.constant 0 : i32
        %dma_wait3A_397 = tpu.memref_slice %arg6[%dma_wait3A_395, %dma_wait3A_396] : memref<40x128xi32, #tpu.memory_space<vmem>> -> memref<1x128xi32, #tpu.memory_space<vmem>>
        %dma_wait3A_398 = tpu.memref_squeeze %dma_wait3A_397 : memref<1x128xi32, #tpu.memory_space<vmem>> -> memref<128xi32, #tpu.memory_space<vmem>>
        %dma_wait3A_399 = arith.constant 0 : i32
        %dma_wait3A_400 = arith.constant 0 : i32
        %dma_wait3A_401 = tpu.memref_slice %arg17[%dma_wait3A_399, %dma_wait3A_400] : memref<10112x32xf32, #tpu.memory_space<vmem_shared>> -> memref<10112x32xf32, #tpu.memory_space<vmem_shared>>
        tpu.wait_indirect_dma semaphore(%arg31 : memref<!tpu.dma_semaphore, #tpu.memory_space<semaphore_mem>>) src(%arg10 : memref<128x32xf32, #tpu.memory_space<vmem>>) dst(%dma_wait3A_401 : memref<10112x32xf32, #tpu.memory_space<vmem_shared>>)
        %add3A_402 = arith.constant 10 : i32
        %add3A_403 = arith.addi %mul3A_188, %add3A_402 : i32
        %add3A_404 = arith.constant 3 : i32
        %add3A_405 = arith.addi %add3A_403, %add3A_404 : i32
        %dma_start3A_406 = arith.constant 0 : i32
        %dma_start3A_407 = tpu.memref_slice %arg5[%add3A_405, %dma_start3A_406] : memref<40x128xi32, #tpu.memory_space<vmem>> -> memref<1x128xi32, #tpu.memory_space<vmem>>
        %dma_start3A_408 = tpu.memref_squeeze %dma_start3A_407 : memref<1x128xi32, #tpu.memory_space<vmem>> -> memref<128xi32, #tpu.memory_space<vmem>>
        %dma_start3A_409 = arith.constant 0 : i32
        %dma_start3A_410 = arith.constant 0 : i32
        %dma_start3A_411 = tpu.memref_slice %arg2[%dma_start3A_409, %dma_start3A_410] : memref<10000x32xf32, #tpu.memory_space<hbm>> -> memref<10000x32xf32, #tpu.memory_space<hbm>>
        tpu.enqueue_indirect_dma source(%dma_start3A_411 : memref<10000x32xf32, #tpu.memory_space<hbm>>) target(%arg10 : memref<128x32xf32, #tpu.memory_space<vmem>>) offsets(%dma_start3A_408 : memref<128xi32, #tpu.memory_space<vmem>>) semaphore(%arg21 : memref<!tpu.dma_semaphore, #tpu.memory_space<semaphore_mem>>)
        %dma_wait3A_412 = arith.constant 0 : i32
        %dma_wait3A_413 = arith.constant 0 : i32
        %dma_wait3A_414 = tpu.memref_slice %arg6[%dma_wait3A_412, %dma_wait3A_413] : memref<40x128xi32, #tpu.memory_space<vmem>> -> memref<1x128xi32, #tpu.memory_space<vmem>>
        %dma_wait3A_415 = tpu.memref_squeeze %dma_wait3A_414 : memref<1x128xi32, #tpu.memory_space<vmem>> -> memref<128xi32, #tpu.memory_space<vmem>>
        %dma_wait3A_416 = arith.constant 0 : i32
        %dma_wait3A_417 = arith.constant 0 : i32
        %dma_wait3A_418 = tpu.memref_slice %arg17[%dma_wait3A_416, %dma_wait3A_417] : memref<10112x32xf32, #tpu.memory_space<vmem_shared>> -> memref<10112x32xf32, #tpu.memory_space<vmem_shared>>
        tpu.wait_indirect_dma semaphore(%arg32 : memref<!tpu.dma_semaphore, #tpu.memory_space<semaphore_mem>>) src(%arg11 : memref<128x32xf32, #tpu.memory_space<vmem>>) dst(%dma_wait3A_418 : memref<10112x32xf32, #tpu.memory_space<vmem_shared>>)
        %add3A_419 = arith.constant 10 : i32
        %add3A_420 = arith.addi %mul3A_188, %add3A_419 : i32
        %add3A_421 = arith.constant 4 : i32
        %add3A_422 = arith.addi %add3A_420, %add3A_421 : i32
        %dma_start3A_423 = arith.constant 0 : i32
        %dma_start3A_424 = tpu.memref_slice %arg5[%add3A_422, %dma_start3A_423] : memref<40x128xi32, #tpu.memory_space<vmem>> -> memref<1x128xi32, #tpu.memory_space<vmem>>
        %dma_start3A_425 = tpu.memref_squeeze %dma_start3A_424 : memref<1x128xi32, #tpu.memory_space<vmem>> -> memref<128xi32, #tpu.memory_space<vmem>>
        %dma_start3A_426 = arith.constant 0 : i32
        %dma_start3A_427 = arith.constant 0 : i32
        %dma_start3A_428 = tpu.memref_slice %arg2[%dma_start3A_426, %dma_start3A_427] : memref<10000x32xf32, #tpu.memory_space<hbm>> -> memref<10000x32xf32, #tpu.memory_space<hbm>>
        tpu.enqueue_indirect_dma source(%dma_start3A_428 : memref<10000x32xf32, #tpu.memory_space<hbm>>) target(%arg11 : memref<128x32xf32, #tpu.memory_space<vmem>>) offsets(%dma_start3A_425 : memref<128xi32, #tpu.memory_space<vmem>>) semaphore(%arg22 : memref<!tpu.dma_semaphore, #tpu.memory_space<semaphore_mem>>)
        %dma_wait3A_429 = arith.constant 0 : i32
        %dma_wait3A_430 = arith.constant 0 : i32
        %dma_wait3A_431 = tpu.memref_slice %arg6[%dma_wait3A_429, %dma_wait3A_430] : memref<40x128xi32, #tpu.memory_space<vmem>> -> memref<1x128xi32, #tpu.memory_space<vmem>>
        %dma_wait3A_432 = tpu.memref_squeeze %dma_wait3A_431 : memref<1x128xi32, #tpu.memory_space<vmem>> -> memref<128xi32, #tpu.memory_space<vmem>>
        %dma_wait3A_433 = arith.constant 0 : i32
        %dma_wait3A_434 = arith.constant 0 : i32
        %dma_wait3A_435 = tpu.memref_slice %arg17[%dma_wait3A_433, %dma_wait3A_434] : memref<10112x32xf32, #tpu.memory_space<vmem_shared>> -> memref<10112x32xf32, #tpu.memory_space<vmem_shared>>
        tpu.wait_indirect_dma semaphore(%arg33 : memref<!tpu.dma_semaphore, #tpu.memory_space<semaphore_mem>>) src(%arg12 : memref<128x32xf32, #tpu.memory_space<vmem>>) dst(%dma_wait3A_435 : memref<10112x32xf32, #tpu.memory_space<vmem_shared>>)
        %add3A_436 = arith.constant 10 : i32
        %add3A_437 = arith.addi %mul3A_188, %add3A_436 : i32
        %add3A_438 = arith.constant 5 : i32
        %add3A_439 = arith.addi %add3A_437, %add3A_438 : i32
        %dma_start3A_440 = arith.constant 0 : i32
        %dma_start3A_441 = tpu.memref_slice %arg5[%add3A_439, %dma_start3A_440] : memref<40x128xi32, #tpu.memory_space<vmem>> -> memref<1x128xi32, #tpu.memory_space<vmem>>
        %dma_start3A_442 = tpu.memref_squeeze %dma_start3A_441 : memref<1x128xi32, #tpu.memory_space<vmem>> -> memref<128xi32, #tpu.memory_space<vmem>>
        %dma_start3A_443 = arith.constant 0 : i32
        %dma_start3A_444 = arith.constant 0 : i32
        %dma_start3A_445 = tpu.memref_slice %arg2[%dma_start3A_443, %dma_start3A_444] : memref<10000x32xf32, #tpu.memory_space<hbm>> -> memref<10000x32xf32, #tpu.memory_space<hbm>>
        tpu.enqueue_indirect_dma source(%dma_start3A_445 : memref<10000x32xf32, #tpu.memory_space<hbm>>) target(%arg12 : memref<128x32xf32, #tpu.memory_space<vmem>>) offsets(%dma_start3A_442 : memref<128xi32, #tpu.memory_space<vmem>>) semaphore(%arg23 : memref<!tpu.dma_semaphore, #tpu.memory_space<semaphore_mem>>)
        %dma_wait3A_446 = arith.constant 0 : i32
        %dma_wait3A_447 = arith.constant 0 : i32
        %dma_wait3A_448 = tpu.memref_slice %arg6[%dma_wait3A_446, %dma_wait3A_447] : memref<40x128xi32, #tpu.memory_space<vmem>> -> memref<1x128xi32, #tpu.memory_space<vmem>>
        %dma_wait3A_449 = tpu.memref_squeeze %dma_wait3A_448 : memref<1x128xi32, #tpu.memory_space<vmem>> -> memref<128xi32, #tpu.memory_space<vmem>>
        %dma_wait3A_450 = arith.constant 0 : i32
        %dma_wait3A_451 = arith.constant 0 : i32
        %dma_wait3A_452 = tpu.memref_slice %arg17[%dma_wait3A_450, %dma_wait3A_451] : memref<10112x32xf32, #tpu.memory_space<vmem_shared>> -> memref<10112x32xf32, #tpu.memory_space<vmem_shared>>
        tpu.wait_indirect_dma semaphore(%arg34 : memref<!tpu.dma_semaphore, #tpu.memory_space<semaphore_mem>>) src(%arg13 : memref<128x32xf32, #tpu.memory_space<vmem>>) dst(%dma_wait3A_452 : memref<10112x32xf32, #tpu.memory_space<vmem_shared>>)
        %add3A_453 = arith.constant 10 : i32
        %add3A_454 = arith.addi %mul3A_188, %add3A_453 : i32
        %add3A_455 = arith.constant 6 : i32
        %add3A_456 = arith.addi %add3A_454, %add3A_455 : i32
        %dma_start3A_457 = arith.constant 0 : i32
        %dma_start3A_458 = tpu.memref_slice %arg5[%add3A_456, %dma_start3A_457] : memref<40x128xi32, #tpu.memory_space<vmem>> -> memref<1x128xi32, #tpu.memory_space<vmem>>
        %dma_start3A_459 = tpu.memref_squeeze %dma_start3A_458 : memref<1x128xi32, #tpu.memory_space<vmem>> -> memref<128xi32, #tpu.memory_space<vmem>>
        %dma_start3A_460 = arith.constant 0 : i32
        %dma_start3A_461 = arith.constant 0 : i32
        %dma_start3A_462 = tpu.memref_slice %arg2[%dma_start3A_460, %dma_start3A_461] : memref<10000x32xf32, #tpu.memory_space<hbm>> -> memref<10000x32xf32, #tpu.memory_space<hbm>>
        tpu.enqueue_indirect_dma source(%dma_start3A_462 : memref<10000x32xf32, #tpu.memory_space<hbm>>) target(%arg13 : memref<128x32xf32, #tpu.memory_space<vmem>>) offsets(%dma_start3A_459 : memref<128xi32, #tpu.memory_space<vmem>>) semaphore(%arg24 : memref<!tpu.dma_semaphore, #tpu.memory_space<semaphore_mem>>)
        %dma_wait3A_463 = arith.constant 0 : i32
        %dma_wait3A_464 = arith.constant 0 : i32
        %dma_wait3A_465 = tpu.memref_slice %arg6[%dma_wait3A_463, %dma_wait3A_464] : memref<40x128xi32, #tpu.memory_space<vmem>> -> memref<1x128xi32, #tpu.memory_space<vmem>>
        %dma_wait3A_466 = tpu.memref_squeeze %dma_wait3A_465 : memref<1x128xi32, #tpu.memory_space<vmem>> -> memref<128xi32, #tpu.memory_space<vmem>>
        %dma_wait3A_467 = arith.constant 0 : i32
        %dma_wait3A_468 = arith.constant 0 : i32
        %dma_wait3A_469 = tpu.memref_slice %arg17[%dma_wait3A_467, %dma_wait3A_468] : memref<10112x32xf32, #tpu.memory_space<vmem_shared>> -> memref<10112x32xf32, #tpu.memory_space<vmem_shared>>
        tpu.wait_indirect_dma semaphore(%arg35 : memref<!tpu.dma_semaphore, #tpu.memory_space<semaphore_mem>>) src(%arg14 : memref<128x32xf32, #tpu.memory_space<vmem>>) dst(%dma_wait3A_469 : memref<10112x32xf32, #tpu.memory_space<vmem_shared>>)
        %add3A_470 = arith.constant 10 : i32
        %add3A_471 = arith.addi %mul3A_188, %add3A_470 : i32
        %add3A_472 = arith.constant 7 : i32
        %add3A_473 = arith.addi %add3A_471, %add3A_472 : i32
        %dma_start3A_474 = arith.constant 0 : i32
        %dma_start3A_475 = tpu.memref_slice %arg5[%add3A_473, %dma_start3A_474] : memref<40x128xi32, #tpu.memory_space<vmem>> -> memref<1x128xi32, #tpu.memory_space<vmem>>
        %dma_start3A_476 = tpu.memref_squeeze %dma_start3A_475 : memref<1x128xi32, #tpu.memory_space<vmem>> -> memref<128xi32, #tpu.memory_space<vmem>>
        %dma_start3A_477 = arith.constant 0 : i32
        %dma_start3A_478 = arith.constant 0 : i32
        %dma_start3A_479 = tpu.memref_slice %arg2[%dma_start3A_477, %dma_start3A_478] : memref<10000x32xf32, #tpu.memory_space<hbm>> -> memref<10000x32xf32, #tpu.memory_space<hbm>>
        tpu.enqueue_indirect_dma source(%dma_start3A_479 : memref<10000x32xf32, #tpu.memory_space<hbm>>) target(%arg14 : memref<128x32xf32, #tpu.memory_space<vmem>>) offsets(%dma_start3A_476 : memref<128xi32, #tpu.memory_space<vmem>>) semaphore(%arg25 : memref<!tpu.dma_semaphore, #tpu.memory_space<semaphore_mem>>)
        %dma_wait3A_480 = arith.constant 0 : i32
        %dma_wait3A_481 = arith.constant 0 : i32
        %dma_wait3A_482 = tpu.memref_slice %arg6[%dma_wait3A_480, %dma_wait3A_481] : memref<40x128xi32, #tpu.memory_space<vmem>> -> memref<1x128xi32, #tpu.memory_space<vmem>>
        %dma_wait3A_483 = tpu.memref_squeeze %dma_wait3A_482 : memref<1x128xi32, #tpu.memory_space<vmem>> -> memref<128xi32, #tpu.memory_space<vmem>>
        %dma_wait3A_484 = arith.constant 0 : i32
        %dma_wait3A_485 = arith.constant 0 : i32
        %dma_wait3A_486 = tpu.memref_slice %arg17[%dma_wait3A_484, %dma_wait3A_485] : memref<10112x32xf32, #tpu.memory_space<vmem_shared>> -> memref<10112x32xf32, #tpu.memory_space<vmem_shared>>
        tpu.wait_indirect_dma semaphore(%arg36 : memref<!tpu.dma_semaphore, #tpu.memory_space<semaphore_mem>>) src(%arg15 : memref<128x32xf32, #tpu.memory_space<vmem>>) dst(%dma_wait3A_486 : memref<10112x32xf32, #tpu.memory_space<vmem_shared>>)
        %add3A_487 = arith.constant 10 : i32
        %add3A_488 = arith.addi %mul3A_188, %add3A_487 : i32
        %add3A_489 = arith.constant 8 : i32
        %add3A_490 = arith.addi %add3A_488, %add3A_489 : i32
        %dma_start3A_491 = arith.constant 0 : i32
        %dma_start3A_492 = tpu.memref_slice %arg5[%add3A_490, %dma_start3A_491] : memref<40x128xi32, #tpu.memory_space<vmem>> -> memref<1x128xi32, #tpu.memory_space<vmem>>
        %dma_start3A_493 = tpu.memref_squeeze %dma_start3A_492 : memref<1x128xi32, #tpu.memory_space<vmem>> -> memref<128xi32, #tpu.memory_space<vmem>>
        %dma_start3A_494 = arith.constant 0 : i32
        %dma_start3A_495 = arith.constant 0 : i32
        %dma_start3A_496 = tpu.memref_slice %arg2[%dma_start3A_494, %dma_start3A_495] : memref<10000x32xf32, #tpu.memory_space<hbm>> -> memref<10000x32xf32, #tpu.memory_space<hbm>>
        tpu.enqueue_indirect_dma source(%dma_start3A_496 : memref<10000x32xf32, #tpu.memory_space<hbm>>) target(%arg15 : memref<128x32xf32, #tpu.memory_space<vmem>>) offsets(%dma_start3A_493 : memref<128xi32, #tpu.memory_space<vmem>>) semaphore(%arg26 : memref<!tpu.dma_semaphore, #tpu.memory_space<semaphore_mem>>)
        %dma_wait3A_497 = arith.constant 0 : i32
        %dma_wait3A_498 = arith.constant 0 : i32
        %dma_wait3A_499 = tpu.memref_slice %arg6[%dma_wait3A_497, %dma_wait3A_498] : memref<40x128xi32, #tpu.memory_space<vmem>> -> memref<1x128xi32, #tpu.memory_space<vmem>>
        %dma_wait3A_500 = tpu.memref_squeeze %dma_wait3A_499 : memref<1x128xi32, #tpu.memory_space<vmem>> -> memref<128xi32, #tpu.memory_space<vmem>>
        %dma_wait3A_501 = arith.constant 0 : i32
        %dma_wait3A_502 = arith.constant 0 : i32
        %dma_wait3A_503 = tpu.memref_slice %arg17[%dma_wait3A_501, %dma_wait3A_502] : memref<10112x32xf32, #tpu.memory_space<vmem_shared>> -> memref<10112x32xf32, #tpu.memory_space<vmem_shared>>
        tpu.wait_indirect_dma semaphore(%arg37 : memref<!tpu.dma_semaphore, #tpu.memory_space<semaphore_mem>>) src(%arg16 : memref<128x32xf32, #tpu.memory_space<vmem>>) dst(%dma_wait3A_503 : memref<10112x32xf32, #tpu.memory_space<vmem_shared>>)
        %add3A_504 = arith.constant 10 : i32
        %add3A_505 = arith.addi %mul3A_188, %add3A_504 : i32
        %add3A_506 = arith.constant 9 : i32
        %add3A_507 = arith.addi %add3A_505, %add3A_506 : i32
        %dma_start3A_508 = arith.constant 0 : i32
        %dma_start3A_509 = tpu.memref_slice %arg5[%add3A_507, %dma_start3A_508] : memref<40x128xi32, #tpu.memory_space<vmem>> -> memref<1x128xi32, #tpu.memory_space<vmem>>
        %dma_start3A_510 = tpu.memref_squeeze %dma_start3A_509 : memref<1x128xi32, #tpu.memory_space<vmem>> -> memref<128xi32, #tpu.memory_space<vmem>>
        %dma_start3A_511 = arith.constant 0 : i32
        %dma_start3A_512 = arith.constant 0 : i32
        %dma_start3A_513 = tpu.memref_slice %arg2[%dma_start3A_511, %dma_start3A_512] : memref<10000x32xf32, #tpu.memory_space<hbm>> -> memref<10000x32xf32, #tpu.memory_space<hbm>>
        tpu.enqueue_indirect_dma source(%dma_start3A_513 : memref<10000x32xf32, #tpu.memory_space<hbm>>) target(%arg16 : memref<128x32xf32, #tpu.memory_space<vmem>>) offsets(%dma_start3A_510 : memref<128xi32, #tpu.memory_space<vmem>>) semaphore(%arg27 : memref<!tpu.dma_semaphore, #tpu.memory_space<semaphore_mem>>)
      } else {
      }
    }
    %dma_wait3A = arith.constant 0 : i32
    %dma_wait3A_106 = arith.constant 0 : i32
    %dma_wait3A_107 = tpu.memref_slice %arg6[%dma_wait3A, %dma_wait3A_106] : memref<40x128xi32, #tpu.memory_space<vmem>> -> memref<1x128xi32, #tpu.memory_space<vmem>>
    %dma_wait3A_108 = tpu.memref_squeeze %dma_wait3A_107 : memref<1x128xi32, #tpu.memory_space<vmem>> -> memref<128xi32, #tpu.memory_space<vmem>>
    %dma_wait3A_109 = arith.constant 0 : i32
    %dma_wait3A_110 = arith.constant 0 : i32
    %dma_wait3A_111 = tpu.memref_slice %arg17[%dma_wait3A_109, %dma_wait3A_110] : memref<10112x32xf32, #tpu.memory_space<vmem_shared>> -> memref<10112x32xf32, #tpu.memory_space<vmem_shared>>
    tpu.wait_indirect_dma semaphore(%arg28 : memref<!tpu.dma_semaphore, #tpu.memory_space<semaphore_mem>>) src(%arg7 : memref<128x32xf32, #tpu.memory_space<vmem>>) dst(%dma_wait3A_111 : memref<10112x32xf32, #tpu.memory_space<vmem_shared>>)
    %dma_wait3A_112 = arith.constant 0 : i32
    %dma_wait3A_113 = arith.constant 0 : i32
    %dma_wait3A_114 = tpu.memref_slice %arg6[%dma_wait3A_112, %dma_wait3A_113] : memref<40x128xi32, #tpu.memory_space<vmem>> -> memref<1x128xi32, #tpu.memory_space<vmem>>
    %dma_wait3A_115 = tpu.memref_squeeze %dma_wait3A_114 : memref<1x128xi32, #tpu.memory_space<vmem>> -> memref<128xi32, #tpu.memory_space<vmem>>
    %dma_wait3A_116 = arith.constant 0 : i32
    %dma_wait3A_117 = arith.constant 0 : i32
    %dma_wait3A_118 = tpu.memref_slice %arg17[%dma_wait3A_116, %dma_wait3A_117] : memref<10112x32xf32, #tpu.memory_space<vmem_shared>> -> memref<10112x32xf32, #tpu.memory_space<vmem_shared>>
    tpu.wait_indirect_dma semaphore(%arg29 : memref<!tpu.dma_semaphore, #tpu.memory_space<semaphore_mem>>) src(%arg8 : memref<128x32xf32, #tpu.memory_space<vmem>>) dst(%dma_wait3A_118 : memref<10112x32xf32, #tpu.memory_space<vmem_shared>>)
    %dma_wait3A_119 = arith.constant 0 : i32
    %dma_wait3A_120 = arith.constant 0 : i32
    %dma_wait3A_121 = tpu.memref_slice %arg6[%dma_wait3A_119, %dma_wait3A_120] : memref<40x128xi32, #tpu.memory_space<vmem>> -> memref<1x128xi32, #tpu.memory_space<vmem>>
    %dma_wait3A_122 = tpu.memref_squeeze %dma_wait3A_121 : memref<1x128xi32, #tpu.memory_space<vmem>> -> memref<128xi32, #tpu.memory_space<vmem>>
    %dma_wait3A_123 = arith.constant 0 : i32
    %dma_wait3A_124 = arith.constant 0 : i32
    %dma_wait3A_125 = tpu.memref_slice %arg17[%dma_wait3A_123, %dma_wait3A_124] : memref<10112x32xf32, #tpu.memory_space<vmem_shared>> -> memref<10112x32xf32, #tpu.memory_space<vmem_shared>>
    tpu.wait_indirect_dma semaphore(%arg30 : memref<!tpu.dma_semaphore, #tpu.memory_space<semaphore_mem>>) src(%arg9 : memref<128x32xf32, #tpu.memory_space<vmem>>) dst(%dma_wait3A_125 : memref<10112x32xf32, #tpu.memory_space<vmem_shared>>)
    %dma_wait3A_126 = arith.constant 0 : i32
    %dma_wait3A_127 = arith.constant 0 : i32
    %dma_wait3A_128 = tpu.memref_slice %arg6[%dma_wait3A_126, %dma_wait3A_127] : memref<40x128xi32, #tpu.memory_space<vmem>> -> memref<1x128xi32, #tpu.memory_space<vmem>>
    %dma_wait3A_129 = tpu.memref_squeeze %dma_wait3A_128 : memref<1x128xi32, #tpu.memory_space<vmem>> -> memref<128xi32, #tpu.memory_space<vmem>>
    %dma_wait3A_130 = arith.constant 0 : i32
    %dma_wait3A_131 = arith.constant 0 : i32
    %dma_wait3A_132 = tpu.memref_slice %arg17[%dma_wait3A_130, %dma_wait3A_131] : memref<10112x32xf32, #tpu.memory_space<vmem_shared>> -> memref<10112x32xf32, #tpu.memory_space<vmem_shared>>
    tpu.wait_indirect_dma semaphore(%arg31 : memref<!tpu.dma_semaphore, #tpu.memory_space<semaphore_mem>>) src(%arg10 : memref<128x32xf32, #tpu.memory_space<vmem>>) dst(%dma_wait3A_132 : memref<10112x32xf32, #tpu.memory_space<vmem_shared>>)
    %dma_wait3A_133 = arith.constant 0 : i32
    %dma_wait3A_134 = arith.constant 0 : i32
    %dma_wait3A_135 = tpu.memref_slice %arg6[%dma_wait3A_133, %dma_wait3A_134] : memref<40x128xi32, #tpu.memory_space<vmem>> -> memref<1x128xi32, #tpu.memory_space<vmem>>
    %dma_wait3A_136 = tpu.memref_squeeze %dma_wait3A_135 : memref<1x128xi32, #tpu.memory_space<vmem>> -> memref<128xi32, #tpu.memory_space<vmem>>
    %dma_wait3A_137 = arith.constant 0 : i32
    %dma_wait3A_138 = arith.constant 0 : i32
    %dma_wait3A_139 = tpu.memref_slice %arg17[%dma_wait3A_137, %dma_wait3A_138] : memref<10112x32xf32, #tpu.memory_space<vmem_shared>> -> memref<10112x32xf32, #tpu.memory_space<vmem_shared>>
    tpu.wait_indirect_dma semaphore(%arg32 : memref<!tpu.dma_semaphore, #tpu.memory_space<semaphore_mem>>) src(%arg11 : memref<128x32xf32, #tpu.memory_space<vmem>>) dst(%dma_wait3A_139 : memref<10112x32xf32, #tpu.memory_space<vmem_shared>>)
    %dma_wait3A_140 = arith.constant 0 : i32
    %dma_wait3A_141 = arith.constant 0 : i32
    %dma_wait3A_142 = tpu.memref_slice %arg6[%dma_wait3A_140, %dma_wait3A_141] : memref<40x128xi32, #tpu.memory_space<vmem>> -> memref<1x128xi32, #tpu.memory_space<vmem>>
    %dma_wait3A_143 = tpu.memref_squeeze %dma_wait3A_142 : memref<1x128xi32, #tpu.memory_space<vmem>> -> memref<128xi32, #tpu.memory_space<vmem>>
    %dma_wait3A_144 = arith.constant 0 : i32
    %dma_wait3A_145 = arith.constant 0 : i32
    %dma_wait3A_146 = tpu.memref_slice %arg17[%dma_wait3A_144, %dma_wait3A_145] : memref<10112x32xf32, #tpu.memory_space<vmem_shared>> -> memref<10112x32xf32, #tpu.memory_space<vmem_shared>>
    tpu.wait_indirect_dma semaphore(%arg33 : memref<!tpu.dma_semaphore, #tpu.memory_space<semaphore_mem>>) src(%arg12 : memref<128x32xf32, #tpu.memory_space<vmem>>) dst(%dma_wait3A_146 : memref<10112x32xf32, #tpu.memory_space<vmem_shared>>)
    %dma_wait3A_147 = arith.constant 0 : i32
    %dma_wait3A_148 = arith.constant 0 : i32
    %dma_wait3A_149 = tpu.memref_slice %arg6[%dma_wait3A_147, %dma_wait3A_148] : memref<40x128xi32, #tpu.memory_space<vmem>> -> memref<1x128xi32, #tpu.memory_space<vmem>>
    %dma_wait3A_150 = tpu.memref_squeeze %dma_wait3A_149 : memref<1x128xi32, #tpu.memory_space<vmem>> -> memref<128xi32, #tpu.memory_space<vmem>>
    %dma_wait3A_151 = arith.constant 0 : i32
    %dma_wait3A_152 = arith.constant 0 : i32
    %dma_wait3A_153 = tpu.memref_slice %arg17[%dma_wait3A_151, %dma_wait3A_152] : memref<10112x32xf32, #tpu.memory_space<vmem_shared>> -> memref<10112x32xf32, #tpu.memory_space<vmem_shared>>
    tpu.wait_indirect_dma semaphore(%arg34 : memref<!tpu.dma_semaphore, #tpu.memory_space<semaphore_mem>>) src(%arg13 : memref<128x32xf32, #tpu.memory_space<vmem>>) dst(%dma_wait3A_153 : memref<10112x32xf32, #tpu.memory_space<vmem_shared>>)
    %dma_wait3A_154 = arith.constant 0 : i32
    %dma_wait3A_155 = arith.constant 0 : i32
    %dma_wait3A_156 = tpu.memref_slice %arg6[%dma_wait3A_154, %dma_wait3A_155] : memref<40x128xi32, #tpu.memory_space<vmem>> -> memref<1x128xi32, #tpu.memory_space<vmem>>
    %dma_wait3A_157 = tpu.memref_squeeze %dma_wait3A_156 : memref<1x128xi32, #tpu.memory_space<vmem>> -> memref<128xi32, #tpu.memory_space<vmem>>
    %dma_wait3A_158 = arith.constant 0 : i32
    %dma_wait3A_159 = arith.constant 0 : i32
    %dma_wait3A_160 = tpu.memref_slice %arg17[%dma_wait3A_158, %dma_wait3A_159] : memref<10112x32xf32, #tpu.memory_space<vmem_shared>> -> memref<10112x32xf32, #tpu.memory_space<vmem_shared>>
    tpu.wait_indirect_dma semaphore(%arg35 : memref<!tpu.dma_semaphore, #tpu.memory_space<semaphore_mem>>) src(%arg14 : memref<128x32xf32, #tpu.memory_space<vmem>>) dst(%dma_wait3A_160 : memref<10112x32xf32, #tpu.memory_space<vmem_shared>>)
    %dma_wait3A_161 = arith.constant 0 : i32
    %dma_wait3A_162 = arith.constant 0 : i32
    %dma_wait3A_163 = tpu.memref_slice %arg6[%dma_wait3A_161, %dma_wait3A_162] : memref<40x128xi32, #tpu.memory_space<vmem>> -> memref<1x128xi32, #tpu.memory_space<vmem>>
    %dma_wait3A_164 = tpu.memref_squeeze %dma_wait3A_163 : memref<1x128xi32, #tpu.memory_space<vmem>> -> memref<128xi32, #tpu.memory_space<vmem>>
    %dma_wait3A_165 = arith.constant 0 : i32
    %dma_wait3A_166 = arith.constant 0 : i32
    %dma_wait3A_167 = tpu.memref_slice %arg17[%dma_wait3A_165, %dma_wait3A_166] : memref<10112x32xf32, #tpu.memory_space<vmem_shared>> -> memref<10112x32xf32, #tpu.memory_space<vmem_shared>>
    tpu.wait_indirect_dma semaphore(%arg36 : memref<!tpu.dma_semaphore, #tpu.memory_space<semaphore_mem>>) src(%arg15 : memref<128x32xf32, #tpu.memory_space<vmem>>) dst(%dma_wait3A_167 : memref<10112x32xf32, #tpu.memory_space<vmem_shared>>)
    %dma_wait3A_168 = arith.constant 0 : i32
    %dma_wait3A_169 = arith.constant 0 : i32
    %dma_wait3A_170 = tpu.memref_slice %arg6[%dma_wait3A_168, %dma_wait3A_169] : memref<40x128xi32, #tpu.memory_space<vmem>> -> memref<1x128xi32, #tpu.memory_space<vmem>>
    %dma_wait3A_171 = tpu.memref_squeeze %dma_wait3A_170 : memref<1x128xi32, #tpu.memory_space<vmem>> -> memref<128xi32, #tpu.memory_space<vmem>>
    %dma_wait3A_172 = arith.constant 0 : i32
    %dma_wait3A_173 = arith.constant 0 : i32
    %dma_wait3A_174 = tpu.memref_slice %arg17[%dma_wait3A_172, %dma_wait3A_173] : memref<10112x32xf32, #tpu.memory_space<vmem_shared>> -> memref<10112x32xf32, #tpu.memory_space<vmem_shared>>
    tpu.wait_indirect_dma semaphore(%arg37 : memref<!tpu.dma_semaphore, #tpu.memory_space<semaphore_mem>>) src(%arg16 : memref<128x32xf32, #tpu.memory_space<vmem>>) dst(%dma_wait3A_174 : memref<10112x32xf32, #tpu.memory_space<vmem_shared>>)
    %barrier3A_175 = arith.constant 0 : index
    tpu.barrier barrier_id(%barrier3A_175)
    %lt3A_176 = arith.constant 15 : i32
    %lt3A_177 = arith.cmpi slt, %arg1, %lt3A_176 : i32
    %convert_element_type3A_178 = arith.extui %lt3A_177 : i1 to i32
    %cond3A_179 = arith.constant 0 : i32
    %cond3A_180 = arith.cmpi ne, %convert_element_type3A_178, %cond3A_179 : i32
    scf.if %cond3A_180 {
      %mul3A_186 = arith.constant 624 : i32
      %mul3A_187 = arith.muli %arg1, %mul3A_186 : i32
      %mul3A_188 = arith.constant 10000 : i32
      %mul3A_189 = arith.muli %arg0, %mul3A_188 : i32
      %mul3A_190 = arith.constant 624 : i32
      %mul3A_191 = arith.muli %arg1, %mul3A_190 : i32
      %add3A_192 = arith.addi %mul3A_189, %mul3A_191 : i32
      "tpu.region"() ({
        %run_scoped3A = tpu.sem_alloc : memref<!tpu.dma_semaphore, #tpu.memory_space<semaphore_mem>>
        %dma_start3A_193 = arith.constant 0 : i32
        %dma_start3A_194 = tpu.memref_slice %arg4[%add3A_192, %dma_start3A_193] : memref<20000x32xf32, #tpu.memory_space<hbm>> -> memref<624x32xf32, #tpu.memory_space<hbm>>
        %dma_start3A_195 = arith.constant 0 : i32
        %dma_start3A_196 = tpu.memref_slice %arg17[%mul3A_187, %dma_start3A_195] : memref<10112x32xf32, #tpu.memory_space<vmem_shared>> -> memref<624x32xf32, #tpu.memory_space<vmem_shared>>
        tpu.enqueue_dma source(%dma_start3A_196 : memref<624x32xf32, #tpu.memory_space<vmem_shared>>) target(%dma_start3A_194 : memref<624x32xf32, #tpu.memory_space<hbm>>) target_semaphore(%run_scoped3A : memref<!tpu.dma_semaphore, #tpu.memory_space<semaphore_mem>>)
        %dma_wait3A_197 = arith.constant 0 : i32
        %dma_wait3A_198 = tpu.memref_slice %arg4[%add3A_192, %dma_wait3A_197] : memref<20000x32xf32, #tpu.memory_space<hbm>> -> memref<624x32xf32, #tpu.memory_space<hbm>>
        %dma_wait3A_199 = arith.constant 0 : i32
        %dma_wait3A_200 = tpu.memref_slice %arg17[%mul3A_187, %dma_wait3A_199] : memref<10112x32xf32, #tpu.memory_space<vmem_shared>> -> memref<624x32xf32, #tpu.memory_space<vmem_shared>>
        tpu.wait_dma2 semaphore(%run_scoped3A : memref<!tpu.dma_semaphore, #tpu.memory_space<semaphore_mem>>) src(%dma_wait3A_200 : memref<624x32xf32, #tpu.memory_space<vmem_shared>>) dst(%dma_wait3A_198 : memref<624x32xf32, #tpu.memory_space<hbm>>)
        tpu.yield
      }) : () -> ()
    } else {
    }
    %eq3A_181 = arith.constant 15 : i32
    %eq3A_182 = arith.cmpi eq, %arg1, %eq3A_181 : i32
    %convert_element_type3A_183 = arith.extui %eq3A_182 : i1 to i32
    %cond3A_184 = arith.constant 0 : i32
    %cond3A_185 = arith.cmpi ne, %convert_element_type3A_183, %cond3A_184 : i32
    scf.if %cond3A_185 {
      %mul3A_186 = arith.constant 10000 : i32
      %mul3A_187 = arith.muli %arg0, %mul3A_186 : i32
      %add3A_188 = arith.constant 9360 : i32
      %add3A_189 = arith.addi %mul3A_187, %add3A_188 : i32
      "tpu.region"() ({
        %run_scoped3A = tpu.sem_alloc : memref<!tpu.dma_semaphore, #tpu.memory_space<semaphore_mem>>
        %dma_start3A_190 = arith.constant 0 : i32
        %dma_start3A_191 = tpu.memref_slice %arg4[%add3A_189, %dma_start3A_190] : memref<20000x32xf32, #tpu.memory_space<hbm>> -> memref<640x32xf32, #tpu.memory_space<hbm>>
        %dma_start3A_192 = arith.constant 9360 : i32
        %dma_start3A_193 = arith.constant 0 : i32
        %dma_start3A_194 = tpu.memref_slice %arg17[%dma_start3A_192, %dma_start3A_193] : memref<10112x32xf32, #tpu.memory_space<vmem_shared>> -> memref<640x32xf32, #tpu.memory_space<vmem_shared>>
        tpu.enqueue_dma source(%dma_start3A_194 : memref<640x32xf32, #tpu.memory_space<vmem_shared>>) target(%dma_start3A_191 : memref<640x32xf32, #tpu.memory_space<hbm>>) target_semaphore(%run_scoped3A : memref<!tpu.dma_semaphore, #tpu.memory_space<semaphore_mem>>)
        %dma_wait3A_195 = arith.constant 0 : i32
        %dma_wait3A_196 = tpu.memref_slice %arg4[%add3A_189, %dma_wait3A_195] : memref<20000x32xf32, #tpu.memory_space<hbm>> -> memref<640x32xf32, #tpu.memory_space<hbm>>
        %dma_wait3A_197 = arith.constant 9360 : i32
        %dma_wait3A_198 = arith.constant 0 : i32
        %dma_wait3A_199 = tpu.memref_slice %arg17[%dma_wait3A_197, %dma_wait3A_198] : memref<10112x32xf32, #tpu.memory_space<vmem_shared>> -> memref<640x32xf32, #tpu.memory_space<vmem_shared>>
        tpu.wait_dma2 semaphore(%run_scoped3A : memref<!tpu.dma_semaphore, #tpu.memory_space<semaphore_mem>>) src(%dma_wait3A_199 : memref<640x32xf32, #tpu.memory_space<vmem_shared>>) dst(%dma_wait3A_196 : memref<640x32xf32, #tpu.memory_space<hbm>>)
        tpu.yield
      }) : () -> ()
    } else {
    }
    return
  }
}

#map = affine_map<(d0, d1) -> (0, 0)>
#map1 = affine_map<(d0, d1) -> (0, 0, 0)>
module attributes {stable_mosaic.version = 14 : i64} {
  func.func @agg(%arg0: i32, %arg1: i32, %arg2: memref<10000x32xf32, #tpu.memory_space<hbm>>, %arg3: memref<2x1250x128xi32, #tpu.memory_space<hbm>>, %arg4: memref<20000x32xf32, #tpu.memory_space<hbm>>, %arg5: memref<20000x16xf32, #tpu.memory_space<hbm>>, %arg6: memref<40x128xi32, #tpu.memory_space<vmem>>, %arg7: memref<40x128xi32, #tpu.memory_space<vmem>>, %arg8: memref<128x32xf32, #tpu.memory_space<vmem>>, %arg9: memref<128x32xf32, #tpu.memory_space<vmem>>, %arg10: memref<128x32xf32, #tpu.memory_space<vmem>>, %arg11: memref<128x32xf32, #tpu.memory_space<vmem>>, %arg12: memref<128x32xf32, #tpu.memory_space<vmem>>, %arg13: memref<128x32xf32, #tpu.memory_space<vmem>>, %arg14: memref<128x32xf32, #tpu.memory_space<vmem>>, %arg15: memref<128x32xf32, #tpu.memory_space<vmem>>, %arg16: memref<128x32xf32, #tpu.memory_space<vmem>>, %arg17: memref<128x32xf32, #tpu.memory_space<vmem>>, %arg18: memref<10112x32xf32, #tpu.memory_space<vmem_shared>>, %arg19: memref<!tpu.dma_semaphore, #tpu.memory_space<semaphore_mem>>, %arg20: memref<!tpu.dma_semaphore, #tpu.memory_space<semaphore_mem>>, %arg21: memref<!tpu.dma_semaphore, #tpu.memory_space<semaphore_mem>>, %arg22: memref<!tpu.dma_semaphore, #tpu.memory_space<semaphore_mem>>, %arg23: memref<!tpu.dma_semaphore, #tpu.memory_space<semaphore_mem>>, %arg24: memref<!tpu.dma_semaphore, #tpu.memory_space<semaphore_mem>>, %arg25: memref<!tpu.dma_semaphore, #tpu.memory_space<semaphore_mem>>, %arg26: memref<!tpu.dma_semaphore, #tpu.memory_space<semaphore_mem>>, %arg27: memref<!tpu.dma_semaphore, #tpu.memory_space<semaphore_mem>>, %arg28: memref<!tpu.dma_semaphore, #tpu.memory_space<semaphore_mem>>, %arg29: memref<!tpu.dma_semaphore, #tpu.memory_space<semaphore_mem>>, %arg30: memref<!tpu.dma_semaphore, #tpu.memory_space<semaphore_mem>>, %arg31: memref<!tpu.dma_semaphore, #tpu.memory_space<semaphore_mem>>, %arg32: memref<!tpu.dma_semaphore, #tpu.memory_space<semaphore_mem>>, %arg33: memref<!tpu.dma_semaphore, #tpu.memory_space<semaphore_mem>>, %arg34: memref<!tpu.dma_semaphore, #tpu.memory_space<semaphore_mem>>, %arg35: memref<!tpu.dma_semaphore, #tpu.memory_space<semaphore_mem>>, %arg36: memref<!tpu.dma_semaphore, #tpu.memory_space<semaphore_mem>>, %arg37: memref<!tpu.dma_semaphore, #tpu.memory_space<semaphore_mem>>, %arg38: memref<!tpu.dma_semaphore, #tpu.memory_space<semaphore_mem>>, %arg39: memref<128x16xf32, #tpu.memory_space<vmem>>, %arg40: memref<128x16xf32, #tpu.memory_space<vmem>>, %arg41: memref<10112x16xf32, #tpu.memory_space<vmem_shared>>, %arg42: memref<!tpu.dma_semaphore, #tpu.memory_space<semaphore_mem>>, %arg43: memref<!tpu.dma_semaphore, #tpu.memory_space<semaphore_mem>>, %arg44: memref<!tpu.dma_semaphore, #tpu.memory_space<semaphore_mem>>, %arg45: memref<!tpu.dma_semaphore, #tpu.memory_space<semaphore_mem>>, %arg46: memref<!tpu.dma_semaphore, #tpu.memory_space<semaphore_mem>>, %arg47: memref<!tpu.dma_semaphore, #tpu.memory_space<semaphore_mem>>, %arg48: memref<!tpu.dma_semaphore, #tpu.memory_space<semaphore_mem>>, %arg49: memref<!tpu.dma_semaphore, #tpu.memory_space<semaphore_mem>>, %arg50: memref<!tpu.dma_semaphore, #tpu.memory_space<semaphore_mem>>, %arg51: memref<!tpu.dma_semaphore, #tpu.memory_space<semaphore_mem>>) attributes {dimension_semantics = [#tpu.dimension_semantics<core_parallel>, #tpu.dimension_semantics<subcore_parallel>], iteration_bounds = array<i64: 2, 16>, scalar_prefetch = 0 : i64, scratch_operands = 46 : i64, tpu.core_type = #tpu.core_type<sc_vector_subcore>, window_params = [{transform_indices = #map}, {transform_indices = #map1}, {transform_indices = #map}, {transform_indices = #map}]} {
    %mul3A = arith.constant 2 : i32
    %mul3A_0 = arith.muli %arg1, %mul3A : i32
    %add3A = arith.addi %mul3A_0, %arg0 : i32
    %mul3A_1 = arith.constant 632 : i32
    %mul3A_2 = arith.muli %arg1, %mul3A_1 : i32
    %broadcast_in_dim3A = arith.constant 0.000000e+00 : f32
    %broadcast_in_dim3A_3 = vector.broadcast %broadcast_in_dim3A : f32 to vector<16xf32>
    %scan3A = arith.constant 0 : i32
    %scan3A_4 = arith.constant 0 : i32
    %scan3A_5 = arith.constant 128 : i32
    %scan3A_6 = arith.addi %scan3A_4, %scan3A_5 : i32
    %scan3A_7 = arith.constant 1 : i32
    scf.for %scan3A_266 = %scan3A_4 to %scan3A_6 step %scan3A_7  : i32 {
      %swap3A = arith.index_cast %scan3A_266 : i32 to index
      %swap3A_267 = arith.constant 0 : index
      %swap3A_268 = tpu.vector_load %arg8[%swap3A, %swap3A_267] {strides = array<i32>} : memref<128x32xf32, #tpu.memory_space<vmem>>, vector<1x16xf32>,
      %swap3A_269 = vector.shape_cast %swap3A_268 : vector<1x16xf32> to vector<16xf32>
      %swap3A_270 = vector.shape_cast %broadcast_in_dim3A_3 : vector<16xf32> to vector<1x16xf32>
      tpu.vector_store %arg8[%swap3A, %swap3A_267], %swap3A_270 {strides = array<i32>} : memref<128x32xf32, #tpu.memory_space<vmem>>, vector<1x16xf32>,
      %swap3A_271 = arith.index_cast %scan3A_266 : i32 to index
      %swap3A_272 = arith.constant 16 : index
      %swap3A_273 = tpu.vector_load %arg8[%swap3A_271, %swap3A_272] {strides = array<i32>} : memref<128x32xf32, #tpu.memory_space<vmem>>, vector<1x16xf32>,
      %swap3A_274 = vector.shape_cast %swap3A_273 : vector<1x16xf32> to vector<16xf32>
      %swap3A_275 = vector.shape_cast %broadcast_in_dim3A_3 : vector<16xf32> to vector<1x16xf32>
      tpu.vector_store %arg8[%swap3A_271, %swap3A_272], %swap3A_275 {strides = array<i32>} : memref<128x32xf32, #tpu.memory_space<vmem>>, vector<1x16xf32>,
      %broadcast_in_dim3A_276 = arith.constant 1.000000e+00 : f32
      %broadcast_in_dim3A_277 = vector.broadcast %broadcast_in_dim3A_276 : f32 to vector<16xf32>
      %swap3A_278 = arith.index_cast %scan3A_266 : i32 to index
      %swap3A_279 = arith.constant 0 : index
      %swap3A_280 = tpu.vector_load %arg39[%swap3A_278, %swap3A_279] {strides = array<i32>} : memref<128x16xf32, #tpu.memory_space<vmem>>, vector<1x16xf32>,
      %swap3A_281 = vector.shape_cast %swap3A_280 : vector<1x16xf32> to vector<16xf32>
      %swap3A_282 = vector.shape_cast %broadcast_in_dim3A_277 : vector<16xf32> to vector<1x16xf32>
      tpu.vector_store %arg39[%swap3A_278, %swap3A_279], %swap3A_282 {strides = array<i32>} : memref<128x16xf32, #tpu.memory_space<vmem>>, vector<1x16xf32>,
      %swap3A_283 = arith.index_cast %scan3A_266 : i32 to index
      %swap3A_284 = arith.constant 0 : index
      %swap3A_285 = tpu.vector_load %arg40[%swap3A_283, %swap3A_284] {strides = array<i32>} : memref<128x16xf32, #tpu.memory_space<vmem>>, vector<1x16xf32>,
      %swap3A_286 = vector.shape_cast %swap3A_285 : vector<1x16xf32> to vector<16xf32>
      %swap3A_287 = vector.shape_cast %broadcast_in_dim3A_3 : vector<16xf32> to vector<1x16xf32>
      tpu.vector_store %arg40[%swap3A_283, %swap3A_284], %swap3A_287 {strides = array<i32>} : memref<128x16xf32, #tpu.memory_space<vmem>>, vector<1x16xf32>,
    }
    %scan3A_8 = arith.constant 128 : i32
    %add3A_9 = arith.constant 0 : i32
    %add3A_10 = arith.addi %mul3A_2, %add3A_9 : i32
    "tpu.region"() ({
      %run_scoped3A = tpu.sem_alloc : memref<!tpu.dma_semaphore, #tpu.memory_space<semaphore_mem>>
      %dma_start3A_266 = arith.constant 0 : i32
      %dma_start3A_267 = tpu.memref_slice %arg18[%add3A_10, %dma_start3A_266] : memref<10112x32xf32, #tpu.memory_space<vmem_shared>> -> memref<128x32xf32, #tpu.memory_space<vmem_shared>>
      %dma_start3A_268 = arith.constant 0 : i32
      %dma_start3A_269 = tpu.memref_slice %arg18[%add3A_10, %dma_start3A_268] : memref<10112x32xf32, #tpu.memory_space<vmem_shared>> -> memref<128x32xf32, #tpu.memory_space<vmem_shared>>
      tpu.enqueue_dma source(%arg8 : memref<128x32xf32, #tpu.memory_space<vmem>>) target(%dma_start3A_269 : memref<128x32xf32, #tpu.memory_space<vmem_shared>>) target_semaphore(%run_scoped3A : memref<!tpu.dma_semaphore, #tpu.memory_space<semaphore_mem>>)
      %dma_wait3A_270 = arith.constant 0 : i32
      %dma_wait3A_271 = tpu.memref_slice %arg18[%add3A_10, %dma_wait3A_270] : memref<10112x32xf32, #tpu.memory_space<vmem_shared>> -> memref<128x32xf32, #tpu.memory_space<vmem_shared>>
      %dma_wait3A_272 = arith.constant 0 : i32
      %dma_wait3A_273 = tpu.memref_slice %arg18[%add3A_10, %dma_wait3A_272] : memref<10112x32xf32, #tpu.memory_space<vmem_shared>> -> memref<128x32xf32, #tpu.memory_space<vmem_shared>>
      tpu.wait_dma2 semaphore(%run_scoped3A : memref<!tpu.dma_semaphore, #tpu.memory_space<semaphore_mem>>) src(%arg8 : memref<128x32xf32, #tpu.memory_space<vmem>>) dst(%dma_wait3A_273 : memref<128x32xf32, #tpu.memory_space<vmem_shared>>)
      tpu.yield
    }) : () -> ()
    %add3A_11 = arith.constant 128 : i32
    %add3A_12 = arith.addi %mul3A_2, %add3A_11 : i32
    "tpu.region"() ({
      %run_scoped3A = tpu.sem_alloc : memref<!tpu.dma_semaphore, #tpu.memory_space<semaphore_mem>>
      %dma_start3A_266 = arith.constant 0 : i32
      %dma_start3A_267 = tpu.memref_slice %arg18[%add3A_12, %dma_start3A_266] : memref<10112x32xf32, #tpu.memory_space<vmem_shared>> -> memref<128x32xf32, #tpu.memory_space<vmem_shared>>
      %dma_start3A_268 = arith.constant 0 : i32
      %dma_start3A_269 = tpu.memref_slice %arg18[%add3A_12, %dma_start3A_268] : memref<10112x32xf32, #tpu.memory_space<vmem_shared>> -> memref<128x32xf32, #tpu.memory_space<vmem_shared>>
      tpu.enqueue_dma source(%arg8 : memref<128x32xf32, #tpu.memory_space<vmem>>) target(%dma_start3A_269 : memref<128x32xf32, #tpu.memory_space<vmem_shared>>) target_semaphore(%run_scoped3A : memref<!tpu.dma_semaphore, #tpu.memory_space<semaphore_mem>>)
      %dma_wait3A_270 = arith.constant 0 : i32
      %dma_wait3A_271 = tpu.memref_slice %arg18[%add3A_12, %dma_wait3A_270] : memref<10112x32xf32, #tpu.memory_space<vmem_shared>> -> memref<128x32xf32, #tpu.memory_space<vmem_shared>>
      %dma_wait3A_272 = arith.constant 0 : i32
      %dma_wait3A_273 = tpu.memref_slice %arg18[%add3A_12, %dma_wait3A_272] : memref<10112x32xf32, #tpu.memory_space<vmem_shared>> -> memref<128x32xf32, #tpu.memory_space<vmem_shared>>
      tpu.wait_dma2 semaphore(%run_scoped3A : memref<!tpu.dma_semaphore, #tpu.memory_space<semaphore_mem>>) src(%arg8 : memref<128x32xf32, #tpu.memory_space<vmem>>) dst(%dma_wait3A_273 : memref<128x32xf32, #tpu.memory_space<vmem_shared>>)
      tpu.yield
    }) : () -> ()
    %add3A_13 = arith.constant 256 : i32
    %add3A_14 = arith.addi %mul3A_2, %add3A_13 : i32
    "tpu.region"() ({
      %run_scoped3A = tpu.sem_alloc : memref<!tpu.dma_semaphore, #tpu.memory_space<semaphore_mem>>
      %dma_start3A_266 = arith.constant 0 : i32
      %dma_start3A_267 = tpu.memref_slice %arg18[%add3A_14, %dma_start3A_266] : memref<10112x32xf32, #tpu.memory_space<vmem_shared>> -> memref<128x32xf32, #tpu.memory_space<vmem_shared>>
      %dma_start3A_268 = arith.constant 0 : i32
      %dma_start3A_269 = tpu.memref_slice %arg18[%add3A_14, %dma_start3A_268] : memref<10112x32xf32, #tpu.memory_space<vmem_shared>> -> memref<128x32xf32, #tpu.memory_space<vmem_shared>>
      tpu.enqueue_dma source(%arg8 : memref<128x32xf32, #tpu.memory_space<vmem>>) target(%dma_start3A_269 : memref<128x32xf32, #tpu.memory_space<vmem_shared>>) target_semaphore(%run_scoped3A : memref<!tpu.dma_semaphore, #tpu.memory_space<semaphore_mem>>)
      %dma_wait3A_270 = arith.constant 0 : i32
      %dma_wait3A_271 = tpu.memref_slice %arg18[%add3A_14, %dma_wait3A_270] : memref<10112x32xf32, #tpu.memory_space<vmem_shared>> -> memref<128x32xf32, #tpu.memory_space<vmem_shared>>
      %dma_wait3A_272 = arith.constant 0 : i32
      %dma_wait3A_273 = tpu.memref_slice %arg18[%add3A_14, %dma_wait3A_272] : memref<10112x32xf32, #tpu.memory_space<vmem_shared>> -> memref<128x32xf32, #tpu.memory_space<vmem_shared>>
      tpu.wait_dma2 semaphore(%run_scoped3A : memref<!tpu.dma_semaphore, #tpu.memory_space<semaphore_mem>>) src(%arg8 : memref<128x32xf32, #tpu.memory_space<vmem>>) dst(%dma_wait3A_273 : memref<128x32xf32, #tpu.memory_space<vmem_shared>>)
      tpu.yield
    }) : () -> ()
    %add3A_15 = arith.constant 384 : i32
    %add3A_16 = arith.addi %mul3A_2, %add3A_15 : i32
    "tpu.region"() ({
      %run_scoped3A = tpu.sem_alloc : memref<!tpu.dma_semaphore, #tpu.memory_space<semaphore_mem>>
      %dma_start3A_266 = arith.constant 0 : i32
      %dma_start3A_267 = tpu.memref_slice %arg18[%add3A_16, %dma_start3A_266] : memref<10112x32xf32, #tpu.memory_space<vmem_shared>> -> memref<128x32xf32, #tpu.memory_space<vmem_shared>>
      %dma_start3A_268 = arith.constant 0 : i32
      %dma_start3A_269 = tpu.memref_slice %arg18[%add3A_16, %dma_start3A_268] : memref<10112x32xf32, #tpu.memory_space<vmem_shared>> -> memref<128x32xf32, #tpu.memory_space<vmem_shared>>
      tpu.enqueue_dma source(%arg8 : memref<128x32xf32, #tpu.memory_space<vmem>>) target(%dma_start3A_269 : memref<128x32xf32, #tpu.memory_space<vmem_shared>>) target_semaphore(%run_scoped3A : memref<!tpu.dma_semaphore, #tpu.memory_space<semaphore_mem>>)
      %dma_wait3A_270 = arith.constant 0 : i32
      %dma_wait3A_271 = tpu.memref_slice %arg18[%add3A_16, %dma_wait3A_270] : memref<10112x32xf32, #tpu.memory_space<vmem_shared>> -> memref<128x32xf32, #tpu.memory_space<vmem_shared>>
      %dma_wait3A_272 = arith.constant 0 : i32
      %dma_wait3A_273 = tpu.memref_slice %arg18[%add3A_16, %dma_wait3A_272] : memref<10112x32xf32, #tpu.memory_space<vmem_shared>> -> memref<128x32xf32, #tpu.memory_space<vmem_shared>>
      tpu.wait_dma2 semaphore(%run_scoped3A : memref<!tpu.dma_semaphore, #tpu.memory_space<semaphore_mem>>) src(%arg8 : memref<128x32xf32, #tpu.memory_space<vmem>>) dst(%dma_wait3A_273 : memref<128x32xf32, #tpu.memory_space<vmem_shared>>)
      tpu.yield
    }) : () -> ()
    %add3A_17 = arith.constant 512 : i32
    %add3A_18 = arith.addi %mul3A_2, %add3A_17 : i32
    "tpu.region"() ({
      %run_scoped3A = tpu.sem_alloc : memref<!tpu.dma_semaphore, #tpu.memory_space<semaphore_mem>>
      %dma_start3A_266 = arith.constant 0 : i32
      %dma_start3A_267 = arith.constant 0 : i32
      %dma_start3A_268 = tpu.memref_slice %arg8[%dma_start3A_266, %dma_start3A_267] : memref<128x32xf32, #tpu.memory_space<vmem>> -> memref<120x32xf32, #tpu.memory_space<vmem>>
      %dma_start3A_269 = arith.constant 0 : i32
      %dma_start3A_270 = tpu.memref_slice %arg18[%add3A_18, %dma_start3A_269] : memref<10112x32xf32, #tpu.memory_space<vmem_shared>> -> memref<120x32xf32, #tpu.memory_space<vmem_shared>>
      %dma_start3A_271 = arith.constant 0 : i32
      %dma_start3A_272 = tpu.memref_slice %arg18[%add3A_18, %dma_start3A_271] : memref<10112x32xf32, #tpu.memory_space<vmem_shared>> -> memref<120x32xf32, #tpu.memory_space<vmem_shared>>
      %dma_start3A_273 = arith.constant 0 : i32
      %dma_start3A_274 = arith.constant 0 : i32
      %dma_start3A_275 = tpu.memref_slice %arg8[%dma_start3A_273, %dma_start3A_274] : memref<128x32xf32, #tpu.memory_space<vmem>> -> memref<120x32xf32, #tpu.memory_space<vmem>>
      tpu.enqueue_dma source(%dma_start3A_275 : memref<120x32xf32, #tpu.memory_space<vmem>>) target(%dma_start3A_272 : memref<120x32xf32, #tpu.memory_space<vmem_shared>>) target_semaphore(%run_scoped3A : memref<!tpu.dma_semaphore, #tpu.memory_space<semaphore_mem>>)
      %dma_wait3A_276 = arith.constant 0 : i32
      %dma_wait3A_277 = arith.constant 0 : i32
      %dma_wait3A_278 = tpu.memref_slice %arg8[%dma_wait3A_276, %dma_wait3A_277] : memref<128x32xf32, #tpu.memory_space<vmem>> -> memref<120x32xf32, #tpu.memory_space<vmem>>
      %dma_wait3A_279 = arith.constant 0 : i32
      %dma_wait3A_280 = tpu.memref_slice %arg18[%add3A_18, %dma_wait3A_279] : memref<10112x32xf32, #tpu.memory_space<vmem_shared>> -> memref<120x32xf32, #tpu.memory_space<vmem_shared>>
      %dma_wait3A_281 = arith.constant 0 : i32
      %dma_wait3A_282 = tpu.memref_slice %arg18[%add3A_18, %dma_wait3A_281] : memref<10112x32xf32, #tpu.memory_space<vmem_shared>> -> memref<120x32xf32, #tpu.memory_space<vmem_shared>>
      %dma_wait3A_283 = arith.constant 0 : i32
      %dma_wait3A_284 = arith.constant 0 : i32
      %dma_wait3A_285 = tpu.memref_slice %arg8[%dma_wait3A_283, %dma_wait3A_284] : memref<128x32xf32, #tpu.memory_space<vmem>> -> memref<120x32xf32, #tpu.memory_space<vmem>>
      tpu.wait_dma2 semaphore(%run_scoped3A : memref<!tpu.dma_semaphore, #tpu.memory_space<semaphore_mem>>) src(%dma_wait3A_285 : memref<120x32xf32, #tpu.memory_space<vmem>>) dst(%dma_wait3A_282 : memref<120x32xf32, #tpu.memory_space<vmem_shared>>)
      tpu.yield
    }) : () -> ()
    %add3A_19 = arith.constant 0 : i32
    %add3A_20 = arith.addi %mul3A_2, %add3A_19 : i32
    "tpu.region"() ({
      %run_scoped3A = tpu.sem_alloc : memref<!tpu.dma_semaphore, #tpu.memory_space<semaphore_mem>>
      %dma_start3A_266 = arith.constant 0 : i32
      %dma_start3A_267 = tpu.memref_slice %arg41[%add3A_20, %dma_start3A_266] : memref<10112x16xf32, #tpu.memory_space<vmem_shared>> -> memref<128x16xf32, #tpu.memory_space<vmem_shared>>
      %dma_start3A_268 = arith.constant 0 : i32
      %dma_start3A_269 = tpu.memref_slice %arg41[%add3A_20, %dma_start3A_268] : memref<10112x16xf32, #tpu.memory_space<vmem_shared>> -> memref<128x16xf32, #tpu.memory_space<vmem_shared>>
      tpu.enqueue_dma source(%arg40 : memref<128x16xf32, #tpu.memory_space<vmem>>) target(%dma_start3A_269 : memref<128x16xf32, #tpu.memory_space<vmem_shared>>) target_semaphore(%run_scoped3A : memref<!tpu.dma_semaphore, #tpu.memory_space<semaphore_mem>>)
      %dma_wait3A_270 = arith.constant 0 : i32
      %dma_wait3A_271 = tpu.memref_slice %arg41[%add3A_20, %dma_wait3A_270] : memref<10112x16xf32, #tpu.memory_space<vmem_shared>> -> memref<128x16xf32, #tpu.memory_space<vmem_shared>>
      %dma_wait3A_272 = arith.constant 0 : i32
      %dma_wait3A_273 = tpu.memref_slice %arg41[%add3A_20, %dma_wait3A_272] : memref<10112x16xf32, #tpu.memory_space<vmem_shared>> -> memref<128x16xf32, #tpu.memory_space<vmem_shared>>
      tpu.wait_dma2 semaphore(%run_scoped3A : memref<!tpu.dma_semaphore, #tpu.memory_space<semaphore_mem>>) src(%arg40 : memref<128x16xf32, #tpu.memory_space<vmem>>) dst(%dma_wait3A_273 : memref<128x16xf32, #tpu.memory_space<vmem_shared>>)
      tpu.yield
    }) : () -> ()
    %add3A_21 = arith.constant 128 : i32
    %add3A_22 = arith.addi %mul3A_2, %add3A_21 : i32
    "tpu.region"() ({
      %run_scoped3A = tpu.sem_alloc : memref<!tpu.dma_semaphore, #tpu.memory_space<semaphore_mem>>
      %dma_start3A_266 = arith.constant 0 : i32
      %dma_start3A_267 = tpu.memref_slice %arg41[%add3A_22, %dma_start3A_266] : memref<10112x16xf32, #tpu.memory_space<vmem_shared>> -> memref<128x16xf32, #tpu.memory_space<vmem_shared>>
      %dma_start3A_268 = arith.constant 0 : i32
      %dma_start3A_269 = tpu.memref_slice %arg41[%add3A_22, %dma_start3A_268] : memref<10112x16xf32, #tpu.memory_space<vmem_shared>> -> memref<128x16xf32, #tpu.memory_space<vmem_shared>>
      tpu.enqueue_dma source(%arg40 : memref<128x16xf32, #tpu.memory_space<vmem>>) target(%dma_start3A_269 : memref<128x16xf32, #tpu.memory_space<vmem_shared>>) target_semaphore(%run_scoped3A : memref<!tpu.dma_semaphore, #tpu.memory_space<semaphore_mem>>)
      %dma_wait3A_270 = arith.constant 0 : i32
      %dma_wait3A_271 = tpu.memref_slice %arg41[%add3A_22, %dma_wait3A_270] : memref<10112x16xf32, #tpu.memory_space<vmem_shared>> -> memref<128x16xf32, #tpu.memory_space<vmem_shared>>
      %dma_wait3A_272 = arith.constant 0 : i32
      %dma_wait3A_273 = tpu.memref_slice %arg41[%add3A_22, %dma_wait3A_272] : memref<10112x16xf32, #tpu.memory_space<vmem_shared>> -> memref<128x16xf32, #tpu.memory_space<vmem_shared>>
      tpu.wait_dma2 semaphore(%run_scoped3A : memref<!tpu.dma_semaphore, #tpu.memory_space<semaphore_mem>>) src(%arg40 : memref<128x16xf32, #tpu.memory_space<vmem>>) dst(%dma_wait3A_273 : memref<128x16xf32, #tpu.memory_space<vmem_shared>>)
      tpu.yield
    }) : () -> ()
    %add3A_23 = arith.constant 256 : i32
    %add3A_24 = arith.addi %mul3A_2, %add3A_23 : i32
    "tpu.region"() ({
      %run_scoped3A = tpu.sem_alloc : memref<!tpu.dma_semaphore, #tpu.memory_space<semaphore_mem>>
      %dma_start3A_266 = arith.constant 0 : i32
      %dma_start3A_267 = tpu.memref_slice %arg41[%add3A_24, %dma_start3A_266] : memref<10112x16xf32, #tpu.memory_space<vmem_shared>> -> memref<128x16xf32, #tpu.memory_space<vmem_shared>>
      %dma_start3A_268 = arith.constant 0 : i32
      %dma_start3A_269 = tpu.memref_slice %arg41[%add3A_24, %dma_start3A_268] : memref<10112x16xf32, #tpu.memory_space<vmem_shared>> -> memref<128x16xf32, #tpu.memory_space<vmem_shared>>
      tpu.enqueue_dma source(%arg40 : memref<128x16xf32, #tpu.memory_space<vmem>>) target(%dma_start3A_269 : memref<128x16xf32, #tpu.memory_space<vmem_shared>>) target_semaphore(%run_scoped3A : memref<!tpu.dma_semaphore, #tpu.memory_space<semaphore_mem>>)
      %dma_wait3A_270 = arith.constant 0 : i32
      %dma_wait3A_271 = tpu.memref_slice %arg41[%add3A_24, %dma_wait3A_270] : memref<10112x16xf32, #tpu.memory_space<vmem_shared>> -> memref<128x16xf32, #tpu.memory_space<vmem_shared>>
      %dma_wait3A_272 = arith.constant 0 : i32
      %dma_wait3A_273 = tpu.memref_slice %arg41[%add3A_24, %dma_wait3A_272] : memref<10112x16xf32, #tpu.memory_space<vmem_shared>> -> memref<128x16xf32, #tpu.memory_space<vmem_shared>>
      tpu.wait_dma2 semaphore(%run_scoped3A : memref<!tpu.dma_semaphore, #tpu.memory_space<semaphore_mem>>) src(%arg40 : memref<128x16xf32, #tpu.memory_space<vmem>>) dst(%dma_wait3A_273 : memref<128x16xf32, #tpu.memory_space<vmem_shared>>)
      tpu.yield
    }) : () -> ()
    %add3A_25 = arith.constant 384 : i32
    %add3A_26 = arith.addi %mul3A_2, %add3A_25 : i32
    "tpu.region"() ({
      %run_scoped3A = tpu.sem_alloc : memref<!tpu.dma_semaphore, #tpu.memory_space<semaphore_mem>>
      %dma_start3A_266 = arith.constant 0 : i32
      %dma_start3A_267 = tpu.memref_slice %arg41[%add3A_26, %dma_start3A_266] : memref<10112x16xf32, #tpu.memory_space<vmem_shared>> -> memref<128x16xf32, #tpu.memory_space<vmem_shared>>
      %dma_start3A_268 = arith.constant 0 : i32
      %dma_start3A_269 = tpu.memref_slice %arg41[%add3A_26, %dma_start3A_268] : memref<10112x16xf32, #tpu.memory_space<vmem_shared>> -> memref<128x16xf32, #tpu.memory_space<vmem_shared>>
      tpu.enqueue_dma source(%arg40 : memref<128x16xf32, #tpu.memory_space<vmem>>) target(%dma_start3A_269 : memref<128x16xf32, #tpu.memory_space<vmem_shared>>) target_semaphore(%run_scoped3A : memref<!tpu.dma_semaphore, #tpu.memory_space<semaphore_mem>>)
      %dma_wait3A_270 = arith.constant 0 : i32
      %dma_wait3A_271 = tpu.memref_slice %arg41[%add3A_26, %dma_wait3A_270] : memref<10112x16xf32, #tpu.memory_space<vmem_shared>> -> memref<128x16xf32, #tpu.memory_space<vmem_shared>>
      %dma_wait3A_272 = arith.constant 0 : i32
      %dma_wait3A_273 = tpu.memref_slice %arg41[%add3A_26, %dma_wait3A_272] : memref<10112x16xf32, #tpu.memory_space<vmem_shared>> -> memref<128x16xf32, #tpu.memory_space<vmem_shared>>
      tpu.wait_dma2 semaphore(%run_scoped3A : memref<!tpu.dma_semaphore, #tpu.memory_space<semaphore_mem>>) src(%arg40 : memref<128x16xf32, #tpu.memory_space<vmem>>) dst(%dma_wait3A_273 : memref<128x16xf32, #tpu.memory_space<vmem_shared>>)
      tpu.yield
    }) : () -> ()
    %add3A_27 = arith.constant 512 : i32
    %add3A_28 = arith.addi %mul3A_2, %add3A_27 : i32
    "tpu.region"() ({
      %run_scoped3A = tpu.sem_alloc : memref<!tpu.dma_semaphore, #tpu.memory_space<semaphore_mem>>
      %dma_start3A_266 = arith.constant 0 : i32
      %dma_start3A_267 = arith.constant 0 : i32
      %dma_start3A_268 = tpu.memref_slice %arg40[%dma_start3A_266, %dma_start3A_267] : memref<128x16xf32, #tpu.memory_space<vmem>> -> memref<120x16xf32, #tpu.memory_space<vmem>>
      %dma_start3A_269 = arith.constant 0 : i32
      %dma_start3A_270 = tpu.memref_slice %arg41[%add3A_28, %dma_start3A_269] : memref<10112x16xf32, #tpu.memory_space<vmem_shared>> -> memref<120x16xf32, #tpu.memory_space<vmem_shared>>
      %dma_start3A_271 = arith.constant 0 : i32
      %dma_start3A_272 = tpu.memref_slice %arg41[%add3A_28, %dma_start3A_271] : memref<10112x16xf32, #tpu.memory_space<vmem_shared>> -> memref<120x16xf32, #tpu.memory_space<vmem_shared>>
      %dma_start3A_273 = arith.constant 0 : i32
      %dma_start3A_274 = arith.constant 0 : i32
      %dma_start3A_275 = tpu.memref_slice %arg40[%dma_start3A_273, %dma_start3A_274] : memref<128x16xf32, #tpu.memory_space<vmem>> -> memref<120x16xf32, #tpu.memory_space<vmem>>
      tpu.enqueue_dma source(%dma_start3A_275 : memref<120x16xf32, #tpu.memory_space<vmem>>) target(%dma_start3A_272 : memref<120x16xf32, #tpu.memory_space<vmem_shared>>) target_semaphore(%run_scoped3A : memref<!tpu.dma_semaphore, #tpu.memory_space<semaphore_mem>>)
      %dma_wait3A_276 = arith.constant 0 : i32
      %dma_wait3A_277 = arith.constant 0 : i32
      %dma_wait3A_278 = tpu.memref_slice %arg40[%dma_wait3A_276, %dma_wait3A_277] : memref<128x16xf32, #tpu.memory_space<vmem>> -> memref<120x16xf32, #tpu.memory_space<vmem>>
      %dma_wait3A_279 = arith.constant 0 : i32
      %dma_wait3A_280 = tpu.memref_slice %arg41[%add3A_28, %dma_wait3A_279] : memref<10112x16xf32, #tpu.memory_space<vmem_shared>> -> memref<120x16xf32, #tpu.memory_space<vmem_shared>>
      %dma_wait3A_281 = arith.constant 0 : i32
      %dma_wait3A_282 = tpu.memref_slice %arg41[%add3A_28, %dma_wait3A_281] : memref<10112x16xf32, #tpu.memory_space<vmem_shared>> -> memref<120x16xf32, #tpu.memory_space<vmem_shared>>
      %dma_wait3A_283 = arith.constant 0 : i32
      %dma_wait3A_284 = arith.constant 0 : i32
      %dma_wait3A_285 = tpu.memref_slice %arg40[%dma_wait3A_283, %dma_wait3A_284] : memref<128x16xf32, #tpu.memory_space<vmem>> -> memref<120x16xf32, #tpu.memory_space<vmem>>
      tpu.wait_dma2 semaphore(%run_scoped3A : memref<!tpu.dma_semaphore, #tpu.memory_space<semaphore_mem>>) src(%dma_wait3A_285 : memref<120x16xf32, #tpu.memory_space<vmem>>) dst(%dma_wait3A_282 : memref<120x16xf32, #tpu.memory_space<vmem_shared>>)
      tpu.yield
    }) : () -> ()
    %lt3A = arith.constant 31 : i32
    %lt3A_29 = arith.cmpi slt, %add3A, %lt3A : i32
    %convert_element_type3A = arith.extui %lt3A_29 : i1 to i32
    %cond3A = arith.constant 0 : i32
    %cond3A_30 = arith.cmpi ne, %convert_element_type3A, %cond3A : i32
    scf.if %cond3A_30 {
      %mul3A_266 = arith.constant 40 : i32
      %mul3A_267 = arith.muli %add3A, %mul3A_266 : i32
      %run_scoped3A = arith.constant 0 : i32
      "tpu.region"() ({
        %run_scoped3A_271 = tpu.sem_alloc : memref<!tpu.dma_semaphore, #tpu.memory_space<semaphore_mem>>
        %dma_start3A_272 = arith.constant 0 : i32
        %dma_start3A_273 = tpu.memref_slice %arg3[%run_scoped3A, %mul3A_267, %dma_start3A_272] : memref<2x1250x128xi32, #tpu.memory_space<hbm>> -> memref<1x40x128xi32, #tpu.memory_space<hbm>>
        %dma_start3A_274 = tpu.memref_squeeze %dma_start3A_273 : memref<1x40x128xi32, #tpu.memory_space<hbm>> -> memref<40x128xi32, #tpu.memory_space<hbm>>
        %dma_start3A_275 = arith.constant 0 : i32
        %dma_start3A_276 = tpu.memref_slice %arg3[%run_scoped3A, %mul3A_267, %dma_start3A_275] : memref<2x1250x128xi32, #tpu.memory_space<hbm>> -> memref<1x40x128xi32, #tpu.memory_space<hbm>>
        %dma_start3A_277 = tpu.memref_squeeze %dma_start3A_276 : memref<1x40x128xi32, #tpu.memory_space<hbm>> -> memref<40x128xi32, #tpu.memory_space<hbm>>
        tpu.enqueue_dma source(%dma_start3A_277 : memref<40x128xi32, #tpu.memory_space<hbm>>) target(%arg6 : memref<40x128xi32, #tpu.memory_space<vmem>>) target_semaphore(%run_scoped3A_271 : memref<!tpu.dma_semaphore, #tpu.memory_space<semaphore_mem>>)
        %dma_wait3A_278 = arith.constant 0 : i32
        %dma_wait3A_279 = tpu.memref_slice %arg3[%run_scoped3A, %mul3A_267, %dma_wait3A_278] : memref<2x1250x128xi32, #tpu.memory_space<hbm>> -> memref<1x40x128xi32, #tpu.memory_space<hbm>>
        %dma_wait3A_280 = tpu.memref_squeeze %dma_wait3A_279 : memref<1x40x128xi32, #tpu.memory_space<hbm>> -> memref<40x128xi32, #tpu.memory_space<hbm>>
        %dma_wait3A_281 = arith.constant 0 : i32
        %dma_wait3A_282 = tpu.memref_slice %arg3[%run_scoped3A, %mul3A_267, %dma_wait3A_281] : memref<2x1250x128xi32, #tpu.memory_space<hbm>> -> memref<1x40x128xi32, #tpu.memory_space<hbm>>
        %dma_wait3A_283 = tpu.memref_squeeze %dma_wait3A_282 : memref<1x40x128xi32, #tpu.memory_space<hbm>> -> memref<40x128xi32, #tpu.memory_space<hbm>>
        tpu.wait_dma2 semaphore(%run_scoped3A_271 : memref<!tpu.dma_semaphore, #tpu.memory_space<semaphore_mem>>) src(%dma_wait3A_283 : memref<40x128xi32, #tpu.memory_space<hbm>>) dst(%arg6 : memref<40x128xi32, #tpu.memory_space<vmem>>)
        tpu.yield
      }) : () -> ()
      %mul3A_268 = arith.constant 40 : i32
      %mul3A_269 = arith.muli %add3A, %mul3A_268 : i32
      %run_scoped3A_270 = arith.constant 1 : i32
      "tpu.region"() ({
        %run_scoped3A_271 = tpu.sem_alloc : memref<!tpu.dma_semaphore, #tpu.memory_space<semaphore_mem>>
        %dma_start3A_272 = arith.constant 0 : i32
        %dma_start3A_273 = tpu.memref_slice %arg3[%run_scoped3A_270, %mul3A_269, %dma_start3A_272] : memref<2x1250x128xi32, #tpu.memory_space<hbm>> -> memref<1x40x128xi32, #tpu.memory_space<hbm>>
        %dma_start3A_274 = tpu.memref_squeeze %dma_start3A_273 : memref<1x40x128xi32, #tpu.memory_space<hbm>> -> memref<40x128xi32, #tpu.memory_space<hbm>>
        %dma_start3A_275 = arith.constant 0 : i32
        %dma_start3A_276 = tpu.memref_slice %arg3[%run_scoped3A_270, %mul3A_269, %dma_start3A_275] : memref<2x1250x128xi32, #tpu.memory_space<hbm>> -> memref<1x40x128xi32, #tpu.memory_space<hbm>>
        %dma_start3A_277 = tpu.memref_squeeze %dma_start3A_276 : memref<1x40x128xi32, #tpu.memory_space<hbm>> -> memref<40x128xi32, #tpu.memory_space<hbm>>
        tpu.enqueue_dma source(%dma_start3A_277 : memref<40x128xi32, #tpu.memory_space<hbm>>) target(%arg7 : memref<40x128xi32, #tpu.memory_space<vmem>>) target_semaphore(%run_scoped3A_271 : memref<!tpu.dma_semaphore, #tpu.memory_space<semaphore_mem>>)
        %dma_wait3A_278 = arith.constant 0 : i32
        %dma_wait3A_279 = tpu.memref_slice %arg3[%run_scoped3A_270, %mul3A_269, %dma_wait3A_278] : memref<2x1250x128xi32, #tpu.memory_space<hbm>> -> memref<1x40x128xi32, #tpu.memory_space<hbm>>
        %dma_wait3A_280 = tpu.memref_squeeze %dma_wait3A_279 : memref<1x40x128xi32, #tpu.memory_space<hbm>> -> memref<40x128xi32, #tpu.memory_space<hbm>>
        %dma_wait3A_281 = arith.constant 0 : i32
        %dma_wait3A_282 = tpu.memref_slice %arg3[%run_scoped3A_270, %mul3A_269, %dma_wait3A_281] : memref<2x1250x128xi32, #tpu.memory_space<hbm>> -> memref<1x40x128xi32, #tpu.memory_space<hbm>>
        %dma_wait3A_283 = tpu.memref_squeeze %dma_wait3A_282 : memref<1x40x128xi32, #tpu.memory_space<hbm>> -> memref<40x128xi32, #tpu.memory_space<hbm>>
        tpu.wait_dma2 semaphore(%run_scoped3A_271 : memref<!tpu.dma_semaphore, #tpu.memory_space<semaphore_mem>>) src(%dma_wait3A_283 : memref<40x128xi32, #tpu.memory_space<hbm>>) dst(%arg7 : memref<40x128xi32, #tpu.memory_space<vmem>>)
        tpu.yield
      }) : () -> ()
    } else {
    }
    %eq3A = arith.constant 31 : i32
    %eq3A_31 = arith.cmpi eq, %add3A, %eq3A : i32
    %convert_element_type3A_32 = arith.extui %eq3A_31 : i1 to i32
    %cond3A_33 = arith.constant 0 : i32
    %cond3A_34 = arith.cmpi ne, %convert_element_type3A_32, %cond3A_33 : i32
    scf.if %cond3A_34 {
      %run_scoped3A = arith.constant 0 : i32
      "tpu.region"() ({
        %run_scoped3A_267 = tpu.sem_alloc : memref<!tpu.dma_semaphore, #tpu.memory_space<semaphore_mem>>
        %dma_start3A_268 = arith.constant 0 : i32
        %dma_start3A_269 = arith.constant 0 : i32
        %dma_start3A_270 = tpu.memref_slice %arg6[%dma_start3A_268, %dma_start3A_269] : memref<40x128xi32, #tpu.memory_space<vmem>> -> memref<10x128xi32, #tpu.memory_space<vmem>>
        %dma_start3A_271 = arith.constant 1240 : i32
        %dma_start3A_272 = arith.constant 0 : i32
        %dma_start3A_273 = tpu.memref_slice %arg3[%run_scoped3A, %dma_start3A_271, %dma_start3A_272] : memref<2x1250x128xi32, #tpu.memory_space<hbm>> -> memref<1x10x128xi32, #tpu.memory_space<hbm>>
        %dma_start3A_274 = tpu.memref_squeeze %dma_start3A_273 : memref<1x10x128xi32, #tpu.memory_space<hbm>> -> memref<10x128xi32, #tpu.memory_space<hbm>>
        %dma_start3A_275 = arith.constant 0 : i32
        %dma_start3A_276 = arith.constant 0 : i32
        %dma_start3A_277 = tpu.memref_slice %arg6[%dma_start3A_275, %dma_start3A_276] : memref<40x128xi32, #tpu.memory_space<vmem>> -> memref<10x128xi32, #tpu.memory_space<vmem>>
        %dma_start3A_278 = arith.constant 1240 : i32
        %dma_start3A_279 = arith.constant 0 : i32
        %dma_start3A_280 = tpu.memref_slice %arg3[%run_scoped3A, %dma_start3A_278, %dma_start3A_279] : memref<2x1250x128xi32, #tpu.memory_space<hbm>> -> memref<1x10x128xi32, #tpu.memory_space<hbm>>
        %dma_start3A_281 = tpu.memref_squeeze %dma_start3A_280 : memref<1x10x128xi32, #tpu.memory_space<hbm>> -> memref<10x128xi32, #tpu.memory_space<hbm>>
        tpu.enqueue_dma source(%dma_start3A_281 : memref<10x128xi32, #tpu.memory_space<hbm>>) target(%dma_start3A_277 : memref<10x128xi32, #tpu.memory_space<vmem>>) target_semaphore(%run_scoped3A_267 : memref<!tpu.dma_semaphore, #tpu.memory_space<semaphore_mem>>)
        %dma_wait3A_282 = arith.constant 0 : i32
        %dma_wait3A_283 = arith.constant 0 : i32
        %dma_wait3A_284 = tpu.memref_slice %arg6[%dma_wait3A_282, %dma_wait3A_283] : memref<40x128xi32, #tpu.memory_space<vmem>> -> memref<10x128xi32, #tpu.memory_space<vmem>>
        %dma_wait3A_285 = arith.constant 1240 : i32
        %dma_wait3A_286 = arith.constant 0 : i32
        %dma_wait3A_287 = tpu.memref_slice %arg3[%run_scoped3A, %dma_wait3A_285, %dma_wait3A_286] : memref<2x1250x128xi32, #tpu.memory_space<hbm>> -> memref<1x10x128xi32, #tpu.memory_space<hbm>>
        %dma_wait3A_288 = tpu.memref_squeeze %dma_wait3A_287 : memref<1x10x128xi32, #tpu.memory_space<hbm>> -> memref<10x128xi32, #tpu.memory_space<hbm>>
        %dma_wait3A_289 = arith.constant 0 : i32
        %dma_wait3A_290 = arith.constant 0 : i32
        %dma_wait3A_291 = tpu.memref_slice %arg6[%dma_wait3A_289, %dma_wait3A_290] : memref<40x128xi32, #tpu.memory_space<vmem>> -> memref<10x128xi32, #tpu.memory_space<vmem>>
        %dma_wait3A_292 = arith.constant 1240 : i32
        %dma_wait3A_293 = arith.constant 0 : i32
        %dma_wait3A_294 = tpu.memref_slice %arg3[%run_scoped3A, %dma_wait3A_292, %dma_wait3A_293] : memref<2x1250x128xi32, #tpu.memory_space<hbm>> -> memref<1x10x128xi32, #tpu.memory_space<hbm>>
        %dma_wait3A_295 = tpu.memref_squeeze %dma_wait3A_294 : memref<1x10x128xi32, #tpu.memory_space<hbm>> -> memref<10x128xi32, #tpu.memory_space<hbm>>
        tpu.wait_dma2 semaphore(%run_scoped3A_267 : memref<!tpu.dma_semaphore, #tpu.memory_space<semaphore_mem>>) src(%dma_wait3A_295 : memref<10x128xi32, #tpu.memory_space<hbm>>) dst(%dma_wait3A_291 : memref<10x128xi32, #tpu.memory_space<vmem>>)
        tpu.yield
      }) : () -> ()
      %run_scoped3A_266 = arith.constant 1 : i32
      "tpu.region"() ({
        %run_scoped3A_267 = tpu.sem_alloc : memref<!tpu.dma_semaphore, #tpu.memory_space<semaphore_mem>>
        %dma_start3A_268 = arith.constant 0 : i32
        %dma_start3A_269 = arith.constant 0 : i32
        %dma_start3A_270 = tpu.memref_slice %arg7[%dma_start3A_268, %dma_start3A_269] : memref<40x128xi32, #tpu.memory_space<vmem>> -> memref<10x128xi32, #tpu.memory_space<vmem>>
        %dma_start3A_271 = arith.constant 1240 : i32
        %dma_start3A_272 = arith.constant 0 : i32
        %dma_start3A_273 = tpu.memref_slice %arg3[%run_scoped3A_266, %dma_start3A_271, %dma_start3A_272] : memref<2x1250x128xi32, #tpu.memory_space<hbm>> -> memref<1x10x128xi32, #tpu.memory_space<hbm>>
        %dma_start3A_274 = tpu.memref_squeeze %dma_start3A_273 : memref<1x10x128xi32, #tpu.memory_space<hbm>> -> memref<10x128xi32, #tpu.memory_space<hbm>>
        %dma_start3A_275 = arith.constant 0 : i32
        %dma_start3A_276 = arith.constant 0 : i32
        %dma_start3A_277 = tpu.memref_slice %arg7[%dma_start3A_275, %dma_start3A_276] : memref<40x128xi32, #tpu.memory_space<vmem>> -> memref<10x128xi32, #tpu.memory_space<vmem>>
        %dma_start3A_278 = arith.constant 1240 : i32
        %dma_start3A_279 = arith.constant 0 : i32
        %dma_start3A_280 = tpu.memref_slice %arg3[%run_scoped3A_266, %dma_start3A_278, %dma_start3A_279] : memref<2x1250x128xi32, #tpu.memory_space<hbm>> -> memref<1x10x128xi32, #tpu.memory_space<hbm>>
        %dma_start3A_281 = tpu.memref_squeeze %dma_start3A_280 : memref<1x10x128xi32, #tpu.memory_space<hbm>> -> memref<10x128xi32, #tpu.memory_space<hbm>>
        tpu.enqueue_dma source(%dma_start3A_281 : memref<10x128xi32, #tpu.memory_space<hbm>>) target(%dma_start3A_277 : memref<10x128xi32, #tpu.memory_space<vmem>>) target_semaphore(%run_scoped3A_267 : memref<!tpu.dma_semaphore, #tpu.memory_space<semaphore_mem>>)
        %dma_wait3A_282 = arith.constant 0 : i32
        %dma_wait3A_283 = arith.constant 0 : i32
        %dma_wait3A_284 = tpu.memref_slice %arg7[%dma_wait3A_282, %dma_wait3A_283] : memref<40x128xi32, #tpu.memory_space<vmem>> -> memref<10x128xi32, #tpu.memory_space<vmem>>
        %dma_wait3A_285 = arith.constant 1240 : i32
        %dma_wait3A_286 = arith.constant 0 : i32
        %dma_wait3A_287 = tpu.memref_slice %arg3[%run_scoped3A_266, %dma_wait3A_285, %dma_wait3A_286] : memref<2x1250x128xi32, #tpu.memory_space<hbm>> -> memref<1x10x128xi32, #tpu.memory_space<hbm>>
        %dma_wait3A_288 = tpu.memref_squeeze %dma_wait3A_287 : memref<1x10x128xi32, #tpu.memory_space<hbm>> -> memref<10x128xi32, #tpu.memory_space<hbm>>
        %dma_wait3A_289 = arith.constant 0 : i32
        %dma_wait3A_290 = arith.constant 0 : i32
        %dma_wait3A_291 = tpu.memref_slice %arg7[%dma_wait3A_289, %dma_wait3A_290] : memref<40x128xi32, #tpu.memory_space<vmem>> -> memref<10x128xi32, #tpu.memory_space<vmem>>
        %dma_wait3A_292 = arith.constant 1240 : i32
        %dma_wait3A_293 = arith.constant 0 : i32
        %dma_wait3A_294 = tpu.memref_slice %arg3[%run_scoped3A_266, %dma_wait3A_292, %dma_wait3A_293] : memref<2x1250x128xi32, #tpu.memory_space<hbm>> -> memref<1x10x128xi32, #tpu.memory_space<hbm>>
        %dma_wait3A_295 = tpu.memref_squeeze %dma_wait3A_294 : memref<1x10x128xi32, #tpu.memory_space<hbm>> -> memref<10x128xi32, #tpu.memory_space<hbm>>
        tpu.wait_dma2 semaphore(%run_scoped3A_267 : memref<!tpu.dma_semaphore, #tpu.memory_space<semaphore_mem>>) src(%dma_wait3A_295 : memref<10x128xi32, #tpu.memory_space<hbm>>) dst(%dma_wait3A_291 : memref<10x128xi32, #tpu.memory_space<vmem>>)
        tpu.yield
      }) : () -> ()
    } else {
    }
    %barrier3A = arith.constant 0 : index
    tpu.barrier barrier_id(%barrier3A)
    %dma_start3A = arith.constant 0 : i32
    %dma_start3A_35 = arith.constant 0 : i32
    %dma_start3A_36 = tpu.memref_slice %arg6[%dma_start3A, %dma_start3A_35] : memref<40x128xi32, #tpu.memory_space<vmem>> -> memref<1x128xi32, #tpu.memory_space<vmem>>
    %dma_start3A_37 = tpu.memref_squeeze %dma_start3A_36 : memref<1x128xi32, #tpu.memory_space<vmem>> -> memref<128xi32, #tpu.memory_space<vmem>>
    %dma_start3A_38 = arith.constant 0 : i32
    %dma_start3A_39 = arith.constant 0 : i32
    %dma_start3A_40 = tpu.memref_slice %arg2[%dma_start3A_38, %dma_start3A_39] : memref<10000x32xf32, #tpu.memory_space<hbm>> -> memref<10000x32xf32, #tpu.memory_space<hbm>>
    tpu.enqueue_indirect_dma source(%dma_start3A_40 : memref<10000x32xf32, #tpu.memory_space<hbm>>) target(%arg8 : memref<128x32xf32, #tpu.memory_space<vmem>>) offsets(%dma_start3A_37 : memref<128xi32, #tpu.memory_space<vmem>>) semaphore(%arg19 : memref<!tpu.dma_semaphore, #tpu.memory_space<semaphore_mem>>)
    %dma_start3A_41 = arith.constant 1 : i32
    %dma_start3A_42 = arith.constant 0 : i32
    %dma_start3A_43 = tpu.memref_slice %arg6[%dma_start3A_41, %dma_start3A_42] : memref<40x128xi32, #tpu.memory_space<vmem>> -> memref<1x128xi32, #tpu.memory_space<vmem>>
    %dma_start3A_44 = tpu.memref_squeeze %dma_start3A_43 : memref<1x128xi32, #tpu.memory_space<vmem>> -> memref<128xi32, #tpu.memory_space<vmem>>
    %dma_start3A_45 = arith.constant 0 : i32
    %dma_start3A_46 = arith.constant 0 : i32
    %dma_start3A_47 = tpu.memref_slice %arg2[%dma_start3A_45, %dma_start3A_46] : memref<10000x32xf32, #tpu.memory_space<hbm>> -> memref<10000x32xf32, #tpu.memory_space<hbm>>
    tpu.enqueue_indirect_dma source(%dma_start3A_47 : memref<10000x32xf32, #tpu.memory_space<hbm>>) target(%arg9 : memref<128x32xf32, #tpu.memory_space<vmem>>) offsets(%dma_start3A_44 : memref<128xi32, #tpu.memory_space<vmem>>) semaphore(%arg20 : memref<!tpu.dma_semaphore, #tpu.memory_space<semaphore_mem>>)
    %dma_start3A_48 = arith.constant 2 : i32
    %dma_start3A_49 = arith.constant 0 : i32
    %dma_start3A_50 = tpu.memref_slice %arg6[%dma_start3A_48, %dma_start3A_49] : memref<40x128xi32, #tpu.memory_space<vmem>> -> memref<1x128xi32, #tpu.memory_space<vmem>>
    %dma_start3A_51 = tpu.memref_squeeze %dma_start3A_50 : memref<1x128xi32, #tpu.memory_space<vmem>> -> memref<128xi32, #tpu.memory_space<vmem>>
    %dma_start3A_52 = arith.constant 0 : i32
    %dma_start3A_53 = arith.constant 0 : i32
    %dma_start3A_54 = tpu.memref_slice %arg2[%dma_start3A_52, %dma_start3A_53] : memref<10000x32xf32, #tpu.memory_space<hbm>> -> memref<10000x32xf32, #tpu.memory_space<hbm>>
    tpu.enqueue_indirect_dma source(%dma_start3A_54 : memref<10000x32xf32, #tpu.memory_space<hbm>>) target(%arg10 : memref<128x32xf32, #tpu.memory_space<vmem>>) offsets(%dma_start3A_51 : memref<128xi32, #tpu.memory_space<vmem>>) semaphore(%arg21 : memref<!tpu.dma_semaphore, #tpu.memory_space<semaphore_mem>>)
    %dma_start3A_55 = arith.constant 3 : i32
    %dma_start3A_56 = arith.constant 0 : i32
    %dma_start3A_57 = tpu.memref_slice %arg6[%dma_start3A_55, %dma_start3A_56] : memref<40x128xi32, #tpu.memory_space<vmem>> -> memref<1x128xi32, #tpu.memory_space<vmem>>
    %dma_start3A_58 = tpu.memref_squeeze %dma_start3A_57 : memref<1x128xi32, #tpu.memory_space<vmem>> -> memref<128xi32, #tpu.memory_space<vmem>>
    %dma_start3A_59 = arith.constant 0 : i32
    %dma_start3A_60 = arith.constant 0 : i32
    %dma_start3A_61 = tpu.memref_slice %arg2[%dma_start3A_59, %dma_start3A_60] : memref<10000x32xf32, #tpu.memory_space<hbm>> -> memref<10000x32xf32, #tpu.memory_space<hbm>>
    tpu.enqueue_indirect_dma source(%dma_start3A_61 : memref<10000x32xf32, #tpu.memory_space<hbm>>) target(%arg11 : memref<128x32xf32, #tpu.memory_space<vmem>>) offsets(%dma_start3A_58 : memref<128xi32, #tpu.memory_space<vmem>>) semaphore(%arg22 : memref<!tpu.dma_semaphore, #tpu.memory_space<semaphore_mem>>)
    %dma_start3A_62 = arith.constant 4 : i32
    %dma_start3A_63 = arith.constant 0 : i32
    %dma_start3A_64 = tpu.memref_slice %arg6[%dma_start3A_62, %dma_start3A_63] : memref<40x128xi32, #tpu.memory_space<vmem>> -> memref<1x128xi32, #tpu.memory_space<vmem>>
    %dma_start3A_65 = tpu.memref_squeeze %dma_start3A_64 : memref<1x128xi32, #tpu.memory_space<vmem>> -> memref<128xi32, #tpu.memory_space<vmem>>
    %dma_start3A_66 = arith.constant 0 : i32
    %dma_start3A_67 = arith.constant 0 : i32
    %dma_start3A_68 = tpu.memref_slice %arg2[%dma_start3A_66, %dma_start3A_67] : memref<10000x32xf32, #tpu.memory_space<hbm>> -> memref<10000x32xf32, #tpu.memory_space<hbm>>
    tpu.enqueue_indirect_dma source(%dma_start3A_68 : memref<10000x32xf32, #tpu.memory_space<hbm>>) target(%arg12 : memref<128x32xf32, #tpu.memory_space<vmem>>) offsets(%dma_start3A_65 : memref<128xi32, #tpu.memory_space<vmem>>) semaphore(%arg23 : memref<!tpu.dma_semaphore, #tpu.memory_space<semaphore_mem>>)
    %dma_start3A_69 = arith.constant 5 : i32
    %dma_start3A_70 = arith.constant 0 : i32
    %dma_start3A_71 = tpu.memref_slice %arg6[%dma_start3A_69, %dma_start3A_70] : memref<40x128xi32, #tpu.memory_space<vmem>> -> memref<1x128xi32, #tpu.memory_space<vmem>>
    %dma_start3A_72 = tpu.memref_squeeze %dma_start3A_71 : memref<1x128xi32, #tpu.memory_space<vmem>> -> memref<128xi32, #tpu.memory_space<vmem>>
    %dma_start3A_73 = arith.constant 0 : i32
    %dma_start3A_74 = arith.constant 0 : i32
    %dma_start3A_75 = tpu.memref_slice %arg2[%dma_start3A_73, %dma_start3A_74] : memref<10000x32xf32, #tpu.memory_space<hbm>> -> memref<10000x32xf32, #tpu.memory_space<hbm>>
    tpu.enqueue_indirect_dma source(%dma_start3A_75 : memref<10000x32xf32, #tpu.memory_space<hbm>>) target(%arg13 : memref<128x32xf32, #tpu.memory_space<vmem>>) offsets(%dma_start3A_72 : memref<128xi32, #tpu.memory_space<vmem>>) semaphore(%arg24 : memref<!tpu.dma_semaphore, #tpu.memory_space<semaphore_mem>>)
    %dma_start3A_76 = arith.constant 6 : i32
    %dma_start3A_77 = arith.constant 0 : i32
    %dma_start3A_78 = tpu.memref_slice %arg6[%dma_start3A_76, %dma_start3A_77] : memref<40x128xi32, #tpu.memory_space<vmem>> -> memref<1x128xi32, #tpu.memory_space<vmem>>
    %dma_start3A_79 = tpu.memref_squeeze %dma_start3A_78 : memref<1x128xi32, #tpu.memory_space<vmem>> -> memref<128xi32, #tpu.memory_space<vmem>>
    %dma_start3A_80 = arith.constant 0 : i32
    %dma_start3A_81 = arith.constant 0 : i32
    %dma_start3A_82 = tpu.memref_slice %arg2[%dma_start3A_80, %dma_start3A_81] : memref<10000x32xf32, #tpu.memory_space<hbm>> -> memref<10000x32xf32, #tpu.memory_space<hbm>>
    tpu.enqueue_indirect_dma source(%dma_start3A_82 : memref<10000x32xf32, #tpu.memory_space<hbm>>) target(%arg14 : memref<128x32xf32, #tpu.memory_space<vmem>>) offsets(%dma_start3A_79 : memref<128xi32, #tpu.memory_space<vmem>>) semaphore(%arg25 : memref<!tpu.dma_semaphore, #tpu.memory_space<semaphore_mem>>)
    %dma_start3A_83 = arith.constant 7 : i32
    %dma_start3A_84 = arith.constant 0 : i32
    %dma_start3A_85 = tpu.memref_slice %arg6[%dma_start3A_83, %dma_start3A_84] : memref<40x128xi32, #tpu.memory_space<vmem>> -> memref<1x128xi32, #tpu.memory_space<vmem>>
    %dma_start3A_86 = tpu.memref_squeeze %dma_start3A_85 : memref<1x128xi32, #tpu.memory_space<vmem>> -> memref<128xi32, #tpu.memory_space<vmem>>
    %dma_start3A_87 = arith.constant 0 : i32
    %dma_start3A_88 = arith.constant 0 : i32
    %dma_start3A_89 = tpu.memref_slice %arg2[%dma_start3A_87, %dma_start3A_88] : memref<10000x32xf32, #tpu.memory_space<hbm>> -> memref<10000x32xf32, #tpu.memory_space<hbm>>
    tpu.enqueue_indirect_dma source(%dma_start3A_89 : memref<10000x32xf32, #tpu.memory_space<hbm>>) target(%arg15 : memref<128x32xf32, #tpu.memory_space<vmem>>) offsets(%dma_start3A_86 : memref<128xi32, #tpu.memory_space<vmem>>) semaphore(%arg26 : memref<!tpu.dma_semaphore, #tpu.memory_space<semaphore_mem>>)
    %dma_start3A_90 = arith.constant 8 : i32
    %dma_start3A_91 = arith.constant 0 : i32
    %dma_start3A_92 = tpu.memref_slice %arg6[%dma_start3A_90, %dma_start3A_91] : memref<40x128xi32, #tpu.memory_space<vmem>> -> memref<1x128xi32, #tpu.memory_space<vmem>>
    %dma_start3A_93 = tpu.memref_squeeze %dma_start3A_92 : memref<1x128xi32, #tpu.memory_space<vmem>> -> memref<128xi32, #tpu.memory_space<vmem>>
    %dma_start3A_94 = arith.constant 0 : i32
    %dma_start3A_95 = arith.constant 0 : i32
    %dma_start3A_96 = tpu.memref_slice %arg2[%dma_start3A_94, %dma_start3A_95] : memref<10000x32xf32, #tpu.memory_space<hbm>> -> memref<10000x32xf32, #tpu.memory_space<hbm>>
    tpu.enqueue_indirect_dma source(%dma_start3A_96 : memref<10000x32xf32, #tpu.memory_space<hbm>>) target(%arg16 : memref<128x32xf32, #tpu.memory_space<vmem>>) offsets(%dma_start3A_93 : memref<128xi32, #tpu.memory_space<vmem>>) semaphore(%arg27 : memref<!tpu.dma_semaphore, #tpu.memory_space<semaphore_mem>>)
    %dma_start3A_97 = arith.constant 9 : i32
    %dma_start3A_98 = arith.constant 0 : i32
    %dma_start3A_99 = tpu.memref_slice %arg6[%dma_start3A_97, %dma_start3A_98] : memref<40x128xi32, #tpu.memory_space<vmem>> -> memref<1x128xi32, #tpu.memory_space<vmem>>
    %dma_start3A_100 = tpu.memref_squeeze %dma_start3A_99 : memref<1x128xi32, #tpu.memory_space<vmem>> -> memref<128xi32, #tpu.memory_space<vmem>>
    %dma_start3A_101 = arith.constant 0 : i32
    %dma_start3A_102 = arith.constant 0 : i32
    %dma_start3A_103 = tpu.memref_slice %arg2[%dma_start3A_101, %dma_start3A_102] : memref<10000x32xf32, #tpu.memory_space<hbm>> -> memref<10000x32xf32, #tpu.memory_space<hbm>>
    tpu.enqueue_indirect_dma source(%dma_start3A_103 : memref<10000x32xf32, #tpu.memory_space<hbm>>) target(%arg17 : memref<128x32xf32, #tpu.memory_space<vmem>>) offsets(%dma_start3A_100 : memref<128xi32, #tpu.memory_space<vmem>>) semaphore(%arg28 : memref<!tpu.dma_semaphore, #tpu.memory_space<semaphore_mem>>)
    %eq3A_104 = arith.constant 31 : i32
    %eq3A_105 = arith.cmpi eq, %add3A, %eq3A_104 : i32
    %jit3A = arith.constant 1 : i32
    %jit3A_106 = arith.constant 4 : i32
    %select_n3A = arith.select %eq3A_105, %jit3A, %jit3A_106 : i32
    %while3A = arith.constant 0 : i32
    %while3A_107 = arith.constant 0 : i32
    %while3A_108 = arith.subi %select_n3A, %while3A_107 : i32
    %while3A_109 = arith.addi %while3A_107, %while3A_108 : i32
    %while3A_110 = arith.constant 1 : i32
    %while3A_111 = arith.divsi %while3A_108, %while3A_110 : i32
    %while3A_112 = arith.muli %while3A_111, %while3A_110 : i32
    %while3A_113 = arith.addi %while3A_107, %while3A_112 : i32
    %while3A_114 = arith.constant 1 : i32
    scf.for %while3A_266 = %while3A_107 to %while3A_113 step %while3A_114  : i32 {
      %mul3A_267 = arith.constant 10 : i32
      %mul3A_268 = arith.muli %while3A_266, %mul3A_267 : i32
      %dma_wait3A_269 = arith.constant 0 : i32
      %dma_wait3A_270 = arith.constant 0 : i32
      %dma_wait3A_271 = tpu.memref_slice %arg6[%dma_wait3A_269, %dma_wait3A_270] : memref<40x128xi32, #tpu.memory_space<vmem>> -> memref<1x128xi32, #tpu.memory_space<vmem>>
      %dma_wait3A_272 = tpu.memref_squeeze %dma_wait3A_271 : memref<1x128xi32, #tpu.memory_space<vmem>> -> memref<128xi32, #tpu.memory_space<vmem>>
      %dma_wait3A_273 = arith.constant 0 : i32
      %dma_wait3A_274 = arith.constant 0 : i32
      %dma_wait3A_275 = tpu.memref_slice %arg2[%dma_wait3A_273, %dma_wait3A_274] : memref<10000x32xf32, #tpu.memory_space<hbm>> -> memref<10000x32xf32, #tpu.memory_space<hbm>>
      tpu.wait_indirect_dma semaphore(%arg19 : memref<!tpu.dma_semaphore, #tpu.memory_space<semaphore_mem>>) src(%dma_wait3A_275 : memref<10000x32xf32, #tpu.memory_space<hbm>>) dst(%arg8 : memref<128x32xf32, #tpu.memory_space<vmem>>)
      %add3A_276 = arith.constant 0 : i32
      %add3A_277 = arith.addi %mul3A_268, %add3A_276 : i32
      %dma_start3A_278 = arith.constant 0 : i32
      %dma_start3A_279 = tpu.memref_slice %arg7[%add3A_277, %dma_start3A_278] : memref<40x128xi32, #tpu.memory_space<vmem>> -> memref<1x128xi32, #tpu.memory_space<vmem>>
      %dma_start3A_280 = tpu.memref_squeeze %dma_start3A_279 : memref<1x128xi32, #tpu.memory_space<vmem>> -> memref<128xi32, #tpu.memory_space<vmem>>
      %dma_start3A_281 = arith.constant 0 : i32
      %dma_start3A_282 = arith.constant 0 : i32
      %dma_start3A_283 = tpu.memref_slice %arg18[%dma_start3A_281, %dma_start3A_282] : memref<10112x32xf32, #tpu.memory_space<vmem_shared>> -> memref<10112x32xf32, #tpu.memory_space<vmem_shared>>
      tpu.enqueue_indirect_dma source(%arg8 : memref<128x32xf32, #tpu.memory_space<vmem>>) target(%dma_start3A_283 : memref<10112x32xf32, #tpu.memory_space<vmem_shared>>) offsets(%dma_start3A_280 : memref<128xi32, #tpu.memory_space<vmem>>) semaphore(%arg29 : memref<!tpu.dma_semaphore, #tpu.memory_space<semaphore_mem>>) {add = true}
      %add3A_284 = arith.constant 0 : i32
      %add3A_285 = arith.addi %mul3A_268, %add3A_284 : i32
      %dma_start3A_286 = arith.constant 0 : i32
      %dma_start3A_287 = tpu.memref_slice %arg7[%add3A_285, %dma_start3A_286] : memref<40x128xi32, #tpu.memory_space<vmem>> -> memref<1x128xi32, #tpu.memory_space<vmem>>
      %dma_start3A_288 = tpu.memref_squeeze %dma_start3A_287 : memref<1x128xi32, #tpu.memory_space<vmem>> -> memref<128xi32, #tpu.memory_space<vmem>>
      %dma_start3A_289 = arith.constant 0 : i32
      %dma_start3A_290 = arith.constant 0 : i32
      %dma_start3A_291 = tpu.memref_slice %arg41[%dma_start3A_289, %dma_start3A_290] : memref<10112x16xf32, #tpu.memory_space<vmem_shared>> -> memref<10112x16xf32, #tpu.memory_space<vmem_shared>>
      tpu.enqueue_indirect_dma source(%arg39 : memref<128x16xf32, #tpu.memory_space<vmem>>) target(%dma_start3A_291 : memref<10112x16xf32, #tpu.memory_space<vmem_shared>>) offsets(%dma_start3A_288 : memref<128xi32, #tpu.memory_space<vmem>>) semaphore(%arg42 : memref<!tpu.dma_semaphore, #tpu.memory_space<semaphore_mem>>) {add = true}
      %dma_wait3A_292 = arith.constant 0 : i32
      %dma_wait3A_293 = arith.constant 0 : i32
      %dma_wait3A_294 = tpu.memref_slice %arg6[%dma_wait3A_292, %dma_wait3A_293] : memref<40x128xi32, #tpu.memory_space<vmem>> -> memref<1x128xi32, #tpu.memory_space<vmem>>
      %dma_wait3A_295 = tpu.memref_squeeze %dma_wait3A_294 : memref<1x128xi32, #tpu.memory_space<vmem>> -> memref<128xi32, #tpu.memory_space<vmem>>
      %dma_wait3A_296 = arith.constant 0 : i32
      %dma_wait3A_297 = arith.constant 0 : i32
      %dma_wait3A_298 = tpu.memref_slice %arg2[%dma_wait3A_296, %dma_wait3A_297] : memref<10000x32xf32, #tpu.memory_space<hbm>> -> memref<10000x32xf32, #tpu.memory_space<hbm>>
      tpu.wait_indirect_dma semaphore(%arg20 : memref<!tpu.dma_semaphore, #tpu.memory_space<semaphore_mem>>) src(%dma_wait3A_298 : memref<10000x32xf32, #tpu.memory_space<hbm>>) dst(%arg9 : memref<128x32xf32, #tpu.memory_space<vmem>>)
      %add3A_299 = arith.constant 1 : i32
      %add3A_300 = arith.addi %mul3A_268, %add3A_299 : i32
      %dma_start3A_301 = arith.constant 0 : i32
      %dma_start3A_302 = tpu.memref_slice %arg7[%add3A_300, %dma_start3A_301] : memref<40x128xi32, #tpu.memory_space<vmem>> -> memref<1x128xi32, #tpu.memory_space<vmem>>
      %dma_start3A_303 = tpu.memref_squeeze %dma_start3A_302 : memref<1x128xi32, #tpu.memory_space<vmem>> -> memref<128xi32, #tpu.memory_space<vmem>>
      %dma_start3A_304 = arith.constant 0 : i32
      %dma_start3A_305 = arith.constant 0 : i32
      %dma_start3A_306 = tpu.memref_slice %arg18[%dma_start3A_304, %dma_start3A_305] : memref<10112x32xf32, #tpu.memory_space<vmem_shared>> -> memref<10112x32xf32, #tpu.memory_space<vmem_shared>>
      tpu.enqueue_indirect_dma source(%arg9 : memref<128x32xf32, #tpu.memory_space<vmem>>) target(%dma_start3A_306 : memref<10112x32xf32, #tpu.memory_space<vmem_shared>>) offsets(%dma_start3A_303 : memref<128xi32, #tpu.memory_space<vmem>>) semaphore(%arg30 : memref<!tpu.dma_semaphore, #tpu.memory_space<semaphore_mem>>) {add = true}
      %add3A_307 = arith.constant 1 : i32
      %add3A_308 = arith.addi %mul3A_268, %add3A_307 : i32
      %dma_start3A_309 = arith.constant 0 : i32
      %dma_start3A_310 = tpu.memref_slice %arg7[%add3A_308, %dma_start3A_309] : memref<40x128xi32, #tpu.memory_space<vmem>> -> memref<1x128xi32, #tpu.memory_space<vmem>>
      %dma_start3A_311 = tpu.memref_squeeze %dma_start3A_310 : memref<1x128xi32, #tpu.memory_space<vmem>> -> memref<128xi32, #tpu.memory_space<vmem>>
      %dma_start3A_312 = arith.constant 0 : i32
      %dma_start3A_313 = arith.constant 0 : i32
      %dma_start3A_314 = tpu.memref_slice %arg41[%dma_start3A_312, %dma_start3A_313] : memref<10112x16xf32, #tpu.memory_space<vmem_shared>> -> memref<10112x16xf32, #tpu.memory_space<vmem_shared>>
      tpu.enqueue_indirect_dma source(%arg39 : memref<128x16xf32, #tpu.memory_space<vmem>>) target(%dma_start3A_314 : memref<10112x16xf32, #tpu.memory_space<vmem_shared>>) offsets(%dma_start3A_311 : memref<128xi32, #tpu.memory_space<vmem>>) semaphore(%arg43 : memref<!tpu.dma_semaphore, #tpu.memory_space<semaphore_mem>>) {add = true}
      %dma_wait3A_315 = arith.constant 0 : i32
      %dma_wait3A_316 = arith.constant 0 : i32
      %dma_wait3A_317 = tpu.memref_slice %arg6[%dma_wait3A_315, %dma_wait3A_316] : memref<40x128xi32, #tpu.memory_space<vmem>> -> memref<1x128xi32, #tpu.memory_space<vmem>>
      %dma_wait3A_318 = tpu.memref_squeeze %dma_wait3A_317 : memref<1x128xi32, #tpu.memory_space<vmem>> -> memref<128xi32, #tpu.memory_space<vmem>>
      %dma_wait3A_319 = arith.constant 0 : i32
      %dma_wait3A_320 = arith.constant 0 : i32
      %dma_wait3A_321 = tpu.memref_slice %arg2[%dma_wait3A_319, %dma_wait3A_320] : memref<10000x32xf32, #tpu.memory_space<hbm>> -> memref<10000x32xf32, #tpu.memory_space<hbm>>
      tpu.wait_indirect_dma semaphore(%arg21 : memref<!tpu.dma_semaphore, #tpu.memory_space<semaphore_mem>>) src(%dma_wait3A_321 : memref<10000x32xf32, #tpu.memory_space<hbm>>) dst(%arg10 : memref<128x32xf32, #tpu.memory_space<vmem>>)
      %add3A_322 = arith.constant 2 : i32
      %add3A_323 = arith.addi %mul3A_268, %add3A_322 : i32
      %dma_start3A_324 = arith.constant 0 : i32
      %dma_start3A_325 = tpu.memref_slice %arg7[%add3A_323, %dma_start3A_324] : memref<40x128xi32, #tpu.memory_space<vmem>> -> memref<1x128xi32, #tpu.memory_space<vmem>>
      %dma_start3A_326 = tpu.memref_squeeze %dma_start3A_325 : memref<1x128xi32, #tpu.memory_space<vmem>> -> memref<128xi32, #tpu.memory_space<vmem>>
      %dma_start3A_327 = arith.constant 0 : i32
      %dma_start3A_328 = arith.constant 0 : i32
      %dma_start3A_329 = tpu.memref_slice %arg18[%dma_start3A_327, %dma_start3A_328] : memref<10112x32xf32, #tpu.memory_space<vmem_shared>> -> memref<10112x32xf32, #tpu.memory_space<vmem_shared>>
      tpu.enqueue_indirect_dma source(%arg10 : memref<128x32xf32, #tpu.memory_space<vmem>>) target(%dma_start3A_329 : memref<10112x32xf32, #tpu.memory_space<vmem_shared>>) offsets(%dma_start3A_326 : memref<128xi32, #tpu.memory_space<vmem>>) semaphore(%arg31 : memref<!tpu.dma_semaphore, #tpu.memory_space<semaphore_mem>>) {add = true}
      %add3A_330 = arith.constant 2 : i32
      %add3A_331 = arith.addi %mul3A_268, %add3A_330 : i32
      %dma_start3A_332 = arith.constant 0 : i32
      %dma_start3A_333 = tpu.memref_slice %arg7[%add3A_331, %dma_start3A_332] : memref<40x128xi32, #tpu.memory_space<vmem>> -> memref<1x128xi32, #tpu.memory_space<vmem>>
      %dma_start3A_334 = tpu.memref_squeeze %dma_start3A_333 : memref<1x128xi32, #tpu.memory_space<vmem>> -> memref<128xi32, #tpu.memory_space<vmem>>
      %dma_start3A_335 = arith.constant 0 : i32
      %dma_start3A_336 = arith.constant 0 : i32
      %dma_start3A_337 = tpu.memref_slice %arg41[%dma_start3A_335, %dma_start3A_336] : memref<10112x16xf32, #tpu.memory_space<vmem_shared>> -> memref<10112x16xf32, #tpu.memory_space<vmem_shared>>
      tpu.enqueue_indirect_dma source(%arg39 : memref<128x16xf32, #tpu.memory_space<vmem>>) target(%dma_start3A_337 : memref<10112x16xf32, #tpu.memory_space<vmem_shared>>) offsets(%dma_start3A_334 : memref<128xi32, #tpu.memory_space<vmem>>) semaphore(%arg44 : memref<!tpu.dma_semaphore, #tpu.memory_space<semaphore_mem>>) {add = true}
      %dma_wait3A_338 = arith.constant 0 : i32
      %dma_wait3A_339 = arith.constant 0 : i32
      %dma_wait3A_340 = tpu.memref_slice %arg6[%dma_wait3A_338, %dma_wait3A_339] : memref<40x128xi32, #tpu.memory_space<vmem>> -> memref<1x128xi32, #tpu.memory_space<vmem>>
      %dma_wait3A_341 = tpu.memref_squeeze %dma_wait3A_340 : memref<1x128xi32, #tpu.memory_space<vmem>> -> memref<128xi32, #tpu.memory_space<vmem>>
      %dma_wait3A_342 = arith.constant 0 : i32
      %dma_wait3A_343 = arith.constant 0 : i32
      %dma_wait3A_344 = tpu.memref_slice %arg2[%dma_wait3A_342, %dma_wait3A_343] : memref<10000x32xf32, #tpu.memory_space<hbm>> -> memref<10000x32xf32, #tpu.memory_space<hbm>>
      tpu.wait_indirect_dma semaphore(%arg22 : memref<!tpu.dma_semaphore, #tpu.memory_space<semaphore_mem>>) src(%dma_wait3A_344 : memref<10000x32xf32, #tpu.memory_space<hbm>>) dst(%arg11 : memref<128x32xf32, #tpu.memory_space<vmem>>)
      %add3A_345 = arith.constant 3 : i32
      %add3A_346 = arith.addi %mul3A_268, %add3A_345 : i32
      %dma_start3A_347 = arith.constant 0 : i32
      %dma_start3A_348 = tpu.memref_slice %arg7[%add3A_346, %dma_start3A_347] : memref<40x128xi32, #tpu.memory_space<vmem>> -> memref<1x128xi32, #tpu.memory_space<vmem>>
      %dma_start3A_349 = tpu.memref_squeeze %dma_start3A_348 : memref<1x128xi32, #tpu.memory_space<vmem>> -> memref<128xi32, #tpu.memory_space<vmem>>
      %dma_start3A_350 = arith.constant 0 : i32
      %dma_start3A_351 = arith.constant 0 : i32
      %dma_start3A_352 = tpu.memref_slice %arg18[%dma_start3A_350, %dma_start3A_351] : memref<10112x32xf32, #tpu.memory_space<vmem_shared>> -> memref<10112x32xf32, #tpu.memory_space<vmem_shared>>
      tpu.enqueue_indirect_dma source(%arg11 : memref<128x32xf32, #tpu.memory_space<vmem>>) target(%dma_start3A_352 : memref<10112x32xf32, #tpu.memory_space<vmem_shared>>) offsets(%dma_start3A_349 : memref<128xi32, #tpu.memory_space<vmem>>) semaphore(%arg32 : memref<!tpu.dma_semaphore, #tpu.memory_space<semaphore_mem>>) {add = true}
      %add3A_353 = arith.constant 3 : i32
      %add3A_354 = arith.addi %mul3A_268, %add3A_353 : i32
      %dma_start3A_355 = arith.constant 0 : i32
      %dma_start3A_356 = tpu.memref_slice %arg7[%add3A_354, %dma_start3A_355] : memref<40x128xi32, #tpu.memory_space<vmem>> -> memref<1x128xi32, #tpu.memory_space<vmem>>
      %dma_start3A_357 = tpu.memref_squeeze %dma_start3A_356 : memref<1x128xi32, #tpu.memory_space<vmem>> -> memref<128xi32, #tpu.memory_space<vmem>>
      %dma_start3A_358 = arith.constant 0 : i32
      %dma_start3A_359 = arith.constant 0 : i32
      %dma_start3A_360 = tpu.memref_slice %arg41[%dma_start3A_358, %dma_start3A_359] : memref<10112x16xf32, #tpu.memory_space<vmem_shared>> -> memref<10112x16xf32, #tpu.memory_space<vmem_shared>>
      tpu.enqueue_indirect_dma source(%arg39 : memref<128x16xf32, #tpu.memory_space<vmem>>) target(%dma_start3A_360 : memref<10112x16xf32, #tpu.memory_space<vmem_shared>>) offsets(%dma_start3A_357 : memref<128xi32, #tpu.memory_space<vmem>>) semaphore(%arg45 : memref<!tpu.dma_semaphore, #tpu.memory_space<semaphore_mem>>) {add = true}
      %dma_wait3A_361 = arith.constant 0 : i32
      %dma_wait3A_362 = arith.constant 0 : i32
      %dma_wait3A_363 = tpu.memref_slice %arg6[%dma_wait3A_361, %dma_wait3A_362] : memref<40x128xi32, #tpu.memory_space<vmem>> -> memref<1x128xi32, #tpu.memory_space<vmem>>
      %dma_wait3A_364 = tpu.memref_squeeze %dma_wait3A_363 : memref<1x128xi32, #tpu.memory_space<vmem>> -> memref<128xi32, #tpu.memory_space<vmem>>
      %dma_wait3A_365 = arith.constant 0 : i32
      %dma_wait3A_366 = arith.constant 0 : i32
      %dma_wait3A_367 = tpu.memref_slice %arg2[%dma_wait3A_365, %dma_wait3A_366] : memref<10000x32xf32, #tpu.memory_space<hbm>> -> memref<10000x32xf32, #tpu.memory_space<hbm>>
      tpu.wait_indirect_dma semaphore(%arg23 : memref<!tpu.dma_semaphore, #tpu.memory_space<semaphore_mem>>) src(%dma_wait3A_367 : memref<10000x32xf32, #tpu.memory_space<hbm>>) dst(%arg12 : memref<128x32xf32, #tpu.memory_space<vmem>>)
      %add3A_368 = arith.constant 4 : i32
      %add3A_369 = arith.addi %mul3A_268, %add3A_368 : i32
      %dma_start3A_370 = arith.constant 0 : i32
      %dma_start3A_371 = tpu.memref_slice %arg7[%add3A_369, %dma_start3A_370] : memref<40x128xi32, #tpu.memory_space<vmem>> -> memref<1x128xi32, #tpu.memory_space<vmem>>
      %dma_start3A_372 = tpu.memref_squeeze %dma_start3A_371 : memref<1x128xi32, #tpu.memory_space<vmem>> -> memref<128xi32, #tpu.memory_space<vmem>>
      %dma_start3A_373 = arith.constant 0 : i32
      %dma_start3A_374 = arith.constant 0 : i32
      %dma_start3A_375 = tpu.memref_slice %arg18[%dma_start3A_373, %dma_start3A_374] : memref<10112x32xf32, #tpu.memory_space<vmem_shared>> -> memref<10112x32xf32, #tpu.memory_space<vmem_shared>>
      tpu.enqueue_indirect_dma source(%arg12 : memref<128x32xf32, #tpu.memory_space<vmem>>) target(%dma_start3A_375 : memref<10112x32xf32, #tpu.memory_space<vmem_shared>>) offsets(%dma_start3A_372 : memref<128xi32, #tpu.memory_space<vmem>>) semaphore(%arg33 : memref<!tpu.dma_semaphore, #tpu.memory_space<semaphore_mem>>) {add = true}
      %add3A_376 = arith.constant 4 : i32
      %add3A_377 = arith.addi %mul3A_268, %add3A_376 : i32
      %dma_start3A_378 = arith.constant 0 : i32
      %dma_start3A_379 = tpu.memref_slice %arg7[%add3A_377, %dma_start3A_378] : memref<40x128xi32, #tpu.memory_space<vmem>> -> memref<1x128xi32, #tpu.memory_space<vmem>>
      %dma_start3A_380 = tpu.memref_squeeze %dma_start3A_379 : memref<1x128xi32, #tpu.memory_space<vmem>> -> memref<128xi32, #tpu.memory_space<vmem>>
      %dma_start3A_381 = arith.constant 0 : i32
      %dma_start3A_382 = arith.constant 0 : i32
      %dma_start3A_383 = tpu.memref_slice %arg41[%dma_start3A_381, %dma_start3A_382] : memref<10112x16xf32, #tpu.memory_space<vmem_shared>> -> memref<10112x16xf32, #tpu.memory_space<vmem_shared>>
      tpu.enqueue_indirect_dma source(%arg39 : memref<128x16xf32, #tpu.memory_space<vmem>>) target(%dma_start3A_383 : memref<10112x16xf32, #tpu.memory_space<vmem_shared>>) offsets(%dma_start3A_380 : memref<128xi32, #tpu.memory_space<vmem>>) semaphore(%arg46 : memref<!tpu.dma_semaphore, #tpu.memory_space<semaphore_mem>>) {add = true}
      %dma_wait3A_384 = arith.constant 0 : i32
      %dma_wait3A_385 = arith.constant 0 : i32
      %dma_wait3A_386 = tpu.memref_slice %arg6[%dma_wait3A_384, %dma_wait3A_385] : memref<40x128xi32, #tpu.memory_space<vmem>> -> memref<1x128xi32, #tpu.memory_space<vmem>>
      %dma_wait3A_387 = tpu.memref_squeeze %dma_wait3A_386 : memref<1x128xi32, #tpu.memory_space<vmem>> -> memref<128xi32, #tpu.memory_space<vmem>>
      %dma_wait3A_388 = arith.constant 0 : i32
      %dma_wait3A_389 = arith.constant 0 : i32
      %dma_wait3A_390 = tpu.memref_slice %arg2[%dma_wait3A_388, %dma_wait3A_389] : memref<10000x32xf32, #tpu.memory_space<hbm>> -> memref<10000x32xf32, #tpu.memory_space<hbm>>
      tpu.wait_indirect_dma semaphore(%arg24 : memref<!tpu.dma_semaphore, #tpu.memory_space<semaphore_mem>>) src(%dma_wait3A_390 : memref<10000x32xf32, #tpu.memory_space<hbm>>) dst(%arg13 : memref<128x32xf32, #tpu.memory_space<vmem>>)
      %add3A_391 = arith.constant 5 : i32
      %add3A_392 = arith.addi %mul3A_268, %add3A_391 : i32
      %dma_start3A_393 = arith.constant 0 : i32
      %dma_start3A_394 = tpu.memref_slice %arg7[%add3A_392, %dma_start3A_393] : memref<40x128xi32, #tpu.memory_space<vmem>> -> memref<1x128xi32, #tpu.memory_space<vmem>>
      %dma_start3A_395 = tpu.memref_squeeze %dma_start3A_394 : memref<1x128xi32, #tpu.memory_space<vmem>> -> memref<128xi32, #tpu.memory_space<vmem>>
      %dma_start3A_396 = arith.constant 0 : i32
      %dma_start3A_397 = arith.constant 0 : i32
      %dma_start3A_398 = tpu.memref_slice %arg18[%dma_start3A_396, %dma_start3A_397] : memref<10112x32xf32, #tpu.memory_space<vmem_shared>> -> memref<10112x32xf32, #tpu.memory_space<vmem_shared>>
      tpu.enqueue_indirect_dma source(%arg13 : memref<128x32xf32, #tpu.memory_space<vmem>>) target(%dma_start3A_398 : memref<10112x32xf32, #tpu.memory_space<vmem_shared>>) offsets(%dma_start3A_395 : memref<128xi32, #tpu.memory_space<vmem>>) semaphore(%arg34 : memref<!tpu.dma_semaphore, #tpu.memory_space<semaphore_mem>>) {add = true}
      %add3A_399 = arith.constant 5 : i32
      %add3A_400 = arith.addi %mul3A_268, %add3A_399 : i32
      %dma_start3A_401 = arith.constant 0 : i32
      %dma_start3A_402 = tpu.memref_slice %arg7[%add3A_400, %dma_start3A_401] : memref<40x128xi32, #tpu.memory_space<vmem>> -> memref<1x128xi32, #tpu.memory_space<vmem>>
      %dma_start3A_403 = tpu.memref_squeeze %dma_start3A_402 : memref<1x128xi32, #tpu.memory_space<vmem>> -> memref<128xi32, #tpu.memory_space<vmem>>
      %dma_start3A_404 = arith.constant 0 : i32
      %dma_start3A_405 = arith.constant 0 : i32
      %dma_start3A_406 = tpu.memref_slice %arg41[%dma_start3A_404, %dma_start3A_405] : memref<10112x16xf32, #tpu.memory_space<vmem_shared>> -> memref<10112x16xf32, #tpu.memory_space<vmem_shared>>
      tpu.enqueue_indirect_dma source(%arg39 : memref<128x16xf32, #tpu.memory_space<vmem>>) target(%dma_start3A_406 : memref<10112x16xf32, #tpu.memory_space<vmem_shared>>) offsets(%dma_start3A_403 : memref<128xi32, #tpu.memory_space<vmem>>) semaphore(%arg47 : memref<!tpu.dma_semaphore, #tpu.memory_space<semaphore_mem>>) {add = true}
      %dma_wait3A_407 = arith.constant 0 : i32
      %dma_wait3A_408 = arith.constant 0 : i32
      %dma_wait3A_409 = tpu.memref_slice %arg6[%dma_wait3A_407, %dma_wait3A_408] : memref<40x128xi32, #tpu.memory_space<vmem>> -> memref<1x128xi32, #tpu.memory_space<vmem>>
      %dma_wait3A_410 = tpu.memref_squeeze %dma_wait3A_409 : memref<1x128xi32, #tpu.memory_space<vmem>> -> memref<128xi32, #tpu.memory_space<vmem>>
      %dma_wait3A_411 = arith.constant 0 : i32
      %dma_wait3A_412 = arith.constant 0 : i32
      %dma_wait3A_413 = tpu.memref_slice %arg2[%dma_wait3A_411, %dma_wait3A_412] : memref<10000x32xf32, #tpu.memory_space<hbm>> -> memref<10000x32xf32, #tpu.memory_space<hbm>>
      tpu.wait_indirect_dma semaphore(%arg25 : memref<!tpu.dma_semaphore, #tpu.memory_space<semaphore_mem>>) src(%dma_wait3A_413 : memref<10000x32xf32, #tpu.memory_space<hbm>>) dst(%arg14 : memref<128x32xf32, #tpu.memory_space<vmem>>)
      %add3A_414 = arith.constant 6 : i32
      %add3A_415 = arith.addi %mul3A_268, %add3A_414 : i32
      %dma_start3A_416 = arith.constant 0 : i32
      %dma_start3A_417 = tpu.memref_slice %arg7[%add3A_415, %dma_start3A_416] : memref<40x128xi32, #tpu.memory_space<vmem>> -> memref<1x128xi32, #tpu.memory_space<vmem>>
      %dma_start3A_418 = tpu.memref_squeeze %dma_start3A_417 : memref<1x128xi32, #tpu.memory_space<vmem>> -> memref<128xi32, #tpu.memory_space<vmem>>
      %dma_start3A_419 = arith.constant 0 : i32
      %dma_start3A_420 = arith.constant 0 : i32
      %dma_start3A_421 = tpu.memref_slice %arg18[%dma_start3A_419, %dma_start3A_420] : memref<10112x32xf32, #tpu.memory_space<vmem_shared>> -> memref<10112x32xf32, #tpu.memory_space<vmem_shared>>
      tpu.enqueue_indirect_dma source(%arg14 : memref<128x32xf32, #tpu.memory_space<vmem>>) target(%dma_start3A_421 : memref<10112x32xf32, #tpu.memory_space<vmem_shared>>) offsets(%dma_start3A_418 : memref<128xi32, #tpu.memory_space<vmem>>) semaphore(%arg35 : memref<!tpu.dma_semaphore, #tpu.memory_space<semaphore_mem>>) {add = true}
      %add3A_422 = arith.constant 6 : i32
      %add3A_423 = arith.addi %mul3A_268, %add3A_422 : i32
      %dma_start3A_424 = arith.constant 0 : i32
      %dma_start3A_425 = tpu.memref_slice %arg7[%add3A_423, %dma_start3A_424] : memref<40x128xi32, #tpu.memory_space<vmem>> -> memref<1x128xi32, #tpu.memory_space<vmem>>
      %dma_start3A_426 = tpu.memref_squeeze %dma_start3A_425 : memref<1x128xi32, #tpu.memory_space<vmem>> -> memref<128xi32, #tpu.memory_space<vmem>>
      %dma_start3A_427 = arith.constant 0 : i32
      %dma_start3A_428 = arith.constant 0 : i32
      %dma_start3A_429 = tpu.memref_slice %arg41[%dma_start3A_427, %dma_start3A_428] : memref<10112x16xf32, #tpu.memory_space<vmem_shared>> -> memref<10112x16xf32, #tpu.memory_space<vmem_shared>>
      tpu.enqueue_indirect_dma source(%arg39 : memref<128x16xf32, #tpu.memory_space<vmem>>) target(%dma_start3A_429 : memref<10112x16xf32, #tpu.memory_space<vmem_shared>>) offsets(%dma_start3A_426 : memref<128xi32, #tpu.memory_space<vmem>>) semaphore(%arg48 : memref<!tpu.dma_semaphore, #tpu.memory_space<semaphore_mem>>) {add = true}
      %dma_wait3A_430 = arith.constant 0 : i32
      %dma_wait3A_431 = arith.constant 0 : i32
      %dma_wait3A_432 = tpu.memref_slice %arg6[%dma_wait3A_430, %dma_wait3A_431] : memref<40x128xi32, #tpu.memory_space<vmem>> -> memref<1x128xi32, #tpu.memory_space<vmem>>
      %dma_wait3A_433 = tpu.memref_squeeze %dma_wait3A_432 : memref<1x128xi32, #tpu.memory_space<vmem>> -> memref<128xi32, #tpu.memory_space<vmem>>
      %dma_wait3A_434 = arith.constant 0 : i32
      %dma_wait3A_435 = arith.constant 0 : i32
      %dma_wait3A_436 = tpu.memref_slice %arg2[%dma_wait3A_434, %dma_wait3A_435] : memref<10000x32xf32, #tpu.memory_space<hbm>> -> memref<10000x32xf32, #tpu.memory_space<hbm>>
      tpu.wait_indirect_dma semaphore(%arg26 : memref<!tpu.dma_semaphore, #tpu.memory_space<semaphore_mem>>) src(%dma_wait3A_436 : memref<10000x32xf32, #tpu.memory_space<hbm>>) dst(%arg15 : memref<128x32xf32, #tpu.memory_space<vmem>>)
      %add3A_437 = arith.constant 7 : i32
      %add3A_438 = arith.addi %mul3A_268, %add3A_437 : i32
      %dma_start3A_439 = arith.constant 0 : i32
      %dma_start3A_440 = tpu.memref_slice %arg7[%add3A_438, %dma_start3A_439] : memref<40x128xi32, #tpu.memory_space<vmem>> -> memref<1x128xi32, #tpu.memory_space<vmem>>
      %dma_start3A_441 = tpu.memref_squeeze %dma_start3A_440 : memref<1x128xi32, #tpu.memory_space<vmem>> -> memref<128xi32, #tpu.memory_space<vmem>>
      %dma_start3A_442 = arith.constant 0 : i32
      %dma_start3A_443 = arith.constant 0 : i32
      %dma_start3A_444 = tpu.memref_slice %arg18[%dma_start3A_442, %dma_start3A_443] : memref<10112x32xf32, #tpu.memory_space<vmem_shared>> -> memref<10112x32xf32, #tpu.memory_space<vmem_shared>>
      tpu.enqueue_indirect_dma source(%arg15 : memref<128x32xf32, #tpu.memory_space<vmem>>) target(%dma_start3A_444 : memref<10112x32xf32, #tpu.memory_space<vmem_shared>>) offsets(%dma_start3A_441 : memref<128xi32, #tpu.memory_space<vmem>>) semaphore(%arg36 : memref<!tpu.dma_semaphore, #tpu.memory_space<semaphore_mem>>) {add = true}
      %add3A_445 = arith.constant 7 : i32
      %add3A_446 = arith.addi %mul3A_268, %add3A_445 : i32
      %dma_start3A_447 = arith.constant 0 : i32
      %dma_start3A_448 = tpu.memref_slice %arg7[%add3A_446, %dma_start3A_447] : memref<40x128xi32, #tpu.memory_space<vmem>> -> memref<1x128xi32, #tpu.memory_space<vmem>>
      %dma_start3A_449 = tpu.memref_squeeze %dma_start3A_448 : memref<1x128xi32, #tpu.memory_space<vmem>> -> memref<128xi32, #tpu.memory_space<vmem>>
      %dma_start3A_450 = arith.constant 0 : i32
      %dma_start3A_451 = arith.constant 0 : i32
      %dma_start3A_452 = tpu.memref_slice %arg41[%dma_start3A_450, %dma_start3A_451] : memref<10112x16xf32, #tpu.memory_space<vmem_shared>> -> memref<10112x16xf32, #tpu.memory_space<vmem_shared>>
      tpu.enqueue_indirect_dma source(%arg39 : memref<128x16xf32, #tpu.memory_space<vmem>>) target(%dma_start3A_452 : memref<10112x16xf32, #tpu.memory_space<vmem_shared>>) offsets(%dma_start3A_449 : memref<128xi32, #tpu.memory_space<vmem>>) semaphore(%arg49 : memref<!tpu.dma_semaphore, #tpu.memory_space<semaphore_mem>>) {add = true}
      %dma_wait3A_453 = arith.constant 0 : i32
      %dma_wait3A_454 = arith.constant 0 : i32
      %dma_wait3A_455 = tpu.memref_slice %arg6[%dma_wait3A_453, %dma_wait3A_454] : memref<40x128xi32, #tpu.memory_space<vmem>> -> memref<1x128xi32, #tpu.memory_space<vmem>>
      %dma_wait3A_456 = tpu.memref_squeeze %dma_wait3A_455 : memref<1x128xi32, #tpu.memory_space<vmem>> -> memref<128xi32, #tpu.memory_space<vmem>>
      %dma_wait3A_457 = arith.constant 0 : i32
      %dma_wait3A_458 = arith.constant 0 : i32
      %dma_wait3A_459 = tpu.memref_slice %arg2[%dma_wait3A_457, %dma_wait3A_458] : memref<10000x32xf32, #tpu.memory_space<hbm>> -> memref<10000x32xf32, #tpu.memory_space<hbm>>
      tpu.wait_indirect_dma semaphore(%arg27 : memref<!tpu.dma_semaphore, #tpu.memory_space<semaphore_mem>>) src(%dma_wait3A_459 : memref<10000x32xf32, #tpu.memory_space<hbm>>) dst(%arg16 : memref<128x32xf32, #tpu.memory_space<vmem>>)
      %add3A_460 = arith.constant 8 : i32
      %add3A_461 = arith.addi %mul3A_268, %add3A_460 : i32
      %dma_start3A_462 = arith.constant 0 : i32
      %dma_start3A_463 = tpu.memref_slice %arg7[%add3A_461, %dma_start3A_462] : memref<40x128xi32, #tpu.memory_space<vmem>> -> memref<1x128xi32, #tpu.memory_space<vmem>>
      %dma_start3A_464 = tpu.memref_squeeze %dma_start3A_463 : memref<1x128xi32, #tpu.memory_space<vmem>> -> memref<128xi32, #tpu.memory_space<vmem>>
      %dma_start3A_465 = arith.constant 0 : i32
      %dma_start3A_466 = arith.constant 0 : i32
      %dma_start3A_467 = tpu.memref_slice %arg18[%dma_start3A_465, %dma_start3A_466] : memref<10112x32xf32, #tpu.memory_space<vmem_shared>> -> memref<10112x32xf32, #tpu.memory_space<vmem_shared>>
      tpu.enqueue_indirect_dma source(%arg16 : memref<128x32xf32, #tpu.memory_space<vmem>>) target(%dma_start3A_467 : memref<10112x32xf32, #tpu.memory_space<vmem_shared>>) offsets(%dma_start3A_464 : memref<128xi32, #tpu.memory_space<vmem>>) semaphore(%arg37 : memref<!tpu.dma_semaphore, #tpu.memory_space<semaphore_mem>>) {add = true}
      %add3A_468 = arith.constant 8 : i32
      %add3A_469 = arith.addi %mul3A_268, %add3A_468 : i32
      %dma_start3A_470 = arith.constant 0 : i32
      %dma_start3A_471 = tpu.memref_slice %arg7[%add3A_469, %dma_start3A_470] : memref<40x128xi32, #tpu.memory_space<vmem>> -> memref<1x128xi32, #tpu.memory_space<vmem>>
      %dma_start3A_472 = tpu.memref_squeeze %dma_start3A_471 : memref<1x128xi32, #tpu.memory_space<vmem>> -> memref<128xi32, #tpu.memory_space<vmem>>
      %dma_start3A_473 = arith.constant 0 : i32
      %dma_start3A_474 = arith.constant 0 : i32
      %dma_start3A_475 = tpu.memref_slice %arg41[%dma_start3A_473, %dma_start3A_474] : memref<10112x16xf32, #tpu.memory_space<vmem_shared>> -> memref<10112x16xf32, #tpu.memory_space<vmem_shared>>
      tpu.enqueue_indirect_dma source(%arg39 : memref<128x16xf32, #tpu.memory_space<vmem>>) target(%dma_start3A_475 : memref<10112x16xf32, #tpu.memory_space<vmem_shared>>) offsets(%dma_start3A_472 : memref<128xi32, #tpu.memory_space<vmem>>) semaphore(%arg50 : memref<!tpu.dma_semaphore, #tpu.memory_space<semaphore_mem>>) {add = true}
      %dma_wait3A_476 = arith.constant 0 : i32
      %dma_wait3A_477 = arith.constant 0 : i32
      %dma_wait3A_478 = tpu.memref_slice %arg6[%dma_wait3A_476, %dma_wait3A_477] : memref<40x128xi32, #tpu.memory_space<vmem>> -> memref<1x128xi32, #tpu.memory_space<vmem>>
      %dma_wait3A_479 = tpu.memref_squeeze %dma_wait3A_478 : memref<1x128xi32, #tpu.memory_space<vmem>> -> memref<128xi32, #tpu.memory_space<vmem>>
      %dma_wait3A_480 = arith.constant 0 : i32
      %dma_wait3A_481 = arith.constant 0 : i32
      %dma_wait3A_482 = tpu.memref_slice %arg2[%dma_wait3A_480, %dma_wait3A_481] : memref<10000x32xf32, #tpu.memory_space<hbm>> -> memref<10000x32xf32, #tpu.memory_space<hbm>>
      tpu.wait_indirect_dma semaphore(%arg28 : memref<!tpu.dma_semaphore, #tpu.memory_space<semaphore_mem>>) src(%dma_wait3A_482 : memref<10000x32xf32, #tpu.memory_space<hbm>>) dst(%arg17 : memref<128x32xf32, #tpu.memory_space<vmem>>)
      %add3A_483 = arith.constant 9 : i32
      %add3A_484 = arith.addi %mul3A_268, %add3A_483 : i32
      %dma_start3A_485 = arith.constant 0 : i32
      %dma_start3A_486 = tpu.memref_slice %arg7[%add3A_484, %dma_start3A_485] : memref<40x128xi32, #tpu.memory_space<vmem>> -> memref<1x128xi32, #tpu.memory_space<vmem>>
      %dma_start3A_487 = tpu.memref_squeeze %dma_start3A_486 : memref<1x128xi32, #tpu.memory_space<vmem>> -> memref<128xi32, #tpu.memory_space<vmem>>
      %dma_start3A_488 = arith.constant 0 : i32
      %dma_start3A_489 = arith.constant 0 : i32
      %dma_start3A_490 = tpu.memref_slice %arg18[%dma_start3A_488, %dma_start3A_489] : memref<10112x32xf32, #tpu.memory_space<vmem_shared>> -> memref<10112x32xf32, #tpu.memory_space<vmem_shared>>
      tpu.enqueue_indirect_dma source(%arg17 : memref<128x32xf32, #tpu.memory_space<vmem>>) target(%dma_start3A_490 : memref<10112x32xf32, #tpu.memory_space<vmem_shared>>) offsets(%dma_start3A_487 : memref<128xi32, #tpu.memory_space<vmem>>) semaphore(%arg38 : memref<!tpu.dma_semaphore, #tpu.memory_space<semaphore_mem>>) {add = true}
      %add3A_491 = arith.constant 9 : i32
      %add3A_492 = arith.addi %mul3A_268, %add3A_491 : i32
      %dma_start3A_493 = arith.constant 0 : i32
      %dma_start3A_494 = tpu.memref_slice %arg7[%add3A_492, %dma_start3A_493] : memref<40x128xi32, #tpu.memory_space<vmem>> -> memref<1x128xi32, #tpu.memory_space<vmem>>
      %dma_start3A_495 = tpu.memref_squeeze %dma_start3A_494 : memref<1x128xi32, #tpu.memory_space<vmem>> -> memref<128xi32, #tpu.memory_space<vmem>>
      %dma_start3A_496 = arith.constant 0 : i32
      %dma_start3A_497 = arith.constant 0 : i32
      %dma_start3A_498 = tpu.memref_slice %arg41[%dma_start3A_496, %dma_start3A_497] : memref<10112x16xf32, #tpu.memory_space<vmem_shared>> -> memref<10112x16xf32, #tpu.memory_space<vmem_shared>>
      tpu.enqueue_indirect_dma source(%arg39 : memref<128x16xf32, #tpu.memory_space<vmem>>) target(%dma_start3A_498 : memref<10112x16xf32, #tpu.memory_space<vmem_shared>>) offsets(%dma_start3A_495 : memref<128xi32, #tpu.memory_space<vmem>>) semaphore(%arg51 : memref<!tpu.dma_semaphore, #tpu.memory_space<semaphore_mem>>) {add = true}
      %sub3A = arith.constant 1 : i32
      %sub3A_499 = arith.subi %select_n3A, %sub3A : i32
      %lt3A_500 = arith.cmpi slt, %while3A_266, %sub3A_499 : i32
      %convert_element_type3A_501 = arith.extui %lt3A_500 : i1 to i32
      %cond3A_502 = arith.constant 0 : i32
      %cond3A_503 = arith.cmpi ne, %convert_element_type3A_501, %cond3A_502 : i32
      scf.if %cond3A_503 {
        %dma_wait3A_504 = arith.constant 0 : i32
        %dma_wait3A_505 = arith.constant 0 : i32
        %dma_wait3A_506 = tpu.memref_slice %arg7[%dma_wait3A_504, %dma_wait3A_505] : memref<40x128xi32, #tpu.memory_space<vmem>> -> memref<1x128xi32, #tpu.memory_space<vmem>>
        %dma_wait3A_507 = tpu.memref_squeeze %dma_wait3A_506 : memref<1x128xi32, #tpu.memory_space<vmem>> -> memref<128xi32, #tpu.memory_space<vmem>>
        %dma_wait3A_508 = arith.constant 0 : i32
        %dma_wait3A_509 = arith.constant 0 : i32
        %dma_wait3A_510 = tpu.memref_slice %arg18[%dma_wait3A_508, %dma_wait3A_509] : memref<10112x32xf32, #tpu.memory_space<vmem_shared>> -> memref<10112x32xf32, #tpu.memory_space<vmem_shared>>
        tpu.wait_indirect_dma semaphore(%arg29 : memref<!tpu.dma_semaphore, #tpu.memory_space<semaphore_mem>>) src(%arg8 : memref<128x32xf32, #tpu.memory_space<vmem>>) dst(%dma_wait3A_510 : memref<10112x32xf32, #tpu.memory_space<vmem_shared>>)
        %dma_wait3A_511 = arith.constant 0 : i32
        %dma_wait3A_512 = arith.constant 0 : i32
        %dma_wait3A_513 = tpu.memref_slice %arg7[%dma_wait3A_511, %dma_wait3A_512] : memref<40x128xi32, #tpu.memory_space<vmem>> -> memref<1x128xi32, #tpu.memory_space<vmem>>
        %dma_wait3A_514 = tpu.memref_squeeze %dma_wait3A_513 : memref<1x128xi32, #tpu.memory_space<vmem>> -> memref<128xi32, #tpu.memory_space<vmem>>
        %dma_wait3A_515 = arith.constant 0 : i32
        %dma_wait3A_516 = arith.constant 0 : i32
        %dma_wait3A_517 = tpu.memref_slice %arg41[%dma_wait3A_515, %dma_wait3A_516] : memref<10112x16xf32, #tpu.memory_space<vmem_shared>> -> memref<10112x16xf32, #tpu.memory_space<vmem_shared>>
        tpu.wait_indirect_dma semaphore(%arg42 : memref<!tpu.dma_semaphore, #tpu.memory_space<semaphore_mem>>) src(%arg39 : memref<128x16xf32, #tpu.memory_space<vmem>>) dst(%dma_wait3A_517 : memref<10112x16xf32, #tpu.memory_space<vmem_shared>>)
        %add3A_518 = arith.constant 10 : i32
        %add3A_519 = arith.addi %mul3A_268, %add3A_518 : i32
        %add3A_520 = arith.constant 0 : i32
        %add3A_521 = arith.addi %add3A_519, %add3A_520 : i32
        %dma_start3A_522 = arith.constant 0 : i32
        %dma_start3A_523 = tpu.memref_slice %arg6[%add3A_521, %dma_start3A_522] : memref<40x128xi32, #tpu.memory_space<vmem>> -> memref<1x128xi32, #tpu.memory_space<vmem>>
        %dma_start3A_524 = tpu.memref_squeeze %dma_start3A_523 : memref<1x128xi32, #tpu.memory_space<vmem>> -> memref<128xi32, #tpu.memory_space<vmem>>
        %dma_start3A_525 = arith.constant 0 : i32
        %dma_start3A_526 = arith.constant 0 : i32
        %dma_start3A_527 = tpu.memref_slice %arg2[%dma_start3A_525, %dma_start3A_526] : memref<10000x32xf32, #tpu.memory_space<hbm>> -> memref<10000x32xf32, #tpu.memory_space<hbm>>
        tpu.enqueue_indirect_dma source(%dma_start3A_527 : memref<10000x32xf32, #tpu.memory_space<hbm>>) target(%arg8 : memref<128x32xf32, #tpu.memory_space<vmem>>) offsets(%dma_start3A_524 : memref<128xi32, #tpu.memory_space<vmem>>) semaphore(%arg19 : memref<!tpu.dma_semaphore, #tpu.memory_space<semaphore_mem>>)
        %dma_wait3A_528 = arith.constant 0 : i32
        %dma_wait3A_529 = arith.constant 0 : i32
        %dma_wait3A_530 = tpu.memref_slice %arg7[%dma_wait3A_528, %dma_wait3A_529] : memref<40x128xi32, #tpu.memory_space<vmem>> -> memref<1x128xi32, #tpu.memory_space<vmem>>
        %dma_wait3A_531 = tpu.memref_squeeze %dma_wait3A_530 : memref<1x128xi32, #tpu.memory_space<vmem>> -> memref<128xi32, #tpu.memory_space<vmem>>
        %dma_wait3A_532 = arith.constant 0 : i32
        %dma_wait3A_533 = arith.constant 0 : i32
        %dma_wait3A_534 = tpu.memref_slice %arg18[%dma_wait3A_532, %dma_wait3A_533] : memref<10112x32xf32, #tpu.memory_space<vmem_shared>> -> memref<10112x32xf32, #tpu.memory_space<vmem_shared>>
        tpu.wait_indirect_dma semaphore(%arg30 : memref<!tpu.dma_semaphore, #tpu.memory_space<semaphore_mem>>) src(%arg9 : memref<128x32xf32, #tpu.memory_space<vmem>>) dst(%dma_wait3A_534 : memref<10112x32xf32, #tpu.memory_space<vmem_shared>>)
        %dma_wait3A_535 = arith.constant 0 : i32
        %dma_wait3A_536 = arith.constant 0 : i32
        %dma_wait3A_537 = tpu.memref_slice %arg7[%dma_wait3A_535, %dma_wait3A_536] : memref<40x128xi32, #tpu.memory_space<vmem>> -> memref<1x128xi32, #tpu.memory_space<vmem>>
        %dma_wait3A_538 = tpu.memref_squeeze %dma_wait3A_537 : memref<1x128xi32, #tpu.memory_space<vmem>> -> memref<128xi32, #tpu.memory_space<vmem>>
        %dma_wait3A_539 = arith.constant 0 : i32
        %dma_wait3A_540 = arith.constant 0 : i32
        %dma_wait3A_541 = tpu.memref_slice %arg41[%dma_wait3A_539, %dma_wait3A_540] : memref<10112x16xf32, #tpu.memory_space<vmem_shared>> -> memref<10112x16xf32, #tpu.memory_space<vmem_shared>>
        tpu.wait_indirect_dma semaphore(%arg43 : memref<!tpu.dma_semaphore, #tpu.memory_space<semaphore_mem>>) src(%arg39 : memref<128x16xf32, #tpu.memory_space<vmem>>) dst(%dma_wait3A_541 : memref<10112x16xf32, #tpu.memory_space<vmem_shared>>)
        %add3A_542 = arith.constant 10 : i32
        %add3A_543 = arith.addi %mul3A_268, %add3A_542 : i32
        %add3A_544 = arith.constant 1 : i32
        %add3A_545 = arith.addi %add3A_543, %add3A_544 : i32
        %dma_start3A_546 = arith.constant 0 : i32
        %dma_start3A_547 = tpu.memref_slice %arg6[%add3A_545, %dma_start3A_546] : memref<40x128xi32, #tpu.memory_space<vmem>> -> memref<1x128xi32, #tpu.memory_space<vmem>>
        %dma_start3A_548 = tpu.memref_squeeze %dma_start3A_547 : memref<1x128xi32, #tpu.memory_space<vmem>> -> memref<128xi32, #tpu.memory_space<vmem>>
        %dma_start3A_549 = arith.constant 0 : i32
        %dma_start3A_550 = arith.constant 0 : i32
        %dma_start3A_551 = tpu.memref_slice %arg2[%dma_start3A_549, %dma_start3A_550] : memref<10000x32xf32, #tpu.memory_space<hbm>> -> memref<10000x32xf32, #tpu.memory_space<hbm>>
        tpu.enqueue_indirect_dma source(%dma_start3A_551 : memref<10000x32xf32, #tpu.memory_space<hbm>>) target(%arg9 : memref<128x32xf32, #tpu.memory_space<vmem>>) offsets(%dma_start3A_548 : memref<128xi32, #tpu.memory_space<vmem>>) semaphore(%arg20 : memref<!tpu.dma_semaphore, #tpu.memory_space<semaphore_mem>>)
        %dma_wait3A_552 = arith.constant 0 : i32
        %dma_wait3A_553 = arith.constant 0 : i32
        %dma_wait3A_554 = tpu.memref_slice %arg7[%dma_wait3A_552, %dma_wait3A_553] : memref<40x128xi32, #tpu.memory_space<vmem>> -> memref<1x128xi32, #tpu.memory_space<vmem>>
        %dma_wait3A_555 = tpu.memref_squeeze %dma_wait3A_554 : memref<1x128xi32, #tpu.memory_space<vmem>> -> memref<128xi32, #tpu.memory_space<vmem>>
        %dma_wait3A_556 = arith.constant 0 : i32
        %dma_wait3A_557 = arith.constant 0 : i32
        %dma_wait3A_558 = tpu.memref_slice %arg18[%dma_wait3A_556, %dma_wait3A_557] : memref<10112x32xf32, #tpu.memory_space<vmem_shared>> -> memref<10112x32xf32, #tpu.memory_space<vmem_shared>>
        tpu.wait_indirect_dma semaphore(%arg31 : memref<!tpu.dma_semaphore, #tpu.memory_space<semaphore_mem>>) src(%arg10 : memref<128x32xf32, #tpu.memory_space<vmem>>) dst(%dma_wait3A_558 : memref<10112x32xf32, #tpu.memory_space<vmem_shared>>)
        %dma_wait3A_559 = arith.constant 0 : i32
        %dma_wait3A_560 = arith.constant 0 : i32
        %dma_wait3A_561 = tpu.memref_slice %arg7[%dma_wait3A_559, %dma_wait3A_560] : memref<40x128xi32, #tpu.memory_space<vmem>> -> memref<1x128xi32, #tpu.memory_space<vmem>>
        %dma_wait3A_562 = tpu.memref_squeeze %dma_wait3A_561 : memref<1x128xi32, #tpu.memory_space<vmem>> -> memref<128xi32, #tpu.memory_space<vmem>>
        %dma_wait3A_563 = arith.constant 0 : i32
        %dma_wait3A_564 = arith.constant 0 : i32
        %dma_wait3A_565 = tpu.memref_slice %arg41[%dma_wait3A_563, %dma_wait3A_564] : memref<10112x16xf32, #tpu.memory_space<vmem_shared>> -> memref<10112x16xf32, #tpu.memory_space<vmem_shared>>
        tpu.wait_indirect_dma semaphore(%arg44 : memref<!tpu.dma_semaphore, #tpu.memory_space<semaphore_mem>>) src(%arg39 : memref<128x16xf32, #tpu.memory_space<vmem>>) dst(%dma_wait3A_565 : memref<10112x16xf32, #tpu.memory_space<vmem_shared>>)
        %add3A_566 = arith.constant 10 : i32
        %add3A_567 = arith.addi %mul3A_268, %add3A_566 : i32
        %add3A_568 = arith.constant 2 : i32
        %add3A_569 = arith.addi %add3A_567, %add3A_568 : i32
        %dma_start3A_570 = arith.constant 0 : i32
        %dma_start3A_571 = tpu.memref_slice %arg6[%add3A_569, %dma_start3A_570] : memref<40x128xi32, #tpu.memory_space<vmem>> -> memref<1x128xi32, #tpu.memory_space<vmem>>
        %dma_start3A_572 = tpu.memref_squeeze %dma_start3A_571 : memref<1x128xi32, #tpu.memory_space<vmem>> -> memref<128xi32, #tpu.memory_space<vmem>>
        %dma_start3A_573 = arith.constant 0 : i32
        %dma_start3A_574 = arith.constant 0 : i32
        %dma_start3A_575 = tpu.memref_slice %arg2[%dma_start3A_573, %dma_start3A_574] : memref<10000x32xf32, #tpu.memory_space<hbm>> -> memref<10000x32xf32, #tpu.memory_space<hbm>>
        tpu.enqueue_indirect_dma source(%dma_start3A_575 : memref<10000x32xf32, #tpu.memory_space<hbm>>) target(%arg10 : memref<128x32xf32, #tpu.memory_space<vmem>>) offsets(%dma_start3A_572 : memref<128xi32, #tpu.memory_space<vmem>>) semaphore(%arg21 : memref<!tpu.dma_semaphore, #tpu.memory_space<semaphore_mem>>)
        %dma_wait3A_576 = arith.constant 0 : i32
        %dma_wait3A_577 = arith.constant 0 : i32
        %dma_wait3A_578 = tpu.memref_slice %arg7[%dma_wait3A_576, %dma_wait3A_577] : memref<40x128xi32, #tpu.memory_space<vmem>> -> memref<1x128xi32, #tpu.memory_space<vmem>>
        %dma_wait3A_579 = tpu.memref_squeeze %dma_wait3A_578 : memref<1x128xi32, #tpu.memory_space<vmem>> -> memref<128xi32, #tpu.memory_space<vmem>>
        %dma_wait3A_580 = arith.constant 0 : i32
        %dma_wait3A_581 = arith.constant 0 : i32
        %dma_wait3A_582 = tpu.memref_slice %arg18[%dma_wait3A_580, %dma_wait3A_581] : memref<10112x32xf32, #tpu.memory_space<vmem_shared>> -> memref<10112x32xf32, #tpu.memory_space<vmem_shared>>
        tpu.wait_indirect_dma semaphore(%arg32 : memref<!tpu.dma_semaphore, #tpu.memory_space<semaphore_mem>>) src(%arg11 : memref<128x32xf32, #tpu.memory_space<vmem>>) dst(%dma_wait3A_582 : memref<10112x32xf32, #tpu.memory_space<vmem_shared>>)
        %dma_wait3A_583 = arith.constant 0 : i32
        %dma_wait3A_584 = arith.constant 0 : i32
        %dma_wait3A_585 = tpu.memref_slice %arg7[%dma_wait3A_583, %dma_wait3A_584] : memref<40x128xi32, #tpu.memory_space<vmem>> -> memref<1x128xi32, #tpu.memory_space<vmem>>
        %dma_wait3A_586 = tpu.memref_squeeze %dma_wait3A_585 : memref<1x128xi32, #tpu.memory_space<vmem>> -> memref<128xi32, #tpu.memory_space<vmem>>
        %dma_wait3A_587 = arith.constant 0 : i32
        %dma_wait3A_588 = arith.constant 0 : i32
        %dma_wait3A_589 = tpu.memref_slice %arg41[%dma_wait3A_587, %dma_wait3A_588] : memref<10112x16xf32, #tpu.memory_space<vmem_shared>> -> memref<10112x16xf32, #tpu.memory_space<vmem_shared>>
        tpu.wait_indirect_dma semaphore(%arg45 : memref<!tpu.dma_semaphore, #tpu.memory_space<semaphore_mem>>) src(%arg39 : memref<128x16xf32, #tpu.memory_space<vmem>>) dst(%dma_wait3A_589 : memref<10112x16xf32, #tpu.memory_space<vmem_shared>>)
        %add3A_590 = arith.constant 10 : i32
        %add3A_591 = arith.addi %mul3A_268, %add3A_590 : i32
        %add3A_592 = arith.constant 3 : i32
        %add3A_593 = arith.addi %add3A_591, %add3A_592 : i32
        %dma_start3A_594 = arith.constant 0 : i32
        %dma_start3A_595 = tpu.memref_slice %arg6[%add3A_593, %dma_start3A_594] : memref<40x128xi32, #tpu.memory_space<vmem>> -> memref<1x128xi32, #tpu.memory_space<vmem>>
        %dma_start3A_596 = tpu.memref_squeeze %dma_start3A_595 : memref<1x128xi32, #tpu.memory_space<vmem>> -> memref<128xi32, #tpu.memory_space<vmem>>
        %dma_start3A_597 = arith.constant 0 : i32
        %dma_start3A_598 = arith.constant 0 : i32
        %dma_start3A_599 = tpu.memref_slice %arg2[%dma_start3A_597, %dma_start3A_598] : memref<10000x32xf32, #tpu.memory_space<hbm>> -> memref<10000x32xf32, #tpu.memory_space<hbm>>
        tpu.enqueue_indirect_dma source(%dma_start3A_599 : memref<10000x32xf32, #tpu.memory_space<hbm>>) target(%arg11 : memref<128x32xf32, #tpu.memory_space<vmem>>) offsets(%dma_start3A_596 : memref<128xi32, #tpu.memory_space<vmem>>) semaphore(%arg22 : memref<!tpu.dma_semaphore, #tpu.memory_space<semaphore_mem>>)
        %dma_wait3A_600 = arith.constant 0 : i32
        %dma_wait3A_601 = arith.constant 0 : i32
        %dma_wait3A_602 = tpu.memref_slice %arg7[%dma_wait3A_600, %dma_wait3A_601] : memref<40x128xi32, #tpu.memory_space<vmem>> -> memref<1x128xi32, #tpu.memory_space<vmem>>
        %dma_wait3A_603 = tpu.memref_squeeze %dma_wait3A_602 : memref<1x128xi32, #tpu.memory_space<vmem>> -> memref<128xi32, #tpu.memory_space<vmem>>
        %dma_wait3A_604 = arith.constant 0 : i32
        %dma_wait3A_605 = arith.constant 0 : i32
        %dma_wait3A_606 = tpu.memref_slice %arg18[%dma_wait3A_604, %dma_wait3A_605] : memref<10112x32xf32, #tpu.memory_space<vmem_shared>> -> memref<10112x32xf32, #tpu.memory_space<vmem_shared>>
        tpu.wait_indirect_dma semaphore(%arg33 : memref<!tpu.dma_semaphore, #tpu.memory_space<semaphore_mem>>) src(%arg12 : memref<128x32xf32, #tpu.memory_space<vmem>>) dst(%dma_wait3A_606 : memref<10112x32xf32, #tpu.memory_space<vmem_shared>>)
        %dma_wait3A_607 = arith.constant 0 : i32
        %dma_wait3A_608 = arith.constant 0 : i32
        %dma_wait3A_609 = tpu.memref_slice %arg7[%dma_wait3A_607, %dma_wait3A_608] : memref<40x128xi32, #tpu.memory_space<vmem>> -> memref<1x128xi32, #tpu.memory_space<vmem>>
        %dma_wait3A_610 = tpu.memref_squeeze %dma_wait3A_609 : memref<1x128xi32, #tpu.memory_space<vmem>> -> memref<128xi32, #tpu.memory_space<vmem>>
        %dma_wait3A_611 = arith.constant 0 : i32
        %dma_wait3A_612 = arith.constant 0 : i32
        %dma_wait3A_613 = tpu.memref_slice %arg41[%dma_wait3A_611, %dma_wait3A_612] : memref<10112x16xf32, #tpu.memory_space<vmem_shared>> -> memref<10112x16xf32, #tpu.memory_space<vmem_shared>>
        tpu.wait_indirect_dma semaphore(%arg46 : memref<!tpu.dma_semaphore, #tpu.memory_space<semaphore_mem>>) src(%arg39 : memref<128x16xf32, #tpu.memory_space<vmem>>) dst(%dma_wait3A_613 : memref<10112x16xf32, #tpu.memory_space<vmem_shared>>)
        %add3A_614 = arith.constant 10 : i32
        %add3A_615 = arith.addi %mul3A_268, %add3A_614 : i32
        %add3A_616 = arith.constant 4 : i32
        %add3A_617 = arith.addi %add3A_615, %add3A_616 : i32
        %dma_start3A_618 = arith.constant 0 : i32
        %dma_start3A_619 = tpu.memref_slice %arg6[%add3A_617, %dma_start3A_618] : memref<40x128xi32, #tpu.memory_space<vmem>> -> memref<1x128xi32, #tpu.memory_space<vmem>>
        %dma_start3A_620 = tpu.memref_squeeze %dma_start3A_619 : memref<1x128xi32, #tpu.memory_space<vmem>> -> memref<128xi32, #tpu.memory_space<vmem>>
        %dma_start3A_621 = arith.constant 0 : i32
        %dma_start3A_622 = arith.constant 0 : i32
        %dma_start3A_623 = tpu.memref_slice %arg2[%dma_start3A_621, %dma_start3A_622] : memref<10000x32xf32, #tpu.memory_space<hbm>> -> memref<10000x32xf32, #tpu.memory_space<hbm>>
        tpu.enqueue_indirect_dma source(%dma_start3A_623 : memref<10000x32xf32, #tpu.memory_space<hbm>>) target(%arg12 : memref<128x32xf32, #tpu.memory_space<vmem>>) offsets(%dma_start3A_620 : memref<128xi32, #tpu.memory_space<vmem>>) semaphore(%arg23 : memref<!tpu.dma_semaphore, #tpu.memory_space<semaphore_mem>>)
        %dma_wait3A_624 = arith.constant 0 : i32
        %dma_wait3A_625 = arith.constant 0 : i32
        %dma_wait3A_626 = tpu.memref_slice %arg7[%dma_wait3A_624, %dma_wait3A_625] : memref<40x128xi32, #tpu.memory_space<vmem>> -> memref<1x128xi32, #tpu.memory_space<vmem>>
        %dma_wait3A_627 = tpu.memref_squeeze %dma_wait3A_626 : memref<1x128xi32, #tpu.memory_space<vmem>> -> memref<128xi32, #tpu.memory_space<vmem>>
        %dma_wait3A_628 = arith.constant 0 : i32
        %dma_wait3A_629 = arith.constant 0 : i32
        %dma_wait3A_630 = tpu.memref_slice %arg18[%dma_wait3A_628, %dma_wait3A_629] : memref<10112x32xf32, #tpu.memory_space<vmem_shared>> -> memref<10112x32xf32, #tpu.memory_space<vmem_shared>>
        tpu.wait_indirect_dma semaphore(%arg34 : memref<!tpu.dma_semaphore, #tpu.memory_space<semaphore_mem>>) src(%arg13 : memref<128x32xf32, #tpu.memory_space<vmem>>) dst(%dma_wait3A_630 : memref<10112x32xf32, #tpu.memory_space<vmem_shared>>)
        %dma_wait3A_631 = arith.constant 0 : i32
        %dma_wait3A_632 = arith.constant 0 : i32
        %dma_wait3A_633 = tpu.memref_slice %arg7[%dma_wait3A_631, %dma_wait3A_632] : memref<40x128xi32, #tpu.memory_space<vmem>> -> memref<1x128xi32, #tpu.memory_space<vmem>>
        %dma_wait3A_634 = tpu.memref_squeeze %dma_wait3A_633 : memref<1x128xi32, #tpu.memory_space<vmem>> -> memref<128xi32, #tpu.memory_space<vmem>>
        %dma_wait3A_635 = arith.constant 0 : i32
        %dma_wait3A_636 = arith.constant 0 : i32
        %dma_wait3A_637 = tpu.memref_slice %arg41[%dma_wait3A_635, %dma_wait3A_636] : memref<10112x16xf32, #tpu.memory_space<vmem_shared>> -> memref<10112x16xf32, #tpu.memory_space<vmem_shared>>
        tpu.wait_indirect_dma semaphore(%arg47 : memref<!tpu.dma_semaphore, #tpu.memory_space<semaphore_mem>>) src(%arg39 : memref<128x16xf32, #tpu.memory_space<vmem>>) dst(%dma_wait3A_637 : memref<10112x16xf32, #tpu.memory_space<vmem_shared>>)
        %add3A_638 = arith.constant 10 : i32
        %add3A_639 = arith.addi %mul3A_268, %add3A_638 : i32
        %add3A_640 = arith.constant 5 : i32
        %add3A_641 = arith.addi %add3A_639, %add3A_640 : i32
        %dma_start3A_642 = arith.constant 0 : i32
        %dma_start3A_643 = tpu.memref_slice %arg6[%add3A_641, %dma_start3A_642] : memref<40x128xi32, #tpu.memory_space<vmem>> -> memref<1x128xi32, #tpu.memory_space<vmem>>
        %dma_start3A_644 = tpu.memref_squeeze %dma_start3A_643 : memref<1x128xi32, #tpu.memory_space<vmem>> -> memref<128xi32, #tpu.memory_space<vmem>>
        %dma_start3A_645 = arith.constant 0 : i32
        %dma_start3A_646 = arith.constant 0 : i32
        %dma_start3A_647 = tpu.memref_slice %arg2[%dma_start3A_645, %dma_start3A_646] : memref<10000x32xf32, #tpu.memory_space<hbm>> -> memref<10000x32xf32, #tpu.memory_space<hbm>>
        tpu.enqueue_indirect_dma source(%dma_start3A_647 : memref<10000x32xf32, #tpu.memory_space<hbm>>) target(%arg13 : memref<128x32xf32, #tpu.memory_space<vmem>>) offsets(%dma_start3A_644 : memref<128xi32, #tpu.memory_space<vmem>>) semaphore(%arg24 : memref<!tpu.dma_semaphore, #tpu.memory_space<semaphore_mem>>)
        %dma_wait3A_648 = arith.constant 0 : i32
        %dma_wait3A_649 = arith.constant 0 : i32
        %dma_wait3A_650 = tpu.memref_slice %arg7[%dma_wait3A_648, %dma_wait3A_649] : memref<40x128xi32, #tpu.memory_space<vmem>> -> memref<1x128xi32, #tpu.memory_space<vmem>>
        %dma_wait3A_651 = tpu.memref_squeeze %dma_wait3A_650 : memref<1x128xi32, #tpu.memory_space<vmem>> -> memref<128xi32, #tpu.memory_space<vmem>>
        %dma_wait3A_652 = arith.constant 0 : i32
        %dma_wait3A_653 = arith.constant 0 : i32
        %dma_wait3A_654 = tpu.memref_slice %arg18[%dma_wait3A_652, %dma_wait3A_653] : memref<10112x32xf32, #tpu.memory_space<vmem_shared>> -> memref<10112x32xf32, #tpu.memory_space<vmem_shared>>
        tpu.wait_indirect_dma semaphore(%arg35 : memref<!tpu.dma_semaphore, #tpu.memory_space<semaphore_mem>>) src(%arg14 : memref<128x32xf32, #tpu.memory_space<vmem>>) dst(%dma_wait3A_654 : memref<10112x32xf32, #tpu.memory_space<vmem_shared>>)
        %dma_wait3A_655 = arith.constant 0 : i32
        %dma_wait3A_656 = arith.constant 0 : i32
        %dma_wait3A_657 = tpu.memref_slice %arg7[%dma_wait3A_655, %dma_wait3A_656] : memref<40x128xi32, #tpu.memory_space<vmem>> -> memref<1x128xi32, #tpu.memory_space<vmem>>
        %dma_wait3A_658 = tpu.memref_squeeze %dma_wait3A_657 : memref<1x128xi32, #tpu.memory_space<vmem>> -> memref<128xi32, #tpu.memory_space<vmem>>
        %dma_wait3A_659 = arith.constant 0 : i32
        %dma_wait3A_660 = arith.constant 0 : i32
        %dma_wait3A_661 = tpu.memref_slice %arg41[%dma_wait3A_659, %dma_wait3A_660] : memref<10112x16xf32, #tpu.memory_space<vmem_shared>> -> memref<10112x16xf32, #tpu.memory_space<vmem_shared>>
        tpu.wait_indirect_dma semaphore(%arg48 : memref<!tpu.dma_semaphore, #tpu.memory_space<semaphore_mem>>) src(%arg39 : memref<128x16xf32, #tpu.memory_space<vmem>>) dst(%dma_wait3A_661 : memref<10112x16xf32, #tpu.memory_space<vmem_shared>>)
        %add3A_662 = arith.constant 10 : i32
        %add3A_663 = arith.addi %mul3A_268, %add3A_662 : i32
        %add3A_664 = arith.constant 6 : i32
        %add3A_665 = arith.addi %add3A_663, %add3A_664 : i32
        %dma_start3A_666 = arith.constant 0 : i32
        %dma_start3A_667 = tpu.memref_slice %arg6[%add3A_665, %dma_start3A_666] : memref<40x128xi32, #tpu.memory_space<vmem>> -> memref<1x128xi32, #tpu.memory_space<vmem>>
        %dma_start3A_668 = tpu.memref_squeeze %dma_start3A_667 : memref<1x128xi32, #tpu.memory_space<vmem>> -> memref<128xi32, #tpu.memory_space<vmem>>
        %dma_start3A_669 = arith.constant 0 : i32
        %dma_start3A_670 = arith.constant 0 : i32
        %dma_start3A_671 = tpu.memref_slice %arg2[%dma_start3A_669, %dma_start3A_670] : memref<10000x32xf32, #tpu.memory_space<hbm>> -> memref<10000x32xf32, #tpu.memory_space<hbm>>
        tpu.enqueue_indirect_dma source(%dma_start3A_671 : memref<10000x32xf32, #tpu.memory_space<hbm>>) target(%arg14 : memref<128x32xf32, #tpu.memory_space<vmem>>) offsets(%dma_start3A_668 : memref<128xi32, #tpu.memory_space<vmem>>) semaphore(%arg25 : memref<!tpu.dma_semaphore, #tpu.memory_space<semaphore_mem>>)
        %dma_wait3A_672 = arith.constant 0 : i32
        %dma_wait3A_673 = arith.constant 0 : i32
        %dma_wait3A_674 = tpu.memref_slice %arg7[%dma_wait3A_672, %dma_wait3A_673] : memref<40x128xi32, #tpu.memory_space<vmem>> -> memref<1x128xi32, #tpu.memory_space<vmem>>
        %dma_wait3A_675 = tpu.memref_squeeze %dma_wait3A_674 : memref<1x128xi32, #tpu.memory_space<vmem>> -> memref<128xi32, #tpu.memory_space<vmem>>
        %dma_wait3A_676 = arith.constant 0 : i32
        %dma_wait3A_677 = arith.constant 0 : i32
        %dma_wait3A_678 = tpu.memref_slice %arg18[%dma_wait3A_676, %dma_wait3A_677] : memref<10112x32xf32, #tpu.memory_space<vmem_shared>> -> memref<10112x32xf32, #tpu.memory_space<vmem_shared>>
        tpu.wait_indirect_dma semaphore(%arg36 : memref<!tpu.dma_semaphore, #tpu.memory_space<semaphore_mem>>) src(%arg15 : memref<128x32xf32, #tpu.memory_space<vmem>>) dst(%dma_wait3A_678 : memref<10112x32xf32, #tpu.memory_space<vmem_shared>>)
        %dma_wait3A_679 = arith.constant 0 : i32
        %dma_wait3A_680 = arith.constant 0 : i32
        %dma_wait3A_681 = tpu.memref_slice %arg7[%dma_wait3A_679, %dma_wait3A_680] : memref<40x128xi32, #tpu.memory_space<vmem>> -> memref<1x128xi32, #tpu.memory_space<vmem>>
        %dma_wait3A_682 = tpu.memref_squeeze %dma_wait3A_681 : memref<1x128xi32, #tpu.memory_space<vmem>> -> memref<128xi32, #tpu.memory_space<vmem>>
        %dma_wait3A_683 = arith.constant 0 : i32
        %dma_wait3A_684 = arith.constant 0 : i32
        %dma_wait3A_685 = tpu.memref_slice %arg41[%dma_wait3A_683, %dma_wait3A_684] : memref<10112x16xf32, #tpu.memory_space<vmem_shared>> -> memref<10112x16xf32, #tpu.memory_space<vmem_shared>>
        tpu.wait_indirect_dma semaphore(%arg49 : memref<!tpu.dma_semaphore, #tpu.memory_space<semaphore_mem>>) src(%arg39 : memref<128x16xf32, #tpu.memory_space<vmem>>) dst(%dma_wait3A_685 : memref<10112x16xf32, #tpu.memory_space<vmem_shared>>)
        %add3A_686 = arith.constant 10 : i32
        %add3A_687 = arith.addi %mul3A_268, %add3A_686 : i32
        %add3A_688 = arith.constant 7 : i32
        %add3A_689 = arith.addi %add3A_687, %add3A_688 : i32
        %dma_start3A_690 = arith.constant 0 : i32
        %dma_start3A_691 = tpu.memref_slice %arg6[%add3A_689, %dma_start3A_690] : memref<40x128xi32, #tpu.memory_space<vmem>> -> memref<1x128xi32, #tpu.memory_space<vmem>>
        %dma_start3A_692 = tpu.memref_squeeze %dma_start3A_691 : memref<1x128xi32, #tpu.memory_space<vmem>> -> memref<128xi32, #tpu.memory_space<vmem>>
        %dma_start3A_693 = arith.constant 0 : i32
        %dma_start3A_694 = arith.constant 0 : i32
        %dma_start3A_695 = tpu.memref_slice %arg2[%dma_start3A_693, %dma_start3A_694] : memref<10000x32xf32, #tpu.memory_space<hbm>> -> memref<10000x32xf32, #tpu.memory_space<hbm>>
        tpu.enqueue_indirect_dma source(%dma_start3A_695 : memref<10000x32xf32, #tpu.memory_space<hbm>>) target(%arg15 : memref<128x32xf32, #tpu.memory_space<vmem>>) offsets(%dma_start3A_692 : memref<128xi32, #tpu.memory_space<vmem>>) semaphore(%arg26 : memref<!tpu.dma_semaphore, #tpu.memory_space<semaphore_mem>>)
        %dma_wait3A_696 = arith.constant 0 : i32
        %dma_wait3A_697 = arith.constant 0 : i32
        %dma_wait3A_698 = tpu.memref_slice %arg7[%dma_wait3A_696, %dma_wait3A_697] : memref<40x128xi32, #tpu.memory_space<vmem>> -> memref<1x128xi32, #tpu.memory_space<vmem>>
        %dma_wait3A_699 = tpu.memref_squeeze %dma_wait3A_698 : memref<1x128xi32, #tpu.memory_space<vmem>> -> memref<128xi32, #tpu.memory_space<vmem>>
        %dma_wait3A_700 = arith.constant 0 : i32
        %dma_wait3A_701 = arith.constant 0 : i32
        %dma_wait3A_702 = tpu.memref_slice %arg18[%dma_wait3A_700, %dma_wait3A_701] : memref<10112x32xf32, #tpu.memory_space<vmem_shared>> -> memref<10112x32xf32, #tpu.memory_space<vmem_shared>>
        tpu.wait_indirect_dma semaphore(%arg37 : memref<!tpu.dma_semaphore, #tpu.memory_space<semaphore_mem>>) src(%arg16 : memref<128x32xf32, #tpu.memory_space<vmem>>) dst(%dma_wait3A_702 : memref<10112x32xf32, #tpu.memory_space<vmem_shared>>)
        %dma_wait3A_703 = arith.constant 0 : i32
        %dma_wait3A_704 = arith.constant 0 : i32
        %dma_wait3A_705 = tpu.memref_slice %arg7[%dma_wait3A_703, %dma_wait3A_704] : memref<40x128xi32, #tpu.memory_space<vmem>> -> memref<1x128xi32, #tpu.memory_space<vmem>>
        %dma_wait3A_706 = tpu.memref_squeeze %dma_wait3A_705 : memref<1x128xi32, #tpu.memory_space<vmem>> -> memref<128xi32, #tpu.memory_space<vmem>>
        %dma_wait3A_707 = arith.constant 0 : i32
        %dma_wait3A_708 = arith.constant 0 : i32
        %dma_wait3A_709 = tpu.memref_slice %arg41[%dma_wait3A_707, %dma_wait3A_708] : memref<10112x16xf32, #tpu.memory_space<vmem_shared>> -> memref<10112x16xf32, #tpu.memory_space<vmem_shared>>
        tpu.wait_indirect_dma semaphore(%arg50 : memref<!tpu.dma_semaphore, #tpu.memory_space<semaphore_mem>>) src(%arg39 : memref<128x16xf32, #tpu.memory_space<vmem>>) dst(%dma_wait3A_709 : memref<10112x16xf32, #tpu.memory_space<vmem_shared>>)
        %add3A_710 = arith.constant 10 : i32
        %add3A_711 = arith.addi %mul3A_268, %add3A_710 : i32
        %add3A_712 = arith.constant 8 : i32
        %add3A_713 = arith.addi %add3A_711, %add3A_712 : i32
        %dma_start3A_714 = arith.constant 0 : i32
        %dma_start3A_715 = tpu.memref_slice %arg6[%add3A_713, %dma_start3A_714] : memref<40x128xi32, #tpu.memory_space<vmem>> -> memref<1x128xi32, #tpu.memory_space<vmem>>
        %dma_start3A_716 = tpu.memref_squeeze %dma_start3A_715 : memref<1x128xi32, #tpu.memory_space<vmem>> -> memref<128xi32, #tpu.memory_space<vmem>>
        %dma_start3A_717 = arith.constant 0 : i32
        %dma_start3A_718 = arith.constant 0 : i32
        %dma_start3A_719 = tpu.memref_slice %arg2[%dma_start3A_717, %dma_start3A_718] : memref<10000x32xf32, #tpu.memory_space<hbm>> -> memref<10000x32xf32, #tpu.memory_space<hbm>>
        tpu.enqueue_indirect_dma source(%dma_start3A_719 : memref<10000x32xf32, #tpu.memory_space<hbm>>) target(%arg16 : memref<128x32xf32, #tpu.memory_space<vmem>>) offsets(%dma_start3A_716 : memref<128xi32, #tpu.memory_space<vmem>>) semaphore(%arg27 : memref<!tpu.dma_semaphore, #tpu.memory_space<semaphore_mem>>)
        %dma_wait3A_720 = arith.constant 0 : i32
        %dma_wait3A_721 = arith.constant 0 : i32
        %dma_wait3A_722 = tpu.memref_slice %arg7[%dma_wait3A_720, %dma_wait3A_721] : memref<40x128xi32, #tpu.memory_space<vmem>> -> memref<1x128xi32, #tpu.memory_space<vmem>>
        %dma_wait3A_723 = tpu.memref_squeeze %dma_wait3A_722 : memref<1x128xi32, #tpu.memory_space<vmem>> -> memref<128xi32, #tpu.memory_space<vmem>>
        %dma_wait3A_724 = arith.constant 0 : i32
        %dma_wait3A_725 = arith.constant 0 : i32
        %dma_wait3A_726 = tpu.memref_slice %arg18[%dma_wait3A_724, %dma_wait3A_725] : memref<10112x32xf32, #tpu.memory_space<vmem_shared>> -> memref<10112x32xf32, #tpu.memory_space<vmem_shared>>
        tpu.wait_indirect_dma semaphore(%arg38 : memref<!tpu.dma_semaphore, #tpu.memory_space<semaphore_mem>>) src(%arg17 : memref<128x32xf32, #tpu.memory_space<vmem>>) dst(%dma_wait3A_726 : memref<10112x32xf32, #tpu.memory_space<vmem_shared>>)
        %dma_wait3A_727 = arith.constant 0 : i32
        %dma_wait3A_728 = arith.constant 0 : i32
        %dma_wait3A_729 = tpu.memref_slice %arg7[%dma_wait3A_727, %dma_wait3A_728] : memref<40x128xi32, #tpu.memory_space<vmem>> -> memref<1x128xi32, #tpu.memory_space<vmem>>
        %dma_wait3A_730 = tpu.memref_squeeze %dma_wait3A_729 : memref<1x128xi32, #tpu.memory_space<vmem>> -> memref<128xi32, #tpu.memory_space<vmem>>
        %dma_wait3A_731 = arith.constant 0 : i32
        %dma_wait3A_732 = arith.constant 0 : i32
        %dma_wait3A_733 = tpu.memref_slice %arg41[%dma_wait3A_731, %dma_wait3A_732] : memref<10112x16xf32, #tpu.memory_space<vmem_shared>> -> memref<10112x16xf32, #tpu.memory_space<vmem_shared>>
        tpu.wait_indirect_dma semaphore(%arg51 : memref<!tpu.dma_semaphore, #tpu.memory_space<semaphore_mem>>) src(%arg39 : memref<128x16xf32, #tpu.memory_space<vmem>>) dst(%dma_wait3A_733 : memref<10112x16xf32, #tpu.memory_space<vmem_shared>>)
        %add3A_734 = arith.constant 10 : i32
        %add3A_735 = arith.addi %mul3A_268, %add3A_734 : i32
        %add3A_736 = arith.constant 9 : i32
        %add3A_737 = arith.addi %add3A_735, %add3A_736 : i32
        %dma_start3A_738 = arith.constant 0 : i32
        %dma_start3A_739 = tpu.memref_slice %arg6[%add3A_737, %dma_start3A_738] : memref<40x128xi32, #tpu.memory_space<vmem>> -> memref<1x128xi32, #tpu.memory_space<vmem>>
        %dma_start3A_740 = tpu.memref_squeeze %dma_start3A_739 : memref<1x128xi32, #tpu.memory_space<vmem>> -> memref<128xi32, #tpu.memory_space<vmem>>
        %dma_start3A_741 = arith.constant 0 : i32
        %dma_start3A_742 = arith.constant 0 : i32
        %dma_start3A_743 = tpu.memref_slice %arg2[%dma_start3A_741, %dma_start3A_742] : memref<10000x32xf32, #tpu.memory_space<hbm>> -> memref<10000x32xf32, #tpu.memory_space<hbm>>
        tpu.enqueue_indirect_dma source(%dma_start3A_743 : memref<10000x32xf32, #tpu.memory_space<hbm>>) target(%arg17 : memref<128x32xf32, #tpu.memory_space<vmem>>) offsets(%dma_start3A_740 : memref<128xi32, #tpu.memory_space<vmem>>) semaphore(%arg28 : memref<!tpu.dma_semaphore, #tpu.memory_space<semaphore_mem>>)
      } else {
      }
    }
    %while3A_115 = arith.constant 1 : i32
    scf.for %while3A_266 = %while3A_113 to %while3A_109 step %while3A_115  : i32 {
      %mul3A_267 = arith.constant 10 : i32
      %mul3A_268 = arith.muli %while3A_266, %mul3A_267 : i32
      %dma_wait3A_269 = arith.constant 0 : i32
      %dma_wait3A_270 = arith.constant 0 : i32
      %dma_wait3A_271 = tpu.memref_slice %arg6[%dma_wait3A_269, %dma_wait3A_270] : memref<40x128xi32, #tpu.memory_space<vmem>> -> memref<1x128xi32, #tpu.memory_space<vmem>>
      %dma_wait3A_272 = tpu.memref_squeeze %dma_wait3A_271 : memref<1x128xi32, #tpu.memory_space<vmem>> -> memref<128xi32, #tpu.memory_space<vmem>>
      %dma_wait3A_273 = arith.constant 0 : i32
      %dma_wait3A_274 = arith.constant 0 : i32
      %dma_wait3A_275 = tpu.memref_slice %arg2[%dma_wait3A_273, %dma_wait3A_274] : memref<10000x32xf32, #tpu.memory_space<hbm>> -> memref<10000x32xf32, #tpu.memory_space<hbm>>
      tpu.wait_indirect_dma semaphore(%arg19 : memref<!tpu.dma_semaphore, #tpu.memory_space<semaphore_mem>>) src(%dma_wait3A_275 : memref<10000x32xf32, #tpu.memory_space<hbm>>) dst(%arg8 : memref<128x32xf32, #tpu.memory_space<vmem>>)
      %add3A_276 = arith.constant 0 : i32
      %add3A_277 = arith.addi %mul3A_268, %add3A_276 : i32
      %dma_start3A_278 = arith.constant 0 : i32
      %dma_start3A_279 = tpu.memref_slice %arg7[%add3A_277, %dma_start3A_278] : memref<40x128xi32, #tpu.memory_space<vmem>> -> memref<1x128xi32, #tpu.memory_space<vmem>>
      %dma_start3A_280 = tpu.memref_squeeze %dma_start3A_279 : memref<1x128xi32, #tpu.memory_space<vmem>> -> memref<128xi32, #tpu.memory_space<vmem>>
      %dma_start3A_281 = arith.constant 0 : i32
      %dma_start3A_282 = arith.constant 0 : i32
      %dma_start3A_283 = tpu.memref_slice %arg18[%dma_start3A_281, %dma_start3A_282] : memref<10112x32xf32, #tpu.memory_space<vmem_shared>> -> memref<10112x32xf32, #tpu.memory_space<vmem_shared>>
      tpu.enqueue_indirect_dma source(%arg8 : memref<128x32xf32, #tpu.memory_space<vmem>>) target(%dma_start3A_283 : memref<10112x32xf32, #tpu.memory_space<vmem_shared>>) offsets(%dma_start3A_280 : memref<128xi32, #tpu.memory_space<vmem>>) semaphore(%arg29 : memref<!tpu.dma_semaphore, #tpu.memory_space<semaphore_mem>>) {add = true}
      %add3A_284 = arith.constant 0 : i32
      %add3A_285 = arith.addi %mul3A_268, %add3A_284 : i32
      %dma_start3A_286 = arith.constant 0 : i32
      %dma_start3A_287 = tpu.memref_slice %arg7[%add3A_285, %dma_start3A_286] : memref<40x128xi32, #tpu.memory_space<vmem>> -> memref<1x128xi32, #tpu.memory_space<vmem>>
      %dma_start3A_288 = tpu.memref_squeeze %dma_start3A_287 : memref<1x128xi32, #tpu.memory_space<vmem>> -> memref<128xi32, #tpu.memory_space<vmem>>
      %dma_start3A_289 = arith.constant 0 : i32
      %dma_start3A_290 = arith.constant 0 : i32
      %dma_start3A_291 = tpu.memref_slice %arg41[%dma_start3A_289, %dma_start3A_290] : memref<10112x16xf32, #tpu.memory_space<vmem_shared>> -> memref<10112x16xf32, #tpu.memory_space<vmem_shared>>
      tpu.enqueue_indirect_dma source(%arg39 : memref<128x16xf32, #tpu.memory_space<vmem>>) target(%dma_start3A_291 : memref<10112x16xf32, #tpu.memory_space<vmem_shared>>) offsets(%dma_start3A_288 : memref<128xi32, #tpu.memory_space<vmem>>) semaphore(%arg42 : memref<!tpu.dma_semaphore, #tpu.memory_space<semaphore_mem>>) {add = true}
      %dma_wait3A_292 = arith.constant 0 : i32
      %dma_wait3A_293 = arith.constant 0 : i32
      %dma_wait3A_294 = tpu.memref_slice %arg6[%dma_wait3A_292, %dma_wait3A_293] : memref<40x128xi32, #tpu.memory_space<vmem>> -> memref<1x128xi32, #tpu.memory_space<vmem>>
      %dma_wait3A_295 = tpu.memref_squeeze %dma_wait3A_294 : memref<1x128xi32, #tpu.memory_space<vmem>> -> memref<128xi32, #tpu.memory_space<vmem>>
      %dma_wait3A_296 = arith.constant 0 : i32
      %dma_wait3A_297 = arith.constant 0 : i32
      %dma_wait3A_298 = tpu.memref_slice %arg2[%dma_wait3A_296, %dma_wait3A_297] : memref<10000x32xf32, #tpu.memory_space<hbm>> -> memref<10000x32xf32, #tpu.memory_space<hbm>>
      tpu.wait_indirect_dma semaphore(%arg20 : memref<!tpu.dma_semaphore, #tpu.memory_space<semaphore_mem>>) src(%dma_wait3A_298 : memref<10000x32xf32, #tpu.memory_space<hbm>>) dst(%arg9 : memref<128x32xf32, #tpu.memory_space<vmem>>)
      %add3A_299 = arith.constant 1 : i32
      %add3A_300 = arith.addi %mul3A_268, %add3A_299 : i32
      %dma_start3A_301 = arith.constant 0 : i32
      %dma_start3A_302 = tpu.memref_slice %arg7[%add3A_300, %dma_start3A_301] : memref<40x128xi32, #tpu.memory_space<vmem>> -> memref<1x128xi32, #tpu.memory_space<vmem>>
      %dma_start3A_303 = tpu.memref_squeeze %dma_start3A_302 : memref<1x128xi32, #tpu.memory_space<vmem>> -> memref<128xi32, #tpu.memory_space<vmem>>
      %dma_start3A_304 = arith.constant 0 : i32
      %dma_start3A_305 = arith.constant 0 : i32
      %dma_start3A_306 = tpu.memref_slice %arg18[%dma_start3A_304, %dma_start3A_305] : memref<10112x32xf32, #tpu.memory_space<vmem_shared>> -> memref<10112x32xf32, #tpu.memory_space<vmem_shared>>
      tpu.enqueue_indirect_dma source(%arg9 : memref<128x32xf32, #tpu.memory_space<vmem>>) target(%dma_start3A_306 : memref<10112x32xf32, #tpu.memory_space<vmem_shared>>) offsets(%dma_start3A_303 : memref<128xi32, #tpu.memory_space<vmem>>) semaphore(%arg30 : memref<!tpu.dma_semaphore, #tpu.memory_space<semaphore_mem>>) {add = true}
      %add3A_307 = arith.constant 1 : i32
      %add3A_308 = arith.addi %mul3A_268, %add3A_307 : i32
      %dma_start3A_309 = arith.constant 0 : i32
      %dma_start3A_310 = tpu.memref_slice %arg7[%add3A_308, %dma_start3A_309] : memref<40x128xi32, #tpu.memory_space<vmem>> -> memref<1x128xi32, #tpu.memory_space<vmem>>
      %dma_start3A_311 = tpu.memref_squeeze %dma_start3A_310 : memref<1x128xi32, #tpu.memory_space<vmem>> -> memref<128xi32, #tpu.memory_space<vmem>>
      %dma_start3A_312 = arith.constant 0 : i32
      %dma_start3A_313 = arith.constant 0 : i32
      %dma_start3A_314 = tpu.memref_slice %arg41[%dma_start3A_312, %dma_start3A_313] : memref<10112x16xf32, #tpu.memory_space<vmem_shared>> -> memref<10112x16xf32, #tpu.memory_space<vmem_shared>>
      tpu.enqueue_indirect_dma source(%arg39 : memref<128x16xf32, #tpu.memory_space<vmem>>) target(%dma_start3A_314 : memref<10112x16xf32, #tpu.memory_space<vmem_shared>>) offsets(%dma_start3A_311 : memref<128xi32, #tpu.memory_space<vmem>>) semaphore(%arg43 : memref<!tpu.dma_semaphore, #tpu.memory_space<semaphore_mem>>) {add = true}
      %dma_wait3A_315 = arith.constant 0 : i32
      %dma_wait3A_316 = arith.constant 0 : i32
      %dma_wait3A_317 = tpu.memref_slice %arg6[%dma_wait3A_315, %dma_wait3A_316] : memref<40x128xi32, #tpu.memory_space<vmem>> -> memref<1x128xi32, #tpu.memory_space<vmem>>
      %dma_wait3A_318 = tpu.memref_squeeze %dma_wait3A_317 : memref<1x128xi32, #tpu.memory_space<vmem>> -> memref<128xi32, #tpu.memory_space<vmem>>
      %dma_wait3A_319 = arith.constant 0 : i32
      %dma_wait3A_320 = arith.constant 0 : i32
      %dma_wait3A_321 = tpu.memref_slice %arg2[%dma_wait3A_319, %dma_wait3A_320] : memref<10000x32xf32, #tpu.memory_space<hbm>> -> memref<10000x32xf32, #tpu.memory_space<hbm>>
      tpu.wait_indirect_dma semaphore(%arg21 : memref<!tpu.dma_semaphore, #tpu.memory_space<semaphore_mem>>) src(%dma_wait3A_321 : memref<10000x32xf32, #tpu.memory_space<hbm>>) dst(%arg10 : memref<128x32xf32, #tpu.memory_space<vmem>>)
      %add3A_322 = arith.constant 2 : i32
      %add3A_323 = arith.addi %mul3A_268, %add3A_322 : i32
      %dma_start3A_324 = arith.constant 0 : i32
      %dma_start3A_325 = tpu.memref_slice %arg7[%add3A_323, %dma_start3A_324] : memref<40x128xi32, #tpu.memory_space<vmem>> -> memref<1x128xi32, #tpu.memory_space<vmem>>
      %dma_start3A_326 = tpu.memref_squeeze %dma_start3A_325 : memref<1x128xi32, #tpu.memory_space<vmem>> -> memref<128xi32, #tpu.memory_space<vmem>>
      %dma_start3A_327 = arith.constant 0 : i32
      %dma_start3A_328 = arith.constant 0 : i32
      %dma_start3A_329 = tpu.memref_slice %arg18[%dma_start3A_327, %dma_start3A_328] : memref<10112x32xf32, #tpu.memory_space<vmem_shared>> -> memref<10112x32xf32, #tpu.memory_space<vmem_shared>>
      tpu.enqueue_indirect_dma source(%arg10 : memref<128x32xf32, #tpu.memory_space<vmem>>) target(%dma_start3A_329 : memref<10112x32xf32, #tpu.memory_space<vmem_shared>>) offsets(%dma_start3A_326 : memref<128xi32, #tpu.memory_space<vmem>>) semaphore(%arg31 : memref<!tpu.dma_semaphore, #tpu.memory_space<semaphore_mem>>) {add = true}
      %add3A_330 = arith.constant 2 : i32
      %add3A_331 = arith.addi %mul3A_268, %add3A_330 : i32
      %dma_start3A_332 = arith.constant 0 : i32
      %dma_start3A_333 = tpu.memref_slice %arg7[%add3A_331, %dma_start3A_332] : memref<40x128xi32, #tpu.memory_space<vmem>> -> memref<1x128xi32, #tpu.memory_space<vmem>>
      %dma_start3A_334 = tpu.memref_squeeze %dma_start3A_333 : memref<1x128xi32, #tpu.memory_space<vmem>> -> memref<128xi32, #tpu.memory_space<vmem>>
      %dma_start3A_335 = arith.constant 0 : i32
      %dma_start3A_336 = arith.constant 0 : i32
      %dma_start3A_337 = tpu.memref_slice %arg41[%dma_start3A_335, %dma_start3A_336] : memref<10112x16xf32, #tpu.memory_space<vmem_shared>> -> memref<10112x16xf32, #tpu.memory_space<vmem_shared>>
      tpu.enqueue_indirect_dma source(%arg39 : memref<128x16xf32, #tpu.memory_space<vmem>>) target(%dma_start3A_337 : memref<10112x16xf32, #tpu.memory_space<vmem_shared>>) offsets(%dma_start3A_334 : memref<128xi32, #tpu.memory_space<vmem>>) semaphore(%arg44 : memref<!tpu.dma_semaphore, #tpu.memory_space<semaphore_mem>>) {add = true}
      %dma_wait3A_338 = arith.constant 0 : i32
      %dma_wait3A_339 = arith.constant 0 : i32
      %dma_wait3A_340 = tpu.memref_slice %arg6[%dma_wait3A_338, %dma_wait3A_339] : memref<40x128xi32, #tpu.memory_space<vmem>> -> memref<1x128xi32, #tpu.memory_space<vmem>>
      %dma_wait3A_341 = tpu.memref_squeeze %dma_wait3A_340 : memref<1x128xi32, #tpu.memory_space<vmem>> -> memref<128xi32, #tpu.memory_space<vmem>>
      %dma_wait3A_342 = arith.constant 0 : i32
      %dma_wait3A_343 = arith.constant 0 : i32
      %dma_wait3A_344 = tpu.memref_slice %arg2[%dma_wait3A_342, %dma_wait3A_343] : memref<10000x32xf32, #tpu.memory_space<hbm>> -> memref<10000x32xf32, #tpu.memory_space<hbm>>
      tpu.wait_indirect_dma semaphore(%arg22 : memref<!tpu.dma_semaphore, #tpu.memory_space<semaphore_mem>>) src(%dma_wait3A_344 : memref<10000x32xf32, #tpu.memory_space<hbm>>) dst(%arg11 : memref<128x32xf32, #tpu.memory_space<vmem>>)
      %add3A_345 = arith.constant 3 : i32
      %add3A_346 = arith.addi %mul3A_268, %add3A_345 : i32
      %dma_start3A_347 = arith.constant 0 : i32
      %dma_start3A_348 = tpu.memref_slice %arg7[%add3A_346, %dma_start3A_347] : memref<40x128xi32, #tpu.memory_space<vmem>> -> memref<1x128xi32, #tpu.memory_space<vmem>>
      %dma_start3A_349 = tpu.memref_squeeze %dma_start3A_348 : memref<1x128xi32, #tpu.memory_space<vmem>> -> memref<128xi32, #tpu.memory_space<vmem>>
      %dma_start3A_350 = arith.constant 0 : i32
      %dma_start3A_351 = arith.constant 0 : i32
      %dma_start3A_352 = tpu.memref_slice %arg18[%dma_start3A_350, %dma_start3A_351] : memref<10112x32xf32, #tpu.memory_space<vmem_shared>> -> memref<10112x32xf32, #tpu.memory_space<vmem_shared>>
      tpu.enqueue_indirect_dma source(%arg11 : memref<128x32xf32, #tpu.memory_space<vmem>>) target(%dma_start3A_352 : memref<10112x32xf32, #tpu.memory_space<vmem_shared>>) offsets(%dma_start3A_349 : memref<128xi32, #tpu.memory_space<vmem>>) semaphore(%arg32 : memref<!tpu.dma_semaphore, #tpu.memory_space<semaphore_mem>>) {add = true}
      %add3A_353 = arith.constant 3 : i32
      %add3A_354 = arith.addi %mul3A_268, %add3A_353 : i32
      %dma_start3A_355 = arith.constant 0 : i32
      %dma_start3A_356 = tpu.memref_slice %arg7[%add3A_354, %dma_start3A_355] : memref<40x128xi32, #tpu.memory_space<vmem>> -> memref<1x128xi32, #tpu.memory_space<vmem>>
      %dma_start3A_357 = tpu.memref_squeeze %dma_start3A_356 : memref<1x128xi32, #tpu.memory_space<vmem>> -> memref<128xi32, #tpu.memory_space<vmem>>
      %dma_start3A_358 = arith.constant 0 : i32
      %dma_start3A_359 = arith.constant 0 : i32
      %dma_start3A_360 = tpu.memref_slice %arg41[%dma_start3A_358, %dma_start3A_359] : memref<10112x16xf32, #tpu.memory_space<vmem_shared>> -> memref<10112x16xf32, #tpu.memory_space<vmem_shared>>
      tpu.enqueue_indirect_dma source(%arg39 : memref<128x16xf32, #tpu.memory_space<vmem>>) target(%dma_start3A_360 : memref<10112x16xf32, #tpu.memory_space<vmem_shared>>) offsets(%dma_start3A_357 : memref<128xi32, #tpu.memory_space<vmem>>) semaphore(%arg45 : memref<!tpu.dma_semaphore, #tpu.memory_space<semaphore_mem>>) {add = true}
      %dma_wait3A_361 = arith.constant 0 : i32
      %dma_wait3A_362 = arith.constant 0 : i32
      %dma_wait3A_363 = tpu.memref_slice %arg6[%dma_wait3A_361, %dma_wait3A_362] : memref<40x128xi32, #tpu.memory_space<vmem>> -> memref<1x128xi32, #tpu.memory_space<vmem>>
      %dma_wait3A_364 = tpu.memref_squeeze %dma_wait3A_363 : memref<1x128xi32, #tpu.memory_space<vmem>> -> memref<128xi32, #tpu.memory_space<vmem>>
      %dma_wait3A_365 = arith.constant 0 : i32
      %dma_wait3A_366 = arith.constant 0 : i32
      %dma_wait3A_367 = tpu.memref_slice %arg2[%dma_wait3A_365, %dma_wait3A_366] : memref<10000x32xf32, #tpu.memory_space<hbm>> -> memref<10000x32xf32, #tpu.memory_space<hbm>>
      tpu.wait_indirect_dma semaphore(%arg23 : memref<!tpu.dma_semaphore, #tpu.memory_space<semaphore_mem>>) src(%dma_wait3A_367 : memref<10000x32xf32, #tpu.memory_space<hbm>>) dst(%arg12 : memref<128x32xf32, #tpu.memory_space<vmem>>)
      %add3A_368 = arith.constant 4 : i32
      %add3A_369 = arith.addi %mul3A_268, %add3A_368 : i32
      %dma_start3A_370 = arith.constant 0 : i32
      %dma_start3A_371 = tpu.memref_slice %arg7[%add3A_369, %dma_start3A_370] : memref<40x128xi32, #tpu.memory_space<vmem>> -> memref<1x128xi32, #tpu.memory_space<vmem>>
      %dma_start3A_372 = tpu.memref_squeeze %dma_start3A_371 : memref<1x128xi32, #tpu.memory_space<vmem>> -> memref<128xi32, #tpu.memory_space<vmem>>
      %dma_start3A_373 = arith.constant 0 : i32
      %dma_start3A_374 = arith.constant 0 : i32
      %dma_start3A_375 = tpu.memref_slice %arg18[%dma_start3A_373, %dma_start3A_374] : memref<10112x32xf32, #tpu.memory_space<vmem_shared>> -> memref<10112x32xf32, #tpu.memory_space<vmem_shared>>
      tpu.enqueue_indirect_dma source(%arg12 : memref<128x32xf32, #tpu.memory_space<vmem>>) target(%dma_start3A_375 : memref<10112x32xf32, #tpu.memory_space<vmem_shared>>) offsets(%dma_start3A_372 : memref<128xi32, #tpu.memory_space<vmem>>) semaphore(%arg33 : memref<!tpu.dma_semaphore, #tpu.memory_space<semaphore_mem>>) {add = true}
      %add3A_376 = arith.constant 4 : i32
      %add3A_377 = arith.addi %mul3A_268, %add3A_376 : i32
      %dma_start3A_378 = arith.constant 0 : i32
      %dma_start3A_379 = tpu.memref_slice %arg7[%add3A_377, %dma_start3A_378] : memref<40x128xi32, #tpu.memory_space<vmem>> -> memref<1x128xi32, #tpu.memory_space<vmem>>
      %dma_start3A_380 = tpu.memref_squeeze %dma_start3A_379 : memref<1x128xi32, #tpu.memory_space<vmem>> -> memref<128xi32, #tpu.memory_space<vmem>>
      %dma_start3A_381 = arith.constant 0 : i32
      %dma_start3A_382 = arith.constant 0 : i32
      %dma_start3A_383 = tpu.memref_slice %arg41[%dma_start3A_381, %dma_start3A_382] : memref<10112x16xf32, #tpu.memory_space<vmem_shared>> -> memref<10112x16xf32, #tpu.memory_space<vmem_shared>>
      tpu.enqueue_indirect_dma source(%arg39 : memref<128x16xf32, #tpu.memory_space<vmem>>) target(%dma_start3A_383 : memref<10112x16xf32, #tpu.memory_space<vmem_shared>>) offsets(%dma_start3A_380 : memref<128xi32, #tpu.memory_space<vmem>>) semaphore(%arg46 : memref<!tpu.dma_semaphore, #tpu.memory_space<semaphore_mem>>) {add = true}
      %dma_wait3A_384 = arith.constant 0 : i32
      %dma_wait3A_385 = arith.constant 0 : i32
      %dma_wait3A_386 = tpu.memref_slice %arg6[%dma_wait3A_384, %dma_wait3A_385] : memref<40x128xi32, #tpu.memory_space<vmem>> -> memref<1x128xi32, #tpu.memory_space<vmem>>
      %dma_wait3A_387 = tpu.memref_squeeze %dma_wait3A_386 : memref<1x128xi32, #tpu.memory_space<vmem>> -> memref<128xi32, #tpu.memory_space<vmem>>
      %dma_wait3A_388 = arith.constant 0 : i32
      %dma_wait3A_389 = arith.constant 0 : i32
      %dma_wait3A_390 = tpu.memref_slice %arg2[%dma_wait3A_388, %dma_wait3A_389] : memref<10000x32xf32, #tpu.memory_space<hbm>> -> memref<10000x32xf32, #tpu.memory_space<hbm>>
      tpu.wait_indirect_dma semaphore(%arg24 : memref<!tpu.dma_semaphore, #tpu.memory_space<semaphore_mem>>) src(%dma_wait3A_390 : memref<10000x32xf32, #tpu.memory_space<hbm>>) dst(%arg13 : memref<128x32xf32, #tpu.memory_space<vmem>>)
      %add3A_391 = arith.constant 5 : i32
      %add3A_392 = arith.addi %mul3A_268, %add3A_391 : i32
      %dma_start3A_393 = arith.constant 0 : i32
      %dma_start3A_394 = tpu.memref_slice %arg7[%add3A_392, %dma_start3A_393] : memref<40x128xi32, #tpu.memory_space<vmem>> -> memref<1x128xi32, #tpu.memory_space<vmem>>
      %dma_start3A_395 = tpu.memref_squeeze %dma_start3A_394 : memref<1x128xi32, #tpu.memory_space<vmem>> -> memref<128xi32, #tpu.memory_space<vmem>>
      %dma_start3A_396 = arith.constant 0 : i32
      %dma_start3A_397 = arith.constant 0 : i32
      %dma_start3A_398 = tpu.memref_slice %arg18[%dma_start3A_396, %dma_start3A_397] : memref<10112x32xf32, #tpu.memory_space<vmem_shared>> -> memref<10112x32xf32, #tpu.memory_space<vmem_shared>>
      tpu.enqueue_indirect_dma source(%arg13 : memref<128x32xf32, #tpu.memory_space<vmem>>) target(%dma_start3A_398 : memref<10112x32xf32, #tpu.memory_space<vmem_shared>>) offsets(%dma_start3A_395 : memref<128xi32, #tpu.memory_space<vmem>>) semaphore(%arg34 : memref<!tpu.dma_semaphore, #tpu.memory_space<semaphore_mem>>) {add = true}
      %add3A_399 = arith.constant 5 : i32
      %add3A_400 = arith.addi %mul3A_268, %add3A_399 : i32
      %dma_start3A_401 = arith.constant 0 : i32
      %dma_start3A_402 = tpu.memref_slice %arg7[%add3A_400, %dma_start3A_401] : memref<40x128xi32, #tpu.memory_space<vmem>> -> memref<1x128xi32, #tpu.memory_space<vmem>>
      %dma_start3A_403 = tpu.memref_squeeze %dma_start3A_402 : memref<1x128xi32, #tpu.memory_space<vmem>> -> memref<128xi32, #tpu.memory_space<vmem>>
      %dma_start3A_404 = arith.constant 0 : i32
      %dma_start3A_405 = arith.constant 0 : i32
      %dma_start3A_406 = tpu.memref_slice %arg41[%dma_start3A_404, %dma_start3A_405] : memref<10112x16xf32, #tpu.memory_space<vmem_shared>> -> memref<10112x16xf32, #tpu.memory_space<vmem_shared>>
      tpu.enqueue_indirect_dma source(%arg39 : memref<128x16xf32, #tpu.memory_space<vmem>>) target(%dma_start3A_406 : memref<10112x16xf32, #tpu.memory_space<vmem_shared>>) offsets(%dma_start3A_403 : memref<128xi32, #tpu.memory_space<vmem>>) semaphore(%arg47 : memref<!tpu.dma_semaphore, #tpu.memory_space<semaphore_mem>>) {add = true}
      %dma_wait3A_407 = arith.constant 0 : i32
      %dma_wait3A_408 = arith.constant 0 : i32
      %dma_wait3A_409 = tpu.memref_slice %arg6[%dma_wait3A_407, %dma_wait3A_408] : memref<40x128xi32, #tpu.memory_space<vmem>> -> memref<1x128xi32, #tpu.memory_space<vmem>>
      %dma_wait3A_410 = tpu.memref_squeeze %dma_wait3A_409 : memref<1x128xi32, #tpu.memory_space<vmem>> -> memref<128xi32, #tpu.memory_space<vmem>>
      %dma_wait3A_411 = arith.constant 0 : i32
      %dma_wait3A_412 = arith.constant 0 : i32
      %dma_wait3A_413 = tpu.memref_slice %arg2[%dma_wait3A_411, %dma_wait3A_412] : memref<10000x32xf32, #tpu.memory_space<hbm>> -> memref<10000x32xf32, #tpu.memory_space<hbm>>
      tpu.wait_indirect_dma semaphore(%arg25 : memref<!tpu.dma_semaphore, #tpu.memory_space<semaphore_mem>>) src(%dma_wait3A_413 : memref<10000x32xf32, #tpu.memory_space<hbm>>) dst(%arg14 : memref<128x32xf32, #tpu.memory_space<vmem>>)
      %add3A_414 = arith.constant 6 : i32
      %add3A_415 = arith.addi %mul3A_268, %add3A_414 : i32
      %dma_start3A_416 = arith.constant 0 : i32
      %dma_start3A_417 = tpu.memref_slice %arg7[%add3A_415, %dma_start3A_416] : memref<40x128xi32, #tpu.memory_space<vmem>> -> memref<1x128xi32, #tpu.memory_space<vmem>>
      %dma_start3A_418 = tpu.memref_squeeze %dma_start3A_417 : memref<1x128xi32, #tpu.memory_space<vmem>> -> memref<128xi32, #tpu.memory_space<vmem>>
      %dma_start3A_419 = arith.constant 0 : i32
      %dma_start3A_420 = arith.constant 0 : i32
      %dma_start3A_421 = tpu.memref_slice %arg18[%dma_start3A_419, %dma_start3A_420] : memref<10112x32xf32, #tpu.memory_space<vmem_shared>> -> memref<10112x32xf32, #tpu.memory_space<vmem_shared>>
      tpu.enqueue_indirect_dma source(%arg14 : memref<128x32xf32, #tpu.memory_space<vmem>>) target(%dma_start3A_421 : memref<10112x32xf32, #tpu.memory_space<vmem_shared>>) offsets(%dma_start3A_418 : memref<128xi32, #tpu.memory_space<vmem>>) semaphore(%arg35 : memref<!tpu.dma_semaphore, #tpu.memory_space<semaphore_mem>>) {add = true}
      %add3A_422 = arith.constant 6 : i32
      %add3A_423 = arith.addi %mul3A_268, %add3A_422 : i32
      %dma_start3A_424 = arith.constant 0 : i32
      %dma_start3A_425 = tpu.memref_slice %arg7[%add3A_423, %dma_start3A_424] : memref<40x128xi32, #tpu.memory_space<vmem>> -> memref<1x128xi32, #tpu.memory_space<vmem>>
      %dma_start3A_426 = tpu.memref_squeeze %dma_start3A_425 : memref<1x128xi32, #tpu.memory_space<vmem>> -> memref<128xi32, #tpu.memory_space<vmem>>
      %dma_start3A_427 = arith.constant 0 : i32
      %dma_start3A_428 = arith.constant 0 : i32
      %dma_start3A_429 = tpu.memref_slice %arg41[%dma_start3A_427, %dma_start3A_428] : memref<10112x16xf32, #tpu.memory_space<vmem_shared>> -> memref<10112x16xf32, #tpu.memory_space<vmem_shared>>
      tpu.enqueue_indirect_dma source(%arg39 : memref<128x16xf32, #tpu.memory_space<vmem>>) target(%dma_start3A_429 : memref<10112x16xf32, #tpu.memory_space<vmem_shared>>) offsets(%dma_start3A_426 : memref<128xi32, #tpu.memory_space<vmem>>) semaphore(%arg48 : memref<!tpu.dma_semaphore, #tpu.memory_space<semaphore_mem>>) {add = true}
      %dma_wait3A_430 = arith.constant 0 : i32
      %dma_wait3A_431 = arith.constant 0 : i32
      %dma_wait3A_432 = tpu.memref_slice %arg6[%dma_wait3A_430, %dma_wait3A_431] : memref<40x128xi32, #tpu.memory_space<vmem>> -> memref<1x128xi32, #tpu.memory_space<vmem>>
      %dma_wait3A_433 = tpu.memref_squeeze %dma_wait3A_432 : memref<1x128xi32, #tpu.memory_space<vmem>> -> memref<128xi32, #tpu.memory_space<vmem>>
      %dma_wait3A_434 = arith.constant 0 : i32
      %dma_wait3A_435 = arith.constant 0 : i32
      %dma_wait3A_436 = tpu.memref_slice %arg2[%dma_wait3A_434, %dma_wait3A_435] : memref<10000x32xf32, #tpu.memory_space<hbm>> -> memref<10000x32xf32, #tpu.memory_space<hbm>>
      tpu.wait_indirect_dma semaphore(%arg26 : memref<!tpu.dma_semaphore, #tpu.memory_space<semaphore_mem>>) src(%dma_wait3A_436 : memref<10000x32xf32, #tpu.memory_space<hbm>>) dst(%arg15 : memref<128x32xf32, #tpu.memory_space<vmem>>)
      %add3A_437 = arith.constant 7 : i32
      %add3A_438 = arith.addi %mul3A_268, %add3A_437 : i32
      %dma_start3A_439 = arith.constant 0 : i32
      %dma_start3A_440 = tpu.memref_slice %arg7[%add3A_438, %dma_start3A_439] : memref<40x128xi32, #tpu.memory_space<vmem>> -> memref<1x128xi32, #tpu.memory_space<vmem>>
      %dma_start3A_441 = tpu.memref_squeeze %dma_start3A_440 : memref<1x128xi32, #tpu.memory_space<vmem>> -> memref<128xi32, #tpu.memory_space<vmem>>
      %dma_start3A_442 = arith.constant 0 : i32
      %dma_start3A_443 = arith.constant 0 : i32
      %dma_start3A_444 = tpu.memref_slice %arg18[%dma_start3A_442, %dma_start3A_443] : memref<10112x32xf32, #tpu.memory_space<vmem_shared>> -> memref<10112x32xf32, #tpu.memory_space<vmem_shared>>
      tpu.enqueue_indirect_dma source(%arg15 : memref<128x32xf32, #tpu.memory_space<vmem>>) target(%dma_start3A_444 : memref<10112x32xf32, #tpu.memory_space<vmem_shared>>) offsets(%dma_start3A_441 : memref<128xi32, #tpu.memory_space<vmem>>) semaphore(%arg36 : memref<!tpu.dma_semaphore, #tpu.memory_space<semaphore_mem>>) {add = true}
      %add3A_445 = arith.constant 7 : i32
      %add3A_446 = arith.addi %mul3A_268, %add3A_445 : i32
      %dma_start3A_447 = arith.constant 0 : i32
      %dma_start3A_448 = tpu.memref_slice %arg7[%add3A_446, %dma_start3A_447] : memref<40x128xi32, #tpu.memory_space<vmem>> -> memref<1x128xi32, #tpu.memory_space<vmem>>
      %dma_start3A_449 = tpu.memref_squeeze %dma_start3A_448 : memref<1x128xi32, #tpu.memory_space<vmem>> -> memref<128xi32, #tpu.memory_space<vmem>>
      %dma_start3A_450 = arith.constant 0 : i32
      %dma_start3A_451 = arith.constant 0 : i32
      %dma_start3A_452 = tpu.memref_slice %arg41[%dma_start3A_450, %dma_start3A_451] : memref<10112x16xf32, #tpu.memory_space<vmem_shared>> -> memref<10112x16xf32, #tpu.memory_space<vmem_shared>>
      tpu.enqueue_indirect_dma source(%arg39 : memref<128x16xf32, #tpu.memory_space<vmem>>) target(%dma_start3A_452 : memref<10112x16xf32, #tpu.memory_space<vmem_shared>>) offsets(%dma_start3A_449 : memref<128xi32, #tpu.memory_space<vmem>>) semaphore(%arg49 : memref<!tpu.dma_semaphore, #tpu.memory_space<semaphore_mem>>) {add = true}
      %dma_wait3A_453 = arith.constant 0 : i32
      %dma_wait3A_454 = arith.constant 0 : i32
      %dma_wait3A_455 = tpu.memref_slice %arg6[%dma_wait3A_453, %dma_wait3A_454] : memref<40x128xi32, #tpu.memory_space<vmem>> -> memref<1x128xi32, #tpu.memory_space<vmem>>
      %dma_wait3A_456 = tpu.memref_squeeze %dma_wait3A_455 : memref<1x128xi32, #tpu.memory_space<vmem>> -> memref<128xi32, #tpu.memory_space<vmem>>
      %dma_wait3A_457 = arith.constant 0 : i32
      %dma_wait3A_458 = arith.constant 0 : i32
      %dma_wait3A_459 = tpu.memref_slice %arg2[%dma_wait3A_457, %dma_wait3A_458] : memref<10000x32xf32, #tpu.memory_space<hbm>> -> memref<10000x32xf32, #tpu.memory_space<hbm>>
      tpu.wait_indirect_dma semaphore(%arg27 : memref<!tpu.dma_semaphore, #tpu.memory_space<semaphore_mem>>) src(%dma_wait3A_459 : memref<10000x32xf32, #tpu.memory_space<hbm>>) dst(%arg16 : memref<128x32xf32, #tpu.memory_space<vmem>>)
      %add3A_460 = arith.constant 8 : i32
      %add3A_461 = arith.addi %mul3A_268, %add3A_460 : i32
      %dma_start3A_462 = arith.constant 0 : i32
      %dma_start3A_463 = tpu.memref_slice %arg7[%add3A_461, %dma_start3A_462] : memref<40x128xi32, #tpu.memory_space<vmem>> -> memref<1x128xi32, #tpu.memory_space<vmem>>
      %dma_start3A_464 = tpu.memref_squeeze %dma_start3A_463 : memref<1x128xi32, #tpu.memory_space<vmem>> -> memref<128xi32, #tpu.memory_space<vmem>>
      %dma_start3A_465 = arith.constant 0 : i32
      %dma_start3A_466 = arith.constant 0 : i32
      %dma_start3A_467 = tpu.memref_slice %arg18[%dma_start3A_465, %dma_start3A_466] : memref<10112x32xf32, #tpu.memory_space<vmem_shared>> -> memref<10112x32xf32, #tpu.memory_space<vmem_shared>>
      tpu.enqueue_indirect_dma source(%arg16 : memref<128x32xf32, #tpu.memory_space<vmem>>) target(%dma_start3A_467 : memref<10112x32xf32, #tpu.memory_space<vmem_shared>>) offsets(%dma_start3A_464 : memref<128xi32, #tpu.memory_space<vmem>>) semaphore(%arg37 : memref<!tpu.dma_semaphore, #tpu.memory_space<semaphore_mem>>) {add = true}
      %add3A_468 = arith.constant 8 : i32
      %add3A_469 = arith.addi %mul3A_268, %add3A_468 : i32
      %dma_start3A_470 = arith.constant 0 : i32
      %dma_start3A_471 = tpu.memref_slice %arg7[%add3A_469, %dma_start3A_470] : memref<40x128xi32, #tpu.memory_space<vmem>> -> memref<1x128xi32, #tpu.memory_space<vmem>>
      %dma_start3A_472 = tpu.memref_squeeze %dma_start3A_471 : memref<1x128xi32, #tpu.memory_space<vmem>> -> memref<128xi32, #tpu.memory_space<vmem>>
      %dma_start3A_473 = arith.constant 0 : i32
      %dma_start3A_474 = arith.constant 0 : i32
      %dma_start3A_475 = tpu.memref_slice %arg41[%dma_start3A_473, %dma_start3A_474] : memref<10112x16xf32, #tpu.memory_space<vmem_shared>> -> memref<10112x16xf32, #tpu.memory_space<vmem_shared>>
      tpu.enqueue_indirect_dma source(%arg39 : memref<128x16xf32, #tpu.memory_space<vmem>>) target(%dma_start3A_475 : memref<10112x16xf32, #tpu.memory_space<vmem_shared>>) offsets(%dma_start3A_472 : memref<128xi32, #tpu.memory_space<vmem>>) semaphore(%arg50 : memref<!tpu.dma_semaphore, #tpu.memory_space<semaphore_mem>>) {add = true}
      %dma_wait3A_476 = arith.constant 0 : i32
      %dma_wait3A_477 = arith.constant 0 : i32
      %dma_wait3A_478 = tpu.memref_slice %arg6[%dma_wait3A_476, %dma_wait3A_477] : memref<40x128xi32, #tpu.memory_space<vmem>> -> memref<1x128xi32, #tpu.memory_space<vmem>>
      %dma_wait3A_479 = tpu.memref_squeeze %dma_wait3A_478 : memref<1x128xi32, #tpu.memory_space<vmem>> -> memref<128xi32, #tpu.memory_space<vmem>>
      %dma_wait3A_480 = arith.constant 0 : i32
      %dma_wait3A_481 = arith.constant 0 : i32
      %dma_wait3A_482 = tpu.memref_slice %arg2[%dma_wait3A_480, %dma_wait3A_481] : memref<10000x32xf32, #tpu.memory_space<hbm>> -> memref<10000x32xf32, #tpu.memory_space<hbm>>
      tpu.wait_indirect_dma semaphore(%arg28 : memref<!tpu.dma_semaphore, #tpu.memory_space<semaphore_mem>>) src(%dma_wait3A_482 : memref<10000x32xf32, #tpu.memory_space<hbm>>) dst(%arg17 : memref<128x32xf32, #tpu.memory_space<vmem>>)
      %add3A_483 = arith.constant 9 : i32
      %add3A_484 = arith.addi %mul3A_268, %add3A_483 : i32
      %dma_start3A_485 = arith.constant 0 : i32
      %dma_start3A_486 = tpu.memref_slice %arg7[%add3A_484, %dma_start3A_485] : memref<40x128xi32, #tpu.memory_space<vmem>> -> memref<1x128xi32, #tpu.memory_space<vmem>>
      %dma_start3A_487 = tpu.memref_squeeze %dma_start3A_486 : memref<1x128xi32, #tpu.memory_space<vmem>> -> memref<128xi32, #tpu.memory_space<vmem>>
      %dma_start3A_488 = arith.constant 0 : i32
      %dma_start3A_489 = arith.constant 0 : i32
      %dma_start3A_490 = tpu.memref_slice %arg18[%dma_start3A_488, %dma_start3A_489] : memref<10112x32xf32, #tpu.memory_space<vmem_shared>> -> memref<10112x32xf32, #tpu.memory_space<vmem_shared>>
      tpu.enqueue_indirect_dma source(%arg17 : memref<128x32xf32, #tpu.memory_space<vmem>>) target(%dma_start3A_490 : memref<10112x32xf32, #tpu.memory_space<vmem_shared>>) offsets(%dma_start3A_487 : memref<128xi32, #tpu.memory_space<vmem>>) semaphore(%arg38 : memref<!tpu.dma_semaphore, #tpu.memory_space<semaphore_mem>>) {add = true}
      %add3A_491 = arith.constant 9 : i32
      %add3A_492 = arith.addi %mul3A_268, %add3A_491 : i32
      %dma_start3A_493 = arith.constant 0 : i32
      %dma_start3A_494 = tpu.memref_slice %arg7[%add3A_492, %dma_start3A_493] : memref<40x128xi32, #tpu.memory_space<vmem>> -> memref<1x128xi32, #tpu.memory_space<vmem>>
      %dma_start3A_495 = tpu.memref_squeeze %dma_start3A_494 : memref<1x128xi32, #tpu.memory_space<vmem>> -> memref<128xi32, #tpu.memory_space<vmem>>
      %dma_start3A_496 = arith.constant 0 : i32
      %dma_start3A_497 = arith.constant 0 : i32
      %dma_start3A_498 = tpu.memref_slice %arg41[%dma_start3A_496, %dma_start3A_497] : memref<10112x16xf32, #tpu.memory_space<vmem_shared>> -> memref<10112x16xf32, #tpu.memory_space<vmem_shared>>
      tpu.enqueue_indirect_dma source(%arg39 : memref<128x16xf32, #tpu.memory_space<vmem>>) target(%dma_start3A_498 : memref<10112x16xf32, #tpu.memory_space<vmem_shared>>) offsets(%dma_start3A_495 : memref<128xi32, #tpu.memory_space<vmem>>) semaphore(%arg51 : memref<!tpu.dma_semaphore, #tpu.memory_space<semaphore_mem>>) {add = true}
      %sub3A = arith.constant 1 : i32
      %sub3A_499 = arith.subi %select_n3A, %sub3A : i32
      %lt3A_500 = arith.cmpi slt, %while3A_266, %sub3A_499 : i32
      %convert_element_type3A_501 = arith.extui %lt3A_500 : i1 to i32
      %cond3A_502 = arith.constant 0 : i32
      %cond3A_503 = arith.cmpi ne, %convert_element_type3A_501, %cond3A_502 : i32
      scf.if %cond3A_503 {
        %dma_wait3A_504 = arith.constant 0 : i32
        %dma_wait3A_505 = arith.constant 0 : i32
        %dma_wait3A_506 = tpu.memref_slice %arg7[%dma_wait3A_504, %dma_wait3A_505] : memref<40x128xi32, #tpu.memory_space<vmem>> -> memref<1x128xi32, #tpu.memory_space<vmem>>
        %dma_wait3A_507 = tpu.memref_squeeze %dma_wait3A_506 : memref<1x128xi32, #tpu.memory_space<vmem>> -> memref<128xi32, #tpu.memory_space<vmem>>
        %dma_wait3A_508 = arith.constant 0 : i32
        %dma_wait3A_509 = arith.constant 0 : i32
        %dma_wait3A_510 = tpu.memref_slice %arg18[%dma_wait3A_508, %dma_wait3A_509] : memref<10112x32xf32, #tpu.memory_space<vmem_shared>> -> memref<10112x32xf32, #tpu.memory_space<vmem_shared>>
        tpu.wait_indirect_dma semaphore(%arg29 : memref<!tpu.dma_semaphore, #tpu.memory_space<semaphore_mem>>) src(%arg8 : memref<128x32xf32, #tpu.memory_space<vmem>>) dst(%dma_wait3A_510 : memref<10112x32xf32, #tpu.memory_space<vmem_shared>>)
        %dma_wait3A_511 = arith.constant 0 : i32
        %dma_wait3A_512 = arith.constant 0 : i32
        %dma_wait3A_513 = tpu.memref_slice %arg7[%dma_wait3A_511, %dma_wait3A_512] : memref<40x128xi32, #tpu.memory_space<vmem>> -> memref<1x128xi32, #tpu.memory_space<vmem>>
        %dma_wait3A_514 = tpu.memref_squeeze %dma_wait3A_513 : memref<1x128xi32, #tpu.memory_space<vmem>> -> memref<128xi32, #tpu.memory_space<vmem>>
        %dma_wait3A_515 = arith.constant 0 : i32
        %dma_wait3A_516 = arith.constant 0 : i32
        %dma_wait3A_517 = tpu.memref_slice %arg41[%dma_wait3A_515, %dma_wait3A_516] : memref<10112x16xf32, #tpu.memory_space<vmem_shared>> -> memref<10112x16xf32, #tpu.memory_space<vmem_shared>>
        tpu.wait_indirect_dma semaphore(%arg42 : memref<!tpu.dma_semaphore, #tpu.memory_space<semaphore_mem>>) src(%arg39 : memref<128x16xf32, #tpu.memory_space<vmem>>) dst(%dma_wait3A_517 : memref<10112x16xf32, #tpu.memory_space<vmem_shared>>)
        %add3A_518 = arith.constant 10 : i32
        %add3A_519 = arith.addi %mul3A_268, %add3A_518 : i32
        %add3A_520 = arith.constant 0 : i32
        %add3A_521 = arith.addi %add3A_519, %add3A_520 : i32
        %dma_start3A_522 = arith.constant 0 : i32
        %dma_start3A_523 = tpu.memref_slice %arg6[%add3A_521, %dma_start3A_522] : memref<40x128xi32, #tpu.memory_space<vmem>> -> memref<1x128xi32, #tpu.memory_space<vmem>>
        %dma_start3A_524 = tpu.memref_squeeze %dma_start3A_523 : memref<1x128xi32, #tpu.memory_space<vmem>> -> memref<128xi32, #tpu.memory_space<vmem>>
        %dma_start3A_525 = arith.constant 0 : i32
        %dma_start3A_526 = arith.constant 0 : i32
        %dma_start3A_527 = tpu.memref_slice %arg2[%dma_start3A_525, %dma_start3A_526] : memref<10000x32xf32, #tpu.memory_space<hbm>> -> memref<10000x32xf32, #tpu.memory_space<hbm>>
        tpu.enqueue_indirect_dma source(%dma_start3A_527 : memref<10000x32xf32, #tpu.memory_space<hbm>>) target(%arg8 : memref<128x32xf32, #tpu.memory_space<vmem>>) offsets(%dma_start3A_524 : memref<128xi32, #tpu.memory_space<vmem>>) semaphore(%arg19 : memref<!tpu.dma_semaphore, #tpu.memory_space<semaphore_mem>>)
        %dma_wait3A_528 = arith.constant 0 : i32
        %dma_wait3A_529 = arith.constant 0 : i32
        %dma_wait3A_530 = tpu.memref_slice %arg7[%dma_wait3A_528, %dma_wait3A_529] : memref<40x128xi32, #tpu.memory_space<vmem>> -> memref<1x128xi32, #tpu.memory_space<vmem>>
        %dma_wait3A_531 = tpu.memref_squeeze %dma_wait3A_530 : memref<1x128xi32, #tpu.memory_space<vmem>> -> memref<128xi32, #tpu.memory_space<vmem>>
        %dma_wait3A_532 = arith.constant 0 : i32
        %dma_wait3A_533 = arith.constant 0 : i32
        %dma_wait3A_534 = tpu.memref_slice %arg18[%dma_wait3A_532, %dma_wait3A_533] : memref<10112x32xf32, #tpu.memory_space<vmem_shared>> -> memref<10112x32xf32, #tpu.memory_space<vmem_shared>>
        tpu.wait_indirect_dma semaphore(%arg30 : memref<!tpu.dma_semaphore, #tpu.memory_space<semaphore_mem>>) src(%arg9 : memref<128x32xf32, #tpu.memory_space<vmem>>) dst(%dma_wait3A_534 : memref<10112x32xf32, #tpu.memory_space<vmem_shared>>)
        %dma_wait3A_535 = arith.constant 0 : i32
        %dma_wait3A_536 = arith.constant 0 : i32
        %dma_wait3A_537 = tpu.memref_slice %arg7[%dma_wait3A_535, %dma_wait3A_536] : memref<40x128xi32, #tpu.memory_space<vmem>> -> memref<1x128xi32, #tpu.memory_space<vmem>>
        %dma_wait3A_538 = tpu.memref_squeeze %dma_wait3A_537 : memref<1x128xi32, #tpu.memory_space<vmem>> -> memref<128xi32, #tpu.memory_space<vmem>>
        %dma_wait3A_539 = arith.constant 0 : i32
        %dma_wait3A_540 = arith.constant 0 : i32
        %dma_wait3A_541 = tpu.memref_slice %arg41[%dma_wait3A_539, %dma_wait3A_540] : memref<10112x16xf32, #tpu.memory_space<vmem_shared>> -> memref<10112x16xf32, #tpu.memory_space<vmem_shared>>
        tpu.wait_indirect_dma semaphore(%arg43 : memref<!tpu.dma_semaphore, #tpu.memory_space<semaphore_mem>>) src(%arg39 : memref<128x16xf32, #tpu.memory_space<vmem>>) dst(%dma_wait3A_541 : memref<10112x16xf32, #tpu.memory_space<vmem_shared>>)
        %add3A_542 = arith.constant 10 : i32
        %add3A_543 = arith.addi %mul3A_268, %add3A_542 : i32
        %add3A_544 = arith.constant 1 : i32
        %add3A_545 = arith.addi %add3A_543, %add3A_544 : i32
        %dma_start3A_546 = arith.constant 0 : i32
        %dma_start3A_547 = tpu.memref_slice %arg6[%add3A_545, %dma_start3A_546] : memref<40x128xi32, #tpu.memory_space<vmem>> -> memref<1x128xi32, #tpu.memory_space<vmem>>
        %dma_start3A_548 = tpu.memref_squeeze %dma_start3A_547 : memref<1x128xi32, #tpu.memory_space<vmem>> -> memref<128xi32, #tpu.memory_space<vmem>>
        %dma_start3A_549 = arith.constant 0 : i32
        %dma_start3A_550 = arith.constant 0 : i32
        %dma_start3A_551 = tpu.memref_slice %arg2[%dma_start3A_549, %dma_start3A_550] : memref<10000x32xf32, #tpu.memory_space<hbm>> -> memref<10000x32xf32, #tpu.memory_space<hbm>>
        tpu.enqueue_indirect_dma source(%dma_start3A_551 : memref<10000x32xf32, #tpu.memory_space<hbm>>) target(%arg9 : memref<128x32xf32, #tpu.memory_space<vmem>>) offsets(%dma_start3A_548 : memref<128xi32, #tpu.memory_space<vmem>>) semaphore(%arg20 : memref<!tpu.dma_semaphore, #tpu.memory_space<semaphore_mem>>)
        %dma_wait3A_552 = arith.constant 0 : i32
        %dma_wait3A_553 = arith.constant 0 : i32
        %dma_wait3A_554 = tpu.memref_slice %arg7[%dma_wait3A_552, %dma_wait3A_553] : memref<40x128xi32, #tpu.memory_space<vmem>> -> memref<1x128xi32, #tpu.memory_space<vmem>>
        %dma_wait3A_555 = tpu.memref_squeeze %dma_wait3A_554 : memref<1x128xi32, #tpu.memory_space<vmem>> -> memref<128xi32, #tpu.memory_space<vmem>>
        %dma_wait3A_556 = arith.constant 0 : i32
        %dma_wait3A_557 = arith.constant 0 : i32
        %dma_wait3A_558 = tpu.memref_slice %arg18[%dma_wait3A_556, %dma_wait3A_557] : memref<10112x32xf32, #tpu.memory_space<vmem_shared>> -> memref<10112x32xf32, #tpu.memory_space<vmem_shared>>
        tpu.wait_indirect_dma semaphore(%arg31 : memref<!tpu.dma_semaphore, #tpu.memory_space<semaphore_mem>>) src(%arg10 : memref<128x32xf32, #tpu.memory_space<vmem>>) dst(%dma_wait3A_558 : memref<10112x32xf32, #tpu.memory_space<vmem_shared>>)
        %dma_wait3A_559 = arith.constant 0 : i32
        %dma_wait3A_560 = arith.constant 0 : i32
        %dma_wait3A_561 = tpu.memref_slice %arg7[%dma_wait3A_559, %dma_wait3A_560] : memref<40x128xi32, #tpu.memory_space<vmem>> -> memref<1x128xi32, #tpu.memory_space<vmem>>
        %dma_wait3A_562 = tpu.memref_squeeze %dma_wait3A_561 : memref<1x128xi32, #tpu.memory_space<vmem>> -> memref<128xi32, #tpu.memory_space<vmem>>
        %dma_wait3A_563 = arith.constant 0 : i32
        %dma_wait3A_564 = arith.constant 0 : i32
        %dma_wait3A_565 = tpu.memref_slice %arg41[%dma_wait3A_563, %dma_wait3A_564] : memref<10112x16xf32, #tpu.memory_space<vmem_shared>> -> memref<10112x16xf32, #tpu.memory_space<vmem_shared>>
        tpu.wait_indirect_dma semaphore(%arg44 : memref<!tpu.dma_semaphore, #tpu.memory_space<semaphore_mem>>) src(%arg39 : memref<128x16xf32, #tpu.memory_space<vmem>>) dst(%dma_wait3A_565 : memref<10112x16xf32, #tpu.memory_space<vmem_shared>>)
        %add3A_566 = arith.constant 10 : i32
        %add3A_567 = arith.addi %mul3A_268, %add3A_566 : i32
        %add3A_568 = arith.constant 2 : i32
        %add3A_569 = arith.addi %add3A_567, %add3A_568 : i32
        %dma_start3A_570 = arith.constant 0 : i32
        %dma_start3A_571 = tpu.memref_slice %arg6[%add3A_569, %dma_start3A_570] : memref<40x128xi32, #tpu.memory_space<vmem>> -> memref<1x128xi32, #tpu.memory_space<vmem>>
        %dma_start3A_572 = tpu.memref_squeeze %dma_start3A_571 : memref<1x128xi32, #tpu.memory_space<vmem>> -> memref<128xi32, #tpu.memory_space<vmem>>
        %dma_start3A_573 = arith.constant 0 : i32
        %dma_start3A_574 = arith.constant 0 : i32
        %dma_start3A_575 = tpu.memref_slice %arg2[%dma_start3A_573, %dma_start3A_574] : memref<10000x32xf32, #tpu.memory_space<hbm>> -> memref<10000x32xf32, #tpu.memory_space<hbm>>
        tpu.enqueue_indirect_dma source(%dma_start3A_575 : memref<10000x32xf32, #tpu.memory_space<hbm>>) target(%arg10 : memref<128x32xf32, #tpu.memory_space<vmem>>) offsets(%dma_start3A_572 : memref<128xi32, #tpu.memory_space<vmem>>) semaphore(%arg21 : memref<!tpu.dma_semaphore, #tpu.memory_space<semaphore_mem>>)
        %dma_wait3A_576 = arith.constant 0 : i32
        %dma_wait3A_577 = arith.constant 0 : i32
        %dma_wait3A_578 = tpu.memref_slice %arg7[%dma_wait3A_576, %dma_wait3A_577] : memref<40x128xi32, #tpu.memory_space<vmem>> -> memref<1x128xi32, #tpu.memory_space<vmem>>
        %dma_wait3A_579 = tpu.memref_squeeze %dma_wait3A_578 : memref<1x128xi32, #tpu.memory_space<vmem>> -> memref<128xi32, #tpu.memory_space<vmem>>
        %dma_wait3A_580 = arith.constant 0 : i32
        %dma_wait3A_581 = arith.constant 0 : i32
        %dma_wait3A_582 = tpu.memref_slice %arg18[%dma_wait3A_580, %dma_wait3A_581] : memref<10112x32xf32, #tpu.memory_space<vmem_shared>> -> memref<10112x32xf32, #tpu.memory_space<vmem_shared>>
        tpu.wait_indirect_dma semaphore(%arg32 : memref<!tpu.dma_semaphore, #tpu.memory_space<semaphore_mem>>) src(%arg11 : memref<128x32xf32, #tpu.memory_space<vmem>>) dst(%dma_wait3A_582 : memref<10112x32xf32, #tpu.memory_space<vmem_shared>>)
        %dma_wait3A_583 = arith.constant 0 : i32
        %dma_wait3A_584 = arith.constant 0 : i32
        %dma_wait3A_585 = tpu.memref_slice %arg7[%dma_wait3A_583, %dma_wait3A_584] : memref<40x128xi32, #tpu.memory_space<vmem>> -> memref<1x128xi32, #tpu.memory_space<vmem>>
        %dma_wait3A_586 = tpu.memref_squeeze %dma_wait3A_585 : memref<1x128xi32, #tpu.memory_space<vmem>> -> memref<128xi32, #tpu.memory_space<vmem>>
        %dma_wait3A_587 = arith.constant 0 : i32
        %dma_wait3A_588 = arith.constant 0 : i32
        %dma_wait3A_589 = tpu.memref_slice %arg41[%dma_wait3A_587, %dma_wait3A_588] : memref<10112x16xf32, #tpu.memory_space<vmem_shared>> -> memref<10112x16xf32, #tpu.memory_space<vmem_shared>>
        tpu.wait_indirect_dma semaphore(%arg45 : memref<!tpu.dma_semaphore, #tpu.memory_space<semaphore_mem>>) src(%arg39 : memref<128x16xf32, #tpu.memory_space<vmem>>) dst(%dma_wait3A_589 : memref<10112x16xf32, #tpu.memory_space<vmem_shared>>)
        %add3A_590 = arith.constant 10 : i32
        %add3A_591 = arith.addi %mul3A_268, %add3A_590 : i32
        %add3A_592 = arith.constant 3 : i32
        %add3A_593 = arith.addi %add3A_591, %add3A_592 : i32
        %dma_start3A_594 = arith.constant 0 : i32
        %dma_start3A_595 = tpu.memref_slice %arg6[%add3A_593, %dma_start3A_594] : memref<40x128xi32, #tpu.memory_space<vmem>> -> memref<1x128xi32, #tpu.memory_space<vmem>>
        %dma_start3A_596 = tpu.memref_squeeze %dma_start3A_595 : memref<1x128xi32, #tpu.memory_space<vmem>> -> memref<128xi32, #tpu.memory_space<vmem>>
        %dma_start3A_597 = arith.constant 0 : i32
        %dma_start3A_598 = arith.constant 0 : i32
        %dma_start3A_599 = tpu.memref_slice %arg2[%dma_start3A_597, %dma_start3A_598] : memref<10000x32xf32, #tpu.memory_space<hbm>> -> memref<10000x32xf32, #tpu.memory_space<hbm>>
        tpu.enqueue_indirect_dma source(%dma_start3A_599 : memref<10000x32xf32, #tpu.memory_space<hbm>>) target(%arg11 : memref<128x32xf32, #tpu.memory_space<vmem>>) offsets(%dma_start3A_596 : memref<128xi32, #tpu.memory_space<vmem>>) semaphore(%arg22 : memref<!tpu.dma_semaphore, #tpu.memory_space<semaphore_mem>>)
        %dma_wait3A_600 = arith.constant 0 : i32
        %dma_wait3A_601 = arith.constant 0 : i32
        %dma_wait3A_602 = tpu.memref_slice %arg7[%dma_wait3A_600, %dma_wait3A_601] : memref<40x128xi32, #tpu.memory_space<vmem>> -> memref<1x128xi32, #tpu.memory_space<vmem>>
        %dma_wait3A_603 = tpu.memref_squeeze %dma_wait3A_602 : memref<1x128xi32, #tpu.memory_space<vmem>> -> memref<128xi32, #tpu.memory_space<vmem>>
        %dma_wait3A_604 = arith.constant 0 : i32
        %dma_wait3A_605 = arith.constant 0 : i32
        %dma_wait3A_606 = tpu.memref_slice %arg18[%dma_wait3A_604, %dma_wait3A_605] : memref<10112x32xf32, #tpu.memory_space<vmem_shared>> -> memref<10112x32xf32, #tpu.memory_space<vmem_shared>>
        tpu.wait_indirect_dma semaphore(%arg33 : memref<!tpu.dma_semaphore, #tpu.memory_space<semaphore_mem>>) src(%arg12 : memref<128x32xf32, #tpu.memory_space<vmem>>) dst(%dma_wait3A_606 : memref<10112x32xf32, #tpu.memory_space<vmem_shared>>)
        %dma_wait3A_607 = arith.constant 0 : i32
        %dma_wait3A_608 = arith.constant 0 : i32
        %dma_wait3A_609 = tpu.memref_slice %arg7[%dma_wait3A_607, %dma_wait3A_608] : memref<40x128xi32, #tpu.memory_space<vmem>> -> memref<1x128xi32, #tpu.memory_space<vmem>>
        %dma_wait3A_610 = tpu.memref_squeeze %dma_wait3A_609 : memref<1x128xi32, #tpu.memory_space<vmem>> -> memref<128xi32, #tpu.memory_space<vmem>>
        %dma_wait3A_611 = arith.constant 0 : i32
        %dma_wait3A_612 = arith.constant 0 : i32
        %dma_wait3A_613 = tpu.memref_slice %arg41[%dma_wait3A_611, %dma_wait3A_612] : memref<10112x16xf32, #tpu.memory_space<vmem_shared>> -> memref<10112x16xf32, #tpu.memory_space<vmem_shared>>
        tpu.wait_indirect_dma semaphore(%arg46 : memref<!tpu.dma_semaphore, #tpu.memory_space<semaphore_mem>>) src(%arg39 : memref<128x16xf32, #tpu.memory_space<vmem>>) dst(%dma_wait3A_613 : memref<10112x16xf32, #tpu.memory_space<vmem_shared>>)
        %add3A_614 = arith.constant 10 : i32
        %add3A_615 = arith.addi %mul3A_268, %add3A_614 : i32
        %add3A_616 = arith.constant 4 : i32
        %add3A_617 = arith.addi %add3A_615, %add3A_616 : i32
        %dma_start3A_618 = arith.constant 0 : i32
        %dma_start3A_619 = tpu.memref_slice %arg6[%add3A_617, %dma_start3A_618] : memref<40x128xi32, #tpu.memory_space<vmem>> -> memref<1x128xi32, #tpu.memory_space<vmem>>
        %dma_start3A_620 = tpu.memref_squeeze %dma_start3A_619 : memref<1x128xi32, #tpu.memory_space<vmem>> -> memref<128xi32, #tpu.memory_space<vmem>>
        %dma_start3A_621 = arith.constant 0 : i32
        %dma_start3A_622 = arith.constant 0 : i32
        %dma_start3A_623 = tpu.memref_slice %arg2[%dma_start3A_621, %dma_start3A_622] : memref<10000x32xf32, #tpu.memory_space<hbm>> -> memref<10000x32xf32, #tpu.memory_space<hbm>>
        tpu.enqueue_indirect_dma source(%dma_start3A_623 : memref<10000x32xf32, #tpu.memory_space<hbm>>) target(%arg12 : memref<128x32xf32, #tpu.memory_space<vmem>>) offsets(%dma_start3A_620 : memref<128xi32, #tpu.memory_space<vmem>>) semaphore(%arg23 : memref<!tpu.dma_semaphore, #tpu.memory_space<semaphore_mem>>)
        %dma_wait3A_624 = arith.constant 0 : i32
        %dma_wait3A_625 = arith.constant 0 : i32
        %dma_wait3A_626 = tpu.memref_slice %arg7[%dma_wait3A_624, %dma_wait3A_625] : memref<40x128xi32, #tpu.memory_space<vmem>> -> memref<1x128xi32, #tpu.memory_space<vmem>>
        %dma_wait3A_627 = tpu.memref_squeeze %dma_wait3A_626 : memref<1x128xi32, #tpu.memory_space<vmem>> -> memref<128xi32, #tpu.memory_space<vmem>>
        %dma_wait3A_628 = arith.constant 0 : i32
        %dma_wait3A_629 = arith.constant 0 : i32
        %dma_wait3A_630 = tpu.memref_slice %arg18[%dma_wait3A_628, %dma_wait3A_629] : memref<10112x32xf32, #tpu.memory_space<vmem_shared>> -> memref<10112x32xf32, #tpu.memory_space<vmem_shared>>
        tpu.wait_indirect_dma semaphore(%arg34 : memref<!tpu.dma_semaphore, #tpu.memory_space<semaphore_mem>>) src(%arg13 : memref<128x32xf32, #tpu.memory_space<vmem>>) dst(%dma_wait3A_630 : memref<10112x32xf32, #tpu.memory_space<vmem_shared>>)
        %dma_wait3A_631 = arith.constant 0 : i32
        %dma_wait3A_632 = arith.constant 0 : i32
        %dma_wait3A_633 = tpu.memref_slice %arg7[%dma_wait3A_631, %dma_wait3A_632] : memref<40x128xi32, #tpu.memory_space<vmem>> -> memref<1x128xi32, #tpu.memory_space<vmem>>
        %dma_wait3A_634 = tpu.memref_squeeze %dma_wait3A_633 : memref<1x128xi32, #tpu.memory_space<vmem>> -> memref<128xi32, #tpu.memory_space<vmem>>
        %dma_wait3A_635 = arith.constant 0 : i32
        %dma_wait3A_636 = arith.constant 0 : i32
        %dma_wait3A_637 = tpu.memref_slice %arg41[%dma_wait3A_635, %dma_wait3A_636] : memref<10112x16xf32, #tpu.memory_space<vmem_shared>> -> memref<10112x16xf32, #tpu.memory_space<vmem_shared>>
        tpu.wait_indirect_dma semaphore(%arg47 : memref<!tpu.dma_semaphore, #tpu.memory_space<semaphore_mem>>) src(%arg39 : memref<128x16xf32, #tpu.memory_space<vmem>>) dst(%dma_wait3A_637 : memref<10112x16xf32, #tpu.memory_space<vmem_shared>>)
        %add3A_638 = arith.constant 10 : i32
        %add3A_639 = arith.addi %mul3A_268, %add3A_638 : i32
        %add3A_640 = arith.constant 5 : i32
        %add3A_641 = arith.addi %add3A_639, %add3A_640 : i32
        %dma_start3A_642 = arith.constant 0 : i32
        %dma_start3A_643 = tpu.memref_slice %arg6[%add3A_641, %dma_start3A_642] : memref<40x128xi32, #tpu.memory_space<vmem>> -> memref<1x128xi32, #tpu.memory_space<vmem>>
        %dma_start3A_644 = tpu.memref_squeeze %dma_start3A_643 : memref<1x128xi32, #tpu.memory_space<vmem>> -> memref<128xi32, #tpu.memory_space<vmem>>
        %dma_start3A_645 = arith.constant 0 : i32
        %dma_start3A_646 = arith.constant 0 : i32
        %dma_start3A_647 = tpu.memref_slice %arg2[%dma_start3A_645, %dma_start3A_646] : memref<10000x32xf32, #tpu.memory_space<hbm>> -> memref<10000x32xf32, #tpu.memory_space<hbm>>
        tpu.enqueue_indirect_dma source(%dma_start3A_647 : memref<10000x32xf32, #tpu.memory_space<hbm>>) target(%arg13 : memref<128x32xf32, #tpu.memory_space<vmem>>) offsets(%dma_start3A_644 : memref<128xi32, #tpu.memory_space<vmem>>) semaphore(%arg24 : memref<!tpu.dma_semaphore, #tpu.memory_space<semaphore_mem>>)
        %dma_wait3A_648 = arith.constant 0 : i32
        %dma_wait3A_649 = arith.constant 0 : i32
        %dma_wait3A_650 = tpu.memref_slice %arg7[%dma_wait3A_648, %dma_wait3A_649] : memref<40x128xi32, #tpu.memory_space<vmem>> -> memref<1x128xi32, #tpu.memory_space<vmem>>
        %dma_wait3A_651 = tpu.memref_squeeze %dma_wait3A_650 : memref<1x128xi32, #tpu.memory_space<vmem>> -> memref<128xi32, #tpu.memory_space<vmem>>
        %dma_wait3A_652 = arith.constant 0 : i32
        %dma_wait3A_653 = arith.constant 0 : i32
        %dma_wait3A_654 = tpu.memref_slice %arg18[%dma_wait3A_652, %dma_wait3A_653] : memref<10112x32xf32, #tpu.memory_space<vmem_shared>> -> memref<10112x32xf32, #tpu.memory_space<vmem_shared>>
        tpu.wait_indirect_dma semaphore(%arg35 : memref<!tpu.dma_semaphore, #tpu.memory_space<semaphore_mem>>) src(%arg14 : memref<128x32xf32, #tpu.memory_space<vmem>>) dst(%dma_wait3A_654 : memref<10112x32xf32, #tpu.memory_space<vmem_shared>>)
        %dma_wait3A_655 = arith.constant 0 : i32
        %dma_wait3A_656 = arith.constant 0 : i32
        %dma_wait3A_657 = tpu.memref_slice %arg7[%dma_wait3A_655, %dma_wait3A_656] : memref<40x128xi32, #tpu.memory_space<vmem>> -> memref<1x128xi32, #tpu.memory_space<vmem>>
        %dma_wait3A_658 = tpu.memref_squeeze %dma_wait3A_657 : memref<1x128xi32, #tpu.memory_space<vmem>> -> memref<128xi32, #tpu.memory_space<vmem>>
        %dma_wait3A_659 = arith.constant 0 : i32
        %dma_wait3A_660 = arith.constant 0 : i32
        %dma_wait3A_661 = tpu.memref_slice %arg41[%dma_wait3A_659, %dma_wait3A_660] : memref<10112x16xf32, #tpu.memory_space<vmem_shared>> -> memref<10112x16xf32, #tpu.memory_space<vmem_shared>>
        tpu.wait_indirect_dma semaphore(%arg48 : memref<!tpu.dma_semaphore, #tpu.memory_space<semaphore_mem>>) src(%arg39 : memref<128x16xf32, #tpu.memory_space<vmem>>) dst(%dma_wait3A_661 : memref<10112x16xf32, #tpu.memory_space<vmem_shared>>)
        %add3A_662 = arith.constant 10 : i32
        %add3A_663 = arith.addi %mul3A_268, %add3A_662 : i32
        %add3A_664 = arith.constant 6 : i32
        %add3A_665 = arith.addi %add3A_663, %add3A_664 : i32
        %dma_start3A_666 = arith.constant 0 : i32
        %dma_start3A_667 = tpu.memref_slice %arg6[%add3A_665, %dma_start3A_666] : memref<40x128xi32, #tpu.memory_space<vmem>> -> memref<1x128xi32, #tpu.memory_space<vmem>>
        %dma_start3A_668 = tpu.memref_squeeze %dma_start3A_667 : memref<1x128xi32, #tpu.memory_space<vmem>> -> memref<128xi32, #tpu.memory_space<vmem>>
        %dma_start3A_669 = arith.constant 0 : i32
        %dma_start3A_670 = arith.constant 0 : i32
        %dma_start3A_671 = tpu.memref_slice %arg2[%dma_start3A_669, %dma_start3A_670] : memref<10000x32xf32, #tpu.memory_space<hbm>> -> memref<10000x32xf32, #tpu.memory_space<hbm>>
        tpu.enqueue_indirect_dma source(%dma_start3A_671 : memref<10000x32xf32, #tpu.memory_space<hbm>>) target(%arg14 : memref<128x32xf32, #tpu.memory_space<vmem>>) offsets(%dma_start3A_668 : memref<128xi32, #tpu.memory_space<vmem>>) semaphore(%arg25 : memref<!tpu.dma_semaphore, #tpu.memory_space<semaphore_mem>>)
        %dma_wait3A_672 = arith.constant 0 : i32
        %dma_wait3A_673 = arith.constant 0 : i32
        %dma_wait3A_674 = tpu.memref_slice %arg7[%dma_wait3A_672, %dma_wait3A_673] : memref<40x128xi32, #tpu.memory_space<vmem>> -> memref<1x128xi32, #tpu.memory_space<vmem>>
        %dma_wait3A_675 = tpu.memref_squeeze %dma_wait3A_674 : memref<1x128xi32, #tpu.memory_space<vmem>> -> memref<128xi32, #tpu.memory_space<vmem>>
        %dma_wait3A_676 = arith.constant 0 : i32
        %dma_wait3A_677 = arith.constant 0 : i32
        %dma_wait3A_678 = tpu.memref_slice %arg18[%dma_wait3A_676, %dma_wait3A_677] : memref<10112x32xf32, #tpu.memory_space<vmem_shared>> -> memref<10112x32xf32, #tpu.memory_space<vmem_shared>>
        tpu.wait_indirect_dma semaphore(%arg36 : memref<!tpu.dma_semaphore, #tpu.memory_space<semaphore_mem>>) src(%arg15 : memref<128x32xf32, #tpu.memory_space<vmem>>) dst(%dma_wait3A_678 : memref<10112x32xf32, #tpu.memory_space<vmem_shared>>)
        %dma_wait3A_679 = arith.constant 0 : i32
        %dma_wait3A_680 = arith.constant 0 : i32
        %dma_wait3A_681 = tpu.memref_slice %arg7[%dma_wait3A_679, %dma_wait3A_680] : memref<40x128xi32, #tpu.memory_space<vmem>> -> memref<1x128xi32, #tpu.memory_space<vmem>>
        %dma_wait3A_682 = tpu.memref_squeeze %dma_wait3A_681 : memref<1x128xi32, #tpu.memory_space<vmem>> -> memref<128xi32, #tpu.memory_space<vmem>>
        %dma_wait3A_683 = arith.constant 0 : i32
        %dma_wait3A_684 = arith.constant 0 : i32
        %dma_wait3A_685 = tpu.memref_slice %arg41[%dma_wait3A_683, %dma_wait3A_684] : memref<10112x16xf32, #tpu.memory_space<vmem_shared>> -> memref<10112x16xf32, #tpu.memory_space<vmem_shared>>
        tpu.wait_indirect_dma semaphore(%arg49 : memref<!tpu.dma_semaphore, #tpu.memory_space<semaphore_mem>>) src(%arg39 : memref<128x16xf32, #tpu.memory_space<vmem>>) dst(%dma_wait3A_685 : memref<10112x16xf32, #tpu.memory_space<vmem_shared>>)
        %add3A_686 = arith.constant 10 : i32
        %add3A_687 = arith.addi %mul3A_268, %add3A_686 : i32
        %add3A_688 = arith.constant 7 : i32
        %add3A_689 = arith.addi %add3A_687, %add3A_688 : i32
        %dma_start3A_690 = arith.constant 0 : i32
        %dma_start3A_691 = tpu.memref_slice %arg6[%add3A_689, %dma_start3A_690] : memref<40x128xi32, #tpu.memory_space<vmem>> -> memref<1x128xi32, #tpu.memory_space<vmem>>
        %dma_start3A_692 = tpu.memref_squeeze %dma_start3A_691 : memref<1x128xi32, #tpu.memory_space<vmem>> -> memref<128xi32, #tpu.memory_space<vmem>>
        %dma_start3A_693 = arith.constant 0 : i32
        %dma_start3A_694 = arith.constant 0 : i32
        %dma_start3A_695 = tpu.memref_slice %arg2[%dma_start3A_693, %dma_start3A_694] : memref<10000x32xf32, #tpu.memory_space<hbm>> -> memref<10000x32xf32, #tpu.memory_space<hbm>>
        tpu.enqueue_indirect_dma source(%dma_start3A_695 : memref<10000x32xf32, #tpu.memory_space<hbm>>) target(%arg15 : memref<128x32xf32, #tpu.memory_space<vmem>>) offsets(%dma_start3A_692 : memref<128xi32, #tpu.memory_space<vmem>>) semaphore(%arg26 : memref<!tpu.dma_semaphore, #tpu.memory_space<semaphore_mem>>)
        %dma_wait3A_696 = arith.constant 0 : i32
        %dma_wait3A_697 = arith.constant 0 : i32
        %dma_wait3A_698 = tpu.memref_slice %arg7[%dma_wait3A_696, %dma_wait3A_697] : memref<40x128xi32, #tpu.memory_space<vmem>> -> memref<1x128xi32, #tpu.memory_space<vmem>>
        %dma_wait3A_699 = tpu.memref_squeeze %dma_wait3A_698 : memref<1x128xi32, #tpu.memory_space<vmem>> -> memref<128xi32, #tpu.memory_space<vmem>>
        %dma_wait3A_700 = arith.constant 0 : i32
        %dma_wait3A_701 = arith.constant 0 : i32
        %dma_wait3A_702 = tpu.memref_slice %arg18[%dma_wait3A_700, %dma_wait3A_701] : memref<10112x32xf32, #tpu.memory_space<vmem_shared>> -> memref<10112x32xf32, #tpu.memory_space<vmem_shared>>
        tpu.wait_indirect_dma semaphore(%arg37 : memref<!tpu.dma_semaphore, #tpu.memory_space<semaphore_mem>>) src(%arg16 : memref<128x32xf32, #tpu.memory_space<vmem>>) dst(%dma_wait3A_702 : memref<10112x32xf32, #tpu.memory_space<vmem_shared>>)
        %dma_wait3A_703 = arith.constant 0 : i32
        %dma_wait3A_704 = arith.constant 0 : i32
        %dma_wait3A_705 = tpu.memref_slice %arg7[%dma_wait3A_703, %dma_wait3A_704] : memref<40x128xi32, #tpu.memory_space<vmem>> -> memref<1x128xi32, #tpu.memory_space<vmem>>
        %dma_wait3A_706 = tpu.memref_squeeze %dma_wait3A_705 : memref<1x128xi32, #tpu.memory_space<vmem>> -> memref<128xi32, #tpu.memory_space<vmem>>
        %dma_wait3A_707 = arith.constant 0 : i32
        %dma_wait3A_708 = arith.constant 0 : i32
        %dma_wait3A_709 = tpu.memref_slice %arg41[%dma_wait3A_707, %dma_wait3A_708] : memref<10112x16xf32, #tpu.memory_space<vmem_shared>> -> memref<10112x16xf32, #tpu.memory_space<vmem_shared>>
        tpu.wait_indirect_dma semaphore(%arg50 : memref<!tpu.dma_semaphore, #tpu.memory_space<semaphore_mem>>) src(%arg39 : memref<128x16xf32, #tpu.memory_space<vmem>>) dst(%dma_wait3A_709 : memref<10112x16xf32, #tpu.memory_space<vmem_shared>>)
        %add3A_710 = arith.constant 10 : i32
        %add3A_711 = arith.addi %mul3A_268, %add3A_710 : i32
        %add3A_712 = arith.constant 8 : i32
        %add3A_713 = arith.addi %add3A_711, %add3A_712 : i32
        %dma_start3A_714 = arith.constant 0 : i32
        %dma_start3A_715 = tpu.memref_slice %arg6[%add3A_713, %dma_start3A_714] : memref<40x128xi32, #tpu.memory_space<vmem>> -> memref<1x128xi32, #tpu.memory_space<vmem>>
        %dma_start3A_716 = tpu.memref_squeeze %dma_start3A_715 : memref<1x128xi32, #tpu.memory_space<vmem>> -> memref<128xi32, #tpu.memory_space<vmem>>
        %dma_start3A_717 = arith.constant 0 : i32
        %dma_start3A_718 = arith.constant 0 : i32
        %dma_start3A_719 = tpu.memref_slice %arg2[%dma_start3A_717, %dma_start3A_718] : memref<10000x32xf32, #tpu.memory_space<hbm>> -> memref<10000x32xf32, #tpu.memory_space<hbm>>
        tpu.enqueue_indirect_dma source(%dma_start3A_719 : memref<10000x32xf32, #tpu.memory_space<hbm>>) target(%arg16 : memref<128x32xf32, #tpu.memory_space<vmem>>) offsets(%dma_start3A_716 : memref<128xi32, #tpu.memory_space<vmem>>) semaphore(%arg27 : memref<!tpu.dma_semaphore, #tpu.memory_space<semaphore_mem>>)
        %dma_wait3A_720 = arith.constant 0 : i32
        %dma_wait3A_721 = arith.constant 0 : i32
        %dma_wait3A_722 = tpu.memref_slice %arg7[%dma_wait3A_720, %dma_wait3A_721] : memref<40x128xi32, #tpu.memory_space<vmem>> -> memref<1x128xi32, #tpu.memory_space<vmem>>
        %dma_wait3A_723 = tpu.memref_squeeze %dma_wait3A_722 : memref<1x128xi32, #tpu.memory_space<vmem>> -> memref<128xi32, #tpu.memory_space<vmem>>
        %dma_wait3A_724 = arith.constant 0 : i32
        %dma_wait3A_725 = arith.constant 0 : i32
        %dma_wait3A_726 = tpu.memref_slice %arg18[%dma_wait3A_724, %dma_wait3A_725] : memref<10112x32xf32, #tpu.memory_space<vmem_shared>> -> memref<10112x32xf32, #tpu.memory_space<vmem_shared>>
        tpu.wait_indirect_dma semaphore(%arg38 : memref<!tpu.dma_semaphore, #tpu.memory_space<semaphore_mem>>) src(%arg17 : memref<128x32xf32, #tpu.memory_space<vmem>>) dst(%dma_wait3A_726 : memref<10112x32xf32, #tpu.memory_space<vmem_shared>>)
        %dma_wait3A_727 = arith.constant 0 : i32
        %dma_wait3A_728 = arith.constant 0 : i32
        %dma_wait3A_729 = tpu.memref_slice %arg7[%dma_wait3A_727, %dma_wait3A_728] : memref<40x128xi32, #tpu.memory_space<vmem>> -> memref<1x128xi32, #tpu.memory_space<vmem>>
        %dma_wait3A_730 = tpu.memref_squeeze %dma_wait3A_729 : memref<1x128xi32, #tpu.memory_space<vmem>> -> memref<128xi32, #tpu.memory_space<vmem>>
        %dma_wait3A_731 = arith.constant 0 : i32
        %dma_wait3A_732 = arith.constant 0 : i32
        %dma_wait3A_733 = tpu.memref_slice %arg41[%dma_wait3A_731, %dma_wait3A_732] : memref<10112x16xf32, #tpu.memory_space<vmem_shared>> -> memref<10112x16xf32, #tpu.memory_space<vmem_shared>>
        tpu.wait_indirect_dma semaphore(%arg51 : memref<!tpu.dma_semaphore, #tpu.memory_space<semaphore_mem>>) src(%arg39 : memref<128x16xf32, #tpu.memory_space<vmem>>) dst(%dma_wait3A_733 : memref<10112x16xf32, #tpu.memory_space<vmem_shared>>)
        %add3A_734 = arith.constant 10 : i32
        %add3A_735 = arith.addi %mul3A_268, %add3A_734 : i32
        %add3A_736 = arith.constant 9 : i32
        %add3A_737 = arith.addi %add3A_735, %add3A_736 : i32
        %dma_start3A_738 = arith.constant 0 : i32
        %dma_start3A_739 = tpu.memref_slice %arg6[%add3A_737, %dma_start3A_738] : memref<40x128xi32, #tpu.memory_space<vmem>> -> memref<1x128xi32, #tpu.memory_space<vmem>>
        %dma_start3A_740 = tpu.memref_squeeze %dma_start3A_739 : memref<1x128xi32, #tpu.memory_space<vmem>> -> memref<128xi32, #tpu.memory_space<vmem>>
        %dma_start3A_741 = arith.constant 0 : i32
        %dma_start3A_742 = arith.constant 0 : i32
        %dma_start3A_743 = tpu.memref_slice %arg2[%dma_start3A_741, %dma_start3A_742] : memref<10000x32xf32, #tpu.memory_space<hbm>> -> memref<10000x32xf32, #tpu.memory_space<hbm>>
        tpu.enqueue_indirect_dma source(%dma_start3A_743 : memref<10000x32xf32, #tpu.memory_space<hbm>>) target(%arg17 : memref<128x32xf32, #tpu.memory_space<vmem>>) offsets(%dma_start3A_740 : memref<128xi32, #tpu.memory_space<vmem>>) semaphore(%arg28 : memref<!tpu.dma_semaphore, #tpu.memory_space<semaphore_mem>>)
      } else {
      }
    }
    %dma_wait3A = arith.constant 0 : i32
    %dma_wait3A_116 = arith.constant 0 : i32
    %dma_wait3A_117 = tpu.memref_slice %arg7[%dma_wait3A, %dma_wait3A_116] : memref<40x128xi32, #tpu.memory_space<vmem>> -> memref<1x128xi32, #tpu.memory_space<vmem>>
    %dma_wait3A_118 = tpu.memref_squeeze %dma_wait3A_117 : memref<1x128xi32, #tpu.memory_space<vmem>> -> memref<128xi32, #tpu.memory_space<vmem>>
    %dma_wait3A_119 = arith.constant 0 : i32
    %dma_wait3A_120 = arith.constant 0 : i32
    %dma_wait3A_121 = tpu.memref_slice %arg18[%dma_wait3A_119, %dma_wait3A_120] : memref<10112x32xf32, #tpu.memory_space<vmem_shared>> -> memref<10112x32xf32, #tpu.memory_space<vmem_shared>>
    tpu.wait_indirect_dma semaphore(%arg29 : memref<!tpu.dma_semaphore, #tpu.memory_space<semaphore_mem>>) src(%arg8 : memref<128x32xf32, #tpu.memory_space<vmem>>) dst(%dma_wait3A_121 : memref<10112x32xf32, #tpu.memory_space<vmem_shared>>)
    %dma_wait3A_122 = arith.constant 0 : i32
    %dma_wait3A_123 = arith.constant 0 : i32
    %dma_wait3A_124 = tpu.memref_slice %arg7[%dma_wait3A_122, %dma_wait3A_123] : memref<40x128xi32, #tpu.memory_space<vmem>> -> memref<1x128xi32, #tpu.memory_space<vmem>>
    %dma_wait3A_125 = tpu.memref_squeeze %dma_wait3A_124 : memref<1x128xi32, #tpu.memory_space<vmem>> -> memref<128xi32, #tpu.memory_space<vmem>>
    %dma_wait3A_126 = arith.constant 0 : i32
    %dma_wait3A_127 = arith.constant 0 : i32
    %dma_wait3A_128 = tpu.memref_slice %arg41[%dma_wait3A_126, %dma_wait3A_127] : memref<10112x16xf32, #tpu.memory_space<vmem_shared>> -> memref<10112x16xf32, #tpu.memory_space<vmem_shared>>
    tpu.wait_indirect_dma semaphore(%arg42 : memref<!tpu.dma_semaphore, #tpu.memory_space<semaphore_mem>>) src(%arg39 : memref<128x16xf32, #tpu.memory_space<vmem>>) dst(%dma_wait3A_128 : memref<10112x16xf32, #tpu.memory_space<vmem_shared>>)
    %dma_wait3A_129 = arith.constant 0 : i32
    %dma_wait3A_130 = arith.constant 0 : i32
    %dma_wait3A_131 = tpu.memref_slice %arg7[%dma_wait3A_129, %dma_wait3A_130] : memref<40x128xi32, #tpu.memory_space<vmem>> -> memref<1x128xi32, #tpu.memory_space<vmem>>
    %dma_wait3A_132 = tpu.memref_squeeze %dma_wait3A_131 : memref<1x128xi32, #tpu.memory_space<vmem>> -> memref<128xi32, #tpu.memory_space<vmem>>
    %dma_wait3A_133 = arith.constant 0 : i32
    %dma_wait3A_134 = arith.constant 0 : i32
    %dma_wait3A_135 = tpu.memref_slice %arg18[%dma_wait3A_133, %dma_wait3A_134] : memref<10112x32xf32, #tpu.memory_space<vmem_shared>> -> memref<10112x32xf32, #tpu.memory_space<vmem_shared>>
    tpu.wait_indirect_dma semaphore(%arg30 : memref<!tpu.dma_semaphore, #tpu.memory_space<semaphore_mem>>) src(%arg9 : memref<128x32xf32, #tpu.memory_space<vmem>>) dst(%dma_wait3A_135 : memref<10112x32xf32, #tpu.memory_space<vmem_shared>>)
    %dma_wait3A_136 = arith.constant 0 : i32
    %dma_wait3A_137 = arith.constant 0 : i32
    %dma_wait3A_138 = tpu.memref_slice %arg7[%dma_wait3A_136, %dma_wait3A_137] : memref<40x128xi32, #tpu.memory_space<vmem>> -> memref<1x128xi32, #tpu.memory_space<vmem>>
    %dma_wait3A_139 = tpu.memref_squeeze %dma_wait3A_138 : memref<1x128xi32, #tpu.memory_space<vmem>> -> memref<128xi32, #tpu.memory_space<vmem>>
    %dma_wait3A_140 = arith.constant 0 : i32
    %dma_wait3A_141 = arith.constant 0 : i32
    %dma_wait3A_142 = tpu.memref_slice %arg41[%dma_wait3A_140, %dma_wait3A_141] : memref<10112x16xf32, #tpu.memory_space<vmem_shared>> -> memref<10112x16xf32, #tpu.memory_space<vmem_shared>>
    tpu.wait_indirect_dma semaphore(%arg43 : memref<!tpu.dma_semaphore, #tpu.memory_space<semaphore_mem>>) src(%arg39 : memref<128x16xf32, #tpu.memory_space<vmem>>) dst(%dma_wait3A_142 : memref<10112x16xf32, #tpu.memory_space<vmem_shared>>)
    %dma_wait3A_143 = arith.constant 0 : i32
    %dma_wait3A_144 = arith.constant 0 : i32
    %dma_wait3A_145 = tpu.memref_slice %arg7[%dma_wait3A_143, %dma_wait3A_144] : memref<40x128xi32, #tpu.memory_space<vmem>> -> memref<1x128xi32, #tpu.memory_space<vmem>>
    %dma_wait3A_146 = tpu.memref_squeeze %dma_wait3A_145 : memref<1x128xi32, #tpu.memory_space<vmem>> -> memref<128xi32, #tpu.memory_space<vmem>>
    %dma_wait3A_147 = arith.constant 0 : i32
    %dma_wait3A_148 = arith.constant 0 : i32
    %dma_wait3A_149 = tpu.memref_slice %arg18[%dma_wait3A_147, %dma_wait3A_148] : memref<10112x32xf32, #tpu.memory_space<vmem_shared>> -> memref<10112x32xf32, #tpu.memory_space<vmem_shared>>
    tpu.wait_indirect_dma semaphore(%arg31 : memref<!tpu.dma_semaphore, #tpu.memory_space<semaphore_mem>>) src(%arg10 : memref<128x32xf32, #tpu.memory_space<vmem>>) dst(%dma_wait3A_149 : memref<10112x32xf32, #tpu.memory_space<vmem_shared>>)
    %dma_wait3A_150 = arith.constant 0 : i32
    %dma_wait3A_151 = arith.constant 0 : i32
    %dma_wait3A_152 = tpu.memref_slice %arg7[%dma_wait3A_150, %dma_wait3A_151] : memref<40x128xi32, #tpu.memory_space<vmem>> -> memref<1x128xi32, #tpu.memory_space<vmem>>
    %dma_wait3A_153 = tpu.memref_squeeze %dma_wait3A_152 : memref<1x128xi32, #tpu.memory_space<vmem>> -> memref<128xi32, #tpu.memory_space<vmem>>
    %dma_wait3A_154 = arith.constant 0 : i32
    %dma_wait3A_155 = arith.constant 0 : i32
    %dma_wait3A_156 = tpu.memref_slice %arg41[%dma_wait3A_154, %dma_wait3A_155] : memref<10112x16xf32, #tpu.memory_space<vmem_shared>> -> memref<10112x16xf32, #tpu.memory_space<vmem_shared>>
    tpu.wait_indirect_dma semaphore(%arg44 : memref<!tpu.dma_semaphore, #tpu.memory_space<semaphore_mem>>) src(%arg39 : memref<128x16xf32, #tpu.memory_space<vmem>>) dst(%dma_wait3A_156 : memref<10112x16xf32, #tpu.memory_space<vmem_shared>>)
    %dma_wait3A_157 = arith.constant 0 : i32
    %dma_wait3A_158 = arith.constant 0 : i32
    %dma_wait3A_159 = tpu.memref_slice %arg7[%dma_wait3A_157, %dma_wait3A_158] : memref<40x128xi32, #tpu.memory_space<vmem>> -> memref<1x128xi32, #tpu.memory_space<vmem>>
    %dma_wait3A_160 = tpu.memref_squeeze %dma_wait3A_159 : memref<1x128xi32, #tpu.memory_space<vmem>> -> memref<128xi32, #tpu.memory_space<vmem>>
    %dma_wait3A_161 = arith.constant 0 : i32
    %dma_wait3A_162 = arith.constant 0 : i32
    %dma_wait3A_163 = tpu.memref_slice %arg18[%dma_wait3A_161, %dma_wait3A_162] : memref<10112x32xf32, #tpu.memory_space<vmem_shared>> -> memref<10112x32xf32, #tpu.memory_space<vmem_shared>>
    tpu.wait_indirect_dma semaphore(%arg32 : memref<!tpu.dma_semaphore, #tpu.memory_space<semaphore_mem>>) src(%arg11 : memref<128x32xf32, #tpu.memory_space<vmem>>) dst(%dma_wait3A_163 : memref<10112x32xf32, #tpu.memory_space<vmem_shared>>)
    %dma_wait3A_164 = arith.constant 0 : i32
    %dma_wait3A_165 = arith.constant 0 : i32
    %dma_wait3A_166 = tpu.memref_slice %arg7[%dma_wait3A_164, %dma_wait3A_165] : memref<40x128xi32, #tpu.memory_space<vmem>> -> memref<1x128xi32, #tpu.memory_space<vmem>>
    %dma_wait3A_167 = tpu.memref_squeeze %dma_wait3A_166 : memref<1x128xi32, #tpu.memory_space<vmem>> -> memref<128xi32, #tpu.memory_space<vmem>>
    %dma_wait3A_168 = arith.constant 0 : i32
    %dma_wait3A_169 = arith.constant 0 : i32
    %dma_wait3A_170 = tpu.memref_slice %arg41[%dma_wait3A_168, %dma_wait3A_169] : memref<10112x16xf32, #tpu.memory_space<vmem_shared>> -> memref<10112x16xf32, #tpu.memory_space<vmem_shared>>
    tpu.wait_indirect_dma semaphore(%arg45 : memref<!tpu.dma_semaphore, #tpu.memory_space<semaphore_mem>>) src(%arg39 : memref<128x16xf32, #tpu.memory_space<vmem>>) dst(%dma_wait3A_170 : memref<10112x16xf32, #tpu.memory_space<vmem_shared>>)
    %dma_wait3A_171 = arith.constant 0 : i32
    %dma_wait3A_172 = arith.constant 0 : i32
    %dma_wait3A_173 = tpu.memref_slice %arg7[%dma_wait3A_171, %dma_wait3A_172] : memref<40x128xi32, #tpu.memory_space<vmem>> -> memref<1x128xi32, #tpu.memory_space<vmem>>
    %dma_wait3A_174 = tpu.memref_squeeze %dma_wait3A_173 : memref<1x128xi32, #tpu.memory_space<vmem>> -> memref<128xi32, #tpu.memory_space<vmem>>
    %dma_wait3A_175 = arith.constant 0 : i32
    %dma_wait3A_176 = arith.constant 0 : i32
    %dma_wait3A_177 = tpu.memref_slice %arg18[%dma_wait3A_175, %dma_wait3A_176] : memref<10112x32xf32, #tpu.memory_space<vmem_shared>> -> memref<10112x32xf32, #tpu.memory_space<vmem_shared>>
    tpu.wait_indirect_dma semaphore(%arg33 : memref<!tpu.dma_semaphore, #tpu.memory_space<semaphore_mem>>) src(%arg12 : memref<128x32xf32, #tpu.memory_space<vmem>>) dst(%dma_wait3A_177 : memref<10112x32xf32, #tpu.memory_space<vmem_shared>>)
    %dma_wait3A_178 = arith.constant 0 : i32
    %dma_wait3A_179 = arith.constant 0 : i32
    %dma_wait3A_180 = tpu.memref_slice %arg7[%dma_wait3A_178, %dma_wait3A_179] : memref<40x128xi32, #tpu.memory_space<vmem>> -> memref<1x128xi32, #tpu.memory_space<vmem>>
    %dma_wait3A_181 = tpu.memref_squeeze %dma_wait3A_180 : memref<1x128xi32, #tpu.memory_space<vmem>> -> memref<128xi32, #tpu.memory_space<vmem>>
    %dma_wait3A_182 = arith.constant 0 : i32
    %dma_wait3A_183 = arith.constant 0 : i32
    %dma_wait3A_184 = tpu.memref_slice %arg41[%dma_wait3A_182, %dma_wait3A_183] : memref<10112x16xf32, #tpu.memory_space<vmem_shared>> -> memref<10112x16xf32, #tpu.memory_space<vmem_shared>>
    tpu.wait_indirect_dma semaphore(%arg46 : memref<!tpu.dma_semaphore, #tpu.memory_space<semaphore_mem>>) src(%arg39 : memref<128x16xf32, #tpu.memory_space<vmem>>) dst(%dma_wait3A_184 : memref<10112x16xf32, #tpu.memory_space<vmem_shared>>)
    %dma_wait3A_185 = arith.constant 0 : i32
    %dma_wait3A_186 = arith.constant 0 : i32
    %dma_wait3A_187 = tpu.memref_slice %arg7[%dma_wait3A_185, %dma_wait3A_186] : memref<40x128xi32, #tpu.memory_space<vmem>> -> memref<1x128xi32, #tpu.memory_space<vmem>>
    %dma_wait3A_188 = tpu.memref_squeeze %dma_wait3A_187 : memref<1x128xi32, #tpu.memory_space<vmem>> -> memref<128xi32, #tpu.memory_space<vmem>>
    %dma_wait3A_189 = arith.constant 0 : i32
    %dma_wait3A_190 = arith.constant 0 : i32
    %dma_wait3A_191 = tpu.memref_slice %arg18[%dma_wait3A_189, %dma_wait3A_190] : memref<10112x32xf32, #tpu.memory_space<vmem_shared>> -> memref<10112x32xf32, #tpu.memory_space<vmem_shared>>
    tpu.wait_indirect_dma semaphore(%arg34 : memref<!tpu.dma_semaphore, #tpu.memory_space<semaphore_mem>>) src(%arg13 : memref<128x32xf32, #tpu.memory_space<vmem>>) dst(%dma_wait3A_191 : memref<10112x32xf32, #tpu.memory_space<vmem_shared>>)
    %dma_wait3A_192 = arith.constant 0 : i32
    %dma_wait3A_193 = arith.constant 0 : i32
    %dma_wait3A_194 = tpu.memref_slice %arg7[%dma_wait3A_192, %dma_wait3A_193] : memref<40x128xi32, #tpu.memory_space<vmem>> -> memref<1x128xi32, #tpu.memory_space<vmem>>
    %dma_wait3A_195 = tpu.memref_squeeze %dma_wait3A_194 : memref<1x128xi32, #tpu.memory_space<vmem>> -> memref<128xi32, #tpu.memory_space<vmem>>
    %dma_wait3A_196 = arith.constant 0 : i32
    %dma_wait3A_197 = arith.constant 0 : i32
    %dma_wait3A_198 = tpu.memref_slice %arg41[%dma_wait3A_196, %dma_wait3A_197] : memref<10112x16xf32, #tpu.memory_space<vmem_shared>> -> memref<10112x16xf32, #tpu.memory_space<vmem_shared>>
    tpu.wait_indirect_dma semaphore(%arg47 : memref<!tpu.dma_semaphore, #tpu.memory_space<semaphore_mem>>) src(%arg39 : memref<128x16xf32, #tpu.memory_space<vmem>>) dst(%dma_wait3A_198 : memref<10112x16xf32, #tpu.memory_space<vmem_shared>>)
    %dma_wait3A_199 = arith.constant 0 : i32
    %dma_wait3A_200 = arith.constant 0 : i32
    %dma_wait3A_201 = tpu.memref_slice %arg7[%dma_wait3A_199, %dma_wait3A_200] : memref<40x128xi32, #tpu.memory_space<vmem>> -> memref<1x128xi32, #tpu.memory_space<vmem>>
    %dma_wait3A_202 = tpu.memref_squeeze %dma_wait3A_201 : memref<1x128xi32, #tpu.memory_space<vmem>> -> memref<128xi32, #tpu.memory_space<vmem>>
    %dma_wait3A_203 = arith.constant 0 : i32
    %dma_wait3A_204 = arith.constant 0 : i32
    %dma_wait3A_205 = tpu.memref_slice %arg18[%dma_wait3A_203, %dma_wait3A_204] : memref<10112x32xf32, #tpu.memory_space<vmem_shared>> -> memref<10112x32xf32, #tpu.memory_space<vmem_shared>>
    tpu.wait_indirect_dma semaphore(%arg35 : memref<!tpu.dma_semaphore, #tpu.memory_space<semaphore_mem>>) src(%arg14 : memref<128x32xf32, #tpu.memory_space<vmem>>) dst(%dma_wait3A_205 : memref<10112x32xf32, #tpu.memory_space<vmem_shared>>)
    %dma_wait3A_206 = arith.constant 0 : i32
    %dma_wait3A_207 = arith.constant 0 : i32
    %dma_wait3A_208 = tpu.memref_slice %arg7[%dma_wait3A_206, %dma_wait3A_207] : memref<40x128xi32, #tpu.memory_space<vmem>> -> memref<1x128xi32, #tpu.memory_space<vmem>>
    %dma_wait3A_209 = tpu.memref_squeeze %dma_wait3A_208 : memref<1x128xi32, #tpu.memory_space<vmem>> -> memref<128xi32, #tpu.memory_space<vmem>>
    %dma_wait3A_210 = arith.constant 0 : i32
    %dma_wait3A_211 = arith.constant 0 : i32
    %dma_wait3A_212 = tpu.memref_slice %arg41[%dma_wait3A_210, %dma_wait3A_211] : memref<10112x16xf32, #tpu.memory_space<vmem_shared>> -> memref<10112x16xf32, #tpu.memory_space<vmem_shared>>
    tpu.wait_indirect_dma semaphore(%arg48 : memref<!tpu.dma_semaphore, #tpu.memory_space<semaphore_mem>>) src(%arg39 : memref<128x16xf32, #tpu.memory_space<vmem>>) dst(%dma_wait3A_212 : memref<10112x16xf32, #tpu.memory_space<vmem_shared>>)
    %dma_wait3A_213 = arith.constant 0 : i32
    %dma_wait3A_214 = arith.constant 0 : i32
    %dma_wait3A_215 = tpu.memref_slice %arg7[%dma_wait3A_213, %dma_wait3A_214] : memref<40x128xi32, #tpu.memory_space<vmem>> -> memref<1x128xi32, #tpu.memory_space<vmem>>
    %dma_wait3A_216 = tpu.memref_squeeze %dma_wait3A_215 : memref<1x128xi32, #tpu.memory_space<vmem>> -> memref<128xi32, #tpu.memory_space<vmem>>
    %dma_wait3A_217 = arith.constant 0 : i32
    %dma_wait3A_218 = arith.constant 0 : i32
    %dma_wait3A_219 = tpu.memref_slice %arg18[%dma_wait3A_217, %dma_wait3A_218] : memref<10112x32xf32, #tpu.memory_space<vmem_shared>> -> memref<10112x32xf32, #tpu.memory_space<vmem_shared>>
    tpu.wait_indirect_dma semaphore(%arg36 : memref<!tpu.dma_semaphore, #tpu.memory_space<semaphore_mem>>) src(%arg15 : memref<128x32xf32, #tpu.memory_space<vmem>>) dst(%dma_wait3A_219 : memref<10112x32xf32, #tpu.memory_space<vmem_shared>>)
    %dma_wait3A_220 = arith.constant 0 : i32
    %dma_wait3A_221 = arith.constant 0 : i32
    %dma_wait3A_222 = tpu.memref_slice %arg7[%dma_wait3A_220, %dma_wait3A_221] : memref<40x128xi32, #tpu.memory_space<vmem>> -> memref<1x128xi32, #tpu.memory_space<vmem>>
    %dma_wait3A_223 = tpu.memref_squeeze %dma_wait3A_222 : memref<1x128xi32, #tpu.memory_space<vmem>> -> memref<128xi32, #tpu.memory_space<vmem>>
    %dma_wait3A_224 = arith.constant 0 : i32
    %dma_wait3A_225 = arith.constant 0 : i32
    %dma_wait3A_226 = tpu.memref_slice %arg41[%dma_wait3A_224, %dma_wait3A_225] : memref<10112x16xf32, #tpu.memory_space<vmem_shared>> -> memref<10112x16xf32, #tpu.memory_space<vmem_shared>>
    tpu.wait_indirect_dma semaphore(%arg49 : memref<!tpu.dma_semaphore, #tpu.memory_space<semaphore_mem>>) src(%arg39 : memref<128x16xf32, #tpu.memory_space<vmem>>) dst(%dma_wait3A_226 : memref<10112x16xf32, #tpu.memory_space<vmem_shared>>)
    %dma_wait3A_227 = arith.constant 0 : i32
    %dma_wait3A_228 = arith.constant 0 : i32
    %dma_wait3A_229 = tpu.memref_slice %arg7[%dma_wait3A_227, %dma_wait3A_228] : memref<40x128xi32, #tpu.memory_space<vmem>> -> memref<1x128xi32, #tpu.memory_space<vmem>>
    %dma_wait3A_230 = tpu.memref_squeeze %dma_wait3A_229 : memref<1x128xi32, #tpu.memory_space<vmem>> -> memref<128xi32, #tpu.memory_space<vmem>>
    %dma_wait3A_231 = arith.constant 0 : i32
    %dma_wait3A_232 = arith.constant 0 : i32
    %dma_wait3A_233 = tpu.memref_slice %arg18[%dma_wait3A_231, %dma_wait3A_232] : memref<10112x32xf32, #tpu.memory_space<vmem_shared>> -> memref<10112x32xf32, #tpu.memory_space<vmem_shared>>
    tpu.wait_indirect_dma semaphore(%arg37 : memref<!tpu.dma_semaphore, #tpu.memory_space<semaphore_mem>>) src(%arg16 : memref<128x32xf32, #tpu.memory_space<vmem>>) dst(%dma_wait3A_233 : memref<10112x32xf32, #tpu.memory_space<vmem_shared>>)
    %dma_wait3A_234 = arith.constant 0 : i32
    %dma_wait3A_235 = arith.constant 0 : i32
    %dma_wait3A_236 = tpu.memref_slice %arg7[%dma_wait3A_234, %dma_wait3A_235] : memref<40x128xi32, #tpu.memory_space<vmem>> -> memref<1x128xi32, #tpu.memory_space<vmem>>
    %dma_wait3A_237 = tpu.memref_squeeze %dma_wait3A_236 : memref<1x128xi32, #tpu.memory_space<vmem>> -> memref<128xi32, #tpu.memory_space<vmem>>
    %dma_wait3A_238 = arith.constant 0 : i32
    %dma_wait3A_239 = arith.constant 0 : i32
    %dma_wait3A_240 = tpu.memref_slice %arg41[%dma_wait3A_238, %dma_wait3A_239] : memref<10112x16xf32, #tpu.memory_space<vmem_shared>> -> memref<10112x16xf32, #tpu.memory_space<vmem_shared>>
    tpu.wait_indirect_dma semaphore(%arg50 : memref<!tpu.dma_semaphore, #tpu.memory_space<semaphore_mem>>) src(%arg39 : memref<128x16xf32, #tpu.memory_space<vmem>>) dst(%dma_wait3A_240 : memref<10112x16xf32, #tpu.memory_space<vmem_shared>>)
    %dma_wait3A_241 = arith.constant 0 : i32
    %dma_wait3A_242 = arith.constant 0 : i32
    %dma_wait3A_243 = tpu.memref_slice %arg7[%dma_wait3A_241, %dma_wait3A_242] : memref<40x128xi32, #tpu.memory_space<vmem>> -> memref<1x128xi32, #tpu.memory_space<vmem>>
    %dma_wait3A_244 = tpu.memref_squeeze %dma_wait3A_243 : memref<1x128xi32, #tpu.memory_space<vmem>> -> memref<128xi32, #tpu.memory_space<vmem>>
    %dma_wait3A_245 = arith.constant 0 : i32
    %dma_wait3A_246 = arith.constant 0 : i32
    %dma_wait3A_247 = tpu.memref_slice %arg18[%dma_wait3A_245, %dma_wait3A_246] : memref<10112x32xf32, #tpu.memory_space<vmem_shared>> -> memref<10112x32xf32, #tpu.memory_space<vmem_shared>>
    tpu.wait_indirect_dma semaphore(%arg38 : memref<!tpu.dma_semaphore, #tpu.memory_space<semaphore_mem>>) src(%arg17 : memref<128x32xf32, #tpu.memory_space<vmem>>) dst(%dma_wait3A_247 : memref<10112x32xf32, #tpu.memory_space<vmem_shared>>)
    %dma_wait3A_248 = arith.constant 0 : i32
    %dma_wait3A_249 = arith.constant 0 : i32
    %dma_wait3A_250 = tpu.memref_slice %arg7[%dma_wait3A_248, %dma_wait3A_249] : memref<40x128xi32, #tpu.memory_space<vmem>> -> memref<1x128xi32, #tpu.memory_space<vmem>>
    %dma_wait3A_251 = tpu.memref_squeeze %dma_wait3A_250 : memref<1x128xi32, #tpu.memory_space<vmem>> -> memref<128xi32, #tpu.memory_space<vmem>>
    %dma_wait3A_252 = arith.constant 0 : i32
    %dma_wait3A_253 = arith.constant 0 : i32
    %dma_wait3A_254 = tpu.memref_slice %arg41[%dma_wait3A_252, %dma_wait3A_253] : memref<10112x16xf32, #tpu.memory_space<vmem_shared>> -> memref<10112x16xf32, #tpu.memory_space<vmem_shared>>
    tpu.wait_indirect_dma semaphore(%arg51 : memref<!tpu.dma_semaphore, #tpu.memory_space<semaphore_mem>>) src(%arg39 : memref<128x16xf32, #tpu.memory_space<vmem>>) dst(%dma_wait3A_254 : memref<10112x16xf32, #tpu.memory_space<vmem_shared>>)
    %barrier3A_255 = arith.constant 0 : index
    tpu.barrier barrier_id(%barrier3A_255)
    %lt3A_256 = arith.constant 15 : i32
    %lt3A_257 = arith.cmpi slt, %arg1, %lt3A_256 : i32
    %convert_element_type3A_258 = arith.extui %lt3A_257 : i1 to i32
    %cond3A_259 = arith.constant 0 : i32
    %cond3A_260 = arith.cmpi ne, %convert_element_type3A_258, %cond3A_259 : i32
    scf.if %cond3A_260 {
      %mul3A_266 = arith.constant 624 : i32
      %mul3A_267 = arith.muli %arg1, %mul3A_266 : i32
      %mul3A_268 = arith.constant 10000 : i32
      %mul3A_269 = arith.muli %arg0, %mul3A_268 : i32
      %mul3A_270 = arith.constant 624 : i32
      %mul3A_271 = arith.muli %arg1, %mul3A_270 : i32
      %add3A_272 = arith.addi %mul3A_269, %mul3A_271 : i32
      "tpu.region"() ({
        %run_scoped3A = tpu.sem_alloc : memref<!tpu.dma_semaphore, #tpu.memory_space<semaphore_mem>>
        %dma_start3A_280 = arith.constant 0 : i32
        %dma_start3A_281 = tpu.memref_slice %arg4[%add3A_272, %dma_start3A_280] : memref<20000x32xf32, #tpu.memory_space<hbm>> -> memref<624x32xf32, #tpu.memory_space<hbm>>
        %dma_start3A_282 = arith.constant 0 : i32
        %dma_start3A_283 = tpu.memref_slice %arg18[%mul3A_267, %dma_start3A_282] : memref<10112x32xf32, #tpu.memory_space<vmem_shared>> -> memref<624x32xf32, #tpu.memory_space<vmem_shared>>
        tpu.enqueue_dma source(%dma_start3A_283 : memref<624x32xf32, #tpu.memory_space<vmem_shared>>) target(%dma_start3A_281 : memref<624x32xf32, #tpu.memory_space<hbm>>) target_semaphore(%run_scoped3A : memref<!tpu.dma_semaphore, #tpu.memory_space<semaphore_mem>>)
        %dma_wait3A_284 = arith.constant 0 : i32
        %dma_wait3A_285 = tpu.memref_slice %arg4[%add3A_272, %dma_wait3A_284] : memref<20000x32xf32, #tpu.memory_space<hbm>> -> memref<624x32xf32, #tpu.memory_space<hbm>>
        %dma_wait3A_286 = arith.constant 0 : i32
        %dma_wait3A_287 = tpu.memref_slice %arg18[%mul3A_267, %dma_wait3A_286] : memref<10112x32xf32, #tpu.memory_space<vmem_shared>> -> memref<624x32xf32, #tpu.memory_space<vmem_shared>>
        tpu.wait_dma2 semaphore(%run_scoped3A : memref<!tpu.dma_semaphore, #tpu.memory_space<semaphore_mem>>) src(%dma_wait3A_287 : memref<624x32xf32, #tpu.memory_space<vmem_shared>>) dst(%dma_wait3A_285 : memref<624x32xf32, #tpu.memory_space<hbm>>)
        tpu.yield
      }) : () -> ()
      %mul3A_273 = arith.constant 624 : i32
      %mul3A_274 = arith.muli %arg1, %mul3A_273 : i32
      %mul3A_275 = arith.constant 10000 : i32
      %mul3A_276 = arith.muli %arg0, %mul3A_275 : i32
      %mul3A_277 = arith.constant 624 : i32
      %mul3A_278 = arith.muli %arg1, %mul3A_277 : i32
      %add3A_279 = arith.addi %mul3A_276, %mul3A_278 : i32
      "tpu.region"() ({
        %run_scoped3A = tpu.sem_alloc : memref<!tpu.dma_semaphore, #tpu.memory_space<semaphore_mem>>
        %dma_start3A_280 = arith.constant 0 : i32
        %dma_start3A_281 = tpu.memref_slice %arg5[%add3A_279, %dma_start3A_280] : memref<20000x16xf32, #tpu.memory_space<hbm>> -> memref<624x16xf32, #tpu.memory_space<hbm>>
        %dma_start3A_282 = arith.constant 0 : i32
        %dma_start3A_283 = tpu.memref_slice %arg41[%mul3A_274, %dma_start3A_282] : memref<10112x16xf32, #tpu.memory_space<vmem_shared>> -> memref<624x16xf32, #tpu.memory_space<vmem_shared>>
        tpu.enqueue_dma source(%dma_start3A_283 : memref<624x16xf32, #tpu.memory_space<vmem_shared>>) target(%dma_start3A_281 : memref<624x16xf32, #tpu.memory_space<hbm>>) target_semaphore(%run_scoped3A : memref<!tpu.dma_semaphore, #tpu.memory_space<semaphore_mem>>)
        %dma_wait3A_284 = arith.constant 0 : i32
        %dma_wait3A_285 = tpu.memref_slice %arg5[%add3A_279, %dma_wait3A_284] : memref<20000x16xf32, #tpu.memory_space<hbm>> -> memref<624x16xf32, #tpu.memory_space<hbm>>
        %dma_wait3A_286 = arith.constant 0 : i32
        %dma_wait3A_287 = tpu.memref_slice %arg41[%mul3A_274, %dma_wait3A_286] : memref<10112x16xf32, #tpu.memory_space<vmem_shared>> -> memref<624x16xf32, #tpu.memory_space<vmem_shared>>
        tpu.wait_dma2 semaphore(%run_scoped3A : memref<!tpu.dma_semaphore, #tpu.memory_space<semaphore_mem>>) src(%dma_wait3A_287 : memref<624x16xf32, #tpu.memory_space<vmem_shared>>) dst(%dma_wait3A_285 : memref<624x16xf32, #tpu.memory_space<hbm>>)
        tpu.yield
      }) : () -> ()
    } else {
    }
    %eq3A_261 = arith.constant 15 : i32
    %eq3A_262 = arith.cmpi eq, %arg1, %eq3A_261 : i32
    %convert_element_type3A_263 = arith.extui %eq3A_262 : i1 to i32
    %cond3A_264 = arith.constant 0 : i32
    %cond3A_265 = arith.cmpi ne, %convert_element_type3A_263, %cond3A_264 : i32
    scf.if %cond3A_265 {
      %mul3A_266 = arith.constant 10000 : i32
      %mul3A_267 = arith.muli %arg0, %mul3A_266 : i32
      %add3A_268 = arith.constant 9360 : i32
      %add3A_269 = arith.addi %mul3A_267, %add3A_268 : i32
      "tpu.region"() ({
        %run_scoped3A = tpu.sem_alloc : memref<!tpu.dma_semaphore, #tpu.memory_space<semaphore_mem>>
        %dma_start3A_274 = arith.constant 0 : i32
        %dma_start3A_275 = tpu.memref_slice %arg4[%add3A_269, %dma_start3A_274] : memref<20000x32xf32, #tpu.memory_space<hbm>> -> memref<640x32xf32, #tpu.memory_space<hbm>>
        %dma_start3A_276 = arith.constant 9360 : i32
        %dma_start3A_277 = arith.constant 0 : i32
        %dma_start3A_278 = tpu.memref_slice %arg18[%dma_start3A_276, %dma_start3A_277] : memref<10112x32xf32, #tpu.memory_space<vmem_shared>> -> memref<640x32xf32, #tpu.memory_space<vmem_shared>>
        tpu.enqueue_dma source(%dma_start3A_278 : memref<640x32xf32, #tpu.memory_space<vmem_shared>>) target(%dma_start3A_275 : memref<640x32xf32, #tpu.memory_space<hbm>>) target_semaphore(%run_scoped3A : memref<!tpu.dma_semaphore, #tpu.memory_space<semaphore_mem>>)
        %dma_wait3A_279 = arith.constant 0 : i32
        %dma_wait3A_280 = tpu.memref_slice %arg4[%add3A_269, %dma_wait3A_279] : memref<20000x32xf32, #tpu.memory_space<hbm>> -> memref<640x32xf32, #tpu.memory_space<hbm>>
        %dma_wait3A_281 = arith.constant 9360 : i32
        %dma_wait3A_282 = arith.constant 0 : i32
        %dma_wait3A_283 = tpu.memref_slice %arg18[%dma_wait3A_281, %dma_wait3A_282] : memref<10112x32xf32, #tpu.memory_space<vmem_shared>> -> memref<640x32xf32, #tpu.memory_space<vmem_shared>>
        tpu.wait_dma2 semaphore(%run_scoped3A : memref<!tpu.dma_semaphore, #tpu.memory_space<semaphore_mem>>) src(%dma_wait3A_283 : memref<640x32xf32, #tpu.memory_space<vmem_shared>>) dst(%dma_wait3A_280 : memref<640x32xf32, #tpu.memory_space<hbm>>)
        tpu.yield
      }) : () -> ()
      %mul3A_270 = arith.constant 10000 : i32
      %mul3A_271 = arith.muli %arg0, %mul3A_270 : i32
      %add3A_272 = arith.constant 9360 : i32
      %add3A_273 = arith.addi %mul3A_271, %add3A_272 : i32
      "tpu.region"() ({
        %run_scoped3A = tpu.sem_alloc : memref<!tpu.dma_semaphore, #tpu.memory_space<semaphore_mem>>
        %dma_start3A_274 = arith.constant 0 : i32
        %dma_start3A_275 = tpu.memref_slice %arg5[%add3A_273, %dma_start3A_274] : memref<20000x16xf32, #tpu.memory_space<hbm>> -> memref<640x16xf32, #tpu.memory_space<hbm>>
        %dma_start3A_276 = arith.constant 9360 : i32
        %dma_start3A_277 = arith.constant 0 : i32
        %dma_start3A_278 = tpu.memref_slice %arg41[%dma_start3A_276, %dma_start3A_277] : memref<10112x16xf32, #tpu.memory_space<vmem_shared>> -> memref<640x16xf32, #tpu.memory_space<vmem_shared>>
        tpu.enqueue_dma source(%dma_start3A_278 : memref<640x16xf32, #tpu.memory_space<vmem_shared>>) target(%dma_start3A_275 : memref<640x16xf32, #tpu.memory_space<hbm>>) target_semaphore(%run_scoped3A : memref<!tpu.dma_semaphore, #tpu.memory_space<semaphore_mem>>)
        %dma_wait3A_279 = arith.constant 0 : i32
        %dma_wait3A_280 = tpu.memref_slice %arg5[%add3A_273, %dma_wait3A_279] : memref<20000x16xf32, #tpu.memory_space<hbm>> -> memref<640x16xf32, #tpu.memory_space<hbm>>
        %dma_wait3A_281 = arith.constant 9360 : i32
        %dma_wait3A_282 = arith.constant 0 : i32
        %dma_wait3A_283 = tpu.memref_slice %arg41[%dma_wait3A_281, %dma_wait3A_282] : memref<10112x16xf32, #tpu.memory_space<vmem_shared>> -> memref<640x16xf32, #tpu.memory_space<vmem_shared>>
        tpu.wait_dma2 semaphore(%run_scoped3A : memref<!tpu.dma_semaphore, #tpu.memory_space<semaphore_mem>>) src(%dma_wait3A_283 : memref<640x16xf32, #tpu.memory_space<vmem_shared>>) dst(%dma_wait3A_280 : memref<640x16xf32, #tpu.memory_space<hbm>>)
        tpu.yield
      }) : () -> ()
    } else {
    }
    return
  }
}

module attributes {stable_mosaic.version = 14 : i64} {
  func.func @body(%arg0: i32, %arg1: memref<2000x1433xf32, #tpu.memory_space<vmem>>, %arg2: memref<32x1433xf32, #tpu.memory_space<vmem>>, %arg3: memref<32x1433xf32, #tpu.memory_space<vmem>>, %arg4: memref<2000x32xf32, #tpu.memory_space<vmem>>, %arg5: memref<2000x32xf32, #tpu.memory_space<vmem>>) attributes {dimension_semantics = [#tpu.dimension_semantics<arbitrary>], iteration_bounds = array<i64: 5>, scalar_prefetch = 0 : i64, scratch_operands = 0 : i64, tpu.core_type = #tpu.core_type<tc>, window_params = [{transform_indices = @transform_0, window_bounds = array<i64: 2000, 1433>}, {pipeline_mode = #tpu.pipeline_mode<synchronous>, transform_indices = @transform_1, window_bounds = array<i64: 32, 1433>}, {pipeline_mode = #tpu.pipeline_mode<synchronous>, transform_indices = @transform_2, window_bounds = array<i64: 32, 1433>}, {transform_indices = @transform_3, window_bounds = array<i64: 2000, 32>}, {transform_indices = @transform_4, window_bounds = array<i64: 2000, 32>}]} {
    %get3A = arith.constant 0 : index
    %get3A_0 = arith.constant 0 : index
    %get3A_1 = vector.load %arg1[%get3A, %get3A_0] : memref<2000x1433xf32, #tpu.memory_space<vmem>>, vector<2000x1433xf32>
    %get3A_2 = arith.constant 0 : index
    %get3A_3 = arith.constant 0 : index
    %get3A_4 = vector.load %arg2[%get3A_2, %get3A_3] : memref<32x1433xf32, #tpu.memory_space<vmem>>, vector<32x1433xf32>
    %dot_general3A = arith.constant dense<0.000000e+00> : vector<2000x32xf32>
    %dot_general3A_5 = tpu.matmul %get3A_1, %get3A_4, %dot_general3A {dimension_numbers = #tpu.dot_dimension_numbers<[1], [1], [0], [0], [0, 0, 1, 0], [], []>, transpose_lhs_hint = false} : vector<2000x1433xf32>, vector<32x1433xf32>, vector<2000x32xf32> -> vector<2000x32xf32>
    %swap3A = arith.constant 0 : index
    %swap3A_6 = arith.constant 0 : index
    %swap3A_7 = vector.load %arg4[%swap3A, %swap3A_6] : memref<2000x32xf32, #tpu.memory_space<vmem>>, vector<2000x32xf32>
    tpu.vector_store %arg4[%swap3A, %swap3A_6], %dot_general3A_5 {strides = array<i32>} : memref<2000x32xf32, #tpu.memory_space<vmem>>, vector<2000x32xf32>,
    %get3A_8 = arith.constant 0 : index
    %get3A_9 = arith.constant 0 : index
    %get3A_10 = vector.load %arg3[%get3A_8, %get3A_9] : memref<32x1433xf32, #tpu.memory_space<vmem>>, vector<32x1433xf32>
    %dot_general3A_11 = arith.constant dense<0.000000e+00> : vector<2000x32xf32>
    %dot_general3A_12 = tpu.matmul %get3A_1, %get3A_10, %dot_general3A_11 {dimension_numbers = #tpu.dot_dimension_numbers<[1], [1], [0], [0], [0, 0, 1, 0], [], []>, transpose_lhs_hint = false} : vector<2000x1433xf32>, vector<32x1433xf32>, vector<2000x32xf32> -> vector<2000x32xf32>
    %swap3A_13 = arith.constant 0 : index
    %swap3A_14 = arith.constant 0 : index
    %swap3A_15 = vector.load %arg5[%swap3A_13, %swap3A_14] : memref<2000x32xf32, #tpu.memory_space<vmem>>, vector<2000x32xf32>
    tpu.vector_store %arg5[%swap3A_13, %swap3A_14], %dot_general3A_12 {strides = array<i32>} : memref<2000x32xf32, #tpu.memory_space<vmem>>, vector<2000x32xf32>,
    return
  }
  func.func @transform_0(%arg0: i32) -> (i32, i32) {
    %c0_i32 = arith.constant 0 : i32
    %c0_i32_0 = arith.constant 0 : i32
    return %arg0, %c0_i32 : i32, i32
  }
  func.func @transform_1(%arg0: i32) -> (i32, i32) {
    %c0_i32 = arith.constant 0 : i32
    %c0_i32_0 = arith.constant 0 : i32
    %c0_i32_1 = arith.constant 0 : i32
    return %c0_i32, %c0_i32_0 : i32, i32
  }
  func.func @transform_2(%arg0: i32) -> (i32, i32) {
    %c0_i32 = arith.constant 0 : i32
    %c0_i32_0 = arith.constant 0 : i32
    %c0_i32_1 = arith.constant 0 : i32
    return %c0_i32, %c0_i32_0 : i32, i32
  }
  func.func @transform_3(%arg0: i32) -> (i32, i32) {
    %c0_i32 = arith.constant 0 : i32
    %c0_i32_0 = arith.constant 0 : i32
    return %arg0, %c0_i32 : i32, i32
  }
  func.func @transform_4(%arg0: i32) -> (i32, i32) {
    %c0_i32 = arith.constant 0 : i32
    %c0_i32_0 = arith.constant 0 : i32
    return %arg0, %c0_i32 : i32, i32
  }
}

module attributes {stable_mosaic.version = 14 : i64} {
  func.func @body(%arg0: i32, %arg1: memref<2000x32xf32, #tpu.memory_space<vmem>>, %arg2: memref<2000x32xf32, #tpu.memory_space<vmem>>, %arg3: memref<2000x16xf32, #tpu.memory_space<vmem>>, %arg4: memref<2000x16xf32, #tpu.memory_space<vmem>>, %arg5: memref<2000x32xf32, #tpu.memory_space<vmem>>, %arg6: memref<1x32xf32, #tpu.memory_space<vmem>>, %arg7: memref<32x32xf32, #tpu.memory_space<vmem>>, %arg8: memref<32x32xf32, #tpu.memory_space<vmem>>, %arg9: memref<1x32xf32, #tpu.memory_space<vmem>>, %arg10: memref<2000x32xf32, #tpu.memory_space<vmem>>, %arg11: memref<2000x32xf32, #tpu.memory_space<vmem>>) attributes {dimension_semantics = [#tpu.dimension_semantics<arbitrary>], iteration_bounds = array<i64: 5>, scalar_prefetch = 0 : i64, scratch_operands = 0 : i64, tpu.core_type = #tpu.core_type<tc>, window_params = [{transform_indices = @transform_0, window_bounds = array<i64: 2000, 32>}, {transform_indices = @transform_1, window_bounds = array<i64: 2000, 32>}, {transform_indices = @transform_2, window_bounds = array<i64: 2000, 16>}, {transform_indices = @transform_3, window_bounds = array<i64: 2000, 16>}, {transform_indices = @transform_4, window_bounds = array<i64: 2000, 32>}, {pipeline_mode = #tpu.pipeline_mode<synchronous>, transform_indices = @transform_5, window_bounds = array<i64: 1, 32>}, {pipeline_mode = #tpu.pipeline_mode<synchronous>, transform_indices = @transform_6, window_bounds = array<i64: 32, 32>}, {pipeline_mode = #tpu.pipeline_mode<synchronous>, transform_indices = @transform_7, window_bounds = array<i64: 32, 32>}, {pipeline_mode = #tpu.pipeline_mode<synchronous>, transform_indices = @transform_8, window_bounds = array<i64: 1, 32>}, {transform_indices = @transform_9, window_bounds = array<i64: 2000, 32>}, {transform_indices = @transform_10, window_bounds = array<i64: 2000, 32>}]} {
    %get3A = arith.constant 0 : index
    %get3A_0 = arith.constant 0 : index
    %get3A_1 = vector.load %arg1[%get3A, %get3A_0] : memref<2000x32xf32, #tpu.memory_space<vmem>>, vector<2000x32xf32>
    %get3A_2 = arith.constant 0 : index
    %get3A_3 = arith.constant 0 : index
    %get3A_4 = vector.load %arg2[%get3A_2, %get3A_3] : memref<2000x32xf32, #tpu.memory_space<vmem>>, vector<2000x32xf32>
    %add3A = arith.addf %get3A_1, %get3A_4 : vector<2000x32xf32>
    %get3A_5 = arith.constant 0 : index
    %get3A_6 = arith.constant 0 : index
    %get3A_7 = vector.load %arg3[%get3A_5, %get3A_6] : memref<2000x16xf32, #tpu.memory_space<vmem>>, vector<2000x1xf32>
    %get3A_8 = arith.constant 0 : index
    %get3A_9 = arith.constant 0 : index
    %get3A_10 = vector.load %arg4[%get3A_8, %get3A_9] : memref<2000x16xf32, #tpu.memory_space<vmem>>, vector<2000x1xf32>
    %add3A_11 = arith.addf %get3A_7, %get3A_10 : vector<2000x1xf32>
    %max3A = arith.constant 1.000000e+00 : f32
    %max3A_12 = vector.broadcast %max3A : f32 to vector<2000x1xf32>
    %max3A_13 = arith.maximumf %add3A_11, %max3A_12 : vector<2000x1xf32>
    %div3A = arith.constant 1.000000e+00 : f32
    %div3A_14 = vector.broadcast %div3A : f32 to vector<2000x1xf32>
    %div3A_15 = arith.divf %div3A_14, %max3A_13 : vector<2000x1xf32>
    %mul3A = vector.broadcast %div3A_15 : vector<2000x1xf32> to vector<2000x32xf32>
    %mul3A_16 = arith.mulf %add3A, %mul3A : vector<2000x32xf32>
    %get3A_17 = arith.constant 0 : index
    %get3A_18 = arith.constant 0 : index
    %get3A_19 = vector.load %arg6[%get3A_17, %get3A_18] : memref<1x32xf32, #tpu.memory_space<vmem>>, vector<1x32xf32>
    %add3A_20 = vector.broadcast %get3A_19 : vector<1x32xf32> to vector<2000x32xf32>
    %add3A_21 = arith.addf %mul3A_16, %add3A_20 : vector<2000x32xf32>
    %get3A_22 = arith.constant 0 : index
    %get3A_23 = arith.constant 0 : index
    %get3A_24 = vector.load %arg5[%get3A_22, %get3A_23] : memref<2000x32xf32, #tpu.memory_space<vmem>>, vector<2000x32xf32>
    %add3A_25 = arith.addf %add3A_21, %get3A_24 : vector<2000x32xf32>
    %get3A_26 = arith.constant 0 : index
    %get3A_27 = arith.constant 0 : index
    %get3A_28 = vector.load %arg7[%get3A_26, %get3A_27] : memref<32x32xf32, #tpu.memory_space<vmem>>, vector<32x32xf32>
    %dot_general3A = arith.constant dense<0.000000e+00> : vector<2000x32xf32>
    %dot_general3A_29 = tpu.matmul %add3A_25, %get3A_28, %dot_general3A {dimension_numbers = #tpu.dot_dimension_numbers<[1], [1], [0], [0], [0, 0, 1, 0], [], []>, transpose_lhs_hint = false} : vector<2000x32xf32>, vector<32x32xf32>, vector<2000x32xf32> -> vector<2000x32xf32>
    %swap3A = arith.constant 0 : index
    %swap3A_30 = arith.constant 0 : index
    %swap3A_31 = vector.load %arg10[%swap3A, %swap3A_30] : memref<2000x32xf32, #tpu.memory_space<vmem>>, vector<2000x32xf32>
    tpu.vector_store %arg10[%swap3A, %swap3A_30], %dot_general3A_29 {strides = array<i32>} : memref<2000x32xf32, #tpu.memory_space<vmem>>, vector<2000x32xf32>,
    %get3A_32 = arith.constant 0 : index
    %get3A_33 = arith.constant 0 : index
    %get3A_34 = vector.load %arg8[%get3A_32, %get3A_33] : memref<32x32xf32, #tpu.memory_space<vmem>>, vector<32x32xf32>
    %dot_general3A_35 = arith.constant dense<0.000000e+00> : vector<2000x32xf32>
    %dot_general3A_36 = tpu.matmul %add3A_25, %get3A_34, %dot_general3A_35 {dimension_numbers = #tpu.dot_dimension_numbers<[1], [1], [0], [0], [0, 0, 1, 0], [], []>, transpose_lhs_hint = false} : vector<2000x32xf32>, vector<32x32xf32>, vector<2000x32xf32> -> vector<2000x32xf32>
    %get3A_37 = arith.constant 0 : index
    %get3A_38 = arith.constant 0 : index
    %get3A_39 = vector.load %arg9[%get3A_37, %get3A_38] : memref<1x32xf32, #tpu.memory_space<vmem>>, vector<1x32xf32>
    %add3A_40 = vector.broadcast %get3A_39 : vector<1x32xf32> to vector<2000x32xf32>
    %add3A_41 = arith.addf %dot_general3A_36, %add3A_40 : vector<2000x32xf32>
    %swap3A_42 = arith.constant 0 : index
    %swap3A_43 = arith.constant 0 : index
    %swap3A_44 = vector.load %arg11[%swap3A_42, %swap3A_43] : memref<2000x32xf32, #tpu.memory_space<vmem>>, vector<2000x32xf32>
    tpu.vector_store %arg11[%swap3A_42, %swap3A_43], %add3A_41 {strides = array<i32>} : memref<2000x32xf32, #tpu.memory_space<vmem>>, vector<2000x32xf32>,
    return
  }
  func.func @transform_0(%arg0: i32) -> (i32, i32) {
    %c0_i32 = arith.constant 0 : i32
    %c0_i32_0 = arith.constant 0 : i32
    return %arg0, %c0_i32 : i32, i32
  }
  func.func @transform_1(%arg0: i32) -> (i32, i32) {
    %add3A = arith.constant 5 : i32
    %add3A_0 = arith.addi %arg0, %add3A : i32
    %c0_i32 = arith.constant 0 : i32
    %c0_i32_1 = arith.constant 0 : i32
    return %add3A_0, %c0_i32 : i32, i32
  }
  func.func @transform_2(%arg0: i32) -> (i32, i32) {
    %c0_i32 = arith.constant 0 : i32
    %c0_i32_0 = arith.constant 0 : i32
    return %arg0, %c0_i32 : i32, i32
  }
  func.func @transform_3(%arg0: i32) -> (i32, i32) {
    %add3A = arith.constant 5 : i32
    %add3A_0 = arith.addi %arg0, %add3A : i32
    %c0_i32 = arith.constant 0 : i32
    %c0_i32_1 = arith.constant 0 : i32
    return %add3A_0, %c0_i32 : i32, i32
  }
  func.func @transform_4(%arg0: i32) -> (i32, i32) {
    %c0_i32 = arith.constant 0 : i32
    %c0_i32_0 = arith.constant 0 : i32
    return %arg0, %c0_i32 : i32, i32
  }
  func.func @transform_5(%arg0: i32) -> (i32, i32) {
    %c0_i32 = arith.constant 0 : i32
    %c0_i32_0 = arith.constant 0 : i32
    %c0_i32_1 = arith.constant 0 : i32
    return %c0_i32, %c0_i32_0 : i32, i32
  }
  func.func @transform_6(%arg0: i32) -> (i32, i32) {
    %c0_i32 = arith.constant 0 : i32
    %c0_i32_0 = arith.constant 0 : i32
    %c0_i32_1 = arith.constant 0 : i32
    return %c0_i32, %c0_i32_0 : i32, i32
  }
  func.func @transform_7(%arg0: i32) -> (i32, i32) {
    %c0_i32 = arith.constant 0 : i32
    %c0_i32_0 = arith.constant 0 : i32
    %c0_i32_1 = arith.constant 0 : i32
    return %c0_i32, %c0_i32_0 : i32, i32
  }
  func.func @transform_8(%arg0: i32) -> (i32, i32) {
    %c0_i32 = arith.constant 0 : i32
    %c0_i32_0 = arith.constant 0 : i32
    %c0_i32_1 = arith.constant 0 : i32
    return %c0_i32, %c0_i32_0 : i32, i32
  }
  func.func @transform_9(%arg0: i32) -> (i32, i32) {
    %c0_i32 = arith.constant 0 : i32
    %c0_i32_0 = arith.constant 0 : i32
    return %arg0, %c0_i32 : i32, i32
  }
  func.func @transform_10(%arg0: i32) -> (i32, i32) {
    %c0_i32 = arith.constant 0 : i32
    %c0_i32_0 = arith.constant 0 : i32
    return %arg0, %c0_i32 : i32, i32
  }
}

module attributes {stable_mosaic.version = 14 : i64} {
  func.func @body(%arg0: i32, %arg1: memref<2000x32xf32, #tpu.memory_space<vmem>>, %arg2: memref<2000x32xf32, #tpu.memory_space<vmem>>, %arg3: memref<2000x16xf32, #tpu.memory_space<vmem>>, %arg4: memref<2000x16xf32, #tpu.memory_space<vmem>>, %arg5: memref<2000x32xf32, #tpu.memory_space<vmem>>, %arg6: memref<2000x32xf32, #tpu.memory_space<vmem>>) attributes {dimension_semantics = [#tpu.dimension_semantics<arbitrary>], iteration_bounds = array<i64: 5>, scalar_prefetch = 0 : i64, scratch_operands = 0 : i64, tpu.core_type = #tpu.core_type<tc>, window_params = [{transform_indices = @transform_0, window_bounds = array<i64: 2000, 32>}, {transform_indices = @transform_1, window_bounds = array<i64: 2000, 32>}, {transform_indices = @transform_2, window_bounds = array<i64: 2000, 16>}, {transform_indices = @transform_3, window_bounds = array<i64: 2000, 16>}, {transform_indices = @transform_4, window_bounds = array<i64: 2000, 32>}, {transform_indices = @transform_5, window_bounds = array<i64: 2000, 32>}]} {
    %get3A = arith.constant 0 : index
    %get3A_0 = arith.constant 0 : index
    %get3A_1 = vector.load %arg3[%get3A, %get3A_0] : memref<2000x16xf32, #tpu.memory_space<vmem>>, vector<2000x1xf32>
    %get3A_2 = arith.constant 0 : index
    %get3A_3 = arith.constant 0 : index
    %get3A_4 = vector.load %arg4[%get3A_2, %get3A_3] : memref<2000x16xf32, #tpu.memory_space<vmem>>, vector<2000x1xf32>
    %add3A = arith.addf %get3A_1, %get3A_4 : vector<2000x1xf32>
    %max3A = arith.constant 1.000000e+00 : f32
    %max3A_5 = vector.broadcast %max3A : f32 to vector<2000x1xf32>
    %max3A_6 = arith.maximumf %add3A, %max3A_5 : vector<2000x1xf32>
    %div3A = arith.constant 1.000000e+00 : f32
    %div3A_7 = vector.broadcast %div3A : f32 to vector<2000x1xf32>
    %div3A_8 = arith.divf %div3A_7, %max3A_6 : vector<2000x1xf32>
    %get3A_9 = arith.constant 0 : index
    %get3A_10 = arith.constant 0 : index
    %get3A_11 = vector.load %arg1[%get3A_9, %get3A_10] : memref<2000x32xf32, #tpu.memory_space<vmem>>, vector<2000x32xf32>
    %get3A_12 = arith.constant 0 : index
    %get3A_13 = arith.constant 0 : index
    %get3A_14 = vector.load %arg2[%get3A_12, %get3A_13] : memref<2000x32xf32, #tpu.memory_space<vmem>>, vector<2000x32xf32>
    %add3A_15 = arith.addf %get3A_11, %get3A_14 : vector<2000x32xf32>
    %mul3A = vector.broadcast %div3A_8 : vector<2000x1xf32> to vector<2000x32xf32>
    %mul3A_16 = arith.mulf %add3A_15, %mul3A : vector<2000x32xf32>
    %get3A_17 = arith.constant 0 : index
    %get3A_18 = arith.constant 0 : index
    %get3A_19 = vector.load %arg5[%get3A_17, %get3A_18] : memref<2000x32xf32, #tpu.memory_space<vmem>>, vector<2000x32xf32>
    %add3A_20 = arith.addf %mul3A_16, %get3A_19 : vector<2000x32xf32>
    %max3A_21 = arith.constant 0.000000e+00 : f32
    %max3A_22 = vector.broadcast %max3A_21 : f32 to vector<2000x32xf32>
    %max3A_23 = arith.maximumf %add3A_20, %max3A_22 : vector<2000x32xf32>
    %reduce_max3A = arith.constant dense<0xFF800000> : vector<2000xf32>
    %reduce_max3A_24 = vector.multi_reduction <maximumf>, %max3A_23, %reduce_max3A [1] : vector<2000x32xf32> to vector<2000xf32>
    %broadcast_in_dim3A = vector.shape_cast %reduce_max3A_24 : vector<2000xf32> to vector<2000x1xf32>
    %sub3A = vector.broadcast %broadcast_in_dim3A : vector<2000x1xf32> to vector<2000x32xf32>
    %sub3A_25 = arith.subf %max3A_23, %sub3A : vector<2000x32xf32>
    %exp3A = math.exp %sub3A_25 : vector<2000x32xf32>
    %reduce_sum3A = arith.constant dense<0.000000e+00> : vector<2000xf32>
    %reduce_sum3A_26 = vector.multi_reduction <add>, %exp3A, %reduce_sum3A [1] : vector<2000x32xf32> to vector<2000xf32>
    %broadcast_in_dim3A_27 = vector.shape_cast %reduce_sum3A_26 : vector<2000xf32> to vector<2000x1xf32>
    %log3A = math.log %broadcast_in_dim3A_27 : vector<2000x1xf32>
    %add3A_28 = arith.addf %log3A, %broadcast_in_dim3A : vector<2000x1xf32>
    %sub3A_29 = vector.broadcast %add3A_28 : vector<2000x1xf32> to vector<2000x32xf32>
    %sub3A_30 = arith.subf %max3A_23, %sub3A_29 : vector<2000x32xf32>
    %swap3A = arith.constant 0 : index
    %swap3A_31 = arith.constant 0 : index
    %swap3A_32 = vector.load %arg6[%swap3A, %swap3A_31] : memref<2000x32xf32, #tpu.memory_space<vmem>>, vector<2000x32xf32>
    tpu.vector_store %arg6[%swap3A, %swap3A_31], %sub3A_30 {strides = array<i32>} : memref<2000x32xf32, #tpu.memory_space<vmem>>, vector<2000x32xf32>,
    return
  }
  func.func @transform_0(%arg0: i32) -> (i32, i32) {
    %c0_i32 = arith.constant 0 : i32
    %c0_i32_0 = arith.constant 0 : i32
    return %arg0, %c0_i32 : i32, i32
  }
  func.func @transform_1(%arg0: i32) -> (i32, i32) {
    %add3A = arith.constant 5 : i32
    %add3A_0 = arith.addi %arg0, %add3A : i32
    %c0_i32 = arith.constant 0 : i32
    %c0_i32_1 = arith.constant 0 : i32
    return %add3A_0, %c0_i32 : i32, i32
  }
  func.func @transform_2(%arg0: i32) -> (i32, i32) {
    %c0_i32 = arith.constant 0 : i32
    %c0_i32_0 = arith.constant 0 : i32
    return %arg0, %c0_i32 : i32, i32
  }
  func.func @transform_3(%arg0: i32) -> (i32, i32) {
    %add3A = arith.constant 5 : i32
    %add3A_0 = arith.addi %arg0, %add3A : i32
    %c0_i32 = arith.constant 0 : i32
    %c0_i32_1 = arith.constant 0 : i32
    return %add3A_0, %c0_i32 : i32, i32
  }
  func.func @transform_4(%arg0: i32) -> (i32, i32) {
    %c0_i32 = arith.constant 0 : i32
    %c0_i32_0 = arith.constant 0 : i32
    return %arg0, %c0_i32 : i32, i32
  }
  func.func @transform_5(%arg0: i32) -> (i32, i32) {
    %c0_i32 = arith.constant 0 : i32
    %c0_i32_0 = arith.constant 0 : i32
    return %arg0, %c0_i32 : i32, i32
  }
}

</mosaic_0001>

<sc_bundles>
// kernel: kernel.10.cloned.1.call-start
scs
__scs_entry_jumppad:
0x0: {  	(pc) =	sbr.rel $0x88, $3  }
0x1: {  	(tag) =	ssettag $0x0;
	lr =	simm.s32 $0x1  }
0x2: {  	[smem:$0x3F99] =	sst lr;
	_ =	strace $0xD0000000  }
0x3: {  	_ = 	snop  }
0x4: {  	_ = 	snop  }
0x5: {  	_ = 	snop  }
0x6: {  	_ = 	snop  }
0x7: {  	_ = 	snop  }
__scs_overlays_trampoline_lowered:
0x8: {  	[smem:$0x3FA8] =	sst s0  }
0x9: {  	[smem:$0x3FA9] =	sst s1  }
0xa: {  	[smem:$0x3FAA] =	sst s2  }
0xb: {  	[smem:$0x3FAB] =	sst s3  }
0xc: {  	[smem:$0x3FAC] =	sst s4  }
0xd: {  	[smem:$0x3FAD] =	sst s5  }
0xe: {  	[smem:$0x3FAE] =	sst s6  }
0xf: {  	[smem:$0x3FAF] =	sst s7  }
0x10: {  	[smem:$0x3FB0] =	sst s8  }
0x11: {  	[smem:$0x3FB1] =	sst s9;
	s0 =	simm.s32 @!p0 $0x0  }
0x12: {  	s1 =	sld [smem:$0x3F97];
	s0 =	simm.s32 @p0 $0x1  }
0x13: {  	[smem:$0x3FB2] =	sst s0;
	s0 =	simm.s32 @!p1 $0x0  }
0x14: {  	s2 =	sld [smem:$0x3F96];
	s0 =	simm.s32 @p1 $0x1  }
0x15: {  	[smem:$0x3FB3] =	sst s0;
	s0 =	simm.s32 @!p2 $0x0  }
0x16: {  	s3 =	sld [smem:$0x3FDB];
	s0 =	simm.s32 @p2 $0x1  }
0x17: {  	s4 =	simm.s32 $0x1BF5;
	[smem:$0x3FB5] =	sst s0  }
0x18: {  	s0 =	sld [smem:$0x3F98];
	_ =	swait.ge [sflag:s4], $0x0  }
0x19: {  	s7 =	sld [smem:$0x3F99]  }
0x1a: {  	s8 =	sadd.s32 $0xFFFFE003, lr  }
0x1b: {  	s9 =	sadd.s32 $0xFFFFFEF7, lr;
	s5 =	simm.s32 $0xFFFFFFFF;
	p2 =	slt.u32 s8, $0xFFFFF086  }
0x1c: {  	p1 =	slt.u32 s9, $0xF7A;
	s5 =	simm.s32 @!p2 $0x0  }
0x1d: {  	s5 =	simm.s32 @p1 $0x1;
	p0 =	seq.s32 s7, s2  }
0x1e: {  	s7 =	smul.u32 @!p0 $0xF7A, s2;
	p2 =	seq.s32 @!p0 s5, $0x0  }
0x1f: {  	s9 =	smul.u32 $0xF7A, s1;
	s8 =	simm.s32 @!p0 $0x1BF5;
	p2 =	por !p2, p0  }
0x20: {  	[sflag:s8] =	ssyncset.s32 @!p0 $0xFFFFF086;
	s6 =	sadd.s32 @!p0 s3, s7;
	s7 =	simm.s32 @!p0 $0x108  }
0x21: {  	s3 =	sadd.s32 s3, s9;
	s6 =	sadd.s32 @!p0 $0x88, s6;
	s7 =	simm.s32 @p2 $0x1082  }
0x22: {  	[simem:s7], [sflag:s8] =	dma.local @!p0 [hbm:s6], $0xF7A  }
0x23: {  	s9 =	sor.u32 $0xD0000000, s2;
	s6 =	simm.s32 $0x108;
	_ =	swait.ge @!p0 [sflag:s8], $0x0  }
0x24: {  	s3 =	sadd.s32 $0x88, s3;
	s6 =	simm.s32 @!p1 $0x1082;
	[sflag:s4] =	ssyncset.s32 $0xFFFFF086  }
0x25: {  	[simem:s6], [sflag:s4] =	dma.local [hbm:s3], $0xF7A  }
0x26: {  	[smem:$0x3F99] =	sst s1;
	(tag) =	ssettag s2;
	_ =	strace s9  }
0x27: {  	s1 =	sld [smem:$0x3FA9]  }
0x28: {  	s2 =	sld [smem:$0x3FAA]  }
0x29: {  	s4 =	sld [smem:$0x3FAC]  }
0x2a: {  	p0 =	seq.s32 s5, $0x0;
	s5 =	sld [smem:$0x3FAD]  }
0x2b: {  	s6 =	sld [smem:$0x3FAE]  }
0x2c: {  	s7 =	sld [smem:$0x3FAF]  }
0x2d: {  	s3 =	simm.s32 $0x108;
	s8 =	sld [smem:$0x3FB0]  }
0x2e: {  	s3 =	simm.s32 @!p0 $0x1082;
	s9 =	sld [smem:$0x3FB1]  }
0x2f: {  	lr =	sadd.s32 s0, s3;
	s0 =	sld [smem:$0x3FA8]  }
0x30: {  	s3 =	sld [smem:$0x3FAB]  }
0x31: {  	[smem:$0x3FB4] =	sst s10  }
0x32: {  	s10 =	sld [smem:$0x3FB2];
	_ =	sdelay $0x3  }
0x33: {  	p0 =	seq.s32 s10, $0x1;
	s10 =	sld [smem:$0x3FB4];
	_ =	sdelay $0x3  }
0x34: {  	[smem:$0x3FB4] =	sst s10  }
0x35: {  	s10 =	sld [smem:$0x3FB3];
	_ =	sdelay $0x3  }
0x36: {  	p1 =	seq.s32 s10, $0x1;
	s10 =	sld [smem:$0x3FB4];
	_ =	sdelay $0x3  }
0x37: {  	[smem:$0x3FB4] =	sst s10  }
0x38: {  	s10 =	sld [smem:$0x3FB5]  }
0x39: {  	_ = 	snop;
	(pc) =	sbr.ind lr, $3  }
0x3a: {  	_ = 	snop  }
0x3b: {  	_ = 	snop  }
0x3c: {  	p2 =	seq.s32 s10, $0x1;
	s10 =	sld [smem:$0x3FB4]  }
0x3d: {  	_ =	shalt  }
0x3e: {  	_ =	shalt  }
0x3f: {  	_ =	shalt  }
0x40: {  	_ =	shalt  }
0x41: {  	_ =	shalt  }
0x42: {  	_ =	shalt  }
0x43: {  	_ =	shalt  }
0x44: {  	_ =	shalt  }
0x45: {  	_ =	shalt  }
0x46: {  	_ =	shalt  }
0x47: {  	_ =	shalt  }
0x48: {  	_ =	shalt  }
0x49: {  	_ =	shalt  }
0x4a: {  	_ =	shalt  }
0x4b: {  	_ =	shalt  }
0x4c: {  	_ =	shalt  }
0x4d: {  	_ =	shalt  }
0x4e: {  	_ =	shalt  }
0x4f: {  	_ =	shalt  }
0x50: {  	_ =	shalt  }
0x51: {  	_ =	shalt  }
0x52: {  	_ =	shalt  }
0x53: {  	_ =	shalt  }
0x54: {  	_ =	shalt  }
0x55: {  	_ =	shalt  }
0x56: {  	_ =	shalt  }
0x57: {  	_ =	shalt  }
0x58: {  	_ =	shalt  }
0x59: {  	_ =	shalt  }
0x5a: {  	_ =	shalt  }
0x5b: {  	_ =	shalt  }
0x5c: {  	_ =	shalt  }
0x5d: {  	_ =	shalt  }
0x5e: {  	_ =	shalt  }
0x5f: {  	_ =	shalt  }
0x60: {  	_ =	shalt  }
0x61: {  	_ =	shalt  }
0x62: {  	_ =	shalt  }
0x63: {  	_ =	shalt  }
0x64: {  	_ =	shalt  }
0x65: {  	_ =	shalt  }
0x66: {  	_ =	shalt  }
0x67: {  	_ =	shalt  }
0x68: {  	_ =	shalt  }
0x69: {  	_ =	shalt  }
0x6a: {  	_ =	shalt  }
0x6b: {  	_ =	shalt  }
0x6c: {  	_ =	shalt  }
0x6d: {  	_ =	shalt  }
0x6e: {  	_ =	shalt  }
0x6f: {  	_ =	shalt  }
0x70: {  	_ =	shalt  }
0x71: {  	_ =	shalt  }
0x72: {  	_ =	shalt  }
0x73: {  	_ =	shalt  }
0x74: {  	_ =	shalt  }
0x75: {  	_ =	shalt  }
0x76: {  	_ =	shalt  }
0x77: {  	_ =	shalt  }
0x78: {  	_ =	shalt  }
0x79: {  	_ =	shalt  }
0x7a: {  	_ =	shalt  }
0x7b: {  	_ =	shalt  }
0x7c: {  	_ =	shalt  }
0x7d: {  	_ =	shalt  }
0x7e: {  	_ =	shalt  }
0x7f: {  	_ =	shalt  }
0x80: {  	_ =	shalt  }
0x81: {  	_ =	shalt  }
0x82: {  	_ =	shalt  }
0x83: {  	_ =	shalt  }
0x84: {  	_ =	shalt  }
0x85: {  	_ =	shalt  }
0x86: {  	_ =	shalt  }
0x87: {  	_ =	shalt  }
.Lfunc_end0:
.L_simem_size_0:
called_computation.1_lowered:
.L_overlay_start_0:
0x88: {  	s2 =	sld [smem:$0x3FD9]  }
0x89: {  	s3 =	sld [smem:$0x3FFE];
	_ =	sdelay $0x1  }
0x8a: {  	s1 =	srdreg.scid  }
0x8b: {  	s0 =	sand.u32 $0x1, s1  }
0x8c: {  	s17 =	sshll.u32 s0, $0xA;
	s2 =	sadd.s32 s3, s2  }
0x8d: {  	s2 =	sadd.s32 s2, s17  }
0x8e: {  	[smem:$0x3FC0] =	sst s2  }
0x8f: {  	_ = 	snop  }
0x90: {  	s2 =	sld [smem:$0x3FD0];
	(tm) =	ssettm $0x1  }
0x91: {  	s18 =	sld [smem:$0x3FFB];
	_ =	sdelay $0x3  }
0x92: {  	_ =	strace s18  }
0x93: {  	s3 =	sld [smem:$0x3FFC];
	_ =	sdelay $0x3  }
0x94: {  	_ =	strace s3  }
0x95: {  	s3 =	sld [smem:$0x3FFD];
	_ =	sdelay $0x3  }
0x96: {  	_ =	strace s3  }
0x97: {  	_ =	strace $0x8FFFFFFF  }
0x98: {  	s19 =	sld [smem:$0x3FDB];
	_ =	sdelay $0x1  }
0x99: {  	s4 =	simm.s32 $_scs_section_size  }
0x9a: {  	s5 =	simm.s32 $_size__tile_overlayer_lowered;
	s6 =	simm.s32 $_tile_overlayer_lowered  }
0x9b: {  	s22 =	simm.s32 $0x1BFF;
	s21 =	sshll.u32 s6, $0x1;
	s3 =	sadd.s32 s4, s19  }
0x9c: {  	s7 =	simm.s32 $0x0;
	s20 =	sshll.u32 s5, $0x1;
	s5 =	sadd.s32 s21, s3  }
0x9d: {  	[timem:s7], [sflag:s22] =	dma.local [hbm:s5], s20  }
0x9e: {  	_ =	swait.ge [sflag:s22], s20  }
0x9f: {  	s4 =	ssub.s32 $0x0, s20;
	[sflag:s22] =	ssyncset.done $0x0  }
0xa0: {  	[sflag:s22] =	ssyncadd.s32 s4;
	_ =	sdelay $0x1  }
0xa1: {  	s23 =	simm.s32 $0x1B8B  }
0xa2: {  	_ =	swait.ge [sflag:s23], $0x1  }
0xa3: {  	[sflag:s23] =	ssyncset.done $0x0  }
0xa4: {  	s25 =	simm.s32 $0x1B8E;
	s24 =	sld [smem:$0x3FFE];
	[sflag:s23] =	ssyncadd.s32 $0xFFFFFFFF  }
0xa5: {  	s26 =	simm.s32 $execute0_lowered;
	[smem:$0x3FD2] =	sst s25  }
0xa6: {  	s5 =	sshll.u32 s26, $0x1;
	_ =	strace $0x80000049;
	[dreg:$0x1] =	wrdreg $0xFFFFFFFF  }
0xa7: {  	s28 =	simm.s32 $_size_execute0_lowered;
	s3 =	sadd.s32 s3, s5;
	[dreg:$0x0] =	wrdreg $0x0  }
0xa8: {  	s5 =	sshll.u32 s28, $0x1;
	[dreg:$0x2] =	wrdreg s3  }
0xa9: {  	[dreg:$0x3] =	wrdreg s5  }
0xaa: {  	[dreg:$0x4] =	wrdreg $0xC0  }
0xab: {  	_ =	task [dreg:s7], $0x5FFFF  }
0xac: {  	[dreg:$0x1] =	wrdreg $0xFFFFFFFF  }
0xad: {  	[dreg:$0x0] =	wrdreg $0x60  }
0xae: {  	[dreg:$0x2] =	wrdreg s2  }
0xaf: {  	[dreg:$0x3] =	wrdreg s24  }
0xb0: {  	[dreg:$0x4] =	wrdreg $0xC8000  }
0xb1: {  	[dreg:$0x5] =	wrdreg $0x9  }
0xb2: {  	_ =	task.clear_ibuf [dreg:s7], $0x6FFFF;
	_ =	strace $0x90000049  }
0xb3: {  	s29 =	simm.s32 $0x9;
	_ =	strace $0x8000004B  }
0xb4: {  	_ =	swait.ge [sflag:s29], $0x1  }
0xb5: {  	[sflag:s29] =	ssyncadd.s32 $0xFFFFFFFF  }
0xb6: {  	_ =	strace $0x9000004B  }
0xb7: {  	_ =	sfence  }
0xb8: {  	s30 =	sld [smem:$0x0];
	_ =	sdelay $0x2  }
0xb9: {  	s31 =	sshll.u32 s1, $0xD;
	s1 =	sshrl.u32 s1, $0x2  }
0xba: {  	s3 =	sand.u32 $0x4000, s31;
	s1 =	sadd.s32 s1, s30  }
0xbb: {  	s0 =	sor.u32 s3, s0;
	s1 =	sshll.u32 s1, $0x11  }
0xbc: {  	s0 =	sor.u32 s1, s0  }
0xbd: {  	s0 =	sadd.s32 $0x8F2B, s0  }
0xbe: {  	[sflag:s0] =	ssyncadd.remote.s32 $0x1  }
0xbf: {  	_ =	sfence.sel $0xFFFF  }
0xc0: {  	[dreg:$0x0] =	wrdreg $0xFFFFFFFF;
	(pc) =	sbr.abs _section_cstart, $3  }
0xc1: {  	[dreg:$0x1] =	wrdreg $0xFFFFFFFF  }
0xc2: {  	_ =	task.clear_ibuf [dreg:s7], $0x2FFFF;
	_ =	strace $0x9FFFFFFF  }
0xc3: {  	(tm) =	ssettm $0x7FFFFFFF  }
tec
execute0_lowered:
.L_overlay_start_1:
0x0: {  	(tag) =	ssettag $0x1  }
0x1: {  	s1 =	rddreg [dreg:$0x0]  }
0x2: {  	s0 =	srdreg.scid;
	s2 =	rddreg [dreg:$0x1]  }
0x3: {  	s10 =	stileid.u32;
	s3 =	rddreg [dreg:$0x2]  }
0x4: {  	s21 =	simm.s32 $0x0;
	s28 =	simm.s32 $0x1;
	s12 =	simm.s32 $0x9  }
0x5: {  	s13 =	simm.s32 $0xA;
	s14 =	simm.s32 $0xB;
	s15 =	simm.s32 $0xC  }
0x6: {  	s16 =	simm.s32 $0xD;
	s0 =	sand.u32 $0x1, s0;
	s6 =	smul.u32 $0x13C00, s10  }
0x7: {  	s4 =	sshll.u32 s10, $0x1;
	[smem:$0x7FF] =	sst s21;
	s23 =	smul.u32 $0x9C0, s10  }
0x8: {  	s8 =	sadd.s32 $0xBE00, s2;
	s25 =	sadd.s32 $0x6D80, s2;
	s26 =	smul.u32 $0x13800, s10  }
0x9: {  	p1 =	seq.s32 s10, $0xF;
	s10 =	simm.s32 $0x7;
	s4 =	sor.u32 s0, s4  }
0xa: {  	_ =	strace $0x8000004A;
	s7 =	ssub.s32 $0x2, s0;
	s19 =	smul.u32 $0x9C40, s0  }
0xb: {  	s0 =	smul.u32 $0x4E200, s0;
	[dreg:$0xc] =	wrdreg s25;
	s25 =	simm.s32 $0xF  }
0xc: {  	s5 =	smul.u32 $0x1400, s4;
	s6 =	sshrl.u32 s6, $0x2;
	s9 =	sshrl.u32 s7, $0x1  }
0xd: {  	s30 =	sshrl.u32 s26, $0x2;
	p0 =	seq.s32 s4, $0x1F;
	s4 =	simm.s32 $0x11  }
0xe: {  	s11 =	sadd.s32 s6, s3;
	s17 =	ssub.s32 s7, s9;
	s29 =	sadd.s32 s23, s19  }
0xf: {  	s0 =	sshrl.u32 s0, $0x3;
	s19 =	simm.s32 $0x80;
	s6 =	simm.s32 $0x3  }
0x10: {  	s7 =	simm.s32 $0x4;
	s9 =	simm.s32 $0x6;
	s5 =	sshrl.u32 s5, $0x3  }
0x11: {  	s18 =	sadd.s32 $0x1000, s11;
	s20 =	sadd.s32 $0x2000, s11;
	[dreg:$0x5] =	wrdreg s11  }
0x12: {  	s22 =	sadd.s32 $0x3000, s11;
	s11 =	sadd.s32 $0x4000, s11;
	[dreg:$0x6] =	wrdreg s18  }
0x13: {  	s0 =	sadd.s32 s8, s0;
	s31 =	smax.u32 s17, $0x1;
	[dreg:$0x7] =	wrdreg s20  }
0x14: {  	s17 =	simm.s32 $0x2800;
	s5 =	sadd.s32 s5, s2;
	[dreg:$0x8] =	wrdreg s22  }
0x15: {  	[dreg:$0x9] =	wrdreg s11;
	s2 =	sadd.s32 $0xBBA0, s2;
	s0 =	sadd.s32 $0x9240, s0  }
0x16: {  	[dreg:$0x10] =	wrdreg s31;
	s11 =	simm.s32 $0x8;
	s18 =	simm.s32 $0x12  }
0x17: {  	s20 =	simm.s32 $0x13;
	s22 =	simm.s32 $0x14;
	[dreg:$0xd] =	wrdreg s2  }
0x18: {  	s24 =	sadd.s32 $0x2000, s5;
	s5 =	sadd.s32 $0x6E20, s5;
	[dreg:$0xf] =	wrdreg s0  }
.Ltmp0:
0x19: {  	s2 =	sadd.s32 s8, s29;
	[dreg:$0xa] =	wrdreg s24;
	(pc) =	sbr.rel .LBB2_1-.Ltmp0, $4  }
0x1a: {  	s0 =	sadd.s32 $0x49200, s3;
	s8 =	simm.s32 $0x5;
	[dreg:$0xb] =	wrdreg s5  }
0x1b: {  	[dreg:$0xe] =	wrdreg s2;
	s2 =	sadd.s32 s30, s3;
	s0 =	sshrl.u32 @p1 s0, $0x3  }
0x1c: {  	s24 =	simm.s32 $0xE;
	[dreg:$0x11] =	wrdreg s0;
	s0 =	sshrl.u32 @!p1 s2, $0x3  }
0x1d: {  	v0 =	vimm.f32 $0.0e+00;
	s5 =	simm.s32 $0x10;
	s2 =	simm.s32 $0x2;
	[dreg:$0x12] =	wrdreg s0  }
.LBB2_7:
0x1e: {  	_ =	swait.ge [sflag:s14], $0x1000  }
0x1f: {  	[sflag:s14] =	ssyncset.done $0x0  }
0x20: {  	[sflag:s14] =	ssyncadd.s32 $0xFFFFF000  }
0x21: {  	_ =	swait.ge [sflag:s15], $0x1000  }
0x22: {  	[sflag:s15] =	ssyncset.done $0x0  }
0x23: {  	[sflag:s15] =	ssyncadd.s32 $0xFFFFF000  }
0x24: {  	_ =	swait.ge [sflag:s16], $0x1000  }
0x25: {  	[sflag:s16] =	ssyncset.done $0x0  }
0x26: {  	[sflag:s16] =	ssyncadd.s32 $0xFFFFF000  }
0x27: {  	_ =	swait.ge [sflag:s24], $0x1000  }
0x28: {  	[sflag:s24] =	ssyncset.done $0x0  }
0x29: {  	[sflag:s24] =	ssyncadd.s32 $0xFFFFF000  }
0x2a: {  	_ =	swait.ge [sflag:s25], $0x1000  }
0x2b: {  	[sflag:s25] =	ssyncset.done $0x0  }
0x2c: {  	[sflag:s25] =	ssyncadd.s32 $0xFFFFF000  }
0x2d: {  	_ =	swait.ge [sflag:s5], $0x1000  }
0x2e: {  	[sflag:s5] =	ssyncset.done $0x0  }
0x2f: {  	[sflag:s5] =	ssyncadd.s32 $0xFFFFF000  }
0x30: {  	_ =	swait.ge [sflag:s4], $0x1000  }
0x31: {  	[sflag:s4] =	ssyncset.done $0x0  }
0x32: {  	[sflag:s4] =	ssyncadd.s32 $0xFFFFF000  }
0x33: {  	_ =	swait.ge [sflag:s18], $0x1000  }
0x34: {  	[sflag:s18] =	ssyncset.done $0x0  }
0x35: {  	[sflag:s18] =	ssyncadd.s32 $0xFFFFF000  }
0x36: {  	_ =	swait.ge [sflag:s20], $0x1000  }
0x37: {  	[sflag:s20] =	ssyncset.done $0x0  }
0x38: {  	[sflag:s20] =	ssyncadd.s32 $0xFFFFF000  }
0x39: {  	_ =	swait.ge [sflag:s22], $0x1000  }
0x3a: {  	[sflag:s22] =	ssyncset.done $0x0  }
0x3b: {  	[sflag:s22] =	ssyncadd.s32 $0xFFFFF000  }
0x3c: {  	[bflag:$0x0] =	sbarrier.arrive $0xFFFF  }
0x3d: {  	s21 =	rddreg [dreg:$0xf]  }
0x3e: {  	s0 =	simm.s32 @p1 $0x1FD5;
	s23 =	rddreg [dreg:$0x11]  }
0x3f: {  	[hbm:s21], [sflag:s0] =	dma.local @p1 [spmem:s23], $0xA00  }
0x40: {  	s0 =	simm.s32 @p1 $0x15  }
0x41: {  	s21 =	stileid.u32;
	_ =	swait.ge @p1 [sflag:s0], $0xA00  }
0x42: {  	s21 =	sshll.u32 @!p1 s21, $0x6;
	[sflag:s0] =	ssyncset.done @p1 $0x0;
	s23 =	rddreg [dreg:$0x12]  }
0x43: {  	[sflag:s0] =	ssyncadd.s32 @p1 $0xFFFFF600;
	s0 =	sor.u32 @!p1 $0x1C15, s21;
	s21 =	rddreg [dreg:$0xe]  }
0x44: {  	[hbm:s21], [sflag:s0] =	dma.local @!p1 [spmem:s23], $0x9C0  }
0x45: {  	s0 =	simm.s32 @!p1 $0x15  }
0x46: {  	_ =	swait.ge @!p1 [sflag:s0], $0x9C0  }
0x47: {  	s31 =	rddreg [dreg:$0x4]  }
0x48: {  	s26 =	rddreg [dreg:$0x10];
	s21 =	sadd.s32 $0x1, s31  }
0x49: {  	p2 =	sne.s32 s21, s26  }
.Ltmp1:
0x4a: {  	_ = 	snop;
	(pc) =	sbr.rel @!p2 .LBB2_8-.Ltmp1, $3  }
0x4b: {  	_ =	sdelay $0x1  }
0x4c: {  	[sflag:s0] =	ssyncset.done @!p1 $0x0  }
0x4d: {  	[sflag:s0] =	ssyncadd.s32 @!p1 $0xFFFFF640  }
.LBB2_1:
0x4e: {  	[dreg:$0x4] =	wrdreg s21;
	s0 =	simm.s32 $0x80;
	s21 =	simm.s32 $0x0  }
.LBB2_2:
0x4f: {  	p2 =	sne.s32 s0, $0x3F80;
	[tilespmem:s21+$0x2800] =	vst v0;
	s26 =	smov.u32 s0;
	s0 =	sadd.s32 $0x80, s0  }
.Ltmp2:
0x50: {  	[tilespmem:s21+$0x2810] =	vst v0;
	(pc) =	sbr.rel @p2 .LBB2_2-.Ltmp2, $2  }
0x51: {  	_ =	sdelay $0x2  }
0x52: {  	s21 =	sshra.s32 s26, $0x2  }
0x53: {  	[tilespmem:s21+$0x2800] =	vst v0  }
0x54: {  	[tilespmem:s21+$0x2810] =	vst v0;
	s0 =	rddreg [dreg:$0x5];
	s21 =	simm.s32 $0x15  }
0x55: {  	[spmem:s0] =	stream.linear.scatter [tilespmem:s17], [sflag:$0x15], $0x1000, $0x38;
	[tilespmem:$0x11700] =	vst v63  }
0x56: {  	_ =	swait.ge [sflag:s21], $0x1000  }
0x57: {  	[sflag:s21] =	ssyncset.done $0x0  }
0x58: {  	s30 =	rddreg [dreg:$0x6];
	[sflag:s21] =	ssyncadd.s32 $0xFFFFF000  }
0x59: {  	[spmem:s30] =	stream.linear.scatter [tilespmem:s17], [sflag:$0x15], $0x1000, $0x38;
	[tilespmem:$0x11700] =	vst v63  }
0x5a: {  	_ =	swait.ge [sflag:s21], $0x1000  }
0x5b: {  	[sflag:s21] =	ssyncset.done $0x0  }
0x5c: {  	s23 =	rddreg [dreg:$0x7];
	[sflag:s21] =	ssyncadd.s32 $0xFFFFF000  }
0x5d: {  	[spmem:s23] =	stream.linear.scatter [tilespmem:s17], [sflag:$0x15], $0x1000, $0x38;
	[tilespmem:$0x11700] =	vst v63  }
0x5e: {  	_ =	swait.ge [sflag:s21], $0x1000  }
0x5f: {  	[sflag:s21] =	ssyncset.done $0x0  }
0x60: {  	s26 =	rddreg [dreg:$0x8];
	[sflag:s21] =	ssyncadd.s32 $0xFFFFF000  }
0x61: {  	[spmem:s26] =	stream.linear.scatter [tilespmem:s17], [sflag:$0x15], $0x1000, $0x38;
	[tilespmem:$0x11700] =	vst v63  }
0x62: {  	_ =	swait.ge [sflag:s21], $0x1000  }
0x63: {  	[sflag:s21] =	ssyncset.done $0x0  }
0x64: {  	s30 =	rddreg [dreg:$0x9];
	[sflag:s21] =	ssyncadd.s32 $0xFFFFF000  }
0x65: {  	[spmem:s30] =	stream.linear.scatter [tilespmem:s17], [sflag:$0x15], $0xF00, $0x38;
	[tilespmem:$0x11700] =	vst v63  }
0x66: {  	_ =	swait.ge [sflag:s21], $0xF00  }
0x67: {  	[sflag:s21] =	ssyncset.done $0x0  }
0x68: {  	s0 =	simm.s32 @p0 $0x0;
	[sflag:s21] =	ssyncadd.s32 $0xFFFFF100;
	s21 =	rddreg [dreg:$0xc]  }
0x69: {  	[tilespmem:s0], [sflag:$0x15] =	stream.linear.gather @p0 [hbm4b:s21+s0], $0x500, $0x38;
	[tilespmem:$0x11700] =	vst v63  }
0x6a: {  	s21 =	simm.s32 @p0 $0x15  }
0x6b: {  	_ =	swait.ge @p0 [sflag:s21], $0x500  }
0x6c: {  	[sflag:s21] =	ssyncset.done @p0 $0x0  }
0x6d: {  	s26 =	simm.s32 @p0 $0x1400;
	s29 =	rddreg [dreg:$0xd];
	[sflag:s21] =	ssyncadd.s32 @p0 $0xFFFFFB00  }
0x6e: {  	[tilespmem:s26], [sflag:$0x15] =	stream.linear.gather @p0 [hbm4b:s29+s0], $0x500, $0x38;
	[tilespmem:$0x11700] =	vst v63  }
0x6f: {  	_ =	swait.ge @p0 [sflag:s21], $0x500  }
0x70: {  	[sflag:s21] =	ssyncset.done @p0 $0x0  }
0x71: {  	s0 =	simm.s32 @!p0 $0x0;
	[sflag:s21] =	ssyncadd.s32 @p0 $0xFFFFFB00;
	s21 =	rddreg [dreg:$0xa]  }
0x72: {  	[tilespmem:s0], [sflag:$0x15] =	stream.linear.gather @!p0 [hbm4b:s21+s0], $0x1400, $0x38;
	[tilespmem:$0x11700] =	vst v63  }
0x73: {  	s21 =	simm.s32 @!p0 $0x15  }
0x74: {  	_ =	swait.ge @!p0 [sflag:s21], $0x1400  }
0x75: {  	[sflag:s21] =	ssyncset.done @!p0 $0x0  }
0x76: {  	s26 =	simm.s32 @!p0 $0x1400;
	s29 =	rddreg [dreg:$0xb];
	[sflag:s21] =	ssyncadd.s32 @!p0 $0xFFFFEC00  }
0x77: {  	[tilespmem:s26], [sflag:$0x15] =	stream.linear.gather @!p0 [hbm4b:s29+s0], $0x1400, $0x38;
	[tilespmem:$0x11700] =	vst v63  }
0x78: {  	_ =	swait.ge @!p0 [sflag:s21], $0x1400  }
0x79: {  	[sflag:s21] =	ssyncset.done @!p0 $0x0  }
0x7a: {  	[sflag:s21] =	ssyncadd.s32 @!p0 $0xFFFFEC00  }
0x7b: {  	s26 =	simm.s32 $0x0;
	[bflag:$0x0] =	sbarrier.arrive $0xFFFF  }
0x7c: {  	[tilespmem:s17], [sflag:$0x1] =	stream.indirect.gather [hbm4b:s1+s19], $0x20, s26, s19, $0xb8;
	[tilespmem:$0x11700] =	vst v63  }
0x7d: {  	s21 =	simm.s32 $0x3800  }
0x7e: {  	[tilespmem:s21], [sflag:$0x2] =	stream.indirect.gather [hbm4b:s1+s19], $0x20, s19, s19, $0xb8;
	[tilespmem:$0x11700] =	vst v63  }
0x7f: {  	s23 =	simm.s32 $0x100;
	s30 =	simm.s32 $0x4800  }
0x80: {  	[tilespmem:s30], [sflag:$0x3] =	stream.indirect.gather [hbm4b:s1+s19], $0x20, s23, s19, $0xb8;
	[tilespmem:$0x11700] =	vst v63  }
0x81: {  	s23 =	simm.s32 $0x180;
	s30 =	simm.s32 $0x5800  }
0x82: {  	[tilespmem:s30], [sflag:$0x4] =	stream.indirect.gather [hbm4b:s1+s19], $0x20, s23, s19, $0xb8;
	[tilespmem:$0x11700] =	vst v63  }
0x83: {  	s23 =	simm.s32 $0x200;
	s30 =	simm.s32 $0x6800  }
0x84: {  	[tilespmem:s30], [sflag:$0x5] =	stream.indirect.gather [hbm4b:s1+s19], $0x20, s23, s19, $0xb8;
	[tilespmem:$0x11700] =	vst v63  }
0x85: {  	s23 =	simm.s32 $0x280;
	s30 =	simm.s32 $0x7800  }
0x86: {  	[tilespmem:s30], [sflag:$0x6] =	stream.indirect.gather [hbm4b:s1+s19], $0x20, s23, s19, $0xb8;
	[tilespmem:$0x11700] =	vst v63  }
0x87: {  	s0 =	simm.s32 @!p0 $0x4;
	s23 =	simm.s32 $0x300;
	s30 =	simm.s32 $0x8800  }
0x88: {  	[tilespmem:s30], [sflag:$0x7] =	stream.indirect.gather [hbm4b:s1+s19], $0x20, s23, s19, $0xb8;
	[tilespmem:$0x11700] =	vst v63  }
0x89: {  	s0 =	simm.s32 @p0 $0x1;
	s23 =	simm.s32 $0x380;
	s30 =	simm.s32 $0x9800  }
0x8a: {  	[tilespmem:s30], [sflag:$0x8] =	stream.indirect.gather [hbm4b:s1+s19], $0x20, s23, s19, $0xb8;
	[tilespmem:$0x11700] =	vst v63  }
.Ltmp3:
0x8b: {  	s29 =	sadd.s32 $0xFFFFFFFF, s0;
	(pc) =	sbr.rel .LBB2_4-.Ltmp3, $4  }
0x8c: {  	s31 =	smul.u32 $0x1400, s0;
	s21 =	simm.s32 $0x400;
	s23 =	simm.s32 $0xA800  }
0x8d: {  	[tilespmem:s23], [sflag:$0x9] =	stream.indirect.gather [hbm4b:s1+s19], $0x20, s21, s19, $0xb8;
	[tilespmem:$0x11700] =	vst v63  }
0x8e: {  	s30 =	simm.s32 $0x480;
	s23 =	simm.s32 $0xB800;
	s21 =	simm.s32 $0x0  }
0x8f: {  	[tilespmem:s23], [sflag:$0xA] =	stream.indirect.gather [hbm4b:s1+s19], $0x20, s30, s19, $0xb8;
	[tilespmem:$0x11700] =	vst v63  }
.LBB2_6:
0x90: {  	s26 =	sadd.s32 $0x1400, s26  }
0x91: {  	p2 =	sne.s32 s31, s26  }
.Ltmp4:
0x92: {  	_ = 	snop;
	(pc) =	sbr.rel @!p2 .LBB2_7-.Ltmp4, $2  }
0x93: {  	_ =	sdelay $0x2  }
0x94: {  	s21 =	sadd.s32 $0x1, s21  }
.LBB2_4:
0x95: {  	_ =	swait.ge [sflag:s28], $0x1000  }
0x96: {  	s0 =	sshra.s32 s26, $0x2;
	[sflag:s28] =	ssyncset.done $0x0  }
0x97: {  	s30 =	sadd.s32 $0x1400, s0;
	[sflag:s28] =	ssyncadd.s32 $0xFFFFF000  }
0x98: {  	[spmem:s3] =	stream.indirect.scatter.add.f32 [tilespmem:s17], [sflag:$0xB], $0x20, s30, s19, $0xb8;
	[tilespmem:$0x11700] =	vst v63  }
0x99: {  	_ =	swait.ge [sflag:s2], $0x1000  }
0x9a: {  	[sflag:s2] =	ssyncset.done $0x0  }
0x9b: {  	s23 =	simm.s32 $0x3800;
	s30 =	sadd.s32 $0x1480, s0;
	[sflag:s2] =	ssyncadd.s32 $0xFFFFF000  }
0x9c: {  	[spmem:s3] =	stream.indirect.scatter.add.f32 [tilespmem:s23], [sflag:$0xC], $0x20, s30, s19, $0xb8;
	[tilespmem:$0x11700] =	vst v63  }
0x9d: {  	_ =	swait.ge [sflag:s6], $0x1000  }
0x9e: {  	[sflag:s6] =	ssyncset.done $0x0  }
0x9f: {  	s30 =	sadd.s32 $0x1500, s0;
	s23 =	simm.s32 $0x4800;
	[sflag:s6] =	ssyncadd.s32 $0xFFFFF000  }
0xa0: {  	[spmem:s3] =	stream.indirect.scatter.add.f32 [tilespmem:s23], [sflag:$0xD], $0x20, s30, s19, $0xb8;
	[tilespmem:$0x11700] =	vst v63  }
0xa1: {  	_ =	swait.ge [sflag:s7], $0x1000  }
0xa2: {  	[sflag:s7] =	ssyncset.done $0x0  }
0xa3: {  	s30 =	sadd.s32 $0x1580, s0;
	s23 =	simm.s32 $0x5800;
	[sflag:s7] =	ssyncadd.s32 $0xFFFFF000  }
0xa4: {  	[spmem:s3] =	stream.indirect.scatter.add.f32 [tilespmem:s23], [sflag:$0xE], $0x20, s30, s19, $0xb8;
	[tilespmem:$0x11700] =	vst v63  }
0xa5: {  	_ =	swait.ge [sflag:s8], $0x1000  }
0xa6: {  	[sflag:s8] =	ssyncset.done $0x0  }
0xa7: {  	s30 =	sadd.s32 $0x1600, s0;
	s23 =	simm.s32 $0x6800;
	[sflag:s8] =	ssyncadd.s32 $0xFFFFF000  }
0xa8: {  	[spmem:s3] =	stream.indirect.scatter.add.f32 [tilespmem:s23], [sflag:$0xF], $0x20, s30, s19, $0xb8;
	[tilespmem:$0x11700] =	vst v63  }
0xa9: {  	_ =	swait.ge [sflag:s9], $0x1000  }
0xaa: {  	[sflag:s9] =	ssyncset.done $0x0  }
0xab: {  	s30 =	sadd.s32 $0x1680, s0;
	s23 =	simm.s32 $0x7800;
	[sflag:s9] =	ssyncadd.s32 $0xFFFFF000  }
0xac: {  	[spmem:s3] =	stream.indirect.scatter.add.f32 [tilespmem:s23], [sflag:$0x10], $0x20, s30, s19, $0xb8;
	[tilespmem:$0x11700] =	vst v63  }
0xad: {  	_ =	swait.ge [sflag:s10], $0x1000  }
0xae: {  	[sflag:s10] =	ssyncset.done $0x0  }
0xaf: {  	s30 =	sadd.s32 $0x1700, s0;
	s23 =	simm.s32 $0x8800;
	[sflag:s10] =	ssyncadd.s32 $0xFFFFF000  }
0xb0: {  	[spmem:s3] =	stream.indirect.scatter.add.f32 [tilespmem:s23], [sflag:$0x11], $0x20, s30, s19, $0xb8;
	[tilespmem:$0x11700] =	vst v63  }
0xb1: {  	_ =	swait.ge [sflag:s11], $0x1000  }
0xb2: {  	[sflag:s11] =	ssyncset.done $0x0  }
0xb3: {  	s30 =	sadd.s32 $0x1780, s0;
	s23 =	simm.s32 $0x9800;
	[sflag:s11] =	ssyncadd.s32 $0xFFFFF000  }
0xb4: {  	[spmem:s3] =	stream.indirect.scatter.add.f32 [tilespmem:s23], [sflag:$0x12], $0x20, s30, s19, $0xb8;
	[tilespmem:$0x11700] =	vst v63  }
0xb5: {  	_ =	swait.ge [sflag:s12], $0x1000  }
0xb6: {  	p2 =	sge.u32 s21, s29;
	[sflag:s12] =	ssyncset.done $0x0  }
0xb7: {  	s30 =	sadd.s32 $0x1800, s0;
	s23 =	simm.s32 $0xA800;
	[sflag:s12] =	ssyncadd.s32 $0xFFFFF000  }
0xb8: {  	[spmem:s3] =	stream.indirect.scatter.add.f32 [tilespmem:s23], [sflag:$0x13], $0x20, s30, s19, $0xb8;
	[tilespmem:$0x11700] =	vst v63  }
.Ltmp5:
0xb9: {  	_ = 	snop;
	(pc) =	sbr.rel @p2 .LBB2_6-.Ltmp5, $4  }
0xba: {  	_ =	swait.ge [sflag:s13], $0x1000  }
0xbb: {  	[sflag:s13] =	ssyncset.done $0x0  }
0xbc: {  	s30 =	sadd.s32 $0x1880, s0;
	s23 =	simm.s32 $0xB800;
	[sflag:s13] =	ssyncadd.s32 $0xFFFFF000  }
0xbd: {  	[spmem:s3] =	stream.indirect.scatter.add.f32 [tilespmem:s23], [sflag:$0x14], $0x20, s30, s19, $0xb8;
	[tilespmem:$0x11700] =	vst v63  }
0xbe: {  	_ =	swait.ge [sflag:s14], $0x1000  }
0xbf: {  	[sflag:s14] =	ssyncset.done $0x0  }
0xc0: {  	s30 =	sadd.s32 $0x500, s0;
	[sflag:s14] =	ssyncadd.s32 $0xFFFFF000  }
0xc1: {  	[tilespmem:s17], [sflag:$0x1] =	stream.indirect.gather [hbm4b:s1+s19], $0x20, s30, s19, $0xb8;
	[tilespmem:$0x11700] =	vst v63  }
0xc2: {  	_ =	swait.ge [sflag:s15], $0x1000  }
0xc3: {  	[sflag:s15] =	ssyncset.done $0x0  }
0xc4: {  	s23 =	simm.s32 $0x3800;
	s30 =	sadd.s32 $0x580, s0;
	[sflag:s15] =	ssyncadd.s32 $0xFFFFF000  }
0xc5: {  	[tilespmem:s23], [sflag:$0x2] =	stream.indirect.gather [hbm4b:s1+s19], $0x20, s30, s19, $0xb8;
	[tilespmem:$0x11700] =	vst v63  }
0xc6: {  	_ =	swait.ge [sflag:s16], $0x1000  }
0xc7: {  	[sflag:s16] =	ssyncset.done $0x0  }
0xc8: {  	s30 =	sadd.s32 $0x600, s0;
	s23 =	simm.s32 $0x4800;
	[sflag:s16] =	ssyncadd.s32 $0xFFFFF000  }
0xc9: {  	[tilespmem:s23], [sflag:$0x3] =	stream.indirect.gather [hbm4b:s1+s19], $0x20, s30, s19, $0xb8;
	[tilespmem:$0x11700] =	vst v63  }
0xca: {  	_ =	swait.ge [sflag:s24], $0x1000  }
0xcb: {  	[sflag:s24] =	ssyncset.done $0x0  }
0xcc: {  	s30 =	sadd.s32 $0x680, s0;
	s23 =	simm.s32 $0x5800;
	[sflag:s24] =	ssyncadd.s32 $0xFFFFF000  }
0xcd: {  	[tilespmem:s23], [sflag:$0x4] =	stream.indirect.gather [hbm4b:s1+s19], $0x20, s30, s19, $0xb8;
	[tilespmem:$0x11700] =	vst v63  }
0xce: {  	_ =	swait.ge [sflag:s25], $0x1000  }
0xcf: {  	[sflag:s25] =	ssyncset.done $0x0  }
0xd0: {  	s30 =	sadd.s32 $0x700, s0;
	s23 =	simm.s32 $0x6800;
	[sflag:s25] =	ssyncadd.s32 $0xFFFFF000  }
0xd1: {  	[tilespmem:s23], [sflag:$0x5] =	stream.indirect.gather [hbm4b:s1+s19], $0x20, s30, s19, $0xb8;
	[tilespmem:$0x11700] =	vst v63  }
0xd2: {  	_ =	swait.ge [sflag:s5], $0x1000  }
0xd3: {  	[sflag:s5] =	ssyncset.done $0x0  }
0xd4: {  	s30 =	sadd.s32 $0x780, s0;
	s23 =	simm.s32 $0x7800;
	[sflag:s5] =	ssyncadd.s32 $0xFFFFF000  }
0xd5: {  	[tilespmem:s23], [sflag:$0x6] =	stream.indirect.gather [hbm4b:s1+s19], $0x20, s30, s19, $0xb8;
	[tilespmem:$0x11700] =	vst v63  }
0xd6: {  	_ =	swait.ge [sflag:s4], $0x1000  }
0xd7: {  	[sflag:s4] =	ssyncset.done $0x0  }
0xd8: {  	s30 =	sadd.s32 $0x800, s0;
	s23 =	simm.s32 $0x8800;
	[sflag:s4] =	ssyncadd.s32 $0xFFFFF000  }
0xd9: {  	[tilespmem:s23], [sflag:$0x7] =	stream.indirect.gather [hbm4b:s1+s19], $0x20, s30, s19, $0xb8;
	[tilespmem:$0x11700] =	vst v63  }
0xda: {  	_ =	swait.ge [sflag:s18], $0x1000  }
0xdb: {  	[sflag:s18] =	ssyncset.done $0x0  }
0xdc: {  	s30 =	sadd.s32 $0x880, s0;
	s23 =	simm.s32 $0x9800;
	[sflag:s18] =	ssyncadd.s32 $0xFFFFF000  }
0xdd: {  	[tilespmem:s23], [sflag:$0x8] =	stream.indirect.gather [hbm4b:s1+s19], $0x20, s30, s19, $0xb8;
	[tilespmem:$0x11700] =	vst v63  }
0xde: {  	_ =	swait.ge [sflag:s20], $0x1000  }
0xdf: {  	[sflag:s20] =	ssyncset.done $0x0  }
0xe0: {  	s30 =	sadd.s32 $0x900, s0;
	s23 =	simm.s32 $0xA800;
	[sflag:s20] =	ssyncadd.s32 $0xFFFFF000  }
0xe1: {  	[tilespmem:s23], [sflag:$0x9] =	stream.indirect.gather [hbm4b:s1+s19], $0x20, s30, s19, $0xb8;
	[tilespmem:$0x11700] =	vst v63  }
.Ltmp6:
0xe2: {  	_ = 	snop;
	(pc) =	sbr.rel .LBB2_6-.Ltmp6, $4  }
0xe3: {  	_ =	swait.ge [sflag:s22], $0x1000  }
0xe4: {  	[sflag:s22] =	ssyncset.done $0x0  }
0xe5: {  	s23 =	sadd.s32 $0x980, s0;
	s30 =	simm.s32 $0xB800;
	[sflag:s22] =	ssyncadd.s32 $0xFFFFF000  }
0xe6: {  	[tilespmem:s30], [sflag:$0xA] =	stream.indirect.gather [hbm4b:s1+s19], $0x20, s23, s19, $0xb8;
	[tilespmem:$0x11700] =	vst v63  }
.LBB2_8:
0xe7: {  	_ =	sfence.sel $0x180000  }
0xe8: {  	[bflag:$0x0] =	sbarrier.arrive $0xFFFF  }
0xe9: {  	_ =	strace $0x9000004A  }
0xea: {  	s0 =	stileid.u32;
	[bflag:$0x2] =	sbarrier.arrive $0xFFFF  }
0xeb: {  	p0 =	sne.s32 s0, $0x0;
	s0 =	rddreg [dreg:$0x3]  }
0xec: {  	s0 =	sadd.s32 @!p0 $0x100000, s0  }
0xed: {  	[sflag:s0] =	ssyncadd.tile.s32 @!p0 $0x1;
	_ =	shalt  }
.Lfunc_end2:
_tile_overlayer_lowered:
.L_overlay_start_2:
0xee: {  	(tag) =	ssettag $0x2  }
0xef: {  	s0 =	rddreg [dreg:$0x0];
	s2 =	stileid.u32  }
0xf0: {  	s1 =	rddreg [dreg:$0x1];
	p0 =	sne.s32 s2, $0x0  }
0xf1: {  	s3 =	rddreg [dreg:$0x2];
	[bflag:$0x3] =	sbarrier.arrive $0xFFFF;
	s2 =	simm.s32 @!p0 $0x1C15  }
0xf2: {  	[timem:s3], [sflag:s2] =	dma.local @!p0 [hbm:s0], s1  }
0xf3: {  	s0 =	simm.s32 @!p0 $0x15  }
0xf4: {  	_ =	swait.ge @!p0 [sflag:s0], s1  }
0xf5: {  	s1 =	ssub.s32 @!p0 $0x0, s1;
	[sflag:s0] =	ssyncset.done @!p0 $0x0  }
0xf6: {  	[sflag:s0] =	ssyncadd.s32 @!p0 s1  }
0xf7: {  	[bflag:$0x3] =	sbarrier.arrive $0xFFFF  }
0xf8: {  	_ =	shalt  }

// kernel: kernel.7.cloned.1.call-start
scs
__scs_entry_jumppad:
0x0: {  	(pc) =	sbr.rel $0x88, $3  }
0x1: {  	(tag) =	ssettag $0x0;
	lr =	simm.s32 $0x1  }
0x2: {  	[smem:$0x3F99] =	sst lr;
	_ =	strace $0xD0000000  }
0x3: {  	_ = 	snop  }
0x4: {  	_ = 	snop  }
0x5: {  	_ = 	snop  }
0x6: {  	_ = 	snop  }
0x7: {  	_ = 	snop  }
__scs_overlays_trampoline_lowered:
0x8: {  	[smem:$0x3FA8] =	sst s0  }
0x9: {  	[smem:$0x3FA9] =	sst s1  }
0xa: {  	[smem:$0x3FAA] =	sst s2  }
0xb: {  	[smem:$0x3FAB] =	sst s3  }
0xc: {  	[smem:$0x3FAC] =	sst s4  }
0xd: {  	[smem:$0x3FAD] =	sst s5  }
0xe: {  	[smem:$0x3FAE] =	sst s6  }
0xf: {  	[smem:$0x3FAF] =	sst s7  }
0x10: {  	[smem:$0x3FB0] =	sst s8  }
0x11: {  	[smem:$0x3FB1] =	sst s9;
	s0 =	simm.s32 @!p0 $0x0  }
0x12: {  	s1 =	sld [smem:$0x3F97];
	s0 =	simm.s32 @p0 $0x1  }
0x13: {  	[smem:$0x3FB2] =	sst s0;
	s0 =	simm.s32 @!p1 $0x0  }
0x14: {  	s2 =	sld [smem:$0x3F96];
	s0 =	simm.s32 @p1 $0x1  }
0x15: {  	[smem:$0x3FB3] =	sst s0;
	s0 =	simm.s32 @!p2 $0x0  }
0x16: {  	s3 =	sld [smem:$0x3FDB];
	s0 =	simm.s32 @p2 $0x1  }
0x17: {  	s4 =	simm.s32 $0x1BF5;
	[smem:$0x3FB5] =	sst s0  }
0x18: {  	s0 =	sld [smem:$0x3F98];
	_ =	swait.ge [sflag:s4], $0x0  }
0x19: {  	s7 =	sld [smem:$0x3F99]  }
0x1a: {  	s8 =	sadd.s32 $0xFFFFE003, lr  }
0x1b: {  	s9 =	sadd.s32 $0xFFFFFEF7, lr;
	s5 =	simm.s32 $0xFFFFFFFF;
	p2 =	slt.u32 s8, $0xFFFFF086  }
0x1c: {  	p1 =	slt.u32 s9, $0xF7A;
	s5 =	simm.s32 @!p2 $0x0  }
0x1d: {  	s5 =	simm.s32 @p1 $0x1;
	p0 =	seq.s32 s7, s2  }
0x1e: {  	s7 =	smul.u32 @!p0 $0xF7A, s2;
	p2 =	seq.s32 @!p0 s5, $0x0  }
0x1f: {  	s9 =	smul.u32 $0xF7A, s1;
	s8 =	simm.s32 @!p0 $0x1BF5;
	p2 =	por !p2, p0  }
0x20: {  	[sflag:s8] =	ssyncset.s32 @!p0 $0xFFFFF086;
	s6 =	sadd.s32 @!p0 s3, s7;
	s7 =	simm.s32 @!p0 $0x108  }
0x21: {  	s3 =	sadd.s32 s3, s9;
	s6 =	sadd.s32 @!p0 $0x88, s6;
	s7 =	simm.s32 @p2 $0x1082  }
0x22: {  	[simem:s7], [sflag:s8] =	dma.local @!p0 [hbm:s6], $0xF7A  }
0x23: {  	s9 =	sor.u32 $0xD0000000, s2;
	s6 =	simm.s32 $0x108;
	_ =	swait.ge @!p0 [sflag:s8], $0x0  }
0x24: {  	s3 =	sadd.s32 $0x88, s3;
	s6 =	simm.s32 @!p1 $0x1082;
	[sflag:s4] =	ssyncset.s32 $0xFFFFF086  }
0x25: {  	[simem:s6], [sflag:s4] =	dma.local [hbm:s3], $0xF7A  }
0x26: {  	[smem:$0x3F99] =	sst s1;
	(tag) =	ssettag s2;
	_ =	strace s9  }
0x27: {  	s1 =	sld [smem:$0x3FA9]  }
0x28: {  	s2 =	sld [smem:$0x3FAA]  }
0x29: {  	s4 =	sld [smem:$0x3FAC]  }
0x2a: {  	p0 =	seq.s32 s5, $0x0;
	s5 =	sld [smem:$0x3FAD]  }
0x2b: {  	s6 =	sld [smem:$0x3FAE]  }
0x2c: {  	s7 =	sld [smem:$0x3FAF]  }
0x2d: {  	s3 =	simm.s32 $0x108;
	s8 =	sld [smem:$0x3FB0]  }
0x2e: {  	s3 =	simm.s32 @!p0 $0x1082;
	s9 =	sld [smem:$0x3FB1]  }
0x2f: {  	lr =	sadd.s32 s0, s3;
	s0 =	sld [smem:$0x3FA8]  }
0x30: {  	s3 =	sld [smem:$0x3FAB]  }
0x31: {  	[smem:$0x3FB4] =	sst s10  }
0x32: {  	s10 =	sld [smem:$0x3FB2];
	_ =	sdelay $0x3  }
0x33: {  	p0 =	seq.s32 s10, $0x1;
	s10 =	sld [smem:$0x3FB4];
	_ =	sdelay $0x3  }
0x34: {  	[smem:$0x3FB4] =	sst s10  }
0x35: {  	s10 =	sld [smem:$0x3FB3];
	_ =	sdelay $0x3  }
0x36: {  	p1 =	seq.s32 s10, $0x1;
	s10 =	sld [smem:$0x3FB4];
	_ =	sdelay $0x3  }
0x37: {  	[smem:$0x3FB4] =	sst s10  }
0x38: {  	s10 =	sld [smem:$0x3FB5]  }
0x39: {  	_ = 	snop;
	(pc) =	sbr.ind lr, $3  }
0x3a: {  	_ = 	snop  }
0x3b: {  	_ = 	snop  }
0x3c: {  	p2 =	seq.s32 s10, $0x1;
	s10 =	sld [smem:$0x3FB4]  }
0x3d: {  	_ =	shalt  }
0x3e: {  	_ =	shalt  }
0x3f: {  	_ =	shalt  }
0x40: {  	_ =	shalt  }
0x41: {  	_ =	shalt  }
0x42: {  	_ =	shalt  }
0x43: {  	_ =	shalt  }
0x44: {  	_ =	shalt  }
0x45: {  	_ =	shalt  }
0x46: {  	_ =	shalt  }
0x47: {  	_ =	shalt  }
0x48: {  	_ =	shalt  }
0x49: {  	_ =	shalt  }
0x4a: {  	_ =	shalt  }
0x4b: {  	_ =	shalt  }
0x4c: {  	_ =	shalt  }
0x4d: {  	_ =	shalt  }
0x4e: {  	_ =	shalt  }
0x4f: {  	_ =	shalt  }
0x50: {  	_ =	shalt  }
0x51: {  	_ =	shalt  }
0x52: {  	_ =	shalt  }
0x53: {  	_ =	shalt  }
0x54: {  	_ =	shalt  }
0x55: {  	_ =	shalt  }
0x56: {  	_ =	shalt  }
0x57: {  	_ =	shalt  }
0x58: {  	_ =	shalt  }
0x59: {  	_ =	shalt  }
0x5a: {  	_ =	shalt  }
0x5b: {  	_ =	shalt  }
0x5c: {  	_ =	shalt  }
0x5d: {  	_ =	shalt  }
0x5e: {  	_ =	shalt  }
0x5f: {  	_ =	shalt  }
0x60: {  	_ =	shalt  }
0x61: {  	_ =	shalt  }
0x62: {  	_ =	shalt  }
0x63: {  	_ =	shalt  }
0x64: {  	_ =	shalt  }
0x65: {  	_ =	shalt  }
0x66: {  	_ =	shalt  }
0x67: {  	_ =	shalt  }
0x68: {  	_ =	shalt  }
0x69: {  	_ =	shalt  }
0x6a: {  	_ =	shalt  }
0x6b: {  	_ =	shalt  }
0x6c: {  	_ =	shalt  }
0x6d: {  	_ =	shalt  }
0x6e: {  	_ =	shalt  }
0x6f: {  	_ =	shalt  }
0x70: {  	_ =	shalt  }
0x71: {  	_ =	shalt  }
0x72: {  	_ =	shalt  }
0x73: {  	_ =	shalt  }
0x74: {  	_ =	shalt  }
0x75: {  	_ =	shalt  }
0x76: {  	_ =	shalt  }
0x77: {  	_ =	shalt  }
0x78: {  	_ =	shalt  }
0x79: {  	_ =	shalt  }
0x7a: {  	_ =	shalt  }
0x7b: {  	_ =	shalt  }
0x7c: {  	_ =	shalt  }
0x7d: {  	_ =	shalt  }
0x7e: {  	_ =	shalt  }
0x7f: {  	_ =	shalt  }
0x80: {  	_ =	shalt  }
0x81: {  	_ =	shalt  }
0x82: {  	_ =	shalt  }
0x83: {  	_ =	shalt  }
0x84: {  	_ =	shalt  }
0x85: {  	_ =	shalt  }
0x86: {  	_ =	shalt  }
0x87: {  	_ =	shalt  }
.Lfunc_end0:
.L_simem_size_0:
called_computation_lowered:
.L_overlay_start_0:
0x88: {  	s2 =	sld [smem:$0x3FD9]  }
0x89: {  	s3 =	sld [smem:$0x3FFE];
	_ =	sdelay $0x1  }
0x8a: {  	s1 =	srdreg.scid  }
0x8b: {  	s0 =	sand.u32 $0x1, s1  }
0x8c: {  	s17 =	sshll.u32 s0, $0xA;
	s2 =	sadd.s32 s3, s2  }
0x8d: {  	s2 =	sadd.s32 s2, s17  }
0x8e: {  	[smem:$0x3FC0] =	sst s2  }
0x8f: {  	_ = 	snop  }
0x90: {  	s2 =	sld [smem:$0x3FD0];
	(tm) =	ssettm $0x1  }
0x91: {  	s18 =	sld [smem:$0x3FFB];
	_ =	sdelay $0x3  }
0x92: {  	_ =	strace s18  }
0x93: {  	s3 =	sld [smem:$0x3FFC];
	_ =	sdelay $0x3  }
0x94: {  	_ =	strace s3  }
0x95: {  	s3 =	sld [smem:$0x3FFD];
	_ =	sdelay $0x3  }
0x96: {  	_ =	strace s3  }
0x97: {  	_ =	strace $0x8FFFFFFF  }
0x98: {  	s19 =	sld [smem:$0x3FDB];
	_ =	sdelay $0x1  }
0x99: {  	s4 =	simm.s32 $_scs_section_size  }
0x9a: {  	s5 =	simm.s32 $_size__tile_overlayer_lowered;
	s6 =	simm.s32 $_tile_overlayer_lowered  }
0x9b: {  	s22 =	simm.s32 $0x1BFF;
	s21 =	sshll.u32 s6, $0x1;
	s3 =	sadd.s32 s4, s19  }
0x9c: {  	s7 =	simm.s32 $0x0;
	s20 =	sshll.u32 s5, $0x1;
	s5 =	sadd.s32 s21, s3  }
0x9d: {  	[timem:s7], [sflag:s22] =	dma.local [hbm:s5], s20  }
0x9e: {  	_ =	swait.ge [sflag:s22], s20  }
0x9f: {  	s4 =	ssub.s32 $0x0, s20;
	[sflag:s22] =	ssyncset.done $0x0  }
0xa0: {  	[sflag:s22] =	ssyncadd.s32 s4;
	_ =	sdelay $0x1  }
0xa1: {  	s23 =	simm.s32 $0x1B8B  }
0xa2: {  	_ =	swait.ge [sflag:s23], $0x1  }
0xa3: {  	[sflag:s23] =	ssyncset.done $0x0  }
0xa4: {  	s25 =	simm.s32 $0x1B8E;
	s24 =	sld [smem:$0x3FFE];
	[sflag:s23] =	ssyncadd.s32 $0xFFFFFFFF  }
0xa5: {  	s26 =	simm.s32 $execute0_lowered;
	[smem:$0x3FD2] =	sst s25  }
0xa6: {  	s5 =	sshll.u32 s26, $0x1;
	_ =	strace $0x80000046;
	[dreg:$0x1] =	wrdreg $0xFFFFFFFF  }
0xa7: {  	s28 =	simm.s32 $_size_execute0_lowered;
	s3 =	sadd.s32 s3, s5;
	[dreg:$0x0] =	wrdreg $0x0  }
0xa8: {  	s5 =	sshll.u32 s28, $0x1;
	[dreg:$0x2] =	wrdreg s3  }
0xa9: {  	[dreg:$0x3] =	wrdreg s5  }
0xaa: {  	[dreg:$0x4] =	wrdreg $0xC0  }
0xab: {  	_ =	task [dreg:s7], $0x5FFFF  }
0xac: {  	[dreg:$0x1] =	wrdreg $0xFFFFFFFF  }
0xad: {  	[dreg:$0x0] =	wrdreg $0x60  }
0xae: {  	[dreg:$0x2] =	wrdreg s2  }
0xaf: {  	[dreg:$0x3] =	wrdreg s24  }
0xb0: {  	[dreg:$0x4] =	wrdreg $0xC8000  }
0xb1: {  	[dreg:$0x5] =	wrdreg $0x127000  }
0xb2: {  	[dreg:$0x6] =	wrdreg $0x9  }
0xb3: {  	_ =	task.clear_ibuf [dreg:s7], $0x7FFFF;
	_ =	strace $0x90000046  }
0xb4: {  	s29 =	simm.s32 $0x9;
	_ =	strace $0x80000048  }
0xb5: {  	_ =	swait.ge [sflag:s29], $0x1  }
0xb6: {  	[sflag:s29] =	ssyncadd.s32 $0xFFFFFFFF  }
0xb7: {  	_ =	strace $0x90000048  }
0xb8: {  	_ =	sfence  }
0xb9: {  	s30 =	sld [smem:$0x0];
	_ =	sdelay $0x2  }
0xba: {  	s31 =	sshll.u32 s1, $0xD;
	s1 =	sshrl.u32 s1, $0x2  }
0xbb: {  	s3 =	sand.u32 $0x4000, s31;
	s1 =	sadd.s32 s1, s30  }
0xbc: {  	s0 =	sor.u32 s3, s0;
	s1 =	sshll.u32 s1, $0x11  }
0xbd: {  	s0 =	sor.u32 s1, s0  }
0xbe: {  	s0 =	sadd.s32 $0x8F2B, s0  }
0xbf: {  	[sflag:s0] =	ssyncadd.remote.s32 $0x1  }
0xc0: {  	_ =	sfence.sel $0xFFFF  }
0xc1: {  	[dreg:$0x0] =	wrdreg $0xFFFFFFFF;
	(pc) =	sbr.abs _section_cstart, $3  }
0xc2: {  	[dreg:$0x1] =	wrdreg $0xFFFFFFFF  }
0xc3: {  	_ =	task.clear_ibuf [dreg:s7], $0x2FFFF;
	_ =	strace $0x9FFFFFFF  }
0xc4: {  	(tm) =	ssettm $0x7FFFFFFF  }
0xc5: {  	_ =	shalt  }
tec
execute0_lowered:
.L_overlay_start_1:
0x0: {  	(tag) =	ssettag $0x1  }
0x1: {  	s1 =	rddreg [dreg:$0x0]  }
0x2: {  	s2 =	srdreg.scid;
	s0 =	rddreg [dreg:$0x1]  }
0x3: {  	s16 =	stileid.u32;
	s3 =	rddreg [dreg:$0x2];
	s31 =	simm.s32 $0x0  }
0x4: {  	s30 =	simm.s32 $0x1C;
	s28 =	simm.s32 $0x1D;
	s7 =	smul.u32 $0x278, s16  }
0x5: {  	s29 =	simm.s32 $0x14;
	s2 =	sand.u32 $0x1, s2;
	s10 =	smul.u32 $0x13C00, s16  }
0x6: {  	s4 =	sshll.u32 s16, $0x1;
	[smem:$0x7FF] =	sst s31;
	s15 =	smul.u32 $0x9E00, s16  }
0x7: {  	s8 =	sadd.s32 $0x15C00, s0;
	s11 =	sadd.s32 $0xBE00, s0;
	s26 =	smul.u32 $0x270, s16  }
0x8: {  	p1 =	seq.s32 s16, $0xF;
	s5 =	sor.u32 s2, s4;
	s4 =	rddreg [dreg:$0x3]  }
0x9: {  	_ =	strace $0x80000047;
	s9 =	ssub.s32 $0x2, s2;
	s2 =	smul.u32 $0x2710, s2  }
0xa: {  	s6 =	smul.u32 $0x1400, s5;
	s12 =	sshrl.u32 s9, $0x1;
	s13 =	sadd.s32 $0x80, s7  }
0xb: {  	s10 =	sshrl.u32 s10, $0x2;
	s21 =	sadd.s32 $0x100, s7;
	s14 =	sadd.s32 $0x180, s7  }
0xc: {  	s7 =	sadd.s32 $0x200, s7;
	s15 =	sshrl.u32 s15, $0x2;
	p0 =	seq.s32 s5, $0x1F  }
0xd: {  	s5 =	sadd.s32 $0x49200, s3;
	s9 =	ssub.s32 s9, s12;
	s19 =	sshll.u32 s13, $0x5  }
0xe: {  	s10 =	sadd.s32 s10, s3;
	s22 =	sshll.u32 s21, $0x5;
	s23 =	sshll.u32 s14, $0x5  }
0xf: {  	s24 =	sshll.u32 s7, $0x5;
	s25 =	sadd.s32 s15, s4;
	s13 =	sshll.u32 s13, $0x4  }
0x10: {  	s7 =	sshll.u32 s7, $0x4;
	s5 =	sshrl.u32 @p1 s5, $0x3;
	s6 =	sshrl.u32 s6, $0x3  }
0x11: {  	[dreg:$0x6] =	wrdreg s10;
	s20 =	sadd.s32 s19, s3;
	s12 =	sadd.s32 s22, s3  }
0x12: {  	[dreg:$0xb] =	wrdreg s25;
	s10 =	sshll.u32 s21, $0x4;
	s13 =	sadd.s32 s13, s4  }
0x13: {  	s7 =	sadd.s32 s7, s4;
	s19 =	smul.u32 $0x13800, s16;
	[dreg:$0x19] =	wrdreg s5  }
0x14: {  	s21 =	smul.u32 $0x9C00, s16;
	s25 =	sadd.s32 $0x6D80, s0;
	[dreg:$0x7] =	wrdreg s20  }
0x15: {  	s16 =	simm.s32 $0x11700;
	s6 =	sadd.s32 s6, s0;
	[dreg:$0x8] =	wrdreg s12  }
0x16: {  	s12 =	sadd.s32 s23, s3;
	[dreg:$0xc] =	wrdreg s13;
	s10 =	sadd.s32 s10, s4  }
0x17: {  	s13 =	sshll.u32 s14, $0x4;
	s14 =	sadd.s32 s26, s2;
	[dreg:$0xf] =	wrdreg s7  }
0x18: {  	s2 =	sadd.s32 $0x2490, s2;
	[dreg:$0x16] =	wrdreg s25;
	s0 =	sadd.s32 $0xBBA0, s0  }
0x19: {  	s26 =	smax.u32 s9, $0x1;
	s25 =	simm.s32 $0xA;
	[dreg:$0x9] =	wrdreg s12  }
0x1a: {  	s12 =	sadd.s32 s24, s3;
	[dreg:$0xd] =	wrdreg s10;
	s10 =	sadd.s32 s13, s4  }
0x1b: {  	s15 =	sshll.u32 s2, $0x2;
	s20 =	sshll.u32 s14, $0x1;
	s2 =	sshll.u32 s2, $0x1  }
0x1c: {  	s22 =	sadd.s32 $0x2000, s6;
	s23 =	sadd.s32 $0x6E20, s6;
	[dreg:$0x17] =	wrdreg s0  }
0x1d: {  	s24 =	sshrl.u32 s19, $0x2;
	s6 =	sadd.s32 $0x24900, s4;
	[dreg:$0x18] =	wrdreg s26  }
0x1e: {  	s19 =	simm.s32 $0x4;
	s13 =	simm.s32 $0x1B;
	[dreg:$0xa] =	wrdreg s12  }
0x1f: {  	s26 =	simm.s32 $0x13;
	[dreg:$0xe] =	wrdreg s10;
	s12 =	sshll.u32 s14, $0x2  }
0x20: {  	s18 =	sadd.s32 s8, s15;
	s2 =	sadd.s32 s11, s2;
	[dreg:$0x14] =	wrdreg s22  }
0x21: {  	[dreg:$0x15] =	wrdreg s23;
	s0 =	sadd.s32 s24, s3;
	s5 =	sshrl.u32 @p1 s6, $0x3  }
0x22: {  	s15 =	simm.s32 $0x1;
	s22 =	simm.s32 $0x7;
	s23 =	simm.s32 $0x8  }
0x23: {  	s24 =	simm.s32 $0x9;
	s14 =	simm.s32 $0x12;
	[dreg:$0x11] =	wrdreg s18  }
0x24: {  	s10 =	simm.s32 $0x2800;
	s17 =	sadd.s32 s8, s12;
	[dreg:$0x13] =	wrdreg s2  }
0x25: {  	s8 =	sadd.s32 s11, s20;
	s2 =	sshrl.u32 s21, $0x2;
	[dreg:$0x1a] =	wrdreg s5  }
.Ltmp0:
0x26: {  	s0 =	sshrl.u32 @!p1 s0, $0x3;
	s18 =	simm.s32 $0x3;
	(pc) =	sbr.rel .LBB2_1-.Ltmp0, $4  }
0x27: {  	s20 =	simm.s32 $0x5;
	s21 =	simm.s32 $0x6;
	[dreg:$0x10] =	wrdreg s17  }
0x28: {  	s12 =	simm.s32 $0x11;
	[dreg:$0x12] =	wrdreg s8;
	s2 =	sadd.s32 s2, s4  }
0x29: {  	[dreg:$0x1b] =	wrdreg s0;
	s17 =	simm.s32 $0x2;
	s0 =	sshrl.u32 @!p1 s2, $0x3  }
0x2a: {  	v0 =	vimm.f32 $0.0e+00;
	v1 =	vimm.f32 $1.000000000e+00;
	s2 =	simm.s32 $0x1E;
	[dreg:$0x1c] =	wrdreg s0;
	s0 =	simm.s32 $0x80  }
.LBB2_7:
0x2b: {  	s5 =	simm.s32 $0xB  }
0x2c: {  	_ =	swait.ge [sflag:s5], $0x1000  }
0x2d: {  	[sflag:s5] =	ssyncset.done $0x0  }
0x2e: {  	s9 =	simm.s32 $0x15;
	[sflag:s5] =	ssyncadd.s32 $0xFFFFF000  }
0x2f: {  	_ =	swait.ge [sflag:s9], $0x800  }
0x30: {  	[sflag:s9] =	ssyncset.done $0x0  }
0x31: {  	s11 =	simm.s32 $0xC;
	[sflag:s9] =	ssyncadd.s32 $0xFFFFF800  }
0x32: {  	_ =	swait.ge [sflag:s11], $0x1000  }
0x33: {  	[sflag:s11] =	ssyncset.done $0x0  }
0x34: {  	s6 =	simm.s32 $0x16;
	[sflag:s11] =	ssyncadd.s32 $0xFFFFF000  }
0x35: {  	_ =	swait.ge [sflag:s6], $0x800  }
0x36: {  	[sflag:s6] =	ssyncset.done $0x0  }
0x37: {  	s7 =	simm.s32 $0xD;
	[sflag:s6] =	ssyncadd.s32 $0xFFFFF800  }
0x38: {  	_ =	swait.ge [sflag:s7], $0x1000  }
0x39: {  	[sflag:s7] =	ssyncset.done $0x0  }
0x3a: {  	s8 =	simm.s32 $0x17;
	[sflag:s7] =	ssyncadd.s32 $0xFFFFF000  }
0x3b: {  	_ =	swait.ge [sflag:s8], $0x800  }
0x3c: {  	[sflag:s8] =	ssyncset.done $0x0  }
0x3d: {  	s9 =	simm.s32 $0xE;
	[sflag:s8] =	ssyncadd.s32 $0xFFFFF800  }
0x3e: {  	_ =	swait.ge [sflag:s9], $0x1000  }
0x3f: {  	[sflag:s9] =	ssyncset.done $0x0  }
0x40: {  	s11 =	simm.s32 $0x18;
	[sflag:s9] =	ssyncadd.s32 $0xFFFFF000  }
0x41: {  	_ =	swait.ge [sflag:s11], $0x800  }
0x42: {  	[sflag:s11] =	ssyncset.done $0x0  }
0x43: {  	s6 =	simm.s32 $0xF;
	[sflag:s11] =	ssyncadd.s32 $0xFFFFF800  }
0x44: {  	_ =	swait.ge [sflag:s6], $0x1000  }
0x45: {  	[sflag:s6] =	ssyncset.done $0x0  }
0x46: {  	s7 =	simm.s32 $0x19;
	[sflag:s6] =	ssyncadd.s32 $0xFFFFF000  }
0x47: {  	_ =	swait.ge [sflag:s7], $0x800  }
0x48: {  	[sflag:s7] =	ssyncset.done $0x0  }
0x49: {  	s8 =	simm.s32 $0x10;
	[sflag:s7] =	ssyncadd.s32 $0xFFFFF800  }
0x4a: {  	_ =	swait.ge [sflag:s8], $0x1000  }
0x4b: {  	[sflag:s8] =	ssyncset.done $0x0  }
0x4c: {  	s9 =	simm.s32 $0x1A;
	[sflag:s8] =	ssyncadd.s32 $0xFFFFF000  }
0x4d: {  	_ =	swait.ge [sflag:s9], $0x800  }
0x4e: {  	[sflag:s9] =	ssyncset.done $0x0  }
0x4f: {  	[sflag:s9] =	ssyncadd.s32 $0xFFFFF800  }
0x50: {  	_ =	swait.ge [sflag:s12], $0x1000  }
0x51: {  	[sflag:s12] =	ssyncset.done $0x0  }
0x52: {  	[sflag:s12] =	ssyncadd.s32 $0xFFFFF000  }
0x53: {  	_ =	swait.ge [sflag:s13], $0x800  }
0x54: {  	[sflag:s13] =	ssyncset.done $0x0  }
0x55: {  	[sflag:s13] =	ssyncadd.s32 $0xFFFFF800  }
0x56: {  	_ =	swait.ge [sflag:s14], $0x1000  }
0x57: {  	[sflag:s14] =	ssyncset.done $0x0  }
0x58: {  	[sflag:s14] =	ssyncadd.s32 $0xFFFFF000  }
0x59: {  	_ =	swait.ge [sflag:s30], $0x800  }
0x5a: {  	[sflag:s30] =	ssyncset.done $0x0  }
0x5b: {  	[sflag:s30] =	ssyncadd.s32 $0xFFFFF800  }
0x5c: {  	_ =	swait.ge [sflag:s26], $0x1000  }
0x5d: {  	[sflag:s26] =	ssyncset.done $0x0  }
0x5e: {  	[sflag:s26] =	ssyncadd.s32 $0xFFFFF000  }
0x5f: {  	_ =	swait.ge [sflag:s28], $0x800  }
0x60: {  	[sflag:s28] =	ssyncset.done $0x0  }
0x61: {  	[sflag:s28] =	ssyncadd.s32 $0xFFFFF800  }
0x62: {  	_ =	swait.ge [sflag:s29], $0x1000  }
0x63: {  	[sflag:s29] =	ssyncset.done $0x0  }
0x64: {  	[sflag:s29] =	ssyncadd.s32 $0xFFFFF000  }
0x65: {  	_ =	swait.ge [sflag:s2], $0x800  }
0x66: {  	[sflag:s2] =	ssyncset.done $0x0  }
0x67: {  	[sflag:s2] =	ssyncadd.s32 $0xFFFFF800  }
0x68: {  	[bflag:$0x0] =	sbarrier.arrive $0xFFFF  }
0x69: {  	s6 =	rddreg [dreg:$0x11]  }
0x6a: {  	s5 =	simm.s32 @p1 $0x1FDF;
	s7 =	rddreg [dreg:$0x19]  }
0x6b: {  	[hbm:s6], [sflag:s5] =	dma.local @p1 [spmem:s7], $0xA00  }
0x6c: {  	s6 =	simm.s32 @p1 $0x1F  }
0x6d: {  	_ =	swait.ge @p1 [sflag:s6], $0xA00  }
0x6e: {  	[sflag:s6] =	ssyncset.done @p1 $0x0;
	s7 =	rddreg [dreg:$0x13]  }
0x6f: {  	s8 =	rddreg [dreg:$0x1a];
	[sflag:s6] =	ssyncadd.s32 @p1 $0xFFFFF600  }
0x70: {  	[hbm:s7], [sflag:s5] =	dma.local @p1 [spmem:s8], $0x500  }
0x71: {  	s5 =	stileid.u32;
	_ =	swait.ge @p1 [sflag:s6], $0x500  }
0x72: {  	s5 =	sshll.u32 @!p1 s5, $0x6;
	[sflag:s6] =	ssyncset.done @p1 $0x0;
	s7 =	rddreg [dreg:$0x1b]  }
0x73: {  	s5 =	sor.u32 @!p1 $0x1C1F, s5;
	[sflag:s6] =	ssyncadd.s32 @p1 $0xFFFFFB00;
	s6 =	rddreg [dreg:$0x10]  }
0x74: {  	[hbm:s6], [sflag:s5] =	dma.local @!p1 [spmem:s7], $0x9C0  }
0x75: {  	s6 =	simm.s32 @!p1 $0x1F  }
0x76: {  	_ =	swait.ge @!p1 [sflag:s6], $0x9C0  }
0x77: {  	[sflag:s6] =	ssyncset.done @!p1 $0x0;
	s7 =	rddreg [dreg:$0x12]  }
0x78: {  	s8 =	rddreg [dreg:$0x1c];
	[sflag:s6] =	ssyncadd.s32 @!p1 $0xFFFFF640  }
0x79: {  	[hbm:s7], [sflag:s5] =	dma.local @!p1 [spmem:s8], $0x4E0  }
0x7a: {  	_ =	swait.ge @!p1 [sflag:s6], $0x4E0  }
0x7b: {  	s31 =	rddreg [dreg:$0x5]  }
0x7c: {  	s11 =	rddreg [dreg:$0x18];
	s31 =	sadd.s32 $0x1, s31  }
0x7d: {  	p2 =	sne.s32 s31, s11  }
.Ltmp1:
0x7e: {  	_ = 	snop;
	(pc) =	sbr.rel @!p2 .LBB2_8-.Ltmp1, $3  }
0x7f: {  	_ =	sdelay $0x1  }
0x80: {  	[sflag:s6] =	ssyncset.done @!p1 $0x0  }
0x81: {  	[sflag:s6] =	ssyncadd.s32 @!p1 $0xFFFFFB20  }
.LBB2_1:
0x82: {  	s5 =	simm.s32 $0x2810  }
0x83: {  	[tilespmem:s5+$0xFFFFFFF0] =	vst v0  }
0x84: {  	[dreg:$0x5] =	wrdreg s31;
	s6 =	simm.s32 $0x40;
	s7 =	simm.s32 $0x0;
	[tilespmem:s5+$0x0] =	vst v0  }
.LBB2_2:
0x85: {  	p2 =	sne.s32 s6, $0x1FC0  }
0x86: {  	[tilespmem:s7+$0x11700] =	vst v1;
	s5 =	sadd.s32 $0x20, s5;
	s8 =	smov.u32 s6;
	s6 =	sadd.s32 $0x40, s6  }
.Ltmp2:
0x87: {  	[tilespmem:s7+$0x11F00] =	vst v0;
	(pc) =	sbr.rel @p2 .LBB2_2-.Ltmp2, $3  }
0x88: {  	_ =	sdelay $0x1  }
0x89: {  	[tilespmem:s5+$0xFFFFFFF0] =	vst v0  }
0x8a: {  	s7 =	sshra.s32 s8, $0x2;
	[tilespmem:s5+$0x0] =	vst v0  }
0x8b: {  	[tilespmem:s7+$0x11700] =	vst v1  }
0x8c: {  	[tilespmem:s7+$0x11F00] =	vst v0;
	s5 =	rddreg [dreg:$0x6];
	s9 =	simm.s32 $0x2800;
	s6 =	simm.s32 $0x1F  }
0x8d: {  	[spmem:s5] =	stream.linear.scatter [tilespmem:s9], [sflag:$0x1F], $0x1000, $0x38;
	[tilespmem:$0x14E80] =	vst v63  }
0x8e: {  	_ =	swait.ge [sflag:s6], $0x1000  }
0x8f: {  	[sflag:s6] =	ssyncset.done $0x0  }
0x90: {  	s7 =	rddreg [dreg:$0x7];
	[sflag:s6] =	ssyncadd.s32 $0xFFFFF000  }
0x91: {  	[spmem:s7] =	stream.linear.scatter [tilespmem:s9], [sflag:$0x1F], $0x1000, $0x38;
	[tilespmem:$0x14E80] =	vst v63  }
0x92: {  	_ =	swait.ge [sflag:s6], $0x1000  }
0x93: {  	[sflag:s6] =	ssyncset.done $0x0  }
0x94: {  	s8 =	rddreg [dreg:$0x8];
	[sflag:s6] =	ssyncadd.s32 $0xFFFFF000  }
0x95: {  	[spmem:s8] =	stream.linear.scatter [tilespmem:s9], [sflag:$0x1F], $0x1000, $0x38;
	[tilespmem:$0x14E80] =	vst v63  }
0x96: {  	_ =	swait.ge [sflag:s6], $0x1000  }
0x97: {  	[sflag:s6] =	ssyncset.done $0x0  }
0x98: {  	s11 =	rddreg [dreg:$0x9];
	[sflag:s6] =	ssyncadd.s32 $0xFFFFF000  }
0x99: {  	[spmem:s11] =	stream.linear.scatter [tilespmem:s9], [sflag:$0x1F], $0x1000, $0x38;
	[tilespmem:$0x14E80] =	vst v63  }
0x9a: {  	_ =	swait.ge [sflag:s6], $0x1000  }
0x9b: {  	[sflag:s6] =	ssyncset.done $0x0  }
0x9c: {  	s7 =	rddreg [dreg:$0xa];
	[sflag:s6] =	ssyncadd.s32 $0xFFFFF000  }
0x9d: {  	[spmem:s7] =	stream.linear.scatter [tilespmem:s9], [sflag:$0x1F], $0xF00, $0x38;
	[tilespmem:$0x14E80] =	vst v63  }
0x9e: {  	_ =	swait.ge [sflag:s6], $0xF00  }
0x9f: {  	[sflag:s6] =	ssyncset.done $0x0  }
0xa0: {  	s7 =	simm.s32 $0x11F00;
	s8 =	rddreg [dreg:$0xb];
	[sflag:s6] =	ssyncadd.s32 $0xFFFFF100  }
0xa1: {  	[spmem:s8] =	stream.linear.scatter [tilespmem:s7], [sflag:$0x1F], $0x800, $0x38;
	[tilespmem:$0x14E80] =	vst v63  }
0xa2: {  	_ =	swait.ge [sflag:s6], $0x800  }
0xa3: {  	[sflag:s6] =	ssyncset.done $0x0  }
0xa4: {  	s11 =	rddreg [dreg:$0xc];
	[sflag:s6] =	ssyncadd.s32 $0xFFFFF800  }
0xa5: {  	[spmem:s11] =	stream.linear.scatter [tilespmem:s7], [sflag:$0x1F], $0x800, $0x38;
	[tilespmem:$0x14E80] =	vst v63  }
0xa6: {  	_ =	swait.ge [sflag:s6], $0x800  }
0xa7: {  	[sflag:s6] =	ssyncset.done $0x0  }
0xa8: {  	s8 =	rddreg [dreg:$0xd];
	[sflag:s6] =	ssyncadd.s32 $0xFFFFF800  }
0xa9: {  	[spmem:s8] =	stream.linear.scatter [tilespmem:s7], [sflag:$0x1F], $0x800, $0x38;
	[tilespmem:$0x14E80] =	vst v63  }
0xaa: {  	_ =	swait.ge [sflag:s6], $0x800  }
0xab: {  	[sflag:s6] =	ssyncset.done $0x0  }
0xac: {  	s11 =	rddreg [dreg:$0xe];
	[sflag:s6] =	ssyncadd.s32 $0xFFFFF800  }
0xad: {  	[spmem:s11] =	stream.linear.scatter [tilespmem:s7], [sflag:$0x1F], $0x800, $0x38;
	[tilespmem:$0x14E80] =	vst v63  }
0xae: {  	_ =	swait.ge [sflag:s6], $0x800  }
0xaf: {  	[sflag:s6] =	ssyncset.done $0x0  }
0xb0: {  	s8 =	rddreg [dreg:$0xf];
	[sflag:s6] =	ssyncadd.s32 $0xFFFFF800  }
0xb1: {  	[spmem:s8] =	stream.linear.scatter [tilespmem:s7], [sflag:$0x1F], $0x780, $0x38;
	[tilespmem:$0x14E80] =	vst v63  }
0xb2: {  	_ =	swait.ge [sflag:s6], $0x780  }
0xb3: {  	[sflag:s6] =	ssyncset.done $0x0  }
0xb4: {  	s5 =	simm.s32 @p0 $0x0;
	[sflag:s6] =	ssyncadd.s32 $0xFFFFF880;
	s6 =	rddreg [dreg:$0x16]  }
0xb5: {  	[tilespmem:s5], [sflag:$0x1F] =	stream.linear.gather @p0 [hbm4b:s6+s5], $0x500, $0x38;
	[tilespmem:$0x14E80] =	vst v63  }
0xb6: {  	s6 =	simm.s32 @p0 $0x1F  }
0xb7: {  	_ =	swait.ge @p0 [sflag:s6], $0x500  }
0xb8: {  	[sflag:s6] =	ssyncset.done @p0 $0x0  }
0xb9: {  	s7 =	simm.s32 @p0 $0x1400;
	s8 =	rddreg [dreg:$0x17];
	[sflag:s6] =	ssyncadd.s32 @p0 $0xFFFFFB00  }
0xba: {  	[tilespmem:s7], [sflag:$0x1F] =	stream.linear.gather @p0 [hbm4b:s8+s5], $0x500, $0x38;
	[tilespmem:$0x14E80] =	vst v63  }
0xbb: {  	_ =	swait.ge @p0 [sflag:s6], $0x500  }
0xbc: {  	[sflag:s6] =	ssyncset.done @p0 $0x0  }
0xbd: {  	s5 =	simm.s32 @!p0 $0x0;
	[sflag:s6] =	ssyncadd.s32 @p0 $0xFFFFFB00;
	s6 =	rddreg [dreg:$0x14]  }
0xbe: {  	[tilespmem:s5], [sflag:$0x1F] =	stream.linear.gather @!p0 [hbm4b:s6+s5], $0x1400, $0x38;
	[tilespmem:$0x14E80] =	vst v63  }
0xbf: {  	s6 =	simm.s32 @!p0 $0x1F  }
0xc0: {  	_ =	swait.ge @!p0 [sflag:s6], $0x1400  }
0xc1: {  	[sflag:s6] =	ssyncset.done @!p0 $0x0  }
0xc2: {  	s7 =	simm.s32 @!p0 $0x1400;
	s8 =	rddreg [dreg:$0x15];
	[sflag:s6] =	ssyncadd.s32 @!p0 $0xFFFFEC00  }
0xc3: {  	[tilespmem:s7], [sflag:$0x1F] =	stream.linear.gather @!p0 [hbm4b:s8+s5], $0x1400, $0x38;
	[tilespmem:$0x14E80] =	vst v63  }
0xc4: {  	_ =	swait.ge @!p0 [sflag:s6], $0x1400  }
0xc5: {  	[sflag:s6] =	ssyncset.done @!p0 $0x0  }
0xc6: {  	[sflag:s6] =	ssyncadd.s32 @!p0 $0xFFFFEC00  }
0xc7: {  	s5 =	simm.s32 $0x0;
	[bflag:$0x0] =	sbarrier.arrive $0xFFFF  }
0xc8: {  	[tilespmem:s9], [sflag:$0x1] =	stream.indirect.gather [hbm4b:s1+s0], $0x20, s5, s0, $0xb8;
	[tilespmem:$0x14E80] =	vst v63  }
0xc9: {  	s11 =	simm.s32 $0x3800  }
0xca: {  	[tilespmem:s11], [sflag:$0x2] =	stream.indirect.gather [hbm4b:s1+s0], $0x20, s0, s0, $0xb8;
	[tilespmem:$0x14E80] =	vst v63  }
0xcb: {  	s7 =	simm.s32 $0x100;
	s8 =	simm.s32 $0x4800  }
0xcc: {  	[tilespmem:s8], [sflag:$0x3] =	stream.indirect.gather [hbm4b:s1+s0], $0x20, s7, s0, $0xb8;
	[tilespmem:$0x14E80] =	vst v63  }
0xcd: {  	s9 =	simm.s32 $0x180;
	s11 =	simm.s32 $0x5800  }
0xce: {  	[tilespmem:s11], [sflag:$0x4] =	stream.indirect.gather [hbm4b:s1+s0], $0x20, s9, s0, $0xb8;
	[tilespmem:$0x14E80] =	vst v63  }
0xcf: {  	s7 =	simm.s32 $0x200;
	s8 =	simm.s32 $0x6800  }
0xd0: {  	[tilespmem:s8], [sflag:$0x5] =	stream.indirect.gather [hbm4b:s1+s0], $0x20, s7, s0, $0xb8;
	[tilespmem:$0x14E80] =	vst v63  }
0xd1: {  	s9 =	simm.s32 $0x280;
	s11 =	simm.s32 $0x7800  }
0xd2: {  	[tilespmem:s11], [sflag:$0x6] =	stream.indirect.gather [hbm4b:s1+s0], $0x20, s9, s0, $0xb8;
	[tilespmem:$0x14E80] =	vst v63  }
0xd3: {  	s6 =	simm.s32 @!p0 $0x4;
	s7 =	simm.s32 $0x300;
	s8 =	simm.s32 $0x8800  }
0xd4: {  	[tilespmem:s8], [sflag:$0x7] =	stream.indirect.gather [hbm4b:s1+s0], $0x20, s7, s0, $0xb8;
	[tilespmem:$0x14E80] =	vst v63  }
0xd5: {  	s6 =	simm.s32 @p0 $0x1;
	s9 =	simm.s32 $0x380;
	s11 =	simm.s32 $0x9800  }
0xd6: {  	[tilespmem:s11], [sflag:$0x8] =	stream.indirect.gather [hbm4b:s1+s0], $0x20, s9, s0, $0xb8;
	[tilespmem:$0x14E80] =	vst v63  }
.Ltmp3:
0xd7: {  	s31 =	sadd.s32 $0xFFFFFFFF, s6;
	(pc) =	sbr.rel .LBB2_4-.Ltmp3, $4  }
0xd8: {  	s6 =	smul.u32 $0x1400, s6;
	s7 =	simm.s32 $0x400;
	s8 =	simm.s32 $0xA800  }
0xd9: {  	[tilespmem:s8], [sflag:$0x9] =	stream.indirect.gather [hbm4b:s1+s0], $0x20, s7, s0, $0xb8;
	[tilespmem:$0x14E80] =	vst v63  }
0xda: {  	s9 =	simm.s32 $0x480;
	s11 =	simm.s32 $0xB800;
	s7 =	simm.s32 $0x0  }
0xdb: {  	[tilespmem:s11], [sflag:$0xA] =	stream.indirect.gather [hbm4b:s1+s0], $0x20, s9, s0, $0xb8;
	[tilespmem:$0x14E80] =	vst v63  }
.LBB2_6:
0xdc: {  	s5 =	sadd.s32 $0x1400, s5  }
0xdd: {  	p2 =	sne.s32 s6, s5  }
.Ltmp4:
0xde: {  	_ = 	snop;
	(pc) =	sbr.rel @!p2 .LBB2_7-.Ltmp4, $2  }
0xdf: {  	_ =	sdelay $0x2  }
0xe0: {  	s7 =	sadd.s32 $0x1, s7  }
.LBB2_4:
0xe1: {  	_ =	swait.ge [sflag:s15], $0x1000  }
0xe2: {  	s8 =	sshra.s32 s5, $0x2;
	[sflag:s15] =	ssyncset.done $0x0  }
0xe3: {  	s9 =	sadd.s32 $0x1400, s8;
	[sflag:s15] =	ssyncadd.s32 $0xFFFFF000  }
0xe4: {  	[spmem:s3] =	stream.indirect.scatter.add.f32 [tilespmem:s10], [sflag:$0xB], $0x20, s9, s0, $0xb8;
	[tilespmem:$0x14E80] =	vst v63  }
0xe5: {  	_ = 	snop  }
0xe6: {  	[spmem:s4] =	stream.indirect.scatter.add.f32 [tilespmem:s16], [sflag:$0x15], $0x10, s9, s0, $0xb8;
	[tilespmem:$0x14E80] =	vst v63  }
0xe7: {  	_ =	swait.ge [sflag:s17], $0x1000  }
0xe8: {  	[sflag:s17] =	ssyncset.done $0x0  }
0xe9: {  	s11 =	simm.s32 $0x3800;
	s9 =	sadd.s32 $0x1480, s8;
	[sflag:s17] =	ssyncadd.s32 $0xFFFFF000  }
0xea: {  	[spmem:s3] =	stream.indirect.scatter.add.f32 [tilespmem:s11], [sflag:$0xC], $0x20, s9, s0, $0xb8;
	[tilespmem:$0x14E80] =	vst v63  }
0xeb: {  	_ = 	snop  }
0xec: {  	[spmem:s4] =	stream.indirect.scatter.add.f32 [tilespmem:s16], [sflag:$0x16], $0x10, s9, s0, $0xb8;
	[tilespmem:$0x14E80] =	vst v63  }
0xed: {  	_ =	swait.ge [sflag:s18], $0x1000  }
0xee: {  	[sflag:s18] =	ssyncset.done $0x0  }
0xef: {  	s11 =	simm.s32 $0x4800;
	s9 =	sadd.s32 $0x1500, s8;
	[sflag:s18] =	ssyncadd.s32 $0xFFFFF000  }
0xf0: {  	[spmem:s3] =	stream.indirect.scatter.add.f32 [tilespmem:s11], [sflag:$0xD], $0x20, s9, s0, $0xb8;
	[tilespmem:$0x14E80] =	vst v63  }
0xf1: {  	_ = 	snop  }
0xf2: {  	[spmem:s4] =	stream.indirect.scatter.add.f32 [tilespmem:s16], [sflag:$0x17], $0x10, s9, s0, $0xb8;
	[tilespmem:$0x14E80] =	vst v63  }
0xf3: {  	_ =	swait.ge [sflag:s19], $0x1000  }
0xf4: {  	[sflag:s19] =	ssyncset.done $0x0  }
0xf5: {  	s11 =	simm.s32 $0x5800;
	s9 =	sadd.s32 $0x1580, s8;
	[sflag:s19] =	ssyncadd.s32 $0xFFFFF000  }
0xf6: {  	[spmem:s3] =	stream.indirect.scatter.add.f32 [tilespmem:s11], [sflag:$0xE], $0x20, s9, s0, $0xb8;
	[tilespmem:$0x14E80] =	vst v63  }
0xf7: {  	_ = 	snop  }
0xf8: {  	[spmem:s4] =	stream.indirect.scatter.add.f32 [tilespmem:s16], [sflag:$0x18], $0x10, s9, s0, $0xb8;
	[tilespmem:$0x14E80] =	vst v63  }
0xf9: {  	_ =	swait.ge [sflag:s20], $0x1000  }
0xfa: {  	[sflag:s20] =	ssyncset.done $0x0  }
0xfb: {  	s11 =	simm.s32 $0x6800;
	s9 =	sadd.s32 $0x1600, s8;
	[sflag:s20] =	ssyncadd.s32 $0xFFFFF000  }
0xfc: {  	[spmem:s3] =	stream.indirect.scatter.add.f32 [tilespmem:s11], [sflag:$0xF], $0x20, s9, s0, $0xb8;
	[tilespmem:$0x14E80] =	vst v63  }
0xfd: {  	_ = 	snop  }
0xfe: {  	[spmem:s4] =	stream.indirect.scatter.add.f32 [tilespmem:s16], [sflag:$0x19], $0x10, s9, s0, $0xb8;
	[tilespmem:$0x14E80] =	vst v63  }
0xff: {  	_ =	swait.ge [sflag:s21], $0x1000  }
0x100: {  	[sflag:s21] =	ssyncset.done $0x0  }
0x101: {  	s11 =	simm.s32 $0x7800;
	s9 =	sadd.s32 $0x1680, s8;
	[sflag:s21] =	ssyncadd.s32 $0xFFFFF000  }
0x102: {  	[spmem:s3] =	stream.indirect.scatter.add.f32 [tilespmem:s11], [sflag:$0x10], $0x20, s9, s0, $0xb8;
	[tilespmem:$0x14E80] =	vst v63  }
0x103: {  	_ = 	snop  }
0x104: {  	[spmem:s4] =	stream.indirect.scatter.add.f32 [tilespmem:s16], [sflag:$0x1A], $0x10, s9, s0, $0xb8;
	[tilespmem:$0x14E80] =	vst v63  }
0x105: {  	_ =	swait.ge [sflag:s22], $0x1000  }
0x106: {  	[sflag:s22] =	ssyncset.done $0x0  }
0x107: {  	s11 =	simm.s32 $0x8800;
	s9 =	sadd.s32 $0x1700, s8;
	[sflag:s22] =	ssyncadd.s32 $0xFFFFF000  }
0x108: {  	[spmem:s3] =	stream.indirect.scatter.add.f32 [tilespmem:s11], [sflag:$0x11], $0x20, s9, s0, $0xb8;
	[tilespmem:$0x14E80] =	vst v63  }
0x109: {  	_ = 	snop  }
0x10a: {  	[spmem:s4] =	stream.indirect.scatter.add.f32 [tilespmem:s16], [sflag:$0x1B], $0x10, s9, s0, $0xb8;
	[tilespmem:$0x14E80] =	vst v63  }
0x10b: {  	_ =	swait.ge [sflag:s23], $0x1000  }
0x10c: {  	[sflag:s23] =	ssyncset.done $0x0  }
0x10d: {  	s11 =	simm.s32 $0x9800;
	s9 =	sadd.s32 $0x1780, s8;
	[sflag:s23] =	ssyncadd.s32 $0xFFFFF000  }
0x10e: {  	[spmem:s3] =	stream.indirect.scatter.add.f32 [tilespmem:s11], [sflag:$0x12], $0x20, s9, s0, $0xb8;
	[tilespmem:$0x14E80] =	vst v63  }
0x10f: {  	_ = 	snop  }
0x110: {  	[spmem:s4] =	stream.indirect.scatter.add.f32 [tilespmem:s16], [sflag:$0x1C], $0x10, s9, s0, $0xb8;
	[tilespmem:$0x14E80] =	vst v63  }
0x111: {  	_ =	swait.ge [sflag:s24], $0x1000  }
0x112: {  	[sflag:s24] =	ssyncset.done $0x0  }
0x113: {  	s11 =	simm.s32 $0xA800;
	s9 =	sadd.s32 $0x1800, s8;
	[sflag:s24] =	ssyncadd.s32 $0xFFFFF000  }
0x114: {  	[spmem:s3] =	stream.indirect.scatter.add.f32 [tilespmem:s11], [sflag:$0x13], $0x20, s9, s0, $0xb8;
	[tilespmem:$0x14E80] =	vst v63  }
0x115: {  	_ = 	snop  }
0x116: {  	[spmem:s4] =	stream.indirect.scatter.add.f32 [tilespmem:s16], [sflag:$0x1D], $0x10, s9, s0, $0xb8;
	[tilespmem:$0x14E80] =	vst v63  }
0x117: {  	p2 =	sge.u32 s7, s31;
	_ =	swait.ge [sflag:s25], $0x1000  }
.Ltmp5:
0x118: {  	[sflag:s25] =	ssyncset.done $0x0;
	(pc) =	sbr.rel @p2 .LBB2_6-.Ltmp5, $4  }
0x119: {  	s11 =	simm.s32 $0xB800;
	s9 =	sadd.s32 $0x1880, s8;
	[sflag:s25] =	ssyncadd.s32 $0xFFFFF000  }
0x11a: {  	[spmem:s3] =	stream.indirect.scatter.add.f32 [tilespmem:s11], [sflag:$0x14], $0x20, s9, s0, $0xb8;
	[tilespmem:$0x14E80] =	vst v63  }
0x11b: {  	_ = 	snop  }
0x11c: {  	[spmem:s4] =	stream.indirect.scatter.add.f32 [tilespmem:s16], [sflag:$0x1E], $0x10, s9, s0, $0xb8;
	[tilespmem:$0x14E80] =	vst v63  }
0x11d: {  	s9 =	simm.s32 $0xB  }
0x11e: {  	_ =	swait.ge [sflag:s9], $0x1000  }
0x11f: {  	[sflag:s9] =	ssyncset.done $0x0  }
0x120: {  	s11 =	simm.s32 $0x15;
	[sflag:s9] =	ssyncadd.s32 $0xFFFFF000  }
0x121: {  	_ =	swait.ge [sflag:s11], $0x800  }
0x122: {  	[sflag:s11] =	ssyncset.done $0x0  }
0x123: {  	[sflag:s11] =	ssyncadd.s32 $0xFFFFF800;
	s11 =	sadd.s32 $0x500, s8  }
0x124: {  	[tilespmem:s10], [sflag:$0x1] =	stream.indirect.gather [hbm4b:s1+s0], $0x20, s11, s0, $0xb8;
	[tilespmem:$0x14E80] =	vst v63  }
0x125: {  	s11 =	simm.s32 $0xC  }
0x126: {  	_ =	swait.ge [sflag:s11], $0x1000  }
0x127: {  	[sflag:s11] =	ssyncset.done $0x0  }
0x128: {  	[sflag:s11] =	ssyncadd.s32 $0xFFFFF000;
	s11 =	simm.s32 $0x16  }
0x129: {  	_ =	swait.ge [sflag:s11], $0x800  }
0x12a: {  	[sflag:s11] =	ssyncset.done $0x0  }
0x12b: {  	s9 =	sadd.s32 $0x580, s8;
	[sflag:s11] =	ssyncadd.s32 $0xFFFFF800;
	s11 =	simm.s32 $0x3800  }
0x12c: {  	[tilespmem:s11], [sflag:$0x2] =	stream.indirect.gather [hbm4b:s1+s0], $0x20, s9, s0, $0xb8;
	[tilespmem:$0x14E80] =	vst v63  }
0x12d: {  	s11 =	simm.s32 $0xD  }
0x12e: {  	_ =	swait.ge [sflag:s11], $0x1000  }
0x12f: {  	[sflag:s11] =	ssyncset.done $0x0  }
0x130: {  	[sflag:s11] =	ssyncadd.s32 $0xFFFFF000;
	s11 =	simm.s32 $0x17  }
0x131: {  	_ =	swait.ge [sflag:s11], $0x800  }
0x132: {  	[sflag:s11] =	ssyncset.done $0x0  }
0x133: {  	s9 =	sadd.s32 $0x600, s8;
	[sflag:s11] =	ssyncadd.s32 $0xFFFFF800;
	s11 =	simm.s32 $0x4800  }
0x134: {  	[tilespmem:s11], [sflag:$0x3] =	stream.indirect.gather [hbm4b:s1+s0], $0x20, s9, s0, $0xb8;
	[tilespmem:$0x14E80] =	vst v63  }
0x135: {  	s11 =	simm.s32 $0xE  }
0x136: {  	_ =	swait.ge [sflag:s11], $0x1000  }
0x137: {  	[sflag:s11] =	ssyncset.done $0x0  }
0x138: {  	[sflag:s11] =	ssyncadd.s32 $0xFFFFF000;
	s11 =	simm.s32 $0x18  }
0x139: {  	_ =	swait.ge [sflag:s11], $0x800  }
0x13a: {  	[sflag:s11] =	ssyncset.done $0x0  }
0x13b: {  	s9 =	sadd.s32 $0x680, s8;
	[sflag:s11] =	ssyncadd.s32 $0xFFFFF800;
	s11 =	simm.s32 $0x5800  }
0x13c: {  	[tilespmem:s11], [sflag:$0x4] =	stream.indirect.gather [hbm4b:s1+s0], $0x20, s9, s0, $0xb8;
	[tilespmem:$0x14E80] =	vst v63  }
0x13d: {  	s11 =	simm.s32 $0xF  }
0x13e: {  	_ =	swait.ge [sflag:s11], $0x1000  }
0x13f: {  	[sflag:s11] =	ssyncset.done $0x0  }
0x140: {  	[sflag:s11] =	ssyncadd.s32 $0xFFFFF000;
	s11 =	simm.s32 $0x19  }
0x141: {  	_ =	swait.ge [sflag:s11], $0x800  }
0x142: {  	[sflag:s11] =	ssyncset.done $0x0  }
0x143: {  	s9 =	sadd.s32 $0x700, s8;
	[sflag:s11] =	ssyncadd.s32 $0xFFFFF800;
	s11 =	simm.s32 $0x6800  }
0x144: {  	[tilespmem:s11], [sflag:$0x5] =	stream.indirect.gather [hbm4b:s1+s0], $0x20, s9, s0, $0xb8;
	[tilespmem:$0x14E80] =	vst v63  }
0x145: {  	s11 =	simm.s32 $0x10  }
0x146: {  	_ =	swait.ge [sflag:s11], $0x1000  }
0x147: {  	[sflag:s11] =	ssyncset.done $0x0  }
0x148: {  	[sflag:s11] =	ssyncadd.s32 $0xFFFFF000;
	s11 =	simm.s32 $0x1A  }
0x149: {  	_ =	swait.ge [sflag:s11], $0x800  }
0x14a: {  	[sflag:s11] =	ssyncset.done $0x0  }
0x14b: {  	s9 =	sadd.s32 $0x780, s8;
	[sflag:s11] =	ssyncadd.s32 $0xFFFFF800;
	s11 =	simm.s32 $0x7800  }
0x14c: {  	[tilespmem:s11], [sflag:$0x6] =	stream.indirect.gather [hbm4b:s1+s0], $0x20, s9, s0, $0xb8;
	[tilespmem:$0x14E80] =	vst v63  }
0x14d: {  	_ =	swait.ge [sflag:s12], $0x1000  }
0x14e: {  	[sflag:s12] =	ssyncset.done $0x0  }
0x14f: {  	[sflag:s12] =	ssyncadd.s32 $0xFFFFF000  }
0x150: {  	_ =	swait.ge [sflag:s13], $0x800  }
0x151: {  	[sflag:s13] =	ssyncset.done $0x0  }
0x152: {  	s9 =	sadd.s32 $0x800, s8;
	s11 =	simm.s32 $0x8800;
	[sflag:s13] =	ssyncadd.s32 $0xFFFFF800  }
0x153: {  	[tilespmem:s11], [sflag:$0x7] =	stream.indirect.gather [hbm4b:s1+s0], $0x20, s9, s0, $0xb8;
	[tilespmem:$0x14E80] =	vst v63  }
0x154: {  	_ =	swait.ge [sflag:s14], $0x1000  }
0x155: {  	[sflag:s14] =	ssyncset.done $0x0  }
0x156: {  	[sflag:s14] =	ssyncadd.s32 $0xFFFFF000  }
0x157: {  	_ =	swait.ge [sflag:s30], $0x800  }
0x158: {  	[sflag:s30] =	ssyncset.done $0x0  }
0x159: {  	s9 =	sadd.s32 $0x880, s8;
	s11 =	simm.s32 $0x9800;
	[sflag:s30] =	ssyncadd.s32 $0xFFFFF800  }
0x15a: {  	[tilespmem:s11], [sflag:$0x8] =	stream.indirect.gather [hbm4b:s1+s0], $0x20, s9, s0, $0xb8;
	[tilespmem:$0x14E80] =	vst v63  }
0x15b: {  	_ =	swait.ge [sflag:s26], $0x1000  }
0x15c: {  	[sflag:s26] =	ssyncset.done $0x0  }
0x15d: {  	[sflag:s26] =	ssyncadd.s32 $0xFFFFF000  }
0x15e: {  	_ =	swait.ge [sflag:s28], $0x800  }
0x15f: {  	[sflag:s28] =	ssyncset.done $0x0  }
0x160: {  	s9 =	sadd.s32 $0x900, s8;
	s11 =	simm.s32 $0xA800;
	[sflag:s28] =	ssyncadd.s32 $0xFFFFF800  }
0x161: {  	[tilespmem:s11], [sflag:$0x9] =	stream.indirect.gather [hbm4b:s1+s0], $0x20, s9, s0, $0xb8;
	[tilespmem:$0x14E80] =	vst v63  }
0x162: {  	_ =	swait.ge [sflag:s29], $0x1000  }
0x163: {  	[sflag:s29] =	ssyncset.done $0x0  }
.Ltmp6:
0x164: {  	[sflag:s29] =	ssyncadd.s32 $0xFFFFF000;
	(pc) =	sbr.rel .LBB2_6-.Ltmp6, $4  }
0x165: {  	_ =	swait.ge [sflag:s2], $0x800  }
0x166: {  	[sflag:s2] =	ssyncset.done $0x0  }
0x167: {  	s9 =	sadd.s32 $0x980, s8;
	s11 =	simm.s32 $0xB800;
	[sflag:s2] =	ssyncadd.s32 $0xFFFFF800  }
0x168: {  	[tilespmem:s11], [sflag:$0xA] =	stream.indirect.gather [hbm4b:s1+s0], $0x20, s9, s0, $0xb8;
	[tilespmem:$0x14E80] =	vst v63  }
.LBB2_8:
0x169: {  	_ =	sfence.sel $0x180000  }
0x16a: {  	[bflag:$0x0] =	sbarrier.arrive $0xFFFF  }
0x16b: {  	_ =	strace $0x90000047  }
0x16c: {  	s0 =	stileid.u32;
	[bflag:$0x2] =	sbarrier.arrive $0xFFFF  }
0x16d: {  	p0 =	sne.s32 s0, $0x0;
	s0 =	rddreg [dreg:$0x4]  }
0x16e: {  	s0 =	sadd.s32 @!p0 $0x100000, s0  }
0x16f: {  	[sflag:s0] =	ssyncadd.tile.s32 @!p0 $0x1;
	_ =	shalt  }
.Lfunc_end2:
_tile_overlayer_lowered:
.L_overlay_start_2:
0x170: {  	(tag) =	ssettag $0x2  }
0x171: {  	s0 =	rddreg [dreg:$0x0];
	s2 =	stileid.u32  }
0x172: {  	s1 =	rddreg [dreg:$0x1];
	p0 =	sne.s32 s2, $0x0  }
0x173: {  	s3 =	rddreg [dreg:$0x2];
	[bflag:$0x3] =	sbarrier.arrive $0xFFFF;
	s2 =	simm.s32 @!p0 $0x1C1F  }
0x174: {  	[timem:s3], [sflag:s2] =	dma.local @!p0 [hbm:s0], s1  }
0x175: {  	s0 =	simm.s32 @!p0 $0x1F  }
0x176: {  	_ =	swait.ge @!p0 [sflag:s0], s1  }
0x177: {  	s1 =	ssub.s32 @!p0 $0x0, s1;
	[sflag:s0] =	ssyncset.done @!p0 $0x0  }
0x178: {  	[sflag:s0] =	ssyncadd.s32 @!p0 s1  }
0x179: {  	[bflag:$0x3] =	sbarrier.arrive $0xFFFF  }
0x17a: {  	_ =	shalt  }

</sc_bundles>
